<compile_context>
chip_gen: v7x
topology: tpu7x:2x2x1
jax: 0.10.2.dev20260603
libtpu: 0.0.44.dev20260713+nightly
codegen_flags: <defaults>
</compile_context>

<pallas_src>
import dataclasses
import functools

import jax
import jax.numpy as jnp
from jax import lax
from jax.experimental import pallas as pl
from jax.experimental.pallas import tpu as pltpu
from jax.experimental.pallas import tpu_sc as plsc

NS = 16
NC = 2
LANES = 16

F = 128
BLOCK = 8832
CHUNK = 128
SENT = 2 ** 30


def _sc_spmm(rows2d, cols2d, weight, *, n_rows, e_per_s):
    nblk = (n_rows + BLOCK - 1) // BLOCK
    npass = (nblk + NC - 1) // NC
    stripe = BLOCK // NS
    tail_rows = n_rows - (nblk - 1) * BLOCK
    tail_stripe = ((tail_rows // NS) + 7) // 8 * 8
    tail_last = tail_rows - (NS - 1) * tail_stripe
    assert 0 < tail_last <= tail_stripe and tail_last % 8 == 0
    assert stripe % 8 == 0
    tail_p, tail_c = divmod(nblk - 1, NC)
    cap_chunks = (e_per_s + CHUNK - 1) // CHUNK

    mesh = plsc.VectorSubcoreMesh(core_axis_name="c", subcore_axis_name="s")
    cp = pltpu.CompilerParams()
    if "needs_layout_passes" in pltpu.CompilerParams.__dataclass_fields__:
        cp = dataclasses.replace(cp, needs_layout_passes=False)

    @functools.partial(
        pl.kernel,
        out_type=jax.ShapeDtypeStruct((n_rows, F), jnp.float32),
        mesh=mesh,
        compiler_params=cp,
        scratch_types=[
            pltpu.VMEM((e_per_s,), jnp.int32),
            pltpu.VMEM((e_per_s,), jnp.int32),
            pltpu.VMEM((cap_chunks, CHUNK), jnp.int32),
            pltpu.VMEM((cap_chunks, CHUNK), jnp.int32),
            pltpu.VMEM((CHUNK, F), jnp.float32),
            pltpu.VMEM((CHUNK, F), jnp.float32),
            pltpu.VMEM_SHARED((BLOCK + LANES, F), jnp.float32),
            pltpu.SemaphoreType.DMA,
            pltpu.SemaphoreType.DMA,
            pltpu.SemaphoreType.DMA,
        ],
    )
    def k(rows_hbm, cols_hbm, zeros_hbm, w_hbm, out_hbm,
          rows_v, cols_v, rcmp, ccmp, gbufa, gbufb, acc, semz, semga, semgb):
        cid = lax.axis_index("c")
        sid = lax.axis_index("s")

        pltpu.sync_copy(rows_hbm.at[sid], rows_v)
        pltpu.sync_copy(cols_hbm.at[sid], cols_v)

        iota16 = lax.iota(jnp.int32, LANES)
        trash16 = BLOCK + iota16
        zero16i = iota16
        for p in range(npass):
            base = (p * NC + cid) * BLOCK
            lo = base
            hi = base + BLOCK

            pltpu.async_copy(zeros_hbm, acc.at[pl.ds(sid * stripe, stripe)],
                             semz)

            def scan_body(i, count):
                rv = rows_v[pl.ds(i * LANES, LANES)]
                cv = cols_v[pl.ds(i * LANES, LANES)]
                m = (rv >= lo) & (rv < hi)
                mi = m.astype(jnp.int32)
                cs = plsc.cumsum(mi)
                pos = jnp.maximum(count + cs - 1, 0)
                idx = [lax.shift_right_logical(pos, 7), lax.bitwise_and(pos, 127)]
                plsc.store_scatter(rcmp, idx, rv - lo, mask=m)
                plsc.store_scatter(ccmp, idx, cv, mask=m)
                return count + jnp.sum(mi)

            count = lax.fori_loop(0, e_per_s // LANES, scan_body, jnp.int32(0))

            ceilc = lax.bitwise_and(count + (CHUNK - 1), ~(CHUNK - 1))
            for j in range(CHUNK // LANES):
                pos = count + j * LANES + iota16
                m = pos < ceilc
                idx = [lax.shift_right_logical(pos, 7), lax.bitwise_and(pos, 127)]
                plsc.store_scatter(rcmp, idx, trash16, mask=m)
                plsc.store_scatter(ccmp, idx, zero16i, mask=m)

            pltpu.make_async_copy(
                zeros_hbm, acc.at[pl.ds(sid * stripe, stripe)], semz).wait()
            plsc.subcore_barrier()

            nchunks = lax.shift_right_logical(ceilc, 7)
            npairs = lax.shift_right_logical(ceilc, 8)

            def gfire(j, buf, sem):
                pltpu.async_copy(w_hbm.at[ccmp.at[j]], buf, sem)

            def gwait(j, buf, sem):
                pltpu.make_async_copy(w_hbm.at[ccmp.at[j]], buf, sem).wait()

            @pl.when(nchunks > 0)
            def _():
                gfire(0, gbufa, semga)

            def pair_body(i, carry):
                gfire(2 * i + 1, gbufb, semgb)
                gwait(2 * i, gbufa, semga)
                pltpu.sync_copy(gbufa, acc.at[rcmp.at[2 * i]], add=True)

                @pl.when(2 * i + 2 < nchunks)
                def _():
                    gfire(2 * i + 2, gbufa, semga)

                gwait(2 * i + 1, gbufb, semgb)
                pltpu.sync_copy(gbufb, acc.at[rcmp.at[2 * i + 1]], add=True)
                return carry

            lax.fori_loop(0, npairs, pair_body, jnp.int32(0))

            @pl.when(nchunks > 2 * npairs)
            def _():
                gwait(nchunks - 1, gbufa, semga)
                pltpu.sync_copy(gbufa, acc.at[rcmp.at[nchunks - 1]], add=True)

            plsc.subcore_barrier()

            if p < tail_p:
                pltpu.sync_copy(acc.at[pl.ds(sid * stripe, stripe)],
                                out_hbm.at[pl.ds(base + sid * stripe, stripe)])
            elif p == tail_p:
                @pl.when(cid < tail_c)
                def _():
                    pltpu.sync_copy(acc.at[pl.ds(sid * stripe, stripe)],
                                    out_hbm.at[pl.ds(base + sid * stripe, stripe)])

                @pl.when((cid == tail_c) & (sid < NS - 1))
                def _():
                    pltpu.sync_copy(
                        acc.at[pl.ds(sid * tail_stripe, tail_stripe)],
                        out_hbm.at[pl.ds(base + sid * tail_stripe, tail_stripe)])

                @pl.when((cid == tail_c) & (sid == NS - 1))
                def _():
                    pltpu.sync_copy(
                        acc.at[pl.ds(sid * tail_stripe, tail_last)],
                        out_hbm.at[pl.ds(base + sid * tail_stripe, tail_last)])

    zeros = jnp.zeros((stripe, F), jnp.float32)
    return k(rows2d, cols2d, zeros, weight)


def kernel(adj, size, weight):
    del size
    n_rows = weight.shape[0]
    nnz = adj.shape[1]
    e_per_s = ((nnz + NS * LANES - 1) // (NS * LANES)) * LANES
    pad = NS * e_per_s - nnz

    rows = adj[0].astype(jnp.int32)
    cols = adj[1].astype(jnp.int32)
    rows = jnp.concatenate([rows, jnp.full((pad,), SENT, jnp.int32)])
    cols = jnp.concatenate([cols, jnp.zeros((pad,), jnp.int32)])
    rows2d = rows.reshape(NS, e_per_s)
    cols2d = cols.reshape(NS, e_per_s)
    return _sc_spmm(rows2d, cols2d, weight, n_rows=n_rows, e_per_s=e_per_s)

# --- scband reference (transcript-rebuilt; emitter-appended) ---
"""Pipeline reference for scband-adj-mlp-18854906429731 (READ-ONLY COPY).

The authoritative reference and input builder live on the scoring server;
editing this copy changes nothing except your own understanding.
"""

import jax, jax.numpy as jnp
import numpy as np

SIZE = 100000
OUT_FEATURES = 128


def setup_inputs(seed: int = 0) -> dict:
    key = jax.random.key(seed)
    k_adj, k_w = jax.random.split(key)
    adj = jax.random.randint(k_adj, (2, SIZE), 0, SIZE, dtype=jnp.int64)
    weight = jax.random.normal(k_w, (SIZE, OUT_FEATURES), dtype=jnp.float32)
    return {"adj": adj, "size": SIZE, "weight": weight}


def reference(adj, size, weight):
    # torch: x = sparse_coo(adj, ones(size), (size, size)); x = sp.mm(x, weight)
    # Sparse COO mm with duplicate indices sums contributions -> segment_sum.
    rows = adj[0]
    cols = adj[1]
    size = jnp.asarray(size)
    rows = rows + (size - size).astype(rows.dtype)
    num_segments = weight.shape[0]
    gathered = jnp.take(weight, cols, axis=0)  # [nnz, out_features], values are all 1.0
    out = jax.ops.segment_sum(gathered, rows, num_segments=num_segments)  # [size, out_features]
    return out

if __name__ == "__main__":
    import jax
    _d = setup_inputs()
    print(jax.jit(kernel)(*tuple(_d.values())))

</pallas_src>

<mosaic_0001>
#map = affine_map<(d0, d1) -> (0, 0)>
module attributes {stable_mosaic.version = 14 : i64} {
  func.func @k(%arg0: i32, %arg1: i32, %arg2: memref<16x6256xi32, #tpu.memory_space<hbm>>, %arg3: memref<16x6256xi32, #tpu.memory_space<hbm>>, %arg4: memref<552x128xf32, #tpu.memory_space<hbm>>, %arg5: memref<100000x128xf32, #tpu.memory_space<hbm>>, %arg6: memref<100000x128xf32, #tpu.memory_space<hbm>>, %arg7: memref<6256xi32, #tpu.memory_space<vmem>>, %arg8: memref<6256xi32, #tpu.memory_space<vmem>>, %arg9: memref<49x128xi32, #tpu.memory_space<vmem>>, %arg10: memref<49x128xi32, #tpu.memory_space<vmem>>, %arg11: memref<128x128xf32, #tpu.memory_space<vmem>>, %arg12: memref<128x128xf32, #tpu.memory_space<vmem>>, %arg13: memref<8848x128xf32, #tpu.memory_space<vmem_shared>>, %arg14: memref<!tpu.dma_semaphore, #tpu.memory_space<semaphore_mem>>, %arg15: memref<!tpu.dma_semaphore, #tpu.memory_space<semaphore_mem>>, %arg16: memref<!tpu.dma_semaphore, #tpu.memory_space<semaphore_mem>>) attributes {dimension_semantics = [#tpu.dimension_semantics<core_parallel>, #tpu.dimension_semantics<subcore_parallel>], iteration_bounds = array<i64: 2, 16>, scalar_prefetch = 0 : i64, scratch_operands = 10 : i64, tpu.core_type = #tpu.core_type<sc_vector_subcore>, window_params = [{transform_indices = #map}, {transform_indices = #map}, {transform_indices = #map}, {transform_indices = #map}, {transform_indices = #map}]} {
    "tpu.region"() ({
      %run_scoped3A = tpu.sem_alloc : memref<!tpu.dma_semaphore, #tpu.memory_space<semaphore_mem>>
      %dma_start3A_923 = arith.constant 0 : i32
      %dma_start3A_924 = tpu.memref_slice %arg2[%arg1, %dma_start3A_923] : memref<16x6256xi32, #tpu.memory_space<hbm>> -> memref<1x6256xi32, #tpu.memory_space<hbm>>
      %dma_start3A_925 = tpu.memref_squeeze %dma_start3A_924 : memref<1x6256xi32, #tpu.memory_space<hbm>> -> memref<6256xi32, #tpu.memory_space<hbm>>
      %dma_start3A_926 = arith.constant 0 : i32
      %dma_start3A_927 = tpu.memref_slice %arg2[%arg1, %dma_start3A_926] : memref<16x6256xi32, #tpu.memory_space<hbm>> -> memref<1x6256xi32, #tpu.memory_space<hbm>>
      %dma_start3A_928 = tpu.memref_squeeze %dma_start3A_927 : memref<1x6256xi32, #tpu.memory_space<hbm>> -> memref<6256xi32, #tpu.memory_space<hbm>>
      tpu.enqueue_dma source(%dma_start3A_928 : memref<6256xi32, #tpu.memory_space<hbm>>) target(%arg7 : memref<6256xi32, #tpu.memory_space<vmem>>) target_semaphore(%run_scoped3A : memref<!tpu.dma_semaphore, #tpu.memory_space<semaphore_mem>>)
      %dma_wait3A_929 = arith.constant 0 : i32
      %dma_wait3A_930 = tpu.memref_slice %arg2[%arg1, %dma_wait3A_929] : memref<16x6256xi32, #tpu.memory_space<hbm>> -> memref<1x6256xi32, #tpu.memory_space<hbm>>
      %dma_wait3A_931 = tpu.memref_squeeze %dma_wait3A_930 : memref<1x6256xi32, #tpu.memory_space<hbm>> -> memref<6256xi32, #tpu.memory_space<hbm>>
      %dma_wait3A_932 = arith.constant 0 : i32
      %dma_wait3A_933 = tpu.memref_slice %arg2[%arg1, %dma_wait3A_932] : memref<16x6256xi32, #tpu.memory_space<hbm>> -> memref<1x6256xi32, #tpu.memory_space<hbm>>
      %dma_wait3A_934 = tpu.memref_squeeze %dma_wait3A_933 : memref<1x6256xi32, #tpu.memory_space<hbm>> -> memref<6256xi32, #tpu.memory_space<hbm>>
      tpu.wait_dma2 semaphore(%run_scoped3A : memref<!tpu.dma_semaphore, #tpu.memory_space<semaphore_mem>>) src(%dma_wait3A_934 : memref<6256xi32, #tpu.memory_space<hbm>>) dst(%arg7 : memref<6256xi32, #tpu.memory_space<vmem>>)
      tpu.yield
    }) : () -> ()
    "tpu.region"() ({
      %run_scoped3A = tpu.sem_alloc : memref<!tpu.dma_semaphore, #tpu.memory_space<semaphore_mem>>
      %dma_start3A_923 = arith.constant 0 : i32
      %dma_start3A_924 = tpu.memref_slice %arg3[%arg1, %dma_start3A_923] : memref<16x6256xi32, #tpu.memory_space<hbm>> -> memref<1x6256xi32, #tpu.memory_space<hbm>>
      %dma_start3A_925 = tpu.memref_squeeze %dma_start3A_924 : memref<1x6256xi32, #tpu.memory_space<hbm>> -> memref<6256xi32, #tpu.memory_space<hbm>>
      %dma_start3A_926 = arith.constant 0 : i32
      %dma_start3A_927 = tpu.memref_slice %arg3[%arg1, %dma_start3A_926] : memref<16x6256xi32, #tpu.memory_space<hbm>> -> memref<1x6256xi32, #tpu.memory_space<hbm>>
      %dma_start3A_928 = tpu.memref_squeeze %dma_start3A_927 : memref<1x6256xi32, #tpu.memory_space<hbm>> -> memref<6256xi32, #tpu.memory_space<hbm>>
      tpu.enqueue_dma source(%dma_start3A_928 : memref<6256xi32, #tpu.memory_space<hbm>>) target(%arg8 : memref<6256xi32, #tpu.memory_space<vmem>>) target_semaphore(%run_scoped3A : memref<!tpu.dma_semaphore, #tpu.memory_space<semaphore_mem>>)
      %dma_wait3A_929 = arith.constant 0 : i32
      %dma_wait3A_930 = tpu.memref_slice %arg3[%arg1, %dma_wait3A_929] : memref<16x6256xi32, #tpu.memory_space<hbm>> -> memref<1x6256xi32, #tpu.memory_space<hbm>>
      %dma_wait3A_931 = tpu.memref_squeeze %dma_wait3A_930 : memref<1x6256xi32, #tpu.memory_space<hbm>> -> memref<6256xi32, #tpu.memory_space<hbm>>
      %dma_wait3A_932 = arith.constant 0 : i32
      %dma_wait3A_933 = tpu.memref_slice %arg3[%arg1, %dma_wait3A_932] : memref<16x6256xi32, #tpu.memory_space<hbm>> -> memref<1x6256xi32, #tpu.memory_space<hbm>>
      %dma_wait3A_934 = tpu.memref_squeeze %dma_wait3A_933 : memref<1x6256xi32, #tpu.memory_space<hbm>> -> memref<6256xi32, #tpu.memory_space<hbm>>
      tpu.wait_dma2 semaphore(%run_scoped3A : memref<!tpu.dma_semaphore, #tpu.memory_space<semaphore_mem>>) src(%dma_wait3A_934 : memref<6256xi32, #tpu.memory_space<hbm>>) dst(%arg8 : memref<6256xi32, #tpu.memory_space<vmem>>)
      tpu.yield
    }) : () -> ()
    %iota3A = tpu.iota {dimensions = array<i32: 0>} : vector<16xi32>
    %add3A = arith.constant 8832 : i32
    %add3A_0 = vector.broadcast %add3A : i32 to vector<16xi32>
    %add3A_1 = arith.addi %add3A_0, %iota3A : vector<16xi32>
    %add3A_2 = arith.constant 0 : i32
    %add3A_3 = arith.addi %add3A_2, %arg0 : i32
    %mul3A = arith.constant 8832 : i32
    %mul3A_4 = arith.muli %add3A_3, %mul3A : i32
    %add3A_5 = arith.constant 8832 : i32
    %add3A_6 = arith.addi %mul3A_4, %add3A_5 : i32
    %mul3A_7 = arith.constant 552 : i32
    %mul3A_8 = arith.muli %arg1, %mul3A_7 : i32
    %dma_start3A = arith.constant 0 : i32
    %dma_start3A_9 = tpu.memref_slice %arg13[%mul3A_8, %dma_start3A] : memref<8848x128xf32, #tpu.memory_space<vmem_shared>> -> memref<552x128xf32, #tpu.memory_space<vmem_shared>>
    tpu.enqueue_dma source(%arg4 : memref<552x128xf32, #tpu.memory_space<hbm>>) target(%dma_start3A_9 : memref<552x128xf32, #tpu.memory_space<vmem_shared>>) target_semaphore(%arg14 : memref<!tpu.dma_semaphore, #tpu.memory_space<semaphore_mem>>)
    %scan3A = arith.constant 0 : i32
    %scan3A_10 = arith.constant 0 : i32
    %scan3A_11 = arith.constant 391 : i32
    %scan3A_12 = arith.addi %scan3A_10, %scan3A_11 : i32
    %scan3A_13 = arith.constant 1 : i32
    %scan3A_14 = scf.for %scan3A_923 = %scan3A_10 to %scan3A_12 step %scan3A_13 iter_args(%scan3A_924 = %scan3A) -> (i32)  : i32 {
      %mul3A_925 = arith.constant 16 : i32
      %mul3A_926 = arith.muli %scan3A_923, %mul3A_925 : i32
      %get3A = arith.index_cast %mul3A_926 : i32 to index
      %get3A_927 = tpu.vector_load %arg7[%get3A] {strides = array<i32>} : memref<6256xi32, #tpu.memory_space<vmem>>, vector<16xi32>,
      %mul3A_928 = arith.constant 16 : i32
      %mul3A_929 = arith.muli %scan3A_923, %mul3A_928 : i32
      %get3A_930 = arith.index_cast %mul3A_929 : i32 to index
      %get3A_931 = tpu.vector_load %arg8[%get3A_930] {strides = array<i32>} : memref<6256xi32, #tpu.memory_space<vmem>>, vector<16xi32>,
      %ge3A = vector.broadcast %mul3A_4 : i32 to vector<16xi32>
      %ge3A_932 = arith.cmpi sge, %get3A_927, %ge3A : vector<16xi32>
      %lt3A_933 = vector.broadcast %add3A_6 : i32 to vector<16xi32>
      %lt3A_934 = arith.cmpi slt, %get3A_927, %lt3A_933 : vector<16xi32>
      %and3A_935 = arith.andi %ge3A_932, %lt3A_934 : vector<16xi1>
      %convert_element_type3A_936 = arith.extui %and3A_935 : vector<16xi1> to vector<16xi32>
      %broadcast_in_dim3A = arith.constant true
      %broadcast_in_dim3A_937 = vector.broadcast %broadcast_in_dim3A : i1 to vector<16xi1>
      %masked_cumsum3A = tpu.scan <sum>, %convert_element_type3A_936 masked %broadcast_in_dim3A_937 : vector<16xi32>, vector<16xi1> -> vector<16xi32>
      %add3A_938 = vector.broadcast %scan3A_924 : i32 to vector<16xi32>
      %add3A_939 = arith.addi %add3A_938, %masked_cumsum3A : vector<16xi32>
      %sub3A = arith.constant 1 : i32
      %sub3A_940 = vector.broadcast %sub3A : i32 to vector<16xi32>
      %sub3A_941 = arith.subi %add3A_939, %sub3A_940 : vector<16xi32>
      %max3A = arith.constant 0 : i32
      %max3A_942 = vector.broadcast %max3A : i32 to vector<16xi32>
      %max3A_943 = arith.maxsi %sub3A_941, %max3A_942 : vector<16xi32>
      %shift_right_logical3A_944 = arith.constant 7 : i32
      %shift_right_logical3A_945 = vector.broadcast %shift_right_logical3A_944 : i32 to vector<16xi32>
      %shift_right_logical3A_946 = arith.shrui %max3A_943, %shift_right_logical3A_945 : vector<16xi32>
      %and3A_947 = arith.constant 127 : i32
      %and3A_948 = vector.broadcast %and3A_947 : i32 to vector<16xi32>
      %and3A_949 = arith.andi %max3A_943, %and3A_948 : vector<16xi32>
      %sub3A_950 = vector.broadcast %mul3A_4 : i32 to vector<16xi32>
      %sub3A_951 = arith.subi %get3A_927, %sub3A_950 : vector<16xi32>
      tpu.vector_store_idx %arg9[%shift_right_logical3A_946, %and3A_949], %sub3A_951 masked %and3A_935 : memref<49x128xi32, #tpu.memory_space<vmem>>[vector<16xi32>, vector<16xi32>], vector<16xi32>, vector<16xi1>
      tpu.vector_store_idx %arg10[%shift_right_logical3A_946, %and3A_949], %get3A_931 masked %and3A_935 : memref<49x128xi32, #tpu.memory_space<vmem>>[vector<16xi32>, vector<16xi32>], vector<16xi32>, vector<16xi1>
      %reduce_sum3A = arith.constant true
      %reduce_sum3A_952 = vector.broadcast %reduce_sum3A : i1 to vector<16xi1>
      %reduce_sum3A_953 = tpu.scan <sum>, %convert_element_type3A_936 masked %reduce_sum3A_952 : vector<16xi32>, vector<16xi1> -> vector<16xi32>
      %reduce_sum3A_954 = vector.extract %reduce_sum3A_953[15] : i32 from vector<16xi32>
      %add3A_955 = arith.addi %scan3A_924, %reduce_sum3A_954 : i32
      scf.yield %add3A_955 : i32
    }
    %scan3A_15 = arith.constant 391 : i32
    %add3A_16 = arith.constant 127 : i32
    %add3A_17 = arith.addi %scan3A_14, %add3A_16 : i32
    %and3A = arith.constant -128 : i32
    %and3A_18 = arith.andi %add3A_17, %and3A : i32
    %add3A_19 = arith.constant 0 : i32
    %add3A_20 = arith.addi %scan3A_14, %add3A_19 : i32
    %add3A_21 = vector.broadcast %add3A_20 : i32 to vector<16xi32>
    %add3A_22 = arith.addi %add3A_21, %iota3A : vector<16xi32>
    %lt3A = vector.broadcast %and3A_18 : i32 to vector<16xi32>
    %lt3A_23 = arith.cmpi slt, %add3A_22, %lt3A : vector<16xi32>
    %shift_right_logical3A = arith.constant 7 : i32
    %shift_right_logical3A_24 = vector.broadcast %shift_right_logical3A : i32 to vector<16xi32>
    %shift_right_logical3A_25 = arith.shrui %add3A_22, %shift_right_logical3A_24 : vector<16xi32>
    %and3A_26 = arith.constant 127 : i32
    %and3A_27 = vector.broadcast %and3A_26 : i32 to vector<16xi32>
    %and3A_28 = arith.andi %add3A_22, %and3A_27 : vector<16xi32>
    tpu.vector_store_idx %arg9[%shift_right_logical3A_25, %and3A_28], %add3A_1 masked %lt3A_23 : memref<49x128xi32, #tpu.memory_space<vmem>>[vector<16xi32>, vector<16xi32>], vector<16xi32>, vector<16xi1>
    tpu.vector_store_idx %arg10[%shift_right_logical3A_25, %and3A_28], %iota3A masked %lt3A_23 : memref<49x128xi32, #tpu.memory_space<vmem>>[vector<16xi32>, vector<16xi32>], vector<16xi32>, vector<16xi1>
    %add3A_29 = arith.constant 16 : i32
    %add3A_30 = arith.addi %scan3A_14, %add3A_29 : i32
    %add3A_31 = vector.broadcast %add3A_30 : i32 to vector<16xi32>
    %add3A_32 = arith.addi %add3A_31, %iota3A : vector<16xi32>
    %lt3A_33 = vector.broadcast %and3A_18 : i32 to vector<16xi32>
    %lt3A_34 = arith.cmpi slt, %add3A_32, %lt3A_33 : vector<16xi32>
    %shift_right_logical3A_35 = arith.constant 7 : i32
    %shift_right_logical3A_36 = vector.broadcast %shift_right_logical3A_35 : i32 to vector<16xi32>
    %shift_right_logical3A_37 = arith.shrui %add3A_32, %shift_right_logical3A_36 : vector<16xi32>
    %and3A_38 = arith.constant 127 : i32
    %and3A_39 = vector.broadcast %and3A_38 : i32 to vector<16xi32>
    %and3A_40 = arith.andi %add3A_32, %and3A_39 : vector<16xi32>
    tpu.vector_store_idx %arg9[%shift_right_logical3A_37, %and3A_40], %add3A_1 masked %lt3A_34 : memref<49x128xi32, #tpu.memory_space<vmem>>[vector<16xi32>, vector<16xi32>], vector<16xi32>, vector<16xi1>
    tpu.vector_store_idx %arg10[%shift_right_logical3A_37, %and3A_40], %iota3A masked %lt3A_34 : memref<49x128xi32, #tpu.memory_space<vmem>>[vector<16xi32>, vector<16xi32>], vector<16xi32>, vector<16xi1>
    %add3A_41 = arith.constant 32 : i32
    %add3A_42 = arith.addi %scan3A_14, %add3A_41 : i32
    %add3A_43 = vector.broadcast %add3A_42 : i32 to vector<16xi32>
    %add3A_44 = arith.addi %add3A_43, %iota3A : vector<16xi32>
    %lt3A_45 = vector.broadcast %and3A_18 : i32 to vector<16xi32>
    %lt3A_46 = arith.cmpi slt, %add3A_44, %lt3A_45 : vector<16xi32>
    %shift_right_logical3A_47 = arith.constant 7 : i32
    %shift_right_logical3A_48 = vector.broadcast %shift_right_logical3A_47 : i32 to vector<16xi32>
    %shift_right_logical3A_49 = arith.shrui %add3A_44, %shift_right_logical3A_48 : vector<16xi32>
    %and3A_50 = arith.constant 127 : i32
    %and3A_51 = vector.broadcast %and3A_50 : i32 to vector<16xi32>
    %and3A_52 = arith.andi %add3A_44, %and3A_51 : vector<16xi32>
    tpu.vector_store_idx %arg9[%shift_right_logical3A_49, %and3A_52], %add3A_1 masked %lt3A_46 : memref<49x128xi32, #tpu.memory_space<vmem>>[vector<16xi32>, vector<16xi32>], vector<16xi32>, vector<16xi1>
    tpu.vector_store_idx %arg10[%shift_right_logical3A_49, %and3A_52], %iota3A masked %lt3A_46 : memref<49x128xi32, #tpu.memory_space<vmem>>[vector<16xi32>, vector<16xi32>], vector<16xi32>, vector<16xi1>
    %add3A_53 = arith.constant 48 : i32
    %add3A_54 = arith.addi %scan3A_14, %add3A_53 : i32
    %add3A_55 = vector.broadcast %add3A_54 : i32 to vector<16xi32>
    %add3A_56 = arith.addi %add3A_55, %iota3A : vector<16xi32>
    %lt3A_57 = vector.broadcast %and3A_18 : i32 to vector<16xi32>
    %lt3A_58 = arith.cmpi slt, %add3A_56, %lt3A_57 : vector<16xi32>
    %shift_right_logical3A_59 = arith.constant 7 : i32
    %shift_right_logical3A_60 = vector.broadcast %shift_right_logical3A_59 : i32 to vector<16xi32>
    %shift_right_logical3A_61 = arith.shrui %add3A_56, %shift_right_logical3A_60 : vector<16xi32>
    %and3A_62 = arith.constant 127 : i32
    %and3A_63 = vector.broadcast %and3A_62 : i32 to vector<16xi32>
    %and3A_64 = arith.andi %add3A_56, %and3A_63 : vector<16xi32>
    tpu.vector_store_idx %arg9[%shift_right_logical3A_61, %and3A_64], %add3A_1 masked %lt3A_58 : memref<49x128xi32, #tpu.memory_space<vmem>>[vector<16xi32>, vector<16xi32>], vector<16xi32>, vector<16xi1>
    tpu.vector_store_idx %arg10[%shift_right_logical3A_61, %and3A_64], %iota3A masked %lt3A_58 : memref<49x128xi32, #tpu.memory_space<vmem>>[vector<16xi32>, vector<16xi32>], vector<16xi32>, vector<16xi1>
    %add3A_65 = arith.constant 64 : i32
    %add3A_66 = arith.addi %scan3A_14, %add3A_65 : i32
    %add3A_67 = vector.broadcast %add3A_66 : i32 to vector<16xi32>
    %add3A_68 = arith.addi %add3A_67, %iota3A : vector<16xi32>
    %lt3A_69 = vector.broadcast %and3A_18 : i32 to vector<16xi32>
    %lt3A_70 = arith.cmpi slt, %add3A_68, %lt3A_69 : vector<16xi32>
    %shift_right_logical3A_71 = arith.constant 7 : i32
    %shift_right_logical3A_72 = vector.broadcast %shift_right_logical3A_71 : i32 to vector<16xi32>
    %shift_right_logical3A_73 = arith.shrui %add3A_68, %shift_right_logical3A_72 : vector<16xi32>
    %and3A_74 = arith.constant 127 : i32
    %and3A_75 = vector.broadcast %and3A_74 : i32 to vector<16xi32>
    %and3A_76 = arith.andi %add3A_68, %and3A_75 : vector<16xi32>
    tpu.vector_store_idx %arg9[%shift_right_logical3A_73, %and3A_76], %add3A_1 masked %lt3A_70 : memref<49x128xi32, #tpu.memory_space<vmem>>[vector<16xi32>, vector<16xi32>], vector<16xi32>, vector<16xi1>
    tpu.vector_store_idx %arg10[%shift_right_logical3A_73, %and3A_76], %iota3A masked %lt3A_70 : memref<49x128xi32, #tpu.memory_space<vmem>>[vector<16xi32>, vector<16xi32>], vector<16xi32>, vector<16xi1>
    %add3A_77 = arith.constant 80 : i32
    %add3A_78 = arith.addi %scan3A_14, %add3A_77 : i32
    %add3A_79 = vector.broadcast %add3A_78 : i32 to vector<16xi32>
    %add3A_80 = arith.addi %add3A_79, %iota3A : vector<16xi32>
    %lt3A_81 = vector.broadcast %and3A_18 : i32 to vector<16xi32>
    %lt3A_82 = arith.cmpi slt, %add3A_80, %lt3A_81 : vector<16xi32>
    %shift_right_logical3A_83 = arith.constant 7 : i32
    %shift_right_logical3A_84 = vector.broadcast %shift_right_logical3A_83 : i32 to vector<16xi32>
    %shift_right_logical3A_85 = arith.shrui %add3A_80, %shift_right_logical3A_84 : vector<16xi32>
    %and3A_86 = arith.constant 127 : i32
    %and3A_87 = vector.broadcast %and3A_86 : i32 to vector<16xi32>
    %and3A_88 = arith.andi %add3A_80, %and3A_87 : vector<16xi32>
    tpu.vector_store_idx %arg9[%shift_right_logical3A_85, %and3A_88], %add3A_1 masked %lt3A_82 : memref<49x128xi32, #tpu.memory_space<vmem>>[vector<16xi32>, vector<16xi32>], vector<16xi32>, vector<16xi1>
    tpu.vector_store_idx %arg10[%shift_right_logical3A_85, %and3A_88], %iota3A masked %lt3A_82 : memref<49x128xi32, #tpu.memory_space<vmem>>[vector<16xi32>, vector<16xi32>], vector<16xi32>, vector<16xi1>
    %add3A_89 = arith.constant 96 : i32
    %add3A_90 = arith.addi %scan3A_14, %add3A_89 : i32
    %add3A_91 = vector.broadcast %add3A_90 : i32 to vector<16xi32>
    %add3A_92 = arith.addi %add3A_91, %iota3A : vector<16xi32>
    %lt3A_93 = vector.broadcast %and3A_18 : i32 to vector<16xi32>
    %lt3A_94 = arith.cmpi slt, %add3A_92, %lt3A_93 : vector<16xi32>
    %shift_right_logical3A_95 = arith.constant 7 : i32
    %shift_right_logical3A_96 = vector.broadcast %shift_right_logical3A_95 : i32 to vector<16xi32>
    %shift_right_logical3A_97 = arith.shrui %add3A_92, %shift_right_logical3A_96 : vector<16xi32>
    %and3A_98 = arith.constant 127 : i32
    %and3A_99 = vector.broadcast %and3A_98 : i32 to vector<16xi32>
    %and3A_100 = arith.andi %add3A_92, %and3A_99 : vector<16xi32>
    tpu.vector_store_idx %arg9[%shift_right_logical3A_97, %and3A_100], %add3A_1 masked %lt3A_94 : memref<49x128xi32, #tpu.memory_space<vmem>>[vector<16xi32>, vector<16xi32>], vector<16xi32>, vector<16xi1>
    tpu.vector_store_idx %arg10[%shift_right_logical3A_97, %and3A_100], %iota3A masked %lt3A_94 : memref<49x128xi32, #tpu.memory_space<vmem>>[vector<16xi32>, vector<16xi32>], vector<16xi32>, vector<16xi1>
    %add3A_101 = arith.constant 112 : i32
    %add3A_102 = arith.addi %scan3A_14, %add3A_101 : i32
    %add3A_103 = vector.broadcast %add3A_102 : i32 to vector<16xi32>
    %add3A_104 = arith.addi %add3A_103, %iota3A : vector<16xi32>
    %lt3A_105 = vector.broadcast %and3A_18 : i32 to vector<16xi32>
    %lt3A_106 = arith.cmpi slt, %add3A_104, %lt3A_105 : vector<16xi32>
    %shift_right_logical3A_107 = arith.constant 7 : i32
    %shift_right_logical3A_108 = vector.broadcast %shift_right_logical3A_107 : i32 to vector<16xi32>
    %shift_right_logical3A_109 = arith.shrui %add3A_104, %shift_right_logical3A_108 : vector<16xi32>
    %and3A_110 = arith.constant 127 : i32
    %and3A_111 = vector.broadcast %and3A_110 : i32 to vector<16xi32>
    %and3A_112 = arith.andi %add3A_104, %and3A_111 : vector<16xi32>
    tpu.vector_store_idx %arg9[%shift_right_logical3A_109, %and3A_112], %add3A_1 masked %lt3A_106 : memref<49x128xi32, #tpu.memory_space<vmem>>[vector<16xi32>, vector<16xi32>], vector<16xi32>, vector<16xi1>
    tpu.vector_store_idx %arg10[%shift_right_logical3A_109, %and3A_112], %iota3A masked %lt3A_106 : memref<49x128xi32, #tpu.memory_space<vmem>>[vector<16xi32>, vector<16xi32>], vector<16xi32>, vector<16xi1>
    %mul3A_113 = arith.constant 552 : i32
    %mul3A_114 = arith.muli %arg1, %mul3A_113 : i32
    %dma_wait3A = arith.constant 0 : i32
    %dma_wait3A_115 = tpu.memref_slice %arg13[%mul3A_114, %dma_wait3A] : memref<8848x128xf32, #tpu.memory_space<vmem_shared>> -> memref<552x128xf32, #tpu.memory_space<vmem_shared>>
    tpu.wait_dma2 semaphore(%arg14 : memref<!tpu.dma_semaphore, #tpu.memory_space<semaphore_mem>>) src(%arg4 : memref<552x128xf32, #tpu.memory_space<hbm>>) dst(%dma_wait3A_115 : memref<552x128xf32, #tpu.memory_space<vmem_shared>>)
    %barrier3A = arith.constant 0 : index
    tpu.barrier barrier_id(%barrier3A)
    %shift_right_logical3A_116 = arith.constant 7 : i32
    %shift_right_logical3A_117 = arith.shrui %and3A_18, %shift_right_logical3A_116 : i32
    %shift_right_logical3A_118 = arith.constant 8 : i32
    %shift_right_logical3A_119 = arith.shrui %and3A_18, %shift_right_logical3A_118 : i32
    %gt3A = arith.constant 0 : i32
    %gt3A_120 = arith.cmpi sgt, %shift_right_logical3A_117, %gt3A : i32
    %convert_element_type3A = arith.extui %gt3A_120 : i1 to i32
    %cond3A = arith.constant 0 : i32
    %cond3A_121 = arith.cmpi ne, %convert_element_type3A, %cond3A : i32
    scf.if %cond3A_121 {
      %dma_start3A_923 = arith.constant 0 : i32
      %dma_start3A_924 = arith.constant 0 : i32
      %dma_start3A_925 = tpu.memref_slice %arg10[%dma_start3A_923, %dma_start3A_924] : memref<49x128xi32, #tpu.memory_space<vmem>> -> memref<1x128xi32, #tpu.memory_space<vmem>>
      %dma_start3A_926 = tpu.memref_squeeze %dma_start3A_925 : memref<1x128xi32, #tpu.memory_space<vmem>> -> memref<128xi32, #tpu.memory_space<vmem>>
      %dma_start3A_927 = arith.constant 0 : i32
      %dma_start3A_928 = arith.constant 0 : i32
      %dma_start3A_929 = tpu.memref_slice %arg5[%dma_start3A_927, %dma_start3A_928] : memref<100000x128xf32, #tpu.memory_space<hbm>> -> memref<100000x128xf32, #tpu.memory_space<hbm>>
      tpu.enqueue_indirect_dma source(%dma_start3A_929 : memref<100000x128xf32, #tpu.memory_space<hbm>>) target(%arg11 : memref<128x128xf32, #tpu.memory_space<vmem>>) offsets(%dma_start3A_926 : memref<128xi32, #tpu.memory_space<vmem>>) semaphore(%arg15 : memref<!tpu.dma_semaphore, #tpu.memory_space<semaphore_mem>>)
    } else {
    }
    %while3A = arith.constant 0 : i32
    %while3A_122 = arith.constant 0 : i32
    %while3A_123 = arith.subi %shift_right_logical3A_119, %while3A_122 : i32
    %while3A_124 = arith.addi %while3A_122, %while3A_123 : i32
    %while3A_125 = arith.constant 1 : i32
    %while3A_126 = arith.divsi %while3A_123, %while3A_125 : i32
    %while3A_127 = arith.muli %while3A_126, %while3A_125 : i32
    %while3A_128 = arith.addi %while3A_122, %while3A_127 : i32
    %while3A_129 = arith.constant 1 : i32
    scf.for %while3A_923 = %while3A_122 to %while3A_128 step %while3A_129  : i32 {
      %mul3A_924 = arith.constant 2 : i32
      %mul3A_925 = arith.muli %mul3A_924, %while3A_923 : i32
      %add3A_926 = arith.constant 1 : i32
      %add3A_927 = arith.addi %mul3A_925, %add3A_926 : i32
      %dma_start3A_928 = arith.constant 0 : i32
      %dma_start3A_929 = tpu.memref_slice %arg10[%add3A_927, %dma_start3A_928] : memref<49x128xi32, #tpu.memory_space<vmem>> -> memref<1x128xi32, #tpu.memory_space<vmem>>
      %dma_start3A_930 = tpu.memref_squeeze %dma_start3A_929 : memref<1x128xi32, #tpu.memory_space<vmem>> -> memref<128xi32, #tpu.memory_space<vmem>>
      %dma_start3A_931 = arith.constant 0 : i32
      %dma_start3A_932 = arith.constant 0 : i32
      %dma_start3A_933 = tpu.memref_slice %arg5[%dma_start3A_931, %dma_start3A_932] : memref<100000x128xf32, #tpu.memory_space<hbm>> -> memref<100000x128xf32, #tpu.memory_space<hbm>>
      tpu.enqueue_indirect_dma source(%dma_start3A_933 : memref<100000x128xf32, #tpu.memory_space<hbm>>) target(%arg12 : memref<128x128xf32, #tpu.memory_space<vmem>>) offsets(%dma_start3A_930 : memref<128xi32, #tpu.memory_space<vmem>>) semaphore(%arg16 : memref<!tpu.dma_semaphore, #tpu.memory_space<semaphore_mem>>)
      %mul3A_934 = arith.constant 2 : i32
      %mul3A_935 = arith.muli %mul3A_934, %while3A_923 : i32
      %dma_wait3A_936 = arith.constant 0 : i32
      %dma_wait3A_937 = tpu.memref_slice %arg10[%mul3A_935, %dma_wait3A_936] : memref<49x128xi32, #tpu.memory_space<vmem>> -> memref<1x128xi32, #tpu.memory_space<vmem>>
      %dma_wait3A_938 = tpu.memref_squeeze %dma_wait3A_937 : memref<1x128xi32, #tpu.memory_space<vmem>> -> memref<128xi32, #tpu.memory_space<vmem>>
      %dma_wait3A_939 = arith.constant 0 : i32
      %dma_wait3A_940 = arith.constant 0 : i32
      %dma_wait3A_941 = tpu.memref_slice %arg5[%dma_wait3A_939, %dma_wait3A_940] : memref<100000x128xf32, #tpu.memory_space<hbm>> -> memref<100000x128xf32, #tpu.memory_space<hbm>>
      tpu.wait_indirect_dma semaphore(%arg15 : memref<!tpu.dma_semaphore, #tpu.memory_space<semaphore_mem>>) src(%dma_wait3A_941 : memref<100000x128xf32, #tpu.memory_space<hbm>>) dst(%arg11 : memref<128x128xf32, #tpu.memory_space<vmem>>)
      %mul3A_942 = arith.constant 2 : i32
      %mul3A_943 = arith.muli %mul3A_942, %while3A_923 : i32
      "tpu.region"() ({
        %run_scoped3A = tpu.sem_alloc : memref<!tpu.dma_semaphore, #tpu.memory_space<semaphore_mem>>
        %dma_start3A_966 = arith.constant 0 : i32
        %dma_start3A_967 = tpu.memref_slice %arg9[%mul3A_943, %dma_start3A_966] : memref<49x128xi32, #tpu.memory_space<vmem>> -> memref<1x128xi32, #tpu.memory_space<vmem>>
        %dma_start3A_968 = tpu.memref_squeeze %dma_start3A_967 : memref<1x128xi32, #tpu.memory_space<vmem>> -> memref<128xi32, #tpu.memory_space<vmem>>
        %dma_start3A_969 = arith.constant 0 : i32
        %dma_start3A_970 = arith.constant 0 : i32
        %dma_start3A_971 = tpu.memref_slice %arg13[%dma_start3A_969, %dma_start3A_970] : memref<8848x128xf32, #tpu.memory_space<vmem_shared>> -> memref<8848x128xf32, #tpu.memory_space<vmem_shared>>
        tpu.enqueue_indirect_dma source(%arg11 : memref<128x128xf32, #tpu.memory_space<vmem>>) target(%dma_start3A_971 : memref<8848x128xf32, #tpu.memory_space<vmem_shared>>) offsets(%dma_start3A_968 : memref<128xi32, #tpu.memory_space<vmem>>) semaphore(%run_scoped3A : memref<!tpu.dma_semaphore, #tpu.memory_space<semaphore_mem>>) {add = true}
        %dma_wait3A_972 = arith.constant 0 : i32
        %dma_wait3A_973 = tpu.memref_slice %arg9[%mul3A_943, %dma_wait3A_972] : memref<49x128xi32, #tpu.memory_space<vmem>> -> memref<1x128xi32, #tpu.memory_space<vmem>>
        %dma_wait3A_974 = tpu.memref_squeeze %dma_wait3A_973 : memref<1x128xi32, #tpu.memory_space<vmem>> -> memref<128xi32, #tpu.memory_space<vmem>>
        %dma_wait3A_975 = arith.constant 0 : i32
        %dma_wait3A_976 = arith.constant 0 : i32
        %dma_wait3A_977 = tpu.memref_slice %arg13[%dma_wait3A_975, %dma_wait3A_976] : memref<8848x128xf32, #tpu.memory_space<vmem_shared>> -> memref<8848x128xf32, #tpu.memory_space<vmem_shared>>
        tpu.wait_indirect_dma semaphore(%run_scoped3A : memref<!tpu.dma_semaphore, #tpu.memory_space<semaphore_mem>>) src(%arg11 : memref<128x128xf32, #tpu.memory_space<vmem>>) dst(%dma_wait3A_977 : memref<8848x128xf32, #tpu.memory_space<vmem_shared>>)
        tpu.yield
      }) : () -> ()
      %mul3A_944 = arith.constant 2 : i32
      %mul3A_945 = arith.muli %mul3A_944, %while3A_923 : i32
      %add3A_946 = arith.constant 2 : i32
      %add3A_947 = arith.addi %mul3A_945, %add3A_946 : i32
      %lt3A_948 = arith.cmpi slt, %add3A_947, %shift_right_logical3A_117 : i32
      %convert_element_type3A_949 = arith.extui %lt3A_948 : i1 to i32
      %cond3A_950 = arith.constant 0 : i32
      %cond3A_951 = arith.cmpi ne, %convert_element_type3A_949, %cond3A_950 : i32
      scf.if %cond3A_951 {
        %mul3A_966 = arith.constant 2 : i32
        %mul3A_967 = arith.muli %mul3A_966, %while3A_923 : i32
        %add3A_968 = arith.constant 2 : i32
        %add3A_969 = arith.addi %mul3A_967, %add3A_968 : i32
        %dma_start3A_970 = arith.constant 0 : i32
        %dma_start3A_971 = tpu.memref_slice %arg10[%add3A_969, %dma_start3A_970] : memref<49x128xi32, #tpu.memory_space<vmem>> -> memref<1x128xi32, #tpu.memory_space<vmem>>
        %dma_start3A_972 = tpu.memref_squeeze %dma_start3A_971 : memref<1x128xi32, #tpu.memory_space<vmem>> -> memref<128xi32, #tpu.memory_space<vmem>>
        %dma_start3A_973 = arith.constant 0 : i32
        %dma_start3A_974 = arith.constant 0 : i32
        %dma_start3A_975 = tpu.memref_slice %arg5[%dma_start3A_973, %dma_start3A_974] : memref<100000x128xf32, #tpu.memory_space<hbm>> -> memref<100000x128xf32, #tpu.memory_space<hbm>>
        tpu.enqueue_indirect_dma source(%dma_start3A_975 : memref<100000x128xf32, #tpu.memory_space<hbm>>) target(%arg11 : memref<128x128xf32, #tpu.memory_space<vmem>>) offsets(%dma_start3A_972 : memref<128xi32, #tpu.memory_space<vmem>>) semaphore(%arg15 : memref<!tpu.dma_semaphore, #tpu.memory_space<semaphore_mem>>)
      } else {
      }
      %mul3A_952 = arith.constant 2 : i32
      %mul3A_953 = arith.muli %mul3A_952, %while3A_923 : i32
      %add3A_954 = arith.constant 1 : i32
      %add3A_955 = arith.addi %mul3A_953, %add3A_954 : i32
      %dma_wait3A_956 = arith.constant 0 : i32
      %dma_wait3A_957 = tpu.memref_slice %arg10[%add3A_955, %dma_wait3A_956] : memref<49x128xi32, #tpu.memory_space<vmem>> -> memref<1x128xi32, #tpu.memory_space<vmem>>
      %dma_wait3A_958 = tpu.memref_squeeze %dma_wait3A_957 : memref<1x128xi32, #tpu.memory_space<vmem>> -> memref<128xi32, #tpu.memory_space<vmem>>
      %dma_wait3A_959 = arith.constant 0 : i32
      %dma_wait3A_960 = arith.constant 0 : i32
      %dma_wait3A_961 = tpu.memref_slice %arg5[%dma_wait3A_959, %dma_wait3A_960] : memref<100000x128xf32, #tpu.memory_space<hbm>> -> memref<100000x128xf32, #tpu.memory_space<hbm>>
      tpu.wait_indirect_dma semaphore(%arg16 : memref<!tpu.dma_semaphore, #tpu.memory_space<semaphore_mem>>) src(%dma_wait3A_961 : memref<100000x128xf32, #tpu.memory_space<hbm>>) dst(%arg12 : memref<128x128xf32, #tpu.memory_space<vmem>>)
      %mul3A_962 = arith.constant 2 : i32
      %mul3A_963 = arith.muli %mul3A_962, %while3A_923 : i32
      %add3A_964 = arith.constant 1 : i32
      %add3A_965 = arith.addi %mul3A_963, %add3A_964 : i32
      "tpu.region"() ({
        %run_scoped3A = tpu.sem_alloc : memref<!tpu.dma_semaphore, #tpu.memory_space<semaphore_mem>>
        %dma_start3A_966 = arith.constant 0 : i32
        %dma_start3A_967 = tpu.memref_slice %arg9[%add3A_965, %dma_start3A_966] : memref<49x128xi32, #tpu.memory_space<vmem>> -> memref<1x128xi32, #tpu.memory_space<vmem>>
        %dma_start3A_968 = tpu.memref_squeeze %dma_start3A_967 : memref<1x128xi32, #tpu.memory_space<vmem>> -> memref<128xi32, #tpu.memory_space<vmem>>
        %dma_start3A_969 = arith.constant 0 : i32
        %dma_start3A_970 = arith.constant 0 : i32
        %dma_start3A_971 = tpu.memref_slice %arg13[%dma_start3A_969, %dma_start3A_970] : memref<8848x128xf32, #tpu.memory_space<vmem_shared>> -> memref<8848x128xf32, #tpu.memory_space<vmem_shared>>
        tpu.enqueue_indirect_dma source(%arg12 : memref<128x128xf32, #tpu.memory_space<vmem>>) target(%dma_start3A_971 : memref<8848x128xf32, #tpu.memory_space<vmem_shared>>) offsets(%dma_start3A_968 : memref<128xi32, #tpu.memory_space<vmem>>) semaphore(%run_scoped3A : memref<!tpu.dma_semaphore, #tpu.memory_space<semaphore_mem>>) {add = true}
        %dma_wait3A_972 = arith.constant 0 : i32
        %dma_wait3A_973 = tpu.memref_slice %arg9[%add3A_965, %dma_wait3A_972] : memref<49x128xi32, #tpu.memory_space<vmem>> -> memref<1x128xi32, #tpu.memory_space<vmem>>
        %dma_wait3A_974 = tpu.memref_squeeze %dma_wait3A_973 : memref<1x128xi32, #tpu.memory_space<vmem>> -> memref<128xi32, #tpu.memory_space<vmem>>
        %dma_wait3A_975 = arith.constant 0 : i32
        %dma_wait3A_976 = arith.constant 0 : i32
        %dma_wait3A_977 = tpu.memref_slice %arg13[%dma_wait3A_975, %dma_wait3A_976] : memref<8848x128xf32, #tpu.memory_space<vmem_shared>> -> memref<8848x128xf32, #tpu.memory_space<vmem_shared>>
        tpu.wait_indirect_dma semaphore(%run_scoped3A : memref<!tpu.dma_semaphore, #tpu.memory_space<semaphore_mem>>) src(%arg12 : memref<128x128xf32, #tpu.memory_space<vmem>>) dst(%dma_wait3A_977 : memref<8848x128xf32, #tpu.memory_space<vmem_shared>>)
        tpu.yield
      }) : () -> ()
    }
    %while3A_130 = arith.constant 1 : i32
    scf.for %while3A_923 = %while3A_128 to %while3A_124 step %while3A_130  : i32 {
      %mul3A_924 = arith.constant 2 : i32
      %mul3A_925 = arith.muli %mul3A_924, %while3A_923 : i32
      %add3A_926 = arith.constant 1 : i32
      %add3A_927 = arith.addi %mul3A_925, %add3A_926 : i32
      %dma_start3A_928 = arith.constant 0 : i32
      %dma_start3A_929 = tpu.memref_slice %arg10[%add3A_927, %dma_start3A_928] : memref<49x128xi32, #tpu.memory_space<vmem>> -> memref<1x128xi32, #tpu.memory_space<vmem>>
      %dma_start3A_930 = tpu.memref_squeeze %dma_start3A_929 : memref<1x128xi32, #tpu.memory_space<vmem>> -> memref<128xi32, #tpu.memory_space<vmem>>
      %dma_start3A_931 = arith.constant 0 : i32
      %dma_start3A_932 = arith.constant 0 : i32
      %dma_start3A_933 = tpu.memref_slice %arg5[%dma_start3A_931, %dma_start3A_932] : memref<100000x128xf32, #tpu.memory_space<hbm>> -> memref<100000x128xf32, #tpu.memory_space<hbm>>
      tpu.enqueue_indirect_dma source(%dma_start3A_933 : memref<100000x128xf32, #tpu.memory_space<hbm>>) target(%arg12 : memref<128x128xf32, #tpu.memory_space<vmem>>) offsets(%dma_start3A_930 : memref<128xi32, #tpu.memory_space<vmem>>) semaphore(%arg16 : memref<!tpu.dma_semaphore, #tpu.memory_space<semaphore_mem>>)
      %mul3A_934 = arith.constant 2 : i32
      %mul3A_935 = arith.muli %mul3A_934, %while3A_923 : i32
      %dma_wait3A_936 = arith.constant 0 : i32
      %dma_wait3A_937 = tpu.memref_slice %arg10[%mul3A_935, %dma_wait3A_936] : memref<49x128xi32, #tpu.memory_space<vmem>> -> memref<1x128xi32, #tpu.memory_space<vmem>>
      %dma_wait3A_938 = tpu.memref_squeeze %dma_wait3A_937 : memref<1x128xi32, #tpu.memory_space<vmem>> -> memref<128xi32, #tpu.memory_space<vmem>>
      %dma_wait3A_939 = arith.constant 0 : i32
      %dma_wait3A_940 = arith.constant 0 : i32
      %dma_wait3A_941 = tpu.memref_slice %arg5[%dma_wait3A_939, %dma_wait3A_940] : memref<100000x128xf32, #tpu.memory_space<hbm>> -> memref<100000x128xf32, #tpu.memory_space<hbm>>
      tpu.wait_indirect_dma semaphore(%arg15 : memref<!tpu.dma_semaphore, #tpu.memory_space<semaphore_mem>>) src(%dma_wait3A_941 : memref<100000x128xf32, #tpu.memory_space<hbm>>) dst(%arg11 : memref<128x128xf32, #tpu.memory_space<vmem>>)
      %mul3A_942 = arith.constant 2 : i32
      %mul3A_943 = arith.muli %mul3A_942, %while3A_923 : i32
      "tpu.region"() ({
        %run_scoped3A = tpu.sem_alloc : memref<!tpu.dma_semaphore, #tpu.memory_space<semaphore_mem>>
        %dma_start3A_966 = arith.constant 0 : i32
        %dma_start3A_967 = tpu.memref_slice %arg9[%mul3A_943, %dma_start3A_966] : memref<49x128xi32, #tpu.memory_space<vmem>> -> memref<1x128xi32, #tpu.memory_space<vmem>>
        %dma_start3A_968 = tpu.memref_squeeze %dma_start3A_967 : memref<1x128xi32, #tpu.memory_space<vmem>> -> memref<128xi32, #tpu.memory_space<vmem>>
        %dma_start3A_969 = arith.constant 0 : i32
        %dma_start3A_970 = arith.constant 0 : i32
        %dma_start3A_971 = tpu.memref_slice %arg13[%dma_start3A_969, %dma_start3A_970] : memref<8848x128xf32, #tpu.memory_space<vmem_shared>> -> memref<8848x128xf32, #tpu.memory_space<vmem_shared>>
        tpu.enqueue_indirect_dma source(%arg11 : memref<128x128xf32, #tpu.memory_space<vmem>>) target(%dma_start3A_971 : memref<8848x128xf32, #tpu.memory_space<vmem_shared>>) offsets(%dma_start3A_968 : memref<128xi32, #tpu.memory_space<vmem>>) semaphore(%run_scoped3A : memref<!tpu.dma_semaphore, #tpu.memory_space<semaphore_mem>>) {add = true}
        %dma_wait3A_972 = arith.constant 0 : i32
        %dma_wait3A_973 = tpu.memref_slice %arg9[%mul3A_943, %dma_wait3A_972] : memref<49x128xi32, #tpu.memory_space<vmem>> -> memref<1x128xi32, #tpu.memory_space<vmem>>
        %dma_wait3A_974 = tpu.memref_squeeze %dma_wait3A_973 : memref<1x128xi32, #tpu.memory_space<vmem>> -> memref<128xi32, #tpu.memory_space<vmem>>
        %dma_wait3A_975 = arith.constant 0 : i32
        %dma_wait3A_976 = arith.constant 0 : i32
        %dma_wait3A_977 = tpu.memref_slice %arg13[%dma_wait3A_975, %dma_wait3A_976] : memref<8848x128xf32, #tpu.memory_space<vmem_shared>> -> memref<8848x128xf32, #tpu.memory_space<vmem_shared>>
        tpu.wait_indirect_dma semaphore(%run_scoped3A : memref<!tpu.dma_semaphore, #tpu.memory_space<semaphore_mem>>) src(%arg11 : memref<128x128xf32, #tpu.memory_space<vmem>>) dst(%dma_wait3A_977 : memref<8848x128xf32, #tpu.memory_space<vmem_shared>>)
        tpu.yield
      }) : () -> ()
      %mul3A_944 = arith.constant 2 : i32
      %mul3A_945 = arith.muli %mul3A_944, %while3A_923 : i32
      %add3A_946 = arith.constant 2 : i32
      %add3A_947 = arith.addi %mul3A_945, %add3A_946 : i32
      %lt3A_948 = arith.cmpi slt, %add3A_947, %shift_right_logical3A_117 : i32
      %convert_element_type3A_949 = arith.extui %lt3A_948 : i1 to i32
      %cond3A_950 = arith.constant 0 : i32
      %cond3A_951 = arith.cmpi ne, %convert_element_type3A_949, %cond3A_950 : i32
      scf.if %cond3A_951 {
        %mul3A_966 = arith.constant 2 : i32
        %mul3A_967 = arith.muli %mul3A_966, %while3A_923 : i32
        %add3A_968 = arith.constant 2 : i32
        %add3A_969 = arith.addi %mul3A_967, %add3A_968 : i32
        %dma_start3A_970 = arith.constant 0 : i32
        %dma_start3A_971 = tpu.memref_slice %arg10[%add3A_969, %dma_start3A_970] : memref<49x128xi32, #tpu.memory_space<vmem>> -> memref<1x128xi32, #tpu.memory_space<vmem>>
        %dma_start3A_972 = tpu.memref_squeeze %dma_start3A_971 : memref<1x128xi32, #tpu.memory_space<vmem>> -> memref<128xi32, #tpu.memory_space<vmem>>
        %dma_start3A_973 = arith.constant 0 : i32
        %dma_start3A_974 = arith.constant 0 : i32
        %dma_start3A_975 = tpu.memref_slice %arg5[%dma_start3A_973, %dma_start3A_974] : memref<100000x128xf32, #tpu.memory_space<hbm>> -> memref<100000x128xf32, #tpu.memory_space<hbm>>
        tpu.enqueue_indirect_dma source(%dma_start3A_975 : memref<100000x128xf32, #tpu.memory_space<hbm>>) target(%arg11 : memref<128x128xf32, #tpu.memory_space<vmem>>) offsets(%dma_start3A_972 : memref<128xi32, #tpu.memory_space<vmem>>) semaphore(%arg15 : memref<!tpu.dma_semaphore, #tpu.memory_space<semaphore_mem>>)
      } else {
      }
      %mul3A_952 = arith.constant 2 : i32
      %mul3A_953 = arith.muli %mul3A_952, %while3A_923 : i32
      %add3A_954 = arith.constant 1 : i32
      %add3A_955 = arith.addi %mul3A_953, %add3A_954 : i32
      %dma_wait3A_956 = arith.constant 0 : i32
      %dma_wait3A_957 = tpu.memref_slice %arg10[%add3A_955, %dma_wait3A_956] : memref<49x128xi32, #tpu.memory_space<vmem>> -> memref<1x128xi32, #tpu.memory_space<vmem>>
      %dma_wait3A_958 = tpu.memref_squeeze %dma_wait3A_957 : memref<1x128xi32, #tpu.memory_space<vmem>> -> memref<128xi32, #tpu.memory_space<vmem>>
      %dma_wait3A_959 = arith.constant 0 : i32
      %dma_wait3A_960 = arith.constant 0 : i32
      %dma_wait3A_961 = tpu.memref_slice %arg5[%dma_wait3A_959, %dma_wait3A_960] : memref<100000x128xf32, #tpu.memory_space<hbm>> -> memref<100000x128xf32, #tpu.memory_space<hbm>>
      tpu.wait_indirect_dma semaphore(%arg16 : memref<!tpu.dma_semaphore, #tpu.memory_space<semaphore_mem>>) src(%dma_wait3A_961 : memref<100000x128xf32, #tpu.memory_space<hbm>>) dst(%arg12 : memref<128x128xf32, #tpu.memory_space<vmem>>)
      %mul3A_962 = arith.constant 2 : i32
      %mul3A_963 = arith.muli %mul3A_962, %while3A_923 : i32
      %add3A_964 = arith.constant 1 : i32
      %add3A_965 = arith.addi %mul3A_963, %add3A_964 : i32
      "tpu.region"() ({
        %run_scoped3A = tpu.sem_alloc : memref<!tpu.dma_semaphore, #tpu.memory_space<semaphore_mem>>
        %dma_start3A_966 = arith.constant 0 : i32
        %dma_start3A_967 = tpu.memref_slice %arg9[%add3A_965, %dma_start3A_966] : memref<49x128xi32, #tpu.memory_space<vmem>> -> memref<1x128xi32, #tpu.memory_space<vmem>>
        %dma_start3A_968 = tpu.memref_squeeze %dma_start3A_967 : memref<1x128xi32, #tpu.memory_space<vmem>> -> memref<128xi32, #tpu.memory_space<vmem>>
        %dma_start3A_969 = arith.constant 0 : i32
        %dma_start3A_970 = arith.constant 0 : i32
        %dma_start3A_971 = tpu.memref_slice %arg13[%dma_start3A_969, %dma_start3A_970] : memref<8848x128xf32, #tpu.memory_space<vmem_shared>> -> memref<8848x128xf32, #tpu.memory_space<vmem_shared>>
        tpu.enqueue_indirect_dma source(%arg12 : memref<128x128xf32, #tpu.memory_space<vmem>>) target(%dma_start3A_971 : memref<8848x128xf32, #tpu.memory_space<vmem_shared>>) offsets(%dma_start3A_968 : memref<128xi32, #tpu.memory_space<vmem>>) semaphore(%run_scoped3A : memref<!tpu.dma_semaphore, #tpu.memory_space<semaphore_mem>>) {add = true}
        %dma_wait3A_972 = arith.constant 0 : i32
        %dma_wait3A_973 = tpu.memref_slice %arg9[%add3A_965, %dma_wait3A_972] : memref<49x128xi32, #tpu.memory_space<vmem>> -> memref<1x128xi32, #tpu.memory_space<vmem>>
        %dma_wait3A_974 = tpu.memref_squeeze %dma_wait3A_973 : memref<1x128xi32, #tpu.memory_space<vmem>> -> memref<128xi32, #tpu.memory_space<vmem>>
        %dma_wait3A_975 = arith.constant 0 : i32
        %dma_wait3A_976 = arith.constant 0 : i32
        %dma_wait3A_977 = tpu.memref_slice %arg13[%dma_wait3A_975, %dma_wait3A_976] : memref<8848x128xf32, #tpu.memory_space<vmem_shared>> -> memref<8848x128xf32, #tpu.memory_space<vmem_shared>>
        tpu.wait_indirect_dma semaphore(%run_scoped3A : memref<!tpu.dma_semaphore, #tpu.memory_space<semaphore_mem>>) src(%arg12 : memref<128x128xf32, #tpu.memory_space<vmem>>) dst(%dma_wait3A_977 : memref<8848x128xf32, #tpu.memory_space<vmem_shared>>)
        tpu.yield
      }) : () -> ()
    }
    %mul3A_131 = arith.constant 2 : i32
    %mul3A_132 = arith.muli %mul3A_131, %shift_right_logical3A_119 : i32
    %gt3A_133 = arith.cmpi sgt, %shift_right_logical3A_117, %mul3A_132 : i32
    %convert_element_type3A_134 = arith.extui %gt3A_133 : i1 to i32
    %cond3A_135 = arith.constant 0 : i32
    %cond3A_136 = arith.cmpi ne, %convert_element_type3A_134, %cond3A_135 : i32
    scf.if %cond3A_136 {
      %sub3A = arith.constant 1 : i32
      %sub3A_923 = arith.subi %shift_right_logical3A_117, %sub3A : i32
      %dma_wait3A_924 = arith.constant 0 : i32
      %dma_wait3A_925 = tpu.memref_slice %arg10[%sub3A_923, %dma_wait3A_924] : memref<49x128xi32, #tpu.memory_space<vmem>> -> memref<1x128xi32, #tpu.memory_space<vmem>>
      %dma_wait3A_926 = tpu.memref_squeeze %dma_wait3A_925 : memref<1x128xi32, #tpu.memory_space<vmem>> -> memref<128xi32, #tpu.memory_space<vmem>>
      %dma_wait3A_927 = arith.constant 0 : i32
      %dma_wait3A_928 = arith.constant 0 : i32
      %dma_wait3A_929 = tpu.memref_slice %arg5[%dma_wait3A_927, %dma_wait3A_928] : memref<100000x128xf32, #tpu.memory_space<hbm>> -> memref<100000x128xf32, #tpu.memory_space<hbm>>
      tpu.wait_indirect_dma semaphore(%arg15 : memref<!tpu.dma_semaphore, #tpu.memory_space<semaphore_mem>>) src(%dma_wait3A_929 : memref<100000x128xf32, #tpu.memory_space<hbm>>) dst(%arg11 : memref<128x128xf32, #tpu.memory_space<vmem>>)
      %sub3A_930 = arith.constant 1 : i32
      %sub3A_931 = arith.subi %shift_right_logical3A_117, %sub3A_930 : i32
      "tpu.region"() ({
        %run_scoped3A = tpu.sem_alloc : memref<!tpu.dma_semaphore, #tpu.memory_space<semaphore_mem>>
        %dma_start3A_932 = arith.constant 0 : i32
        %dma_start3A_933 = tpu.memref_slice %arg9[%sub3A_931, %dma_start3A_932] : memref<49x128xi32, #tpu.memory_space<vmem>> -> memref<1x128xi32, #tpu.memory_space<vmem>>
        %dma_start3A_934 = tpu.memref_squeeze %dma_start3A_933 : memref<1x128xi32, #tpu.memory_space<vmem>> -> memref<128xi32, #tpu.memory_space<vmem>>
        %dma_start3A_935 = arith.constant 0 : i32
        %dma_start3A_936 = arith.constant 0 : i32
        %dma_start3A_937 = tpu.memref_slice %arg13[%dma_start3A_935, %dma_start3A_936] : memref<8848x128xf32, #tpu.memory_space<vmem_shared>> -> memref<8848x128xf32, #tpu.memory_space<vmem_shared>>
        tpu.enqueue_indirect_dma source(%arg11 : memref<128x128xf32, #tpu.memory_space<vmem>>) target(%dma_start3A_937 : memref<8848x128xf32, #tpu.memory_space<vmem_shared>>) offsets(%dma_start3A_934 : memref<128xi32, #tpu.memory_space<vmem>>) semaphore(%run_scoped3A : memref<!tpu.dma_semaphore, #tpu.memory_space<semaphore_mem>>) {add = true}
        %dma_wait3A_938 = arith.constant 0 : i32
        %dma_wait3A_939 = tpu.memref_slice %arg9[%sub3A_931, %dma_wait3A_938] : memref<49x128xi32, #tpu.memory_space<vmem>> -> memref<1x128xi32, #tpu.memory_space<vmem>>
        %dma_wait3A_940 = tpu.memref_squeeze %dma_wait3A_939 : memref<1x128xi32, #tpu.memory_space<vmem>> -> memref<128xi32, #tpu.memory_space<vmem>>
        %dma_wait3A_941 = arith.constant 0 : i32
        %dma_wait3A_942 = arith.constant 0 : i32
        %dma_wait3A_943 = tpu.memref_slice %arg13[%dma_wait3A_941, %dma_wait3A_942] : memref<8848x128xf32, #tpu.memory_space<vmem_shared>> -> memref<8848x128xf32, #tpu.memory_space<vmem_shared>>
        tpu.wait_indirect_dma semaphore(%run_scoped3A : memref<!tpu.dma_semaphore, #tpu.memory_space<semaphore_mem>>) src(%arg11 : memref<128x128xf32, #tpu.memory_space<vmem>>) dst(%dma_wait3A_943 : memref<8848x128xf32, #tpu.memory_space<vmem_shared>>)
        tpu.yield
      }) : () -> ()
    } else {
    }
    %barrier3A_137 = arith.constant 0 : index
    tpu.barrier barrier_id(%barrier3A_137)
    %mul3A_138 = arith.constant 552 : i32
    %mul3A_139 = arith.muli %arg1, %mul3A_138 : i32
    %mul3A_140 = arith.constant 552 : i32
    %mul3A_141 = arith.muli %arg1, %mul3A_140 : i32
    %add3A_142 = arith.addi %mul3A_4, %mul3A_141 : i32
    "tpu.region"() ({
      %run_scoped3A = tpu.sem_alloc : memref<!tpu.dma_semaphore, #tpu.memory_space<semaphore_mem>>
      %dma_start3A_923 = arith.constant 0 : i32
      %dma_start3A_924 = tpu.memref_slice %arg6[%add3A_142, %dma_start3A_923] : memref<100000x128xf32, #tpu.memory_space<hbm>> -> memref<552x128xf32, #tpu.memory_space<hbm>>
      %dma_start3A_925 = arith.constant 0 : i32
      %dma_start3A_926 = tpu.memref_slice %arg13[%mul3A_139, %dma_start3A_925] : memref<8848x128xf32, #tpu.memory_space<vmem_shared>> -> memref<552x128xf32, #tpu.memory_space<vmem_shared>>
      tpu.enqueue_dma source(%dma_start3A_926 : memref<552x128xf32, #tpu.memory_space<vmem_shared>>) target(%dma_start3A_924 : memref<552x128xf32, #tpu.memory_space<hbm>>) target_semaphore(%run_scoped3A : memref<!tpu.dma_semaphore, #tpu.memory_space<semaphore_mem>>)
      %dma_wait3A_927 = arith.constant 0 : i32
      %dma_wait3A_928 = tpu.memref_slice %arg6[%add3A_142, %dma_wait3A_927] : memref<100000x128xf32, #tpu.memory_space<hbm>> -> memref<552x128xf32, #tpu.memory_space<hbm>>
      %dma_wait3A_929 = arith.constant 0 : i32
      %dma_wait3A_930 = tpu.memref_slice %arg13[%mul3A_139, %dma_wait3A_929] : memref<8848x128xf32, #tpu.memory_space<vmem_shared>> -> memref<552x128xf32, #tpu.memory_space<vmem_shared>>
      tpu.wait_dma2 semaphore(%run_scoped3A : memref<!tpu.dma_semaphore, #tpu.memory_space<semaphore_mem>>) src(%dma_wait3A_930 : memref<552x128xf32, #tpu.memory_space<vmem_shared>>) dst(%dma_wait3A_928 : memref<552x128xf32, #tpu.memory_space<hbm>>)
      tpu.yield
    }) : () -> ()
    %add3A_143 = arith.constant 2 : i32
    %add3A_144 = arith.addi %add3A_143, %arg0 : i32
    %mul3A_145 = arith.constant 8832 : i32
    %mul3A_146 = arith.muli %add3A_144, %mul3A_145 : i32
    %add3A_147 = arith.constant 8832 : i32
    %add3A_148 = arith.addi %mul3A_146, %add3A_147 : i32
    %mul3A_149 = arith.constant 552 : i32
    %mul3A_150 = arith.muli %arg1, %mul3A_149 : i32
    %dma_start3A_151 = arith.constant 0 : i32
    %dma_start3A_152 = tpu.memref_slice %arg13[%mul3A_150, %dma_start3A_151] : memref<8848x128xf32, #tpu.memory_space<vmem_shared>> -> memref<552x128xf32, #tpu.memory_space<vmem_shared>>
    tpu.enqueue_dma source(%arg4 : memref<552x128xf32, #tpu.memory_space<hbm>>) target(%dma_start3A_152 : memref<552x128xf32, #tpu.memory_space<vmem_shared>>) target_semaphore(%arg14 : memref<!tpu.dma_semaphore, #tpu.memory_space<semaphore_mem>>)
    %scan3A_153 = arith.constant 0 : i32
    %scan3A_154 = arith.constant 0 : i32
    %scan3A_155 = arith.constant 391 : i32
    %scan3A_156 = arith.addi %scan3A_154, %scan3A_155 : i32
    %scan3A_157 = arith.constant 1 : i32
    %scan3A_158 = scf.for %scan3A_923 = %scan3A_154 to %scan3A_156 step %scan3A_157 iter_args(%scan3A_924 = %scan3A_153) -> (i32)  : i32 {
      %mul3A_925 = arith.constant 16 : i32
      %mul3A_926 = arith.muli %scan3A_923, %mul3A_925 : i32
      %get3A = arith.index_cast %mul3A_926 : i32 to index
      %get3A_927 = tpu.vector_load %arg7[%get3A] {strides = array<i32>} : memref<6256xi32, #tpu.memory_space<vmem>>, vector<16xi32>,
      %mul3A_928 = arith.constant 16 : i32
      %mul3A_929 = arith.muli %scan3A_923, %mul3A_928 : i32
      %get3A_930 = arith.index_cast %mul3A_929 : i32 to index
      %get3A_931 = tpu.vector_load %arg8[%get3A_930] {strides = array<i32>} : memref<6256xi32, #tpu.memory_space<vmem>>, vector<16xi32>,
      %ge3A = vector.broadcast %mul3A_146 : i32 to vector<16xi32>
      %ge3A_932 = arith.cmpi sge, %get3A_927, %ge3A : vector<16xi32>
      %lt3A_933 = vector.broadcast %add3A_148 : i32 to vector<16xi32>
      %lt3A_934 = arith.cmpi slt, %get3A_927, %lt3A_933 : vector<16xi32>
      %and3A_935 = arith.andi %ge3A_932, %lt3A_934 : vector<16xi1>
      %convert_element_type3A_936 = arith.extui %and3A_935 : vector<16xi1> to vector<16xi32>
      %broadcast_in_dim3A = arith.constant true
      %broadcast_in_dim3A_937 = vector.broadcast %broadcast_in_dim3A : i1 to vector<16xi1>
      %masked_cumsum3A = tpu.scan <sum>, %convert_element_type3A_936 masked %broadcast_in_dim3A_937 : vector<16xi32>, vector<16xi1> -> vector<16xi32>
      %add3A_938 = vector.broadcast %scan3A_924 : i32 to vector<16xi32>
      %add3A_939 = arith.addi %add3A_938, %masked_cumsum3A : vector<16xi32>
      %sub3A = arith.constant 1 : i32
      %sub3A_940 = vector.broadcast %sub3A : i32 to vector<16xi32>
      %sub3A_941 = arith.subi %add3A_939, %sub3A_940 : vector<16xi32>
      %max3A = arith.constant 0 : i32
      %max3A_942 = vector.broadcast %max3A : i32 to vector<16xi32>
      %max3A_943 = arith.maxsi %sub3A_941, %max3A_942 : vector<16xi32>
      %shift_right_logical3A_944 = arith.constant 7 : i32
      %shift_right_logical3A_945 = vector.broadcast %shift_right_logical3A_944 : i32 to vector<16xi32>
      %shift_right_logical3A_946 = arith.shrui %max3A_943, %shift_right_logical3A_945 : vector<16xi32>
      %and3A_947 = arith.constant 127 : i32
      %and3A_948 = vector.broadcast %and3A_947 : i32 to vector<16xi32>
      %and3A_949 = arith.andi %max3A_943, %and3A_948 : vector<16xi32>
      %sub3A_950 = vector.broadcast %mul3A_146 : i32 to vector<16xi32>
      %sub3A_951 = arith.subi %get3A_927, %sub3A_950 : vector<16xi32>
      tpu.vector_store_idx %arg9[%shift_right_logical3A_946, %and3A_949], %sub3A_951 masked %and3A_935 : memref<49x128xi32, #tpu.memory_space<vmem>>[vector<16xi32>, vector<16xi32>], vector<16xi32>, vector<16xi1>
      tpu.vector_store_idx %arg10[%shift_right_logical3A_946, %and3A_949], %get3A_931 masked %and3A_935 : memref<49x128xi32, #tpu.memory_space<vmem>>[vector<16xi32>, vector<16xi32>], vector<16xi32>, vector<16xi1>
      %reduce_sum3A = arith.constant true
      %reduce_sum3A_952 = vector.broadcast %reduce_sum3A : i1 to vector<16xi1>
      %reduce_sum3A_953 = tpu.scan <sum>, %convert_element_type3A_936 masked %reduce_sum3A_952 : vector<16xi32>, vector<16xi1> -> vector<16xi32>
      %reduce_sum3A_954 = vector.extract %reduce_sum3A_953[15] : i32 from vector<16xi32>
      %add3A_955 = arith.addi %scan3A_924, %reduce_sum3A_954 : i32
      scf.yield %add3A_955 : i32
    }
    %scan3A_159 = arith.constant 391 : i32
    %add3A_160 = arith.constant 127 : i32
    %add3A_161 = arith.addi %scan3A_158, %add3A_160 : i32
    %and3A_162 = arith.constant -128 : i32
    %and3A_163 = arith.andi %add3A_161, %and3A_162 : i32
    %add3A_164 = arith.constant 0 : i32
    %add3A_165 = arith.addi %scan3A_158, %add3A_164 : i32
    %add3A_166 = vector.broadcast %add3A_165 : i32 to vector<16xi32>
    %add3A_167 = arith.addi %add3A_166, %iota3A : vector<16xi32>
    %lt3A_168 = vector.broadcast %and3A_163 : i32 to vector<16xi32>
    %lt3A_169 = arith.cmpi slt, %add3A_167, %lt3A_168 : vector<16xi32>
    %shift_right_logical3A_170 = arith.constant 7 : i32
    %shift_right_logical3A_171 = vector.broadcast %shift_right_logical3A_170 : i32 to vector<16xi32>
    %shift_right_logical3A_172 = arith.shrui %add3A_167, %shift_right_logical3A_171 : vector<16xi32>
    %and3A_173 = arith.constant 127 : i32
    %and3A_174 = vector.broadcast %and3A_173 : i32 to vector<16xi32>
    %and3A_175 = arith.andi %add3A_167, %and3A_174 : vector<16xi32>
    tpu.vector_store_idx %arg9[%shift_right_logical3A_172, %and3A_175], %add3A_1 masked %lt3A_169 : memref<49x128xi32, #tpu.memory_space<vmem>>[vector<16xi32>, vector<16xi32>], vector<16xi32>, vector<16xi1>
    tpu.vector_store_idx %arg10[%shift_right_logical3A_172, %and3A_175], %iota3A masked %lt3A_169 : memref<49x128xi32, #tpu.memory_space<vmem>>[vector<16xi32>, vector<16xi32>], vector<16xi32>, vector<16xi1>
    %add3A_176 = arith.constant 16 : i32
    %add3A_177 = arith.addi %scan3A_158, %add3A_176 : i32
    %add3A_178 = vector.broadcast %add3A_177 : i32 to vector<16xi32>
    %add3A_179 = arith.addi %add3A_178, %iota3A : vector<16xi32>
    %lt3A_180 = vector.broadcast %and3A_163 : i32 to vector<16xi32>
    %lt3A_181 = arith.cmpi slt, %add3A_179, %lt3A_180 : vector<16xi32>
    %shift_right_logical3A_182 = arith.constant 7 : i32
    %shift_right_logical3A_183 = vector.broadcast %shift_right_logical3A_182 : i32 to vector<16xi32>
    %shift_right_logical3A_184 = arith.shrui %add3A_179, %shift_right_logical3A_183 : vector<16xi32>
    %and3A_185 = arith.constant 127 : i32
    %and3A_186 = vector.broadcast %and3A_185 : i32 to vector<16xi32>
    %and3A_187 = arith.andi %add3A_179, %and3A_186 : vector<16xi32>
    tpu.vector_store_idx %arg9[%shift_right_logical3A_184, %and3A_187], %add3A_1 masked %lt3A_181 : memref<49x128xi32, #tpu.memory_space<vmem>>[vector<16xi32>, vector<16xi32>], vector<16xi32>, vector<16xi1>
    tpu.vector_store_idx %arg10[%shift_right_logical3A_184, %and3A_187], %iota3A masked %lt3A_181 : memref<49x128xi32, #tpu.memory_space<vmem>>[vector<16xi32>, vector<16xi32>], vector<16xi32>, vector<16xi1>
    %add3A_188 = arith.constant 32 : i32
    %add3A_189 = arith.addi %scan3A_158, %add3A_188 : i32
    %add3A_190 = vector.broadcast %add3A_189 : i32 to vector<16xi32>
    %add3A_191 = arith.addi %add3A_190, %iota3A : vector<16xi32>
    %lt3A_192 = vector.broadcast %and3A_163 : i32 to vector<16xi32>
    %lt3A_193 = arith.cmpi slt, %add3A_191, %lt3A_192 : vector<16xi32>
    %shift_right_logical3A_194 = arith.constant 7 : i32
    %shift_right_logical3A_195 = vector.broadcast %shift_right_logical3A_194 : i32 to vector<16xi32>
    %shift_right_logical3A_196 = arith.shrui %add3A_191, %shift_right_logical3A_195 : vector<16xi32>
    %and3A_197 = arith.constant 127 : i32
    %and3A_198 = vector.broadcast %and3A_197 : i32 to vector<16xi32>
    %and3A_199 = arith.andi %add3A_191, %and3A_198 : vector<16xi32>
    tpu.vector_store_idx %arg9[%shift_right_logical3A_196, %and3A_199], %add3A_1 masked %lt3A_193 : memref<49x128xi32, #tpu.memory_space<vmem>>[vector<16xi32>, vector<16xi32>], vector<16xi32>, vector<16xi1>
    tpu.vector_store_idx %arg10[%shift_right_logical3A_196, %and3A_199], %iota3A masked %lt3A_193 : memref<49x128xi32, #tpu.memory_space<vmem>>[vector<16xi32>, vector<16xi32>], vector<16xi32>, vector<16xi1>
    %add3A_200 = arith.constant 48 : i32
    %add3A_201 = arith.addi %scan3A_158, %add3A_200 : i32
    %add3A_202 = vector.broadcast %add3A_201 : i32 to vector<16xi32>
    %add3A_203 = arith.addi %add3A_202, %iota3A : vector<16xi32>
    %lt3A_204 = vector.broadcast %and3A_163 : i32 to vector<16xi32>
    %lt3A_205 = arith.cmpi slt, %add3A_203, %lt3A_204 : vector<16xi32>
    %shift_right_logical3A_206 = arith.constant 7 : i32
    %shift_right_logical3A_207 = vector.broadcast %shift_right_logical3A_206 : i32 to vector<16xi32>
    %shift_right_logical3A_208 = arith.shrui %add3A_203, %shift_right_logical3A_207 : vector<16xi32>
    %and3A_209 = arith.constant 127 : i32
    %and3A_210 = vector.broadcast %and3A_209 : i32 to vector<16xi32>
    %and3A_211 = arith.andi %add3A_203, %and3A_210 : vector<16xi32>
    tpu.vector_store_idx %arg9[%shift_right_logical3A_208, %and3A_211], %add3A_1 masked %lt3A_205 : memref<49x128xi32, #tpu.memory_space<vmem>>[vector<16xi32>, vector<16xi32>], vector<16xi32>, vector<16xi1>
    tpu.vector_store_idx %arg10[%shift_right_logical3A_208, %and3A_211], %iota3A masked %lt3A_205 : memref<49x128xi32, #tpu.memory_space<vmem>>[vector<16xi32>, vector<16xi32>], vector<16xi32>, vector<16xi1>
    %add3A_212 = arith.constant 64 : i32
    %add3A_213 = arith.addi %scan3A_158, %add3A_212 : i32
    %add3A_214 = vector.broadcast %add3A_213 : i32 to vector<16xi32>
    %add3A_215 = arith.addi %add3A_214, %iota3A : vector<16xi32>
    %lt3A_216 = vector.broadcast %and3A_163 : i32 to vector<16xi32>
    %lt3A_217 = arith.cmpi slt, %add3A_215, %lt3A_216 : vector<16xi32>
    %shift_right_logical3A_218 = arith.constant 7 : i32
    %shift_right_logical3A_219 = vector.broadcast %shift_right_logical3A_218 : i32 to vector<16xi32>
    %shift_right_logical3A_220 = arith.shrui %add3A_215, %shift_right_logical3A_219 : vector<16xi32>
    %and3A_221 = arith.constant 127 : i32
    %and3A_222 = vector.broadcast %and3A_221 : i32 to vector<16xi32>
    %and3A_223 = arith.andi %add3A_215, %and3A_222 : vector<16xi32>
    tpu.vector_store_idx %arg9[%shift_right_logical3A_220, %and3A_223], %add3A_1 masked %lt3A_217 : memref<49x128xi32, #tpu.memory_space<vmem>>[vector<16xi32>, vector<16xi32>], vector<16xi32>, vector<16xi1>
    tpu.vector_store_idx %arg10[%shift_right_logical3A_220, %and3A_223], %iota3A masked %lt3A_217 : memref<49x128xi32, #tpu.memory_space<vmem>>[vector<16xi32>, vector<16xi32>], vector<16xi32>, vector<16xi1>
    %add3A_224 = arith.constant 80 : i32
    %add3A_225 = arith.addi %scan3A_158, %add3A_224 : i32
    %add3A_226 = vector.broadcast %add3A_225 : i32 to vector<16xi32>
    %add3A_227 = arith.addi %add3A_226, %iota3A : vector<16xi32>
    %lt3A_228 = vector.broadcast %and3A_163 : i32 to vector<16xi32>
    %lt3A_229 = arith.cmpi slt, %add3A_227, %lt3A_228 : vector<16xi32>
    %shift_right_logical3A_230 = arith.constant 7 : i32
    %shift_right_logical3A_231 = vector.broadcast %shift_right_logical3A_230 : i32 to vector<16xi32>
    %shift_right_logical3A_232 = arith.shrui %add3A_227, %shift_right_logical3A_231 : vector<16xi32>
    %and3A_233 = arith.constant 127 : i32
    %and3A_234 = vector.broadcast %and3A_233 : i32 to vector<16xi32>
    %and3A_235 = arith.andi %add3A_227, %and3A_234 : vector<16xi32>
    tpu.vector_store_idx %arg9[%shift_right_logical3A_232, %and3A_235], %add3A_1 masked %lt3A_229 : memref<49x128xi32, #tpu.memory_space<vmem>>[vector<16xi32>, vector<16xi32>], vector<16xi32>, vector<16xi1>
    tpu.vector_store_idx %arg10[%shift_right_logical3A_232, %and3A_235], %iota3A masked %lt3A_229 : memref<49x128xi32, #tpu.memory_space<vmem>>[vector<16xi32>, vector<16xi32>], vector<16xi32>, vector<16xi1>
    %add3A_236 = arith.constant 96 : i32
    %add3A_237 = arith.addi %scan3A_158, %add3A_236 : i32
    %add3A_238 = vector.broadcast %add3A_237 : i32 to vector<16xi32>
    %add3A_239 = arith.addi %add3A_238, %iota3A : vector<16xi32>
    %lt3A_240 = vector.broadcast %and3A_163 : i32 to vector<16xi32>
    %lt3A_241 = arith.cmpi slt, %add3A_239, %lt3A_240 : vector<16xi32>
    %shift_right_logical3A_242 = arith.constant 7 : i32
    %shift_right_logical3A_243 = vector.broadcast %shift_right_logical3A_242 : i32 to vector<16xi32>
    %shift_right_logical3A_244 = arith.shrui %add3A_239, %shift_right_logical3A_243 : vector<16xi32>
    %and3A_245 = arith.constant 127 : i32
    %and3A_246 = vector.broadcast %and3A_245 : i32 to vector<16xi32>
    %and3A_247 = arith.andi %add3A_239, %and3A_246 : vector<16xi32>
    tpu.vector_store_idx %arg9[%shift_right_logical3A_244, %and3A_247], %add3A_1 masked %lt3A_241 : memref<49x128xi32, #tpu.memory_space<vmem>>[vector<16xi32>, vector<16xi32>], vector<16xi32>, vector<16xi1>
    tpu.vector_store_idx %arg10[%shift_right_logical3A_244, %and3A_247], %iota3A masked %lt3A_241 : memref<49x128xi32, #tpu.memory_space<vmem>>[vector<16xi32>, vector<16xi32>], vector<16xi32>, vector<16xi1>
    %add3A_248 = arith.constant 112 : i32
    %add3A_249 = arith.addi %scan3A_158, %add3A_248 : i32
    %add3A_250 = vector.broadcast %add3A_249 : i32 to vector<16xi32>
    %add3A_251 = arith.addi %add3A_250, %iota3A : vector<16xi32>
    %lt3A_252 = vector.broadcast %and3A_163 : i32 to vector<16xi32>
    %lt3A_253 = arith.cmpi slt, %add3A_251, %lt3A_252 : vector<16xi32>
    %shift_right_logical3A_254 = arith.constant 7 : i32
    %shift_right_logical3A_255 = vector.broadcast %shift_right_logical3A_254 : i32 to vector<16xi32>
    %shift_right_logical3A_256 = arith.shrui %add3A_251, %shift_right_logical3A_255 : vector<16xi32>
    %and3A_257 = arith.constant 127 : i32
    %and3A_258 = vector.broadcast %and3A_257 : i32 to vector<16xi32>
    %and3A_259 = arith.andi %add3A_251, %and3A_258 : vector<16xi32>
    tpu.vector_store_idx %arg9[%shift_right_logical3A_256, %and3A_259], %add3A_1 masked %lt3A_253 : memref<49x128xi32, #tpu.memory_space<vmem>>[vector<16xi32>, vector<16xi32>], vector<16xi32>, vector<16xi1>
    tpu.vector_store_idx %arg10[%shift_right_logical3A_256, %and3A_259], %iota3A masked %lt3A_253 : memref<49x128xi32, #tpu.memory_space<vmem>>[vector<16xi32>, vector<16xi32>], vector<16xi32>, vector<16xi1>
    %mul3A_260 = arith.constant 552 : i32
    %mul3A_261 = arith.muli %arg1, %mul3A_260 : i32
    %dma_wait3A_262 = arith.constant 0 : i32
    %dma_wait3A_263 = tpu.memref_slice %arg13[%mul3A_261, %dma_wait3A_262] : memref<8848x128xf32, #tpu.memory_space<vmem_shared>> -> memref<552x128xf32, #tpu.memory_space<vmem_shared>>
    tpu.wait_dma2 semaphore(%arg14 : memref<!tpu.dma_semaphore, #tpu.memory_space<semaphore_mem>>) src(%arg4 : memref<552x128xf32, #tpu.memory_space<hbm>>) dst(%dma_wait3A_263 : memref<552x128xf32, #tpu.memory_space<vmem_shared>>)
    %barrier3A_264 = arith.constant 0 : index
    tpu.barrier barrier_id(%barrier3A_264)
    %shift_right_logical3A_265 = arith.constant 7 : i32
    %shift_right_logical3A_266 = arith.shrui %and3A_163, %shift_right_logical3A_265 : i32
    %shift_right_logical3A_267 = arith.constant 8 : i32
    %shift_right_logical3A_268 = arith.shrui %and3A_163, %shift_right_logical3A_267 : i32
    %gt3A_269 = arith.constant 0 : i32
    %gt3A_270 = arith.cmpi sgt, %shift_right_logical3A_266, %gt3A_269 : i32
    %convert_element_type3A_271 = arith.extui %gt3A_270 : i1 to i32
    %cond3A_272 = arith.constant 0 : i32
    %cond3A_273 = arith.cmpi ne, %convert_element_type3A_271, %cond3A_272 : i32
    scf.if %cond3A_273 {
      %dma_start3A_923 = arith.constant 0 : i32
      %dma_start3A_924 = arith.constant 0 : i32
      %dma_start3A_925 = tpu.memref_slice %arg10[%dma_start3A_923, %dma_start3A_924] : memref<49x128xi32, #tpu.memory_space<vmem>> -> memref<1x128xi32, #tpu.memory_space<vmem>>
      %dma_start3A_926 = tpu.memref_squeeze %dma_start3A_925 : memref<1x128xi32, #tpu.memory_space<vmem>> -> memref<128xi32, #tpu.memory_space<vmem>>
      %dma_start3A_927 = arith.constant 0 : i32
      %dma_start3A_928 = arith.constant 0 : i32
      %dma_start3A_929 = tpu.memref_slice %arg5[%dma_start3A_927, %dma_start3A_928] : memref<100000x128xf32, #tpu.memory_space<hbm>> -> memref<100000x128xf32, #tpu.memory_space<hbm>>
      tpu.enqueue_indirect_dma source(%dma_start3A_929 : memref<100000x128xf32, #tpu.memory_space<hbm>>) target(%arg11 : memref<128x128xf32, #tpu.memory_space<vmem>>) offsets(%dma_start3A_926 : memref<128xi32, #tpu.memory_space<vmem>>) semaphore(%arg15 : memref<!tpu.dma_semaphore, #tpu.memory_space<semaphore_mem>>)
    } else {
    }
    %while3A_274 = arith.constant 0 : i32
    %while3A_275 = arith.constant 0 : i32
    %while3A_276 = arith.subi %shift_right_logical3A_268, %while3A_275 : i32
    %while3A_277 = arith.addi %while3A_275, %while3A_276 : i32
    %while3A_278 = arith.constant 1 : i32
    %while3A_279 = arith.divsi %while3A_276, %while3A_278 : i32
    %while3A_280 = arith.muli %while3A_279, %while3A_278 : i32
    %while3A_281 = arith.addi %while3A_275, %while3A_280 : i32
    %while3A_282 = arith.constant 1 : i32
    scf.for %while3A_923 = %while3A_275 to %while3A_281 step %while3A_282  : i32 {
      %mul3A_924 = arith.constant 2 : i32
      %mul3A_925 = arith.muli %mul3A_924, %while3A_923 : i32
      %add3A_926 = arith.constant 1 : i32
      %add3A_927 = arith.addi %mul3A_925, %add3A_926 : i32
      %dma_start3A_928 = arith.constant 0 : i32
      %dma_start3A_929 = tpu.memref_slice %arg10[%add3A_927, %dma_start3A_928] : memref<49x128xi32, #tpu.memory_space<vmem>> -> memref<1x128xi32, #tpu.memory_space<vmem>>
      %dma_start3A_930 = tpu.memref_squeeze %dma_start3A_929 : memref<1x128xi32, #tpu.memory_space<vmem>> -> memref<128xi32, #tpu.memory_space<vmem>>
      %dma_start3A_931 = arith.constant 0 : i32
      %dma_start3A_932 = arith.constant 0 : i32
      %dma_start3A_933 = tpu.memref_slice %arg5[%dma_start3A_931, %dma_start3A_932] : memref<100000x128xf32, #tpu.memory_space<hbm>> -> memref<100000x128xf32, #tpu.memory_space<hbm>>
      tpu.enqueue_indirect_dma source(%dma_start3A_933 : memref<100000x128xf32, #tpu.memory_space<hbm>>) target(%arg12 : memref<128x128xf32, #tpu.memory_space<vmem>>) offsets(%dma_start3A_930 : memref<128xi32, #tpu.memory_space<vmem>>) semaphore(%arg16 : memref<!tpu.dma_semaphore, #tpu.memory_space<semaphore_mem>>)
      %mul3A_934 = arith.constant 2 : i32
      %mul3A_935 = arith.muli %mul3A_934, %while3A_923 : i32
      %dma_wait3A_936 = arith.constant 0 : i32
      %dma_wait3A_937 = tpu.memref_slice %arg10[%mul3A_935, %dma_wait3A_936] : memref<49x128xi32, #tpu.memory_space<vmem>> -> memref<1x128xi32, #tpu.memory_space<vmem>>
      %dma_wait3A_938 = tpu.memref_squeeze %dma_wait3A_937 : memref<1x128xi32, #tpu.memory_space<vmem>> -> memref<128xi32, #tpu.memory_space<vmem>>
      %dma_wait3A_939 = arith.constant 0 : i32
      %dma_wait3A_940 = arith.constant 0 : i32
      %dma_wait3A_941 = tpu.memref_slice %arg5[%dma_wait3A_939, %dma_wait3A_940] : memref<100000x128xf32, #tpu.memory_space<hbm>> -> memref<100000x128xf32, #tpu.memory_space<hbm>>
      tpu.wait_indirect_dma semaphore(%arg15 : memref<!tpu.dma_semaphore, #tpu.memory_space<semaphore_mem>>) src(%dma_wait3A_941 : memref<100000x128xf32, #tpu.memory_space<hbm>>) dst(%arg11 : memref<128x128xf32, #tpu.memory_space<vmem>>)
      %mul3A_942 = arith.constant 2 : i32
      %mul3A_943 = arith.muli %mul3A_942, %while3A_923 : i32
      "tpu.region"() ({
        %run_scoped3A = tpu.sem_alloc : memref<!tpu.dma_semaphore, #tpu.memory_space<semaphore_mem>>
        %dma_start3A_966 = arith.constant 0 : i32
        %dma_start3A_967 = tpu.memref_slice %arg9[%mul3A_943, %dma_start3A_966] : memref<49x128xi32, #tpu.memory_space<vmem>> -> memref<1x128xi32, #tpu.memory_space<vmem>>
        %dma_start3A_968 = tpu.memref_squeeze %dma_start3A_967 : memref<1x128xi32, #tpu.memory_space<vmem>> -> memref<128xi32, #tpu.memory_space<vmem>>
        %dma_start3A_969 = arith.constant 0 : i32
        %dma_start3A_970 = arith.constant 0 : i32
        %dma_start3A_971 = tpu.memref_slice %arg13[%dma_start3A_969, %dma_start3A_970] : memref<8848x128xf32, #tpu.memory_space<vmem_shared>> -> memref<8848x128xf32, #tpu.memory_space<vmem_shared>>
        tpu.enqueue_indirect_dma source(%arg11 : memref<128x128xf32, #tpu.memory_space<vmem>>) target(%dma_start3A_971 : memref<8848x128xf32, #tpu.memory_space<vmem_shared>>) offsets(%dma_start3A_968 : memref<128xi32, #tpu.memory_space<vmem>>) semaphore(%run_scoped3A : memref<!tpu.dma_semaphore, #tpu.memory_space<semaphore_mem>>) {add = true}
        %dma_wait3A_972 = arith.constant 0 : i32
        %dma_wait3A_973 = tpu.memref_slice %arg9[%mul3A_943, %dma_wait3A_972] : memref<49x128xi32, #tpu.memory_space<vmem>> -> memref<1x128xi32, #tpu.memory_space<vmem>>
        %dma_wait3A_974 = tpu.memref_squeeze %dma_wait3A_973 : memref<1x128xi32, #tpu.memory_space<vmem>> -> memref<128xi32, #tpu.memory_space<vmem>>
        %dma_wait3A_975 = arith.constant 0 : i32
        %dma_wait3A_976 = arith.constant 0 : i32
        %dma_wait3A_977 = tpu.memref_slice %arg13[%dma_wait3A_975, %dma_wait3A_976] : memref<8848x128xf32, #tpu.memory_space<vmem_shared>> -> memref<8848x128xf32, #tpu.memory_space<vmem_shared>>
        tpu.wait_indirect_dma semaphore(%run_scoped3A : memref<!tpu.dma_semaphore, #tpu.memory_space<semaphore_mem>>) src(%arg11 : memref<128x128xf32, #tpu.memory_space<vmem>>) dst(%dma_wait3A_977 : memref<8848x128xf32, #tpu.memory_space<vmem_shared>>)
        tpu.yield
      }) : () -> ()
      %mul3A_944 = arith.constant 2 : i32
      %mul3A_945 = arith.muli %mul3A_944, %while3A_923 : i32
      %add3A_946 = arith.constant 2 : i32
      %add3A_947 = arith.addi %mul3A_945, %add3A_946 : i32
      %lt3A_948 = arith.cmpi slt, %add3A_947, %shift_right_logical3A_266 : i32
      %convert_element_type3A_949 = arith.extui %lt3A_948 : i1 to i32
      %cond3A_950 = arith.constant 0 : i32
      %cond3A_951 = arith.cmpi ne, %convert_element_type3A_949, %cond3A_950 : i32
      scf.if %cond3A_951 {
        %mul3A_966 = arith.constant 2 : i32
        %mul3A_967 = arith.muli %mul3A_966, %while3A_923 : i32
        %add3A_968 = arith.constant 2 : i32
        %add3A_969 = arith.addi %mul3A_967, %add3A_968 : i32
        %dma_start3A_970 = arith.constant 0 : i32
        %dma_start3A_971 = tpu.memref_slice %arg10[%add3A_969, %dma_start3A_970] : memref<49x128xi32, #tpu.memory_space<vmem>> -> memref<1x128xi32, #tpu.memory_space<vmem>>
        %dma_start3A_972 = tpu.memref_squeeze %dma_start3A_971 : memref<1x128xi32, #tpu.memory_space<vmem>> -> memref<128xi32, #tpu.memory_space<vmem>>
        %dma_start3A_973 = arith.constant 0 : i32
        %dma_start3A_974 = arith.constant 0 : i32
        %dma_start3A_975 = tpu.memref_slice %arg5[%dma_start3A_973, %dma_start3A_974] : memref<100000x128xf32, #tpu.memory_space<hbm>> -> memref<100000x128xf32, #tpu.memory_space<hbm>>
        tpu.enqueue_indirect_dma source(%dma_start3A_975 : memref<100000x128xf32, #tpu.memory_space<hbm>>) target(%arg11 : memref<128x128xf32, #tpu.memory_space<vmem>>) offsets(%dma_start3A_972 : memref<128xi32, #tpu.memory_space<vmem>>) semaphore(%arg15 : memref<!tpu.dma_semaphore, #tpu.memory_space<semaphore_mem>>)
      } else {
      }
      %mul3A_952 = arith.constant 2 : i32
      %mul3A_953 = arith.muli %mul3A_952, %while3A_923 : i32
      %add3A_954 = arith.constant 1 : i32
      %add3A_955 = arith.addi %mul3A_953, %add3A_954 : i32
      %dma_wait3A_956 = arith.constant 0 : i32
      %dma_wait3A_957 = tpu.memref_slice %arg10[%add3A_955, %dma_wait3A_956] : memref<49x128xi32, #tpu.memory_space<vmem>> -> memref<1x128xi32, #tpu.memory_space<vmem>>
      %dma_wait3A_958 = tpu.memref_squeeze %dma_wait3A_957 : memref<1x128xi32, #tpu.memory_space<vmem>> -> memref<128xi32, #tpu.memory_space<vmem>>
      %dma_wait3A_959 = arith.constant 0 : i32
      %dma_wait3A_960 = arith.constant 0 : i32
      %dma_wait3A_961 = tpu.memref_slice %arg5[%dma_wait3A_959, %dma_wait3A_960] : memref<100000x128xf32, #tpu.memory_space<hbm>> -> memref<100000x128xf32, #tpu.memory_space<hbm>>
      tpu.wait_indirect_dma semaphore(%arg16 : memref<!tpu.dma_semaphore, #tpu.memory_space<semaphore_mem>>) src(%dma_wait3A_961 : memref<100000x128xf32, #tpu.memory_space<hbm>>) dst(%arg12 : memref<128x128xf32, #tpu.memory_space<vmem>>)
      %mul3A_962 = arith.constant 2 : i32
      %mul3A_963 = arith.muli %mul3A_962, %while3A_923 : i32
      %add3A_964 = arith.constant 1 : i32
      %add3A_965 = arith.addi %mul3A_963, %add3A_964 : i32
      "tpu.region"() ({
        %run_scoped3A = tpu.sem_alloc : memref<!tpu.dma_semaphore, #tpu.memory_space<semaphore_mem>>
        %dma_start3A_966 = arith.constant 0 : i32
        %dma_start3A_967 = tpu.memref_slice %arg9[%add3A_965, %dma_start3A_966] : memref<49x128xi32, #tpu.memory_space<vmem>> -> memref<1x128xi32, #tpu.memory_space<vmem>>
        %dma_start3A_968 = tpu.memref_squeeze %dma_start3A_967 : memref<1x128xi32, #tpu.memory_space<vmem>> -> memref<128xi32, #tpu.memory_space<vmem>>
        %dma_start3A_969 = arith.constant 0 : i32
        %dma_start3A_970 = arith.constant 0 : i32
        %dma_start3A_971 = tpu.memref_slice %arg13[%dma_start3A_969, %dma_start3A_970] : memref<8848x128xf32, #tpu.memory_space<vmem_shared>> -> memref<8848x128xf32, #tpu.memory_space<vmem_shared>>
        tpu.enqueue_indirect_dma source(%arg12 : memref<128x128xf32, #tpu.memory_space<vmem>>) target(%dma_start3A_971 : memref<8848x128xf32, #tpu.memory_space<vmem_shared>>) offsets(%dma_start3A_968 : memref<128xi32, #tpu.memory_space<vmem>>) semaphore(%run_scoped3A : memref<!tpu.dma_semaphore, #tpu.memory_space<semaphore_mem>>) {add = true}
        %dma_wait3A_972 = arith.constant 0 : i32
        %dma_wait3A_973 = tpu.memref_slice %arg9[%add3A_965, %dma_wait3A_972] : memref<49x128xi32, #tpu.memory_space<vmem>> -> memref<1x128xi32, #tpu.memory_space<vmem>>
        %dma_wait3A_974 = tpu.memref_squeeze %dma_wait3A_973 : memref<1x128xi32, #tpu.memory_space<vmem>> -> memref<128xi32, #tpu.memory_space<vmem>>
        %dma_wait3A_975 = arith.constant 0 : i32
        %dma_wait3A_976 = arith.constant 0 : i32
        %dma_wait3A_977 = tpu.memref_slice %arg13[%dma_wait3A_975, %dma_wait3A_976] : memref<8848x128xf32, #tpu.memory_space<vmem_shared>> -> memref<8848x128xf32, #tpu.memory_space<vmem_shared>>
        tpu.wait_indirect_dma semaphore(%run_scoped3A : memref<!tpu.dma_semaphore, #tpu.memory_space<semaphore_mem>>) src(%arg12 : memref<128x128xf32, #tpu.memory_space<vmem>>) dst(%dma_wait3A_977 : memref<8848x128xf32, #tpu.memory_space<vmem_shared>>)
        tpu.yield
      }) : () -> ()
    }
    %while3A_283 = arith.constant 1 : i32
    scf.for %while3A_923 = %while3A_281 to %while3A_277 step %while3A_283  : i32 {
      %mul3A_924 = arith.constant 2 : i32
      %mul3A_925 = arith.muli %mul3A_924, %while3A_923 : i32
      %add3A_926 = arith.constant 1 : i32
      %add3A_927 = arith.addi %mul3A_925, %add3A_926 : i32
      %dma_start3A_928 = arith.constant 0 : i32
      %dma_start3A_929 = tpu.memref_slice %arg10[%add3A_927, %dma_start3A_928] : memref<49x128xi32, #tpu.memory_space<vmem>> -> memref<1x128xi32, #tpu.memory_space<vmem>>
      %dma_start3A_930 = tpu.memref_squeeze %dma_start3A_929 : memref<1x128xi32, #tpu.memory_space<vmem>> -> memref<128xi32, #tpu.memory_space<vmem>>
      %dma_start3A_931 = arith.constant 0 : i32
      %dma_start3A_932 = arith.constant 0 : i32
      %dma_start3A_933 = tpu.memref_slice %arg5[%dma_start3A_931, %dma_start3A_932] : memref<100000x128xf32, #tpu.memory_space<hbm>> -> memref<100000x128xf32, #tpu.memory_space<hbm>>
      tpu.enqueue_indirect_dma source(%dma_start3A_933 : memref<100000x128xf32, #tpu.memory_space<hbm>>) target(%arg12 : memref<128x128xf32, #tpu.memory_space<vmem>>) offsets(%dma_start3A_930 : memref<128xi32, #tpu.memory_space<vmem>>) semaphore(%arg16 : memref<!tpu.dma_semaphore, #tpu.memory_space<semaphore_mem>>)
      %mul3A_934 = arith.constant 2 : i32
      %mul3A_935 = arith.muli %mul3A_934, %while3A_923 : i32
      %dma_wait3A_936 = arith.constant 0 : i32
      %dma_wait3A_937 = tpu.memref_slice %arg10[%mul3A_935, %dma_wait3A_936] : memref<49x128xi32, #tpu.memory_space<vmem>> -> memref<1x128xi32, #tpu.memory_space<vmem>>
      %dma_wait3A_938 = tpu.memref_squeeze %dma_wait3A_937 : memref<1x128xi32, #tpu.memory_space<vmem>> -> memref<128xi32, #tpu.memory_space<vmem>>
      %dma_wait3A_939 = arith.constant 0 : i32
      %dma_wait3A_940 = arith.constant 0 : i32
      %dma_wait3A_941 = tpu.memref_slice %arg5[%dma_wait3A_939, %dma_wait3A_940] : memref<100000x128xf32, #tpu.memory_space<hbm>> -> memref<100000x128xf32, #tpu.memory_space<hbm>>
      tpu.wait_indirect_dma semaphore(%arg15 : memref<!tpu.dma_semaphore, #tpu.memory_space<semaphore_mem>>) src(%dma_wait3A_941 : memref<100000x128xf32, #tpu.memory_space<hbm>>) dst(%arg11 : memref<128x128xf32, #tpu.memory_space<vmem>>)
      %mul3A_942 = arith.constant 2 : i32
      %mul3A_943 = arith.muli %mul3A_942, %while3A_923 : i32
      "tpu.region"() ({
        %run_scoped3A = tpu.sem_alloc : memref<!tpu.dma_semaphore, #tpu.memory_space<semaphore_mem>>
        %dma_start3A_966 = arith.constant 0 : i32
        %dma_start3A_967 = tpu.memref_slice %arg9[%mul3A_943, %dma_start3A_966] : memref<49x128xi32, #tpu.memory_space<vmem>> -> memref<1x128xi32, #tpu.memory_space<vmem>>
        %dma_start3A_968 = tpu.memref_squeeze %dma_start3A_967 : memref<1x128xi32, #tpu.memory_space<vmem>> -> memref<128xi32, #tpu.memory_space<vmem>>
        %dma_start3A_969 = arith.constant 0 : i32
        %dma_start3A_970 = arith.constant 0 : i32
        %dma_start3A_971 = tpu.memref_slice %arg13[%dma_start3A_969, %dma_start3A_970] : memref<8848x128xf32, #tpu.memory_space<vmem_shared>> -> memref<8848x128xf32, #tpu.memory_space<vmem_shared>>
        tpu.enqueue_indirect_dma source(%arg11 : memref<128x128xf32, #tpu.memory_space<vmem>>) target(%dma_start3A_971 : memref<8848x128xf32, #tpu.memory_space<vmem_shared>>) offsets(%dma_start3A_968 : memref<128xi32, #tpu.memory_space<vmem>>) semaphore(%run_scoped3A : memref<!tpu.dma_semaphore, #tpu.memory_space<semaphore_mem>>) {add = true}
        %dma_wait3A_972 = arith.constant 0 : i32
        %dma_wait3A_973 = tpu.memref_slice %arg9[%mul3A_943, %dma_wait3A_972] : memref<49x128xi32, #tpu.memory_space<vmem>> -> memref<1x128xi32, #tpu.memory_space<vmem>>
        %dma_wait3A_974 = tpu.memref_squeeze %dma_wait3A_973 : memref<1x128xi32, #tpu.memory_space<vmem>> -> memref<128xi32, #tpu.memory_space<vmem>>
        %dma_wait3A_975 = arith.constant 0 : i32
        %dma_wait3A_976 = arith.constant 0 : i32
        %dma_wait3A_977 = tpu.memref_slice %arg13[%dma_wait3A_975, %dma_wait3A_976] : memref<8848x128xf32, #tpu.memory_space<vmem_shared>> -> memref<8848x128xf32, #tpu.memory_space<vmem_shared>>
        tpu.wait_indirect_dma semaphore(%run_scoped3A : memref<!tpu.dma_semaphore, #tpu.memory_space<semaphore_mem>>) src(%arg11 : memref<128x128xf32, #tpu.memory_space<vmem>>) dst(%dma_wait3A_977 : memref<8848x128xf32, #tpu.memory_space<vmem_shared>>)
        tpu.yield
      }) : () -> ()
      %mul3A_944 = arith.constant 2 : i32
      %mul3A_945 = arith.muli %mul3A_944, %while3A_923 : i32
      %add3A_946 = arith.constant 2 : i32
      %add3A_947 = arith.addi %mul3A_945, %add3A_946 : i32
      %lt3A_948 = arith.cmpi slt, %add3A_947, %shift_right_logical3A_266 : i32
      %convert_element_type3A_949 = arith.extui %lt3A_948 : i1 to i32
      %cond3A_950 = arith.constant 0 : i32
      %cond3A_951 = arith.cmpi ne, %convert_element_type3A_949, %cond3A_950 : i32
      scf.if %cond3A_951 {
        %mul3A_966 = arith.constant 2 : i32
        %mul3A_967 = arith.muli %mul3A_966, %while3A_923 : i32
        %add3A_968 = arith.constant 2 : i32
        %add3A_969 = arith.addi %mul3A_967, %add3A_968 : i32
        %dma_start3A_970 = arith.constant 0 : i32
        %dma_start3A_971 = tpu.memref_slice %arg10[%add3A_969, %dma_start3A_970] : memref<49x128xi32, #tpu.memory_space<vmem>> -> memref<1x128xi32, #tpu.memory_space<vmem>>
        %dma_start3A_972 = tpu.memref_squeeze %dma_start3A_971 : memref<1x128xi32, #tpu.memory_space<vmem>> -> memref<128xi32, #tpu.memory_space<vmem>>
        %dma_start3A_973 = arith.constant 0 : i32
        %dma_start3A_974 = arith.constant 0 : i32
        %dma_start3A_975 = tpu.memref_slice %arg5[%dma_start3A_973, %dma_start3A_974] : memref<100000x128xf32, #tpu.memory_space<hbm>> -> memref<100000x128xf32, #tpu.memory_space<hbm>>
        tpu.enqueue_indirect_dma source(%dma_start3A_975 : memref<100000x128xf32, #tpu.memory_space<hbm>>) target(%arg11 : memref<128x128xf32, #tpu.memory_space<vmem>>) offsets(%dma_start3A_972 : memref<128xi32, #tpu.memory_space<vmem>>) semaphore(%arg15 : memref<!tpu.dma_semaphore, #tpu.memory_space<semaphore_mem>>)
      } else {
      }
      %mul3A_952 = arith.constant 2 : i32
      %mul3A_953 = arith.muli %mul3A_952, %while3A_923 : i32
      %add3A_954 = arith.constant 1 : i32
      %add3A_955 = arith.addi %mul3A_953, %add3A_954 : i32
      %dma_wait3A_956 = arith.constant 0 : i32
      %dma_wait3A_957 = tpu.memref_slice %arg10[%add3A_955, %dma_wait3A_956] : memref<49x128xi32, #tpu.memory_space<vmem>> -> memref<1x128xi32, #tpu.memory_space<vmem>>
      %dma_wait3A_958 = tpu.memref_squeeze %dma_wait3A_957 : memref<1x128xi32, #tpu.memory_space<vmem>> -> memref<128xi32, #tpu.memory_space<vmem>>
      %dma_wait3A_959 = arith.constant 0 : i32
      %dma_wait3A_960 = arith.constant 0 : i32
      %dma_wait3A_961 = tpu.memref_slice %arg5[%dma_wait3A_959, %dma_wait3A_960] : memref<100000x128xf32, #tpu.memory_space<hbm>> -> memref<100000x128xf32, #tpu.memory_space<hbm>>
      tpu.wait_indirect_dma semaphore(%arg16 : memref<!tpu.dma_semaphore, #tpu.memory_space<semaphore_mem>>) src(%dma_wait3A_961 : memref<100000x128xf32, #tpu.memory_space<hbm>>) dst(%arg12 : memref<128x128xf32, #tpu.memory_space<vmem>>)
      %mul3A_962 = arith.constant 2 : i32
      %mul3A_963 = arith.muli %mul3A_962, %while3A_923 : i32
      %add3A_964 = arith.constant 1 : i32
      %add3A_965 = arith.addi %mul3A_963, %add3A_964 : i32
      "tpu.region"() ({
        %run_scoped3A = tpu.sem_alloc : memref<!tpu.dma_semaphore, #tpu.memory_space<semaphore_mem>>
        %dma_start3A_966 = arith.constant 0 : i32
        %dma_start3A_967 = tpu.memref_slice %arg9[%add3A_965, %dma_start3A_966] : memref<49x128xi32, #tpu.memory_space<vmem>> -> memref<1x128xi32, #tpu.memory_space<vmem>>
        %dma_start3A_968 = tpu.memref_squeeze %dma_start3A_967 : memref<1x128xi32, #tpu.memory_space<vmem>> -> memref<128xi32, #tpu.memory_space<vmem>>
        %dma_start3A_969 = arith.constant 0 : i32
        %dma_start3A_970 = arith.constant 0 : i32
        %dma_start3A_971 = tpu.memref_slice %arg13[%dma_start3A_969, %dma_start3A_970] : memref<8848x128xf32, #tpu.memory_space<vmem_shared>> -> memref<8848x128xf32, #tpu.memory_space<vmem_shared>>
        tpu.enqueue_indirect_dma source(%arg12 : memref<128x128xf32, #tpu.memory_space<vmem>>) target(%dma_start3A_971 : memref<8848x128xf32, #tpu.memory_space<vmem_shared>>) offsets(%dma_start3A_968 : memref<128xi32, #tpu.memory_space<vmem>>) semaphore(%run_scoped3A : memref<!tpu.dma_semaphore, #tpu.memory_space<semaphore_mem>>) {add = true}
        %dma_wait3A_972 = arith.constant 0 : i32
        %dma_wait3A_973 = tpu.memref_slice %arg9[%add3A_965, %dma_wait3A_972] : memref<49x128xi32, #tpu.memory_space<vmem>> -> memref<1x128xi32, #tpu.memory_space<vmem>>
        %dma_wait3A_974 = tpu.memref_squeeze %dma_wait3A_973 : memref<1x128xi32, #tpu.memory_space<vmem>> -> memref<128xi32, #tpu.memory_space<vmem>>
        %dma_wait3A_975 = arith.constant 0 : i32
        %dma_wait3A_976 = arith.constant 0 : i32
        %dma_wait3A_977 = tpu.memref_slice %arg13[%dma_wait3A_975, %dma_wait3A_976] : memref<8848x128xf32, #tpu.memory_space<vmem_shared>> -> memref<8848x128xf32, #tpu.memory_space<vmem_shared>>
        tpu.wait_indirect_dma semaphore(%run_scoped3A : memref<!tpu.dma_semaphore, #tpu.memory_space<semaphore_mem>>) src(%arg12 : memref<128x128xf32, #tpu.memory_space<vmem>>) dst(%dma_wait3A_977 : memref<8848x128xf32, #tpu.memory_space<vmem_shared>>)
        tpu.yield
      }) : () -> ()
    }
    %mul3A_284 = arith.constant 2 : i32
    %mul3A_285 = arith.muli %mul3A_284, %shift_right_logical3A_268 : i32
    %gt3A_286 = arith.cmpi sgt, %shift_right_logical3A_266, %mul3A_285 : i32
    %convert_element_type3A_287 = arith.extui %gt3A_286 : i1 to i32
    %cond3A_288 = arith.constant 0 : i32
    %cond3A_289 = arith.cmpi ne, %convert_element_type3A_287, %cond3A_288 : i32
    scf.if %cond3A_289 {
      %sub3A = arith.constant 1 : i32
      %sub3A_923 = arith.subi %shift_right_logical3A_266, %sub3A : i32
      %dma_wait3A_924 = arith.constant 0 : i32
      %dma_wait3A_925 = tpu.memref_slice %arg10[%sub3A_923, %dma_wait3A_924] : memref<49x128xi32, #tpu.memory_space<vmem>> -> memref<1x128xi32, #tpu.memory_space<vmem>>
      %dma_wait3A_926 = tpu.memref_squeeze %dma_wait3A_925 : memref<1x128xi32, #tpu.memory_space<vmem>> -> memref<128xi32, #tpu.memory_space<vmem>>
      %dma_wait3A_927 = arith.constant 0 : i32
      %dma_wait3A_928 = arith.constant 0 : i32
      %dma_wait3A_929 = tpu.memref_slice %arg5[%dma_wait3A_927, %dma_wait3A_928] : memref<100000x128xf32, #tpu.memory_space<hbm>> -> memref<100000x128xf32, #tpu.memory_space<hbm>>
      tpu.wait_indirect_dma semaphore(%arg15 : memref<!tpu.dma_semaphore, #tpu.memory_space<semaphore_mem>>) src(%dma_wait3A_929 : memref<100000x128xf32, #tpu.memory_space<hbm>>) dst(%arg11 : memref<128x128xf32, #tpu.memory_space<vmem>>)
      %sub3A_930 = arith.constant 1 : i32
      %sub3A_931 = arith.subi %shift_right_logical3A_266, %sub3A_930 : i32
      "tpu.region"() ({
        %run_scoped3A = tpu.sem_alloc : memref<!tpu.dma_semaphore, #tpu.memory_space<semaphore_mem>>
        %dma_start3A_932 = arith.constant 0 : i32
        %dma_start3A_933 = tpu.memref_slice %arg9[%sub3A_931, %dma_start3A_932] : memref<49x128xi32, #tpu.memory_space<vmem>> -> memref<1x128xi32, #tpu.memory_space<vmem>>
        %dma_start3A_934 = tpu.memref_squeeze %dma_start3A_933 : memref<1x128xi32, #tpu.memory_space<vmem>> -> memref<128xi32, #tpu.memory_space<vmem>>
        %dma_start3A_935 = arith.constant 0 : i32
        %dma_start3A_936 = arith.constant 0 : i32
        %dma_start3A_937 = tpu.memref_slice %arg13[%dma_start3A_935, %dma_start3A_936] : memref<8848x128xf32, #tpu.memory_space<vmem_shared>> -> memref<8848x128xf32, #tpu.memory_space<vmem_shared>>
        tpu.enqueue_indirect_dma source(%arg11 : memref<128x128xf32, #tpu.memory_space<vmem>>) target(%dma_start3A_937 : memref<8848x128xf32, #tpu.memory_space<vmem_shared>>) offsets(%dma_start3A_934 : memref<128xi32, #tpu.memory_space<vmem>>) semaphore(%run_scoped3A : memref<!tpu.dma_semaphore, #tpu.memory_space<semaphore_mem>>) {add = true}
        %dma_wait3A_938 = arith.constant 0 : i32
        %dma_wait3A_939 = tpu.memref_slice %arg9[%sub3A_931, %dma_wait3A_938] : memref<49x128xi32, #tpu.memory_space<vmem>> -> memref<1x128xi32, #tpu.memory_space<vmem>>
        %dma_wait3A_940 = tpu.memref_squeeze %dma_wait3A_939 : memref<1x128xi32, #tpu.memory_space<vmem>> -> memref<128xi32, #tpu.memory_space<vmem>>
        %dma_wait3A_941 = arith.constant 0 : i32
        %dma_wait3A_942 = arith.constant 0 : i32
        %dma_wait3A_943 = tpu.memref_slice %arg13[%dma_wait3A_941, %dma_wait3A_942] : memref<8848x128xf32, #tpu.memory_space<vmem_shared>> -> memref<8848x128xf32, #tpu.memory_space<vmem_shared>>
        tpu.wait_indirect_dma semaphore(%run_scoped3A : memref<!tpu.dma_semaphore, #tpu.memory_space<semaphore_mem>>) src(%arg11 : memref<128x128xf32, #tpu.memory_space<vmem>>) dst(%dma_wait3A_943 : memref<8848x128xf32, #tpu.memory_space<vmem_shared>>)
        tpu.yield
      }) : () -> ()
    } else {
    }
    %barrier3A_290 = arith.constant 0 : index
    tpu.barrier barrier_id(%barrier3A_290)
    %mul3A_291 = arith.constant 552 : i32
    %mul3A_292 = arith.muli %arg1, %mul3A_291 : i32
    %mul3A_293 = arith.constant 552 : i32
    %mul3A_294 = arith.muli %arg1, %mul3A_293 : i32
    %add3A_295 = arith.addi %mul3A_146, %mul3A_294 : i32
    "tpu.region"() ({
      %run_scoped3A = tpu.sem_alloc : memref<!tpu.dma_semaphore, #tpu.memory_space<semaphore_mem>>
      %dma_start3A_923 = arith.constant 0 : i32
      %dma_start3A_924 = tpu.memref_slice %arg6[%add3A_295, %dma_start3A_923] : memref<100000x128xf32, #tpu.memory_space<hbm>> -> memref<552x128xf32, #tpu.memory_space<hbm>>
      %dma_start3A_925 = arith.constant 0 : i32
      %dma_start3A_926 = tpu.memref_slice %arg13[%mul3A_292, %dma_start3A_925] : memref<8848x128xf32, #tpu.memory_space<vmem_shared>> -> memref<552x128xf32, #tpu.memory_space<vmem_shared>>
      tpu.enqueue_dma source(%dma_start3A_926 : memref<552x128xf32, #tpu.memory_space<vmem_shared>>) target(%dma_start3A_924 : memref<552x128xf32, #tpu.memory_space<hbm>>) target_semaphore(%run_scoped3A : memref<!tpu.dma_semaphore, #tpu.memory_space<semaphore_mem>>)
      %dma_wait3A_927 = arith.constant 0 : i32
      %dma_wait3A_928 = tpu.memref_slice %arg6[%add3A_295, %dma_wait3A_927] : memref<100000x128xf32, #tpu.memory_space<hbm>> -> memref<552x128xf32, #tpu.memory_space<hbm>>
      %dma_wait3A_929 = arith.constant 0 : i32
      %dma_wait3A_930 = tpu.memref_slice %arg13[%mul3A_292, %dma_wait3A_929] : memref<8848x128xf32, #tpu.memory_space<vmem_shared>> -> memref<552x128xf32, #tpu.memory_space<vmem_shared>>
      tpu.wait_dma2 semaphore(%run_scoped3A : memref<!tpu.dma_semaphore, #tpu.memory_space<semaphore_mem>>) src(%dma_wait3A_930 : memref<552x128xf32, #tpu.memory_space<vmem_shared>>) dst(%dma_wait3A_928 : memref<552x128xf32, #tpu.memory_space<hbm>>)
      tpu.yield
    }) : () -> ()
    %add3A_296 = arith.constant 4 : i32
    %add3A_297 = arith.addi %add3A_296, %arg0 : i32
    %mul3A_298 = arith.constant 8832 : i32
    %mul3A_299 = arith.muli %add3A_297, %mul3A_298 : i32
    %add3A_300 = arith.constant 8832 : i32
    %add3A_301 = arith.addi %mul3A_299, %add3A_300 : i32
    %mul3A_302 = arith.constant 552 : i32
    %mul3A_303 = arith.muli %arg1, %mul3A_302 : i32
    %dma_start3A_304 = arith.constant 0 : i32
    %dma_start3A_305 = tpu.memref_slice %arg13[%mul3A_303, %dma_start3A_304] : memref<8848x128xf32, #tpu.memory_space<vmem_shared>> -> memref<552x128xf32, #tpu.memory_space<vmem_shared>>
    tpu.enqueue_dma source(%arg4 : memref<552x128xf32, #tpu.memory_space<hbm>>) target(%dma_start3A_305 : memref<552x128xf32, #tpu.memory_space<vmem_shared>>) target_semaphore(%arg14 : memref<!tpu.dma_semaphore, #tpu.memory_space<semaphore_mem>>)
    %scan3A_306 = arith.constant 0 : i32
    %scan3A_307 = arith.constant 0 : i32
    %scan3A_308 = arith.constant 391 : i32
    %scan3A_309 = arith.addi %scan3A_307, %scan3A_308 : i32
    %scan3A_310 = arith.constant 1 : i32
    %scan3A_311 = scf.for %scan3A_923 = %scan3A_307 to %scan3A_309 step %scan3A_310 iter_args(%scan3A_924 = %scan3A_306) -> (i32)  : i32 {
      %mul3A_925 = arith.constant 16 : i32
      %mul3A_926 = arith.muli %scan3A_923, %mul3A_925 : i32
      %get3A = arith.index_cast %mul3A_926 : i32 to index
      %get3A_927 = tpu.vector_load %arg7[%get3A] {strides = array<i32>} : memref<6256xi32, #tpu.memory_space<vmem>>, vector<16xi32>,
      %mul3A_928 = arith.constant 16 : i32
      %mul3A_929 = arith.muli %scan3A_923, %mul3A_928 : i32
      %get3A_930 = arith.index_cast %mul3A_929 : i32 to index
      %get3A_931 = tpu.vector_load %arg8[%get3A_930] {strides = array<i32>} : memref<6256xi32, #tpu.memory_space<vmem>>, vector<16xi32>,
      %ge3A = vector.broadcast %mul3A_299 : i32 to vector<16xi32>
      %ge3A_932 = arith.cmpi sge, %get3A_927, %ge3A : vector<16xi32>
      %lt3A_933 = vector.broadcast %add3A_301 : i32 to vector<16xi32>
      %lt3A_934 = arith.cmpi slt, %get3A_927, %lt3A_933 : vector<16xi32>
      %and3A_935 = arith.andi %ge3A_932, %lt3A_934 : vector<16xi1>
      %convert_element_type3A_936 = arith.extui %and3A_935 : vector<16xi1> to vector<16xi32>
      %broadcast_in_dim3A = arith.constant true
      %broadcast_in_dim3A_937 = vector.broadcast %broadcast_in_dim3A : i1 to vector<16xi1>
      %masked_cumsum3A = tpu.scan <sum>, %convert_element_type3A_936 masked %broadcast_in_dim3A_937 : vector<16xi32>, vector<16xi1> -> vector<16xi32>
      %add3A_938 = vector.broadcast %scan3A_924 : i32 to vector<16xi32>
      %add3A_939 = arith.addi %add3A_938, %masked_cumsum3A : vector<16xi32>
      %sub3A = arith.constant 1 : i32
      %sub3A_940 = vector.broadcast %sub3A : i32 to vector<16xi32>
      %sub3A_941 = arith.subi %add3A_939, %sub3A_940 : vector<16xi32>
      %max3A = arith.constant 0 : i32
      %max3A_942 = vector.broadcast %max3A : i32 to vector<16xi32>
      %max3A_943 = arith.maxsi %sub3A_941, %max3A_942 : vector<16xi32>
      %shift_right_logical3A_944 = arith.constant 7 : i32
      %shift_right_logical3A_945 = vector.broadcast %shift_right_logical3A_944 : i32 to vector<16xi32>
      %shift_right_logical3A_946 = arith.shrui %max3A_943, %shift_right_logical3A_945 : vector<16xi32>
      %and3A_947 = arith.constant 127 : i32
      %and3A_948 = vector.broadcast %and3A_947 : i32 to vector<16xi32>
      %and3A_949 = arith.andi %max3A_943, %and3A_948 : vector<16xi32>
      %sub3A_950 = vector.broadcast %mul3A_299 : i32 to vector<16xi32>
      %sub3A_951 = arith.subi %get3A_927, %sub3A_950 : vector<16xi32>
      tpu.vector_store_idx %arg9[%shift_right_logical3A_946, %and3A_949], %sub3A_951 masked %and3A_935 : memref<49x128xi32, #tpu.memory_space<vmem>>[vector<16xi32>, vector<16xi32>], vector<16xi32>, vector<16xi1>
      tpu.vector_store_idx %arg10[%shift_right_logical3A_946, %and3A_949], %get3A_931 masked %and3A_935 : memref<49x128xi32, #tpu.memory_space<vmem>>[vector<16xi32>, vector<16xi32>], vector<16xi32>, vector<16xi1>
      %reduce_sum3A = arith.constant true
      %reduce_sum3A_952 = vector.broadcast %reduce_sum3A : i1 to vector<16xi1>
      %reduce_sum3A_953 = tpu.scan <sum>, %convert_element_type3A_936 masked %reduce_sum3A_952 : vector<16xi32>, vector<16xi1> -> vector<16xi32>
      %reduce_sum3A_954 = vector.extract %reduce_sum3A_953[15] : i32 from vector<16xi32>
      %add3A_955 = arith.addi %scan3A_924, %reduce_sum3A_954 : i32
      scf.yield %add3A_955 : i32
    }
    %scan3A_312 = arith.constant 391 : i32
    %add3A_313 = arith.constant 127 : i32
    %add3A_314 = arith.addi %scan3A_311, %add3A_313 : i32
    %and3A_315 = arith.constant -128 : i32
    %and3A_316 = arith.andi %add3A_314, %and3A_315 : i32
    %add3A_317 = arith.constant 0 : i32
    %add3A_318 = arith.addi %scan3A_311, %add3A_317 : i32
    %add3A_319 = vector.broadcast %add3A_318 : i32 to vector<16xi32>
    %add3A_320 = arith.addi %add3A_319, %iota3A : vector<16xi32>
    %lt3A_321 = vector.broadcast %and3A_316 : i32 to vector<16xi32>
    %lt3A_322 = arith.cmpi slt, %add3A_320, %lt3A_321 : vector<16xi32>
    %shift_right_logical3A_323 = arith.constant 7 : i32
    %shift_right_logical3A_324 = vector.broadcast %shift_right_logical3A_323 : i32 to vector<16xi32>
    %shift_right_logical3A_325 = arith.shrui %add3A_320, %shift_right_logical3A_324 : vector<16xi32>
    %and3A_326 = arith.constant 127 : i32
    %and3A_327 = vector.broadcast %and3A_326 : i32 to vector<16xi32>
    %and3A_328 = arith.andi %add3A_320, %and3A_327 : vector<16xi32>
    tpu.vector_store_idx %arg9[%shift_right_logical3A_325, %and3A_328], %add3A_1 masked %lt3A_322 : memref<49x128xi32, #tpu.memory_space<vmem>>[vector<16xi32>, vector<16xi32>], vector<16xi32>, vector<16xi1>
    tpu.vector_store_idx %arg10[%shift_right_logical3A_325, %and3A_328], %iota3A masked %lt3A_322 : memref<49x128xi32, #tpu.memory_space<vmem>>[vector<16xi32>, vector<16xi32>], vector<16xi32>, vector<16xi1>
    %add3A_329 = arith.constant 16 : i32
    %add3A_330 = arith.addi %scan3A_311, %add3A_329 : i32
    %add3A_331 = vector.broadcast %add3A_330 : i32 to vector<16xi32>
    %add3A_332 = arith.addi %add3A_331, %iota3A : vector<16xi32>
    %lt3A_333 = vector.broadcast %and3A_316 : i32 to vector<16xi32>
    %lt3A_334 = arith.cmpi slt, %add3A_332, %lt3A_333 : vector<16xi32>
    %shift_right_logical3A_335 = arith.constant 7 : i32
    %shift_right_logical3A_336 = vector.broadcast %shift_right_logical3A_335 : i32 to vector<16xi32>
    %shift_right_logical3A_337 = arith.shrui %add3A_332, %shift_right_logical3A_336 : vector<16xi32>
    %and3A_338 = arith.constant 127 : i32
    %and3A_339 = vector.broadcast %and3A_338 : i32 to vector<16xi32>
    %and3A_340 = arith.andi %add3A_332, %and3A_339 : vector<16xi32>
    tpu.vector_store_idx %arg9[%shift_right_logical3A_337, %and3A_340], %add3A_1 masked %lt3A_334 : memref<49x128xi32, #tpu.memory_space<vmem>>[vector<16xi32>, vector<16xi32>], vector<16xi32>, vector<16xi1>
    tpu.vector_store_idx %arg10[%shift_right_logical3A_337, %and3A_340], %iota3A masked %lt3A_334 : memref<49x128xi32, #tpu.memory_space<vmem>>[vector<16xi32>, vector<16xi32>], vector<16xi32>, vector<16xi1>
    %add3A_341 = arith.constant 32 : i32
    %add3A_342 = arith.addi %scan3A_311, %add3A_341 : i32
    %add3A_343 = vector.broadcast %add3A_342 : i32 to vector<16xi32>
    %add3A_344 = arith.addi %add3A_343, %iota3A : vector<16xi32>
    %lt3A_345 = vector.broadcast %and3A_316 : i32 to vector<16xi32>
    %lt3A_346 = arith.cmpi slt, %add3A_344, %lt3A_345 : vector<16xi32>
    %shift_right_logical3A_347 = arith.constant 7 : i32
    %shift_right_logical3A_348 = vector.broadcast %shift_right_logical3A_347 : i32 to vector<16xi32>
    %shift_right_logical3A_349 = arith.shrui %add3A_344, %shift_right_logical3A_348 : vector<16xi32>
    %and3A_350 = arith.constant 127 : i32
    %and3A_351 = vector.broadcast %and3A_350 : i32 to vector<16xi32>
    %and3A_352 = arith.andi %add3A_344, %and3A_351 : vector<16xi32>
    tpu.vector_store_idx %arg9[%shift_right_logical3A_349, %and3A_352], %add3A_1 masked %lt3A_346 : memref<49x128xi32, #tpu.memory_space<vmem>>[vector<16xi32>, vector<16xi32>], vector<16xi32>, vector<16xi1>
    tpu.vector_store_idx %arg10[%shift_right_logical3A_349, %and3A_352], %iota3A masked %lt3A_346 : memref<49x128xi32, #tpu.memory_space<vmem>>[vector<16xi32>, vector<16xi32>], vector<16xi32>, vector<16xi1>
    %add3A_353 = arith.constant 48 : i32
    %add3A_354 = arith.addi %scan3A_311, %add3A_353 : i32
    %add3A_355 = vector.broadcast %add3A_354 : i32 to vector<16xi32>
    %add3A_356 = arith.addi %add3A_355, %iota3A : vector<16xi32>
    %lt3A_357 = vector.broadcast %and3A_316 : i32 to vector<16xi32>
    %lt3A_358 = arith.cmpi slt, %add3A_356, %lt3A_357 : vector<16xi32>
    %shift_right_logical3A_359 = arith.constant 7 : i32
    %shift_right_logical3A_360 = vector.broadcast %shift_right_logical3A_359 : i32 to vector<16xi32>
    %shift_right_logical3A_361 = arith.shrui %add3A_356, %shift_right_logical3A_360 : vector<16xi32>
    %and3A_362 = arith.constant 127 : i32
    %and3A_363 = vector.broadcast %and3A_362 : i32 to vector<16xi32>
    %and3A_364 = arith.andi %add3A_356, %and3A_363 : vector<16xi32>
    tpu.vector_store_idx %arg9[%shift_right_logical3A_361, %and3A_364], %add3A_1 masked %lt3A_358 : memref<49x128xi32, #tpu.memory_space<vmem>>[vector<16xi32>, vector<16xi32>], vector<16xi32>, vector<16xi1>
    tpu.vector_store_idx %arg10[%shift_right_logical3A_361, %and3A_364], %iota3A masked %lt3A_358 : memref<49x128xi32, #tpu.memory_space<vmem>>[vector<16xi32>, vector<16xi32>], vector<16xi32>, vector<16xi1>
    %add3A_365 = arith.constant 64 : i32
    %add3A_366 = arith.addi %scan3A_311, %add3A_365 : i32
    %add3A_367 = vector.broadcast %add3A_366 : i32 to vector<16xi32>
    %add3A_368 = arith.addi %add3A_367, %iota3A : vector<16xi32>
    %lt3A_369 = vector.broadcast %and3A_316 : i32 to vector<16xi32>
    %lt3A_370 = arith.cmpi slt, %add3A_368, %lt3A_369 : vector<16xi32>
    %shift_right_logical3A_371 = arith.constant 7 : i32
    %shift_right_logical3A_372 = vector.broadcast %shift_right_logical3A_371 : i32 to vector<16xi32>
    %shift_right_logical3A_373 = arith.shrui %add3A_368, %shift_right_logical3A_372 : vector<16xi32>
    %and3A_374 = arith.constant 127 : i32
    %and3A_375 = vector.broadcast %and3A_374 : i32 to vector<16xi32>
    %and3A_376 = arith.andi %add3A_368, %and3A_375 : vector<16xi32>
    tpu.vector_store_idx %arg9[%shift_right_logical3A_373, %and3A_376], %add3A_1 masked %lt3A_370 : memref<49x128xi32, #tpu.memory_space<vmem>>[vector<16xi32>, vector<16xi32>], vector<16xi32>, vector<16xi1>
    tpu.vector_store_idx %arg10[%shift_right_logical3A_373, %and3A_376], %iota3A masked %lt3A_370 : memref<49x128xi32, #tpu.memory_space<vmem>>[vector<16xi32>, vector<16xi32>], vector<16xi32>, vector<16xi1>
    %add3A_377 = arith.constant 80 : i32
    %add3A_378 = arith.addi %scan3A_311, %add3A_377 : i32
    %add3A_379 = vector.broadcast %add3A_378 : i32 to vector<16xi32>
    %add3A_380 = arith.addi %add3A_379, %iota3A : vector<16xi32>
    %lt3A_381 = vector.broadcast %and3A_316 : i32 to vector<16xi32>
    %lt3A_382 = arith.cmpi slt, %add3A_380, %lt3A_381 : vector<16xi32>
    %shift_right_logical3A_383 = arith.constant 7 : i32
    %shift_right_logical3A_384 = vector.broadcast %shift_right_logical3A_383 : i32 to vector<16xi32>
    %shift_right_logical3A_385 = arith.shrui %add3A_380, %shift_right_logical3A_384 : vector<16xi32>
    %and3A_386 = arith.constant 127 : i32
    %and3A_387 = vector.broadcast %and3A_386 : i32 to vector<16xi32>
    %and3A_388 = arith.andi %add3A_380, %and3A_387 : vector<16xi32>
    tpu.vector_store_idx %arg9[%shift_right_logical3A_385, %and3A_388], %add3A_1 masked %lt3A_382 : memref<49x128xi32, #tpu.memory_space<vmem>>[vector<16xi32>, vector<16xi32>], vector<16xi32>, vector<16xi1>
    tpu.vector_store_idx %arg10[%shift_right_logical3A_385, %and3A_388], %iota3A masked %lt3A_382 : memref<49x128xi32, #tpu.memory_space<vmem>>[vector<16xi32>, vector<16xi32>], vector<16xi32>, vector<16xi1>
    %add3A_389 = arith.constant 96 : i32
    %add3A_390 = arith.addi %scan3A_311, %add3A_389 : i32
    %add3A_391 = vector.broadcast %add3A_390 : i32 to vector<16xi32>
    %add3A_392 = arith.addi %add3A_391, %iota3A : vector<16xi32>
    %lt3A_393 = vector.broadcast %and3A_316 : i32 to vector<16xi32>
    %lt3A_394 = arith.cmpi slt, %add3A_392, %lt3A_393 : vector<16xi32>
    %shift_right_logical3A_395 = arith.constant 7 : i32
    %shift_right_logical3A_396 = vector.broadcast %shift_right_logical3A_395 : i32 to vector<16xi32>
    %shift_right_logical3A_397 = arith.shrui %add3A_392, %shift_right_logical3A_396 : vector<16xi32>
    %and3A_398 = arith.constant 127 : i32
    %and3A_399 = vector.broadcast %and3A_398 : i32 to vector<16xi32>
    %and3A_400 = arith.andi %add3A_392, %and3A_399 : vector<16xi32>
    tpu.vector_store_idx %arg9[%shift_right_logical3A_397, %and3A_400], %add3A_1 masked %lt3A_394 : memref<49x128xi32, #tpu.memory_space<vmem>>[vector<16xi32>, vector<16xi32>], vector<16xi32>, vector<16xi1>
    tpu.vector_store_idx %arg10[%shift_right_logical3A_397, %and3A_400], %iota3A masked %lt3A_394 : memref<49x128xi32, #tpu.memory_space<vmem>>[vector<16xi32>, vector<16xi32>], vector<16xi32>, vector<16xi1>
    %add3A_401 = arith.constant 112 : i32
    %add3A_402 = arith.addi %scan3A_311, %add3A_401 : i32
    %add3A_403 = vector.broadcast %add3A_402 : i32 to vector<16xi32>
    %add3A_404 = arith.addi %add3A_403, %iota3A : vector<16xi32>
    %lt3A_405 = vector.broadcast %and3A_316 : i32 to vector<16xi32>
    %lt3A_406 = arith.cmpi slt, %add3A_404, %lt3A_405 : vector<16xi32>
    %shift_right_logical3A_407 = arith.constant 7 : i32
    %shift_right_logical3A_408 = vector.broadcast %shift_right_logical3A_407 : i32 to vector<16xi32>
    %shift_right_logical3A_409 = arith.shrui %add3A_404, %shift_right_logical3A_408 : vector<16xi32>
    %and3A_410 = arith.constant 127 : i32
    %and3A_411 = vector.broadcast %and3A_410 : i32 to vector<16xi32>
    %and3A_412 = arith.andi %add3A_404, %and3A_411 : vector<16xi32>
    tpu.vector_store_idx %arg9[%shift_right_logical3A_409, %and3A_412], %add3A_1 masked %lt3A_406 : memref<49x128xi32, #tpu.memory_space<vmem>>[vector<16xi32>, vector<16xi32>], vector<16xi32>, vector<16xi1>
    tpu.vector_store_idx %arg10[%shift_right_logical3A_409, %and3A_412], %iota3A masked %lt3A_406 : memref<49x128xi32, #tpu.memory_space<vmem>>[vector<16xi32>, vector<16xi32>], vector<16xi32>, vector<16xi1>
    %mul3A_413 = arith.constant 552 : i32
    %mul3A_414 = arith.muli %arg1, %mul3A_413 : i32
    %dma_wait3A_415 = arith.constant 0 : i32
    %dma_wait3A_416 = tpu.memref_slice %arg13[%mul3A_414, %dma_wait3A_415] : memref<8848x128xf32, #tpu.memory_space<vmem_shared>> -> memref<552x128xf32, #tpu.memory_space<vmem_shared>>
    tpu.wait_dma2 semaphore(%arg14 : memref<!tpu.dma_semaphore, #tpu.memory_space<semaphore_mem>>) src(%arg4 : memref<552x128xf32, #tpu.memory_space<hbm>>) dst(%dma_wait3A_416 : memref<552x128xf32, #tpu.memory_space<vmem_shared>>)
    %barrier3A_417 = arith.constant 0 : index
    tpu.barrier barrier_id(%barrier3A_417)
    %shift_right_logical3A_418 = arith.constant 7 : i32
    %shift_right_logical3A_419 = arith.shrui %and3A_316, %shift_right_logical3A_418 : i32
    %shift_right_logical3A_420 = arith.constant 8 : i32
    %shift_right_logical3A_421 = arith.shrui %and3A_316, %shift_right_logical3A_420 : i32
    %gt3A_422 = arith.constant 0 : i32
    %gt3A_423 = arith.cmpi sgt, %shift_right_logical3A_419, %gt3A_422 : i32
    %convert_element_type3A_424 = arith.extui %gt3A_423 : i1 to i32
    %cond3A_425 = arith.constant 0 : i32
    %cond3A_426 = arith.cmpi ne, %convert_element_type3A_424, %cond3A_425 : i32
    scf.if %cond3A_426 {
      %dma_start3A_923 = arith.constant 0 : i32
      %dma_start3A_924 = arith.constant 0 : i32
      %dma_start3A_925 = tpu.memref_slice %arg10[%dma_start3A_923, %dma_start3A_924] : memref<49x128xi32, #tpu.memory_space<vmem>> -> memref<1x128xi32, #tpu.memory_space<vmem>>
      %dma_start3A_926 = tpu.memref_squeeze %dma_start3A_925 : memref<1x128xi32, #tpu.memory_space<vmem>> -> memref<128xi32, #tpu.memory_space<vmem>>
      %dma_start3A_927 = arith.constant 0 : i32
      %dma_start3A_928 = arith.constant 0 : i32
      %dma_start3A_929 = tpu.memref_slice %arg5[%dma_start3A_927, %dma_start3A_928] : memref<100000x128xf32, #tpu.memory_space<hbm>> -> memref<100000x128xf32, #tpu.memory_space<hbm>>
      tpu.enqueue_indirect_dma source(%dma_start3A_929 : memref<100000x128xf32, #tpu.memory_space<hbm>>) target(%arg11 : memref<128x128xf32, #tpu.memory_space<vmem>>) offsets(%dma_start3A_926 : memref<128xi32, #tpu.memory_space<vmem>>) semaphore(%arg15 : memref<!tpu.dma_semaphore, #tpu.memory_space<semaphore_mem>>)
    } else {
    }
    %while3A_427 = arith.constant 0 : i32
    %while3A_428 = arith.constant 0 : i32
    %while3A_429 = arith.subi %shift_right_logical3A_421, %while3A_428 : i32
    %while3A_430 = arith.addi %while3A_428, %while3A_429 : i32
    %while3A_431 = arith.constant 1 : i32
    %while3A_432 = arith.divsi %while3A_429, %while3A_431 : i32
    %while3A_433 = arith.muli %while3A_432, %while3A_431 : i32
    %while3A_434 = arith.addi %while3A_428, %while3A_433 : i32
    %while3A_435 = arith.constant 1 : i32
    scf.for %while3A_923 = %while3A_428 to %while3A_434 step %while3A_435  : i32 {
      %mul3A_924 = arith.constant 2 : i32
      %mul3A_925 = arith.muli %mul3A_924, %while3A_923 : i32
      %add3A_926 = arith.constant 1 : i32
      %add3A_927 = arith.addi %mul3A_925, %add3A_926 : i32
      %dma_start3A_928 = arith.constant 0 : i32
      %dma_start3A_929 = tpu.memref_slice %arg10[%add3A_927, %dma_start3A_928] : memref<49x128xi32, #tpu.memory_space<vmem>> -> memref<1x128xi32, #tpu.memory_space<vmem>>
      %dma_start3A_930 = tpu.memref_squeeze %dma_start3A_929 : memref<1x128xi32, #tpu.memory_space<vmem>> -> memref<128xi32, #tpu.memory_space<vmem>>
      %dma_start3A_931 = arith.constant 0 : i32
      %dma_start3A_932 = arith.constant 0 : i32
      %dma_start3A_933 = tpu.memref_slice %arg5[%dma_start3A_931, %dma_start3A_932] : memref<100000x128xf32, #tpu.memory_space<hbm>> -> memref<100000x128xf32, #tpu.memory_space<hbm>>
      tpu.enqueue_indirect_dma source(%dma_start3A_933 : memref<100000x128xf32, #tpu.memory_space<hbm>>) target(%arg12 : memref<128x128xf32, #tpu.memory_space<vmem>>) offsets(%dma_start3A_930 : memref<128xi32, #tpu.memory_space<vmem>>) semaphore(%arg16 : memref<!tpu.dma_semaphore, #tpu.memory_space<semaphore_mem>>)
      %mul3A_934 = arith.constant 2 : i32
      %mul3A_935 = arith.muli %mul3A_934, %while3A_923 : i32
      %dma_wait3A_936 = arith.constant 0 : i32
      %dma_wait3A_937 = tpu.memref_slice %arg10[%mul3A_935, %dma_wait3A_936] : memref<49x128xi32, #tpu.memory_space<vmem>> -> memref<1x128xi32, #tpu.memory_space<vmem>>
      %dma_wait3A_938 = tpu.memref_squeeze %dma_wait3A_937 : memref<1x128xi32, #tpu.memory_space<vmem>> -> memref<128xi32, #tpu.memory_space<vmem>>
      %dma_wait3A_939 = arith.constant 0 : i32
      %dma_wait3A_940 = arith.constant 0 : i32
      %dma_wait3A_941 = tpu.memref_slice %arg5[%dma_wait3A_939, %dma_wait3A_940] : memref<100000x128xf32, #tpu.memory_space<hbm>> -> memref<100000x128xf32, #tpu.memory_space<hbm>>
      tpu.wait_indirect_dma semaphore(%arg15 : memref<!tpu.dma_semaphore, #tpu.memory_space<semaphore_mem>>) src(%dma_wait3A_941 : memref<100000x128xf32, #tpu.memory_space<hbm>>) dst(%arg11 : memref<128x128xf32, #tpu.memory_space<vmem>>)
      %mul3A_942 = arith.constant 2 : i32
      %mul3A_943 = arith.muli %mul3A_942, %while3A_923 : i32
      "tpu.region"() ({
        %run_scoped3A = tpu.sem_alloc : memref<!tpu.dma_semaphore, #tpu.memory_space<semaphore_mem>>
        %dma_start3A_966 = arith.constant 0 : i32
        %dma_start3A_967 = tpu.memref_slice %arg9[%mul3A_943, %dma_start3A_966] : memref<49x128xi32, #tpu.memory_space<vmem>> -> memref<1x128xi32, #tpu.memory_space<vmem>>
        %dma_start3A_968 = tpu.memref_squeeze %dma_start3A_967 : memref<1x128xi32, #tpu.memory_space<vmem>> -> memref<128xi32, #tpu.memory_space<vmem>>
        %dma_start3A_969 = arith.constant 0 : i32
        %dma_start3A_970 = arith.constant 0 : i32
        %dma_start3A_971 = tpu.memref_slice %arg13[%dma_start3A_969, %dma_start3A_970] : memref<8848x128xf32, #tpu.memory_space<vmem_shared>> -> memref<8848x128xf32, #tpu.memory_space<vmem_shared>>
        tpu.enqueue_indirect_dma source(%arg11 : memref<128x128xf32, #tpu.memory_space<vmem>>) target(%dma_start3A_971 : memref<8848x128xf32, #tpu.memory_space<vmem_shared>>) offsets(%dma_start3A_968 : memref<128xi32, #tpu.memory_space<vmem>>) semaphore(%run_scoped3A : memref<!tpu.dma_semaphore, #tpu.memory_space<semaphore_mem>>) {add = true}
        %dma_wait3A_972 = arith.constant 0 : i32
        %dma_wait3A_973 = tpu.memref_slice %arg9[%mul3A_943, %dma_wait3A_972] : memref<49x128xi32, #tpu.memory_space<vmem>> -> memref<1x128xi32, #tpu.memory_space<vmem>>
        %dma_wait3A_974 = tpu.memref_squeeze %dma_wait3A_973 : memref<1x128xi32, #tpu.memory_space<vmem>> -> memref<128xi32, #tpu.memory_space<vmem>>
        %dma_wait3A_975 = arith.constant 0 : i32
        %dma_wait3A_976 = arith.constant 0 : i32
        %dma_wait3A_977 = tpu.memref_slice %arg13[%dma_wait3A_975, %dma_wait3A_976] : memref<8848x128xf32, #tpu.memory_space<vmem_shared>> -> memref<8848x128xf32, #tpu.memory_space<vmem_shared>>
        tpu.wait_indirect_dma semaphore(%run_scoped3A : memref<!tpu.dma_semaphore, #tpu.memory_space<semaphore_mem>>) src(%arg11 : memref<128x128xf32, #tpu.memory_space<vmem>>) dst(%dma_wait3A_977 : memref<8848x128xf32, #tpu.memory_space<vmem_shared>>)
        tpu.yield
      }) : () -> ()
      %mul3A_944 = arith.constant 2 : i32
      %mul3A_945 = arith.muli %mul3A_944, %while3A_923 : i32
      %add3A_946 = arith.constant 2 : i32
      %add3A_947 = arith.addi %mul3A_945, %add3A_946 : i32
      %lt3A_948 = arith.cmpi slt, %add3A_947, %shift_right_logical3A_419 : i32
      %convert_element_type3A_949 = arith.extui %lt3A_948 : i1 to i32
      %cond3A_950 = arith.constant 0 : i32
      %cond3A_951 = arith.cmpi ne, %convert_element_type3A_949, %cond3A_950 : i32
      scf.if %cond3A_951 {
        %mul3A_966 = arith.constant 2 : i32
        %mul3A_967 = arith.muli %mul3A_966, %while3A_923 : i32
        %add3A_968 = arith.constant 2 : i32
        %add3A_969 = arith.addi %mul3A_967, %add3A_968 : i32
        %dma_start3A_970 = arith.constant 0 : i32
        %dma_start3A_971 = tpu.memref_slice %arg10[%add3A_969, %dma_start3A_970] : memref<49x128xi32, #tpu.memory_space<vmem>> -> memref<1x128xi32, #tpu.memory_space<vmem>>
        %dma_start3A_972 = tpu.memref_squeeze %dma_start3A_971 : memref<1x128xi32, #tpu.memory_space<vmem>> -> memref<128xi32, #tpu.memory_space<vmem>>
        %dma_start3A_973 = arith.constant 0 : i32
        %dma_start3A_974 = arith.constant 0 : i32
        %dma_start3A_975 = tpu.memref_slice %arg5[%dma_start3A_973, %dma_start3A_974] : memref<100000x128xf32, #tpu.memory_space<hbm>> -> memref<100000x128xf32, #tpu.memory_space<hbm>>
        tpu.enqueue_indirect_dma source(%dma_start3A_975 : memref<100000x128xf32, #tpu.memory_space<hbm>>) target(%arg11 : memref<128x128xf32, #tpu.memory_space<vmem>>) offsets(%dma_start3A_972 : memref<128xi32, #tpu.memory_space<vmem>>) semaphore(%arg15 : memref<!tpu.dma_semaphore, #tpu.memory_space<semaphore_mem>>)
      } else {
      }
      %mul3A_952 = arith.constant 2 : i32
      %mul3A_953 = arith.muli %mul3A_952, %while3A_923 : i32
      %add3A_954 = arith.constant 1 : i32
      %add3A_955 = arith.addi %mul3A_953, %add3A_954 : i32
      %dma_wait3A_956 = arith.constant 0 : i32
      %dma_wait3A_957 = tpu.memref_slice %arg10[%add3A_955, %dma_wait3A_956] : memref<49x128xi32, #tpu.memory_space<vmem>> -> memref<1x128xi32, #tpu.memory_space<vmem>>
      %dma_wait3A_958 = tpu.memref_squeeze %dma_wait3A_957 : memref<1x128xi32, #tpu.memory_space<vmem>> -> memref<128xi32, #tpu.memory_space<vmem>>
      %dma_wait3A_959 = arith.constant 0 : i32
      %dma_wait3A_960 = arith.constant 0 : i32
      %dma_wait3A_961 = tpu.memref_slice %arg5[%dma_wait3A_959, %dma_wait3A_960] : memref<100000x128xf32, #tpu.memory_space<hbm>> -> memref<100000x128xf32, #tpu.memory_space<hbm>>
      tpu.wait_indirect_dma semaphore(%arg16 : memref<!tpu.dma_semaphore, #tpu.memory_space<semaphore_mem>>) src(%dma_wait3A_961 : memref<100000x128xf32, #tpu.memory_space<hbm>>) dst(%arg12 : memref<128x128xf32, #tpu.memory_space<vmem>>)
      %mul3A_962 = arith.constant 2 : i32
      %mul3A_963 = arith.muli %mul3A_962, %while3A_923 : i32
      %add3A_964 = arith.constant 1 : i32
      %add3A_965 = arith.addi %mul3A_963, %add3A_964 : i32
      "tpu.region"() ({
        %run_scoped3A = tpu.sem_alloc : memref<!tpu.dma_semaphore, #tpu.memory_space<semaphore_mem>>
        %dma_start3A_966 = arith.constant 0 : i32
        %dma_start3A_967 = tpu.memref_slice %arg9[%add3A_965, %dma_start3A_966] : memref<49x128xi32, #tpu.memory_space<vmem>> -> memref<1x128xi32, #tpu.memory_space<vmem>>
        %dma_start3A_968 = tpu.memref_squeeze %dma_start3A_967 : memref<1x128xi32, #tpu.memory_space<vmem>> -> memref<128xi32, #tpu.memory_space<vmem>>
        %dma_start3A_969 = arith.constant 0 : i32
        %dma_start3A_970 = arith.constant 0 : i32
        %dma_start3A_971 = tpu.memref_slice %arg13[%dma_start3A_969, %dma_start3A_970] : memref<8848x128xf32, #tpu.memory_space<vmem_shared>> -> memref<8848x128xf32, #tpu.memory_space<vmem_shared>>
        tpu.enqueue_indirect_dma source(%arg12 : memref<128x128xf32, #tpu.memory_space<vmem>>) target(%dma_start3A_971 : memref<8848x128xf32, #tpu.memory_space<vmem_shared>>) offsets(%dma_start3A_968 : memref<128xi32, #tpu.memory_space<vmem>>) semaphore(%run_scoped3A : memref<!tpu.dma_semaphore, #tpu.memory_space<semaphore_mem>>) {add = true}
        %dma_wait3A_972 = arith.constant 0 : i32
        %dma_wait3A_973 = tpu.memref_slice %arg9[%add3A_965, %dma_wait3A_972] : memref<49x128xi32, #tpu.memory_space<vmem>> -> memref<1x128xi32, #tpu.memory_space<vmem>>
        %dma_wait3A_974 = tpu.memref_squeeze %dma_wait3A_973 : memref<1x128xi32, #tpu.memory_space<vmem>> -> memref<128xi32, #tpu.memory_space<vmem>>
        %dma_wait3A_975 = arith.constant 0 : i32
        %dma_wait3A_976 = arith.constant 0 : i32
        %dma_wait3A_977 = tpu.memref_slice %arg13[%dma_wait3A_975, %dma_wait3A_976] : memref<8848x128xf32, #tpu.memory_space<vmem_shared>> -> memref<8848x128xf32, #tpu.memory_space<vmem_shared>>
        tpu.wait_indirect_dma semaphore(%run_scoped3A : memref<!tpu.dma_semaphore, #tpu.memory_space<semaphore_mem>>) src(%arg12 : memref<128x128xf32, #tpu.memory_space<vmem>>) dst(%dma_wait3A_977 : memref<8848x128xf32, #tpu.memory_space<vmem_shared>>)
        tpu.yield
      }) : () -> ()
    }
    %while3A_436 = arith.constant 1 : i32
    scf.for %while3A_923 = %while3A_434 to %while3A_430 step %while3A_436  : i32 {
      %mul3A_924 = arith.constant 2 : i32
      %mul3A_925 = arith.muli %mul3A_924, %while3A_923 : i32
      %add3A_926 = arith.constant 1 : i32
      %add3A_927 = arith.addi %mul3A_925, %add3A_926 : i32
      %dma_start3A_928 = arith.constant 0 : i32
      %dma_start3A_929 = tpu.memref_slice %arg10[%add3A_927, %dma_start3A_928] : memref<49x128xi32, #tpu.memory_space<vmem>> -> memref<1x128xi32, #tpu.memory_space<vmem>>
      %dma_start3A_930 = tpu.memref_squeeze %dma_start3A_929 : memref<1x128xi32, #tpu.memory_space<vmem>> -> memref<128xi32, #tpu.memory_space<vmem>>
      %dma_start3A_931 = arith.constant 0 : i32
      %dma_start3A_932 = arith.constant 0 : i32
      %dma_start3A_933 = tpu.memref_slice %arg5[%dma_start3A_931, %dma_start3A_932] : memref<100000x128xf32, #tpu.memory_space<hbm>> -> memref<100000x128xf32, #tpu.memory_space<hbm>>
      tpu.enqueue_indirect_dma source(%dma_start3A_933 : memref<100000x128xf32, #tpu.memory_space<hbm>>) target(%arg12 : memref<128x128xf32, #tpu.memory_space<vmem>>) offsets(%dma_start3A_930 : memref<128xi32, #tpu.memory_space<vmem>>) semaphore(%arg16 : memref<!tpu.dma_semaphore, #tpu.memory_space<semaphore_mem>>)
      %mul3A_934 = arith.constant 2 : i32
      %mul3A_935 = arith.muli %mul3A_934, %while3A_923 : i32
      %dma_wait3A_936 = arith.constant 0 : i32
      %dma_wait3A_937 = tpu.memref_slice %arg10[%mul3A_935, %dma_wait3A_936] : memref<49x128xi32, #tpu.memory_space<vmem>> -> memref<1x128xi32, #tpu.memory_space<vmem>>
      %dma_wait3A_938 = tpu.memref_squeeze %dma_wait3A_937 : memref<1x128xi32, #tpu.memory_space<vmem>> -> memref<128xi32, #tpu.memory_space<vmem>>
      %dma_wait3A_939 = arith.constant 0 : i32
      %dma_wait3A_940 = arith.constant 0 : i32
      %dma_wait3A_941 = tpu.memref_slice %arg5[%dma_wait3A_939, %dma_wait3A_940] : memref<100000x128xf32, #tpu.memory_space<hbm>> -> memref<100000x128xf32, #tpu.memory_space<hbm>>
      tpu.wait_indirect_dma semaphore(%arg15 : memref<!tpu.dma_semaphore, #tpu.memory_space<semaphore_mem>>) src(%dma_wait3A_941 : memref<100000x128xf32, #tpu.memory_space<hbm>>) dst(%arg11 : memref<128x128xf32, #tpu.memory_space<vmem>>)
      %mul3A_942 = arith.constant 2 : i32
      %mul3A_943 = arith.muli %mul3A_942, %while3A_923 : i32
      "tpu.region"() ({
        %run_scoped3A = tpu.sem_alloc : memref<!tpu.dma_semaphore, #tpu.memory_space<semaphore_mem>>
        %dma_start3A_966 = arith.constant 0 : i32
        %dma_start3A_967 = tpu.memref_slice %arg9[%mul3A_943, %dma_start3A_966] : memref<49x128xi32, #tpu.memory_space<vmem>> -> memref<1x128xi32, #tpu.memory_space<vmem>>
        %dma_start3A_968 = tpu.memref_squeeze %dma_start3A_967 : memref<1x128xi32, #tpu.memory_space<vmem>> -> memref<128xi32, #tpu.memory_space<vmem>>
        %dma_start3A_969 = arith.constant 0 : i32
        %dma_start3A_970 = arith.constant 0 : i32
        %dma_start3A_971 = tpu.memref_slice %arg13[%dma_start3A_969, %dma_start3A_970] : memref<8848x128xf32, #tpu.memory_space<vmem_shared>> -> memref<8848x128xf32, #tpu.memory_space<vmem_shared>>
        tpu.enqueue_indirect_dma source(%arg11 : memref<128x128xf32, #tpu.memory_space<vmem>>) target(%dma_start3A_971 : memref<8848x128xf32, #tpu.memory_space<vmem_shared>>) offsets(%dma_start3A_968 : memref<128xi32, #tpu.memory_space<vmem>>) semaphore(%run_scoped3A : memref<!tpu.dma_semaphore, #tpu.memory_space<semaphore_mem>>) {add = true}
        %dma_wait3A_972 = arith.constant 0 : i32
        %dma_wait3A_973 = tpu.memref_slice %arg9[%mul3A_943, %dma_wait3A_972] : memref<49x128xi32, #tpu.memory_space<vmem>> -> memref<1x128xi32, #tpu.memory_space<vmem>>
        %dma_wait3A_974 = tpu.memref_squeeze %dma_wait3A_973 : memref<1x128xi32, #tpu.memory_space<vmem>> -> memref<128xi32, #tpu.memory_space<vmem>>
        %dma_wait3A_975 = arith.constant 0 : i32
        %dma_wait3A_976 = arith.constant 0 : i32
        %dma_wait3A_977 = tpu.memref_slice %arg13[%dma_wait3A_975, %dma_wait3A_976] : memref<8848x128xf32, #tpu.memory_space<vmem_shared>> -> memref<8848x128xf32, #tpu.memory_space<vmem_shared>>
        tpu.wait_indirect_dma semaphore(%run_scoped3A : memref<!tpu.dma_semaphore, #tpu.memory_space<semaphore_mem>>) src(%arg11 : memref<128x128xf32, #tpu.memory_space<vmem>>) dst(%dma_wait3A_977 : memref<8848x128xf32, #tpu.memory_space<vmem_shared>>)
        tpu.yield
      }) : () -> ()
      %mul3A_944 = arith.constant 2 : i32
      %mul3A_945 = arith.muli %mul3A_944, %while3A_923 : i32
      %add3A_946 = arith.constant 2 : i32
      %add3A_947 = arith.addi %mul3A_945, %add3A_946 : i32
      %lt3A_948 = arith.cmpi slt, %add3A_947, %shift_right_logical3A_419 : i32
      %convert_element_type3A_949 = arith.extui %lt3A_948 : i1 to i32
      %cond3A_950 = arith.constant 0 : i32
      %cond3A_951 = arith.cmpi ne, %convert_element_type3A_949, %cond3A_950 : i32
      scf.if %cond3A_951 {
        %mul3A_966 = arith.constant 2 : i32
        %mul3A_967 = arith.muli %mul3A_966, %while3A_923 : i32
        %add3A_968 = arith.constant 2 : i32
        %add3A_969 = arith.addi %mul3A_967, %add3A_968 : i32
        %dma_start3A_970 = arith.constant 0 : i32
        %dma_start3A_971 = tpu.memref_slice %arg10[%add3A_969, %dma_start3A_970] : memref<49x128xi32, #tpu.memory_space<vmem>> -> memref<1x128xi32, #tpu.memory_space<vmem>>
        %dma_start3A_972 = tpu.memref_squeeze %dma_start3A_971 : memref<1x128xi32, #tpu.memory_space<vmem>> -> memref<128xi32, #tpu.memory_space<vmem>>
        %dma_start3A_973 = arith.constant 0 : i32
        %dma_start3A_974 = arith.constant 0 : i32
        %dma_start3A_975 = tpu.memref_slice %arg5[%dma_start3A_973, %dma_start3A_974] : memref<100000x128xf32, #tpu.memory_space<hbm>> -> memref<100000x128xf32, #tpu.memory_space<hbm>>
        tpu.enqueue_indirect_dma source(%dma_start3A_975 : memref<100000x128xf32, #tpu.memory_space<hbm>>) target(%arg11 : memref<128x128xf32, #tpu.memory_space<vmem>>) offsets(%dma_start3A_972 : memref<128xi32, #tpu.memory_space<vmem>>) semaphore(%arg15 : memref<!tpu.dma_semaphore, #tpu.memory_space<semaphore_mem>>)
      } else {
      }
      %mul3A_952 = arith.constant 2 : i32
      %mul3A_953 = arith.muli %mul3A_952, %while3A_923 : i32
      %add3A_954 = arith.constant 1 : i32
      %add3A_955 = arith.addi %mul3A_953, %add3A_954 : i32
      %dma_wait3A_956 = arith.constant 0 : i32
      %dma_wait3A_957 = tpu.memref_slice %arg10[%add3A_955, %dma_wait3A_956] : memref<49x128xi32, #tpu.memory_space<vmem>> -> memref<1x128xi32, #tpu.memory_space<vmem>>
      %dma_wait3A_958 = tpu.memref_squeeze %dma_wait3A_957 : memref<1x128xi32, #tpu.memory_space<vmem>> -> memref<128xi32, #tpu.memory_space<vmem>>
      %dma_wait3A_959 = arith.constant 0 : i32
      %dma_wait3A_960 = arith.constant 0 : i32
      %dma_wait3A_961 = tpu.memref_slice %arg5[%dma_wait3A_959, %dma_wait3A_960] : memref<100000x128xf32, #tpu.memory_space<hbm>> -> memref<100000x128xf32, #tpu.memory_space<hbm>>
      tpu.wait_indirect_dma semaphore(%arg16 : memref<!tpu.dma_semaphore, #tpu.memory_space<semaphore_mem>>) src(%dma_wait3A_961 : memref<100000x128xf32, #tpu.memory_space<hbm>>) dst(%arg12 : memref<128x128xf32, #tpu.memory_space<vmem>>)
      %mul3A_962 = arith.constant 2 : i32
      %mul3A_963 = arith.muli %mul3A_962, %while3A_923 : i32
      %add3A_964 = arith.constant 1 : i32
      %add3A_965 = arith.addi %mul3A_963, %add3A_964 : i32
      "tpu.region"() ({
        %run_scoped3A = tpu.sem_alloc : memref<!tpu.dma_semaphore, #tpu.memory_space<semaphore_mem>>
        %dma_start3A_966 = arith.constant 0 : i32
        %dma_start3A_967 = tpu.memref_slice %arg9[%add3A_965, %dma_start3A_966] : memref<49x128xi32, #tpu.memory_space<vmem>> -> memref<1x128xi32, #tpu.memory_space<vmem>>
        %dma_start3A_968 = tpu.memref_squeeze %dma_start3A_967 : memref<1x128xi32, #tpu.memory_space<vmem>> -> memref<128xi32, #tpu.memory_space<vmem>>
        %dma_start3A_969 = arith.constant 0 : i32
        %dma_start3A_970 = arith.constant 0 : i32
        %dma_start3A_971 = tpu.memref_slice %arg13[%dma_start3A_969, %dma_start3A_970] : memref<8848x128xf32, #tpu.memory_space<vmem_shared>> -> memref<8848x128xf32, #tpu.memory_space<vmem_shared>>
        tpu.enqueue_indirect_dma source(%arg12 : memref<128x128xf32, #tpu.memory_space<vmem>>) target(%dma_start3A_971 : memref<8848x128xf32, #tpu.memory_space<vmem_shared>>) offsets(%dma_start3A_968 : memref<128xi32, #tpu.memory_space<vmem>>) semaphore(%run_scoped3A : memref<!tpu.dma_semaphore, #tpu.memory_space<semaphore_mem>>) {add = true}
        %dma_wait3A_972 = arith.constant 0 : i32
        %dma_wait3A_973 = tpu.memref_slice %arg9[%add3A_965, %dma_wait3A_972] : memref<49x128xi32, #tpu.memory_space<vmem>> -> memref<1x128xi32, #tpu.memory_space<vmem>>
        %dma_wait3A_974 = tpu.memref_squeeze %dma_wait3A_973 : memref<1x128xi32, #tpu.memory_space<vmem>> -> memref<128xi32, #tpu.memory_space<vmem>>
        %dma_wait3A_975 = arith.constant 0 : i32
        %dma_wait3A_976 = arith.constant 0 : i32
        %dma_wait3A_977 = tpu.memref_slice %arg13[%dma_wait3A_975, %dma_wait3A_976] : memref<8848x128xf32, #tpu.memory_space<vmem_shared>> -> memref<8848x128xf32, #tpu.memory_space<vmem_shared>>
        tpu.wait_indirect_dma semaphore(%run_scoped3A : memref<!tpu.dma_semaphore, #tpu.memory_space<semaphore_mem>>) src(%arg12 : memref<128x128xf32, #tpu.memory_space<vmem>>) dst(%dma_wait3A_977 : memref<8848x128xf32, #tpu.memory_space<vmem_shared>>)
        tpu.yield
      }) : () -> ()
    }
    %mul3A_437 = arith.constant 2 : i32
    %mul3A_438 = arith.muli %mul3A_437, %shift_right_logical3A_421 : i32
    %gt3A_439 = arith.cmpi sgt, %shift_right_logical3A_419, %mul3A_438 : i32
    %convert_element_type3A_440 = arith.extui %gt3A_439 : i1 to i32
    %cond3A_441 = arith.constant 0 : i32
    %cond3A_442 = arith.cmpi ne, %convert_element_type3A_440, %cond3A_441 : i32
    scf.if %cond3A_442 {
      %sub3A = arith.constant 1 : i32
      %sub3A_923 = arith.subi %shift_right_logical3A_419, %sub3A : i32
      %dma_wait3A_924 = arith.constant 0 : i32
      %dma_wait3A_925 = tpu.memref_slice %arg10[%sub3A_923, %dma_wait3A_924] : memref<49x128xi32, #tpu.memory_space<vmem>> -> memref<1x128xi32, #tpu.memory_space<vmem>>
      %dma_wait3A_926 = tpu.memref_squeeze %dma_wait3A_925 : memref<1x128xi32, #tpu.memory_space<vmem>> -> memref<128xi32, #tpu.memory_space<vmem>>
      %dma_wait3A_927 = arith.constant 0 : i32
      %dma_wait3A_928 = arith.constant 0 : i32
      %dma_wait3A_929 = tpu.memref_slice %arg5[%dma_wait3A_927, %dma_wait3A_928] : memref<100000x128xf32, #tpu.memory_space<hbm>> -> memref<100000x128xf32, #tpu.memory_space<hbm>>
      tpu.wait_indirect_dma semaphore(%arg15 : memref<!tpu.dma_semaphore, #tpu.memory_space<semaphore_mem>>) src(%dma_wait3A_929 : memref<100000x128xf32, #tpu.memory_space<hbm>>) dst(%arg11 : memref<128x128xf32, #tpu.memory_space<vmem>>)
      %sub3A_930 = arith.constant 1 : i32
      %sub3A_931 = arith.subi %shift_right_logical3A_419, %sub3A_930 : i32
      "tpu.region"() ({
        %run_scoped3A = tpu.sem_alloc : memref<!tpu.dma_semaphore, #tpu.memory_space<semaphore_mem>>
        %dma_start3A_932 = arith.constant 0 : i32
        %dma_start3A_933 = tpu.memref_slice %arg9[%sub3A_931, %dma_start3A_932] : memref<49x128xi32, #tpu.memory_space<vmem>> -> memref<1x128xi32, #tpu.memory_space<vmem>>
        %dma_start3A_934 = tpu.memref_squeeze %dma_start3A_933 : memref<1x128xi32, #tpu.memory_space<vmem>> -> memref<128xi32, #tpu.memory_space<vmem>>
        %dma_start3A_935 = arith.constant 0 : i32
        %dma_start3A_936 = arith.constant 0 : i32
        %dma_start3A_937 = tpu.memref_slice %arg13[%dma_start3A_935, %dma_start3A_936] : memref<8848x128xf32, #tpu.memory_space<vmem_shared>> -> memref<8848x128xf32, #tpu.memory_space<vmem_shared>>
        tpu.enqueue_indirect_dma source(%arg11 : memref<128x128xf32, #tpu.memory_space<vmem>>) target(%dma_start3A_937 : memref<8848x128xf32, #tpu.memory_space<vmem_shared>>) offsets(%dma_start3A_934 : memref<128xi32, #tpu.memory_space<vmem>>) semaphore(%run_scoped3A : memref<!tpu.dma_semaphore, #tpu.memory_space<semaphore_mem>>) {add = true}
        %dma_wait3A_938 = arith.constant 0 : i32
        %dma_wait3A_939 = tpu.memref_slice %arg9[%sub3A_931, %dma_wait3A_938] : memref<49x128xi32, #tpu.memory_space<vmem>> -> memref<1x128xi32, #tpu.memory_space<vmem>>
        %dma_wait3A_940 = tpu.memref_squeeze %dma_wait3A_939 : memref<1x128xi32, #tpu.memory_space<vmem>> -> memref<128xi32, #tpu.memory_space<vmem>>
        %dma_wait3A_941 = arith.constant 0 : i32
        %dma_wait3A_942 = arith.constant 0 : i32
        %dma_wait3A_943 = tpu.memref_slice %arg13[%dma_wait3A_941, %dma_wait3A_942] : memref<8848x128xf32, #tpu.memory_space<vmem_shared>> -> memref<8848x128xf32, #tpu.memory_space<vmem_shared>>
        tpu.wait_indirect_dma semaphore(%run_scoped3A : memref<!tpu.dma_semaphore, #tpu.memory_space<semaphore_mem>>) src(%arg11 : memref<128x128xf32, #tpu.memory_space<vmem>>) dst(%dma_wait3A_943 : memref<8848x128xf32, #tpu.memory_space<vmem_shared>>)
        tpu.yield
      }) : () -> ()
    } else {
    }
    %barrier3A_443 = arith.constant 0 : index
    tpu.barrier barrier_id(%barrier3A_443)
    %mul3A_444 = arith.constant 552 : i32
    %mul3A_445 = arith.muli %arg1, %mul3A_444 : i32
    %mul3A_446 = arith.constant 552 : i32
    %mul3A_447 = arith.muli %arg1, %mul3A_446 : i32
    %add3A_448 = arith.addi %mul3A_299, %mul3A_447 : i32
    "tpu.region"() ({
      %run_scoped3A = tpu.sem_alloc : memref<!tpu.dma_semaphore, #tpu.memory_space<semaphore_mem>>
      %dma_start3A_923 = arith.constant 0 : i32
      %dma_start3A_924 = tpu.memref_slice %arg6[%add3A_448, %dma_start3A_923] : memref<100000x128xf32, #tpu.memory_space<hbm>> -> memref<552x128xf32, #tpu.memory_space<hbm>>
      %dma_start3A_925 = arith.constant 0 : i32
      %dma_start3A_926 = tpu.memref_slice %arg13[%mul3A_445, %dma_start3A_925] : memref<8848x128xf32, #tpu.memory_space<vmem_shared>> -> memref<552x128xf32, #tpu.memory_space<vmem_shared>>
      tpu.enqueue_dma source(%dma_start3A_926 : memref<552x128xf32, #tpu.memory_space<vmem_shared>>) target(%dma_start3A_924 : memref<552x128xf32, #tpu.memory_space<hbm>>) target_semaphore(%run_scoped3A : memref<!tpu.dma_semaphore, #tpu.memory_space<semaphore_mem>>)
      %dma_wait3A_927 = arith.constant 0 : i32
      %dma_wait3A_928 = tpu.memref_slice %arg6[%add3A_448, %dma_wait3A_927] : memref<100000x128xf32, #tpu.memory_space<hbm>> -> memref<552x128xf32, #tpu.memory_space<hbm>>
      %dma_wait3A_929 = arith.constant 0 : i32
      %dma_wait3A_930 = tpu.memref_slice %arg13[%mul3A_445, %dma_wait3A_929] : memref<8848x128xf32, #tpu.memory_space<vmem_shared>> -> memref<552x128xf32, #tpu.memory_space<vmem_shared>>
      tpu.wait_dma2 semaphore(%run_scoped3A : memref<!tpu.dma_semaphore, #tpu.memory_space<semaphore_mem>>) src(%dma_wait3A_930 : memref<552x128xf32, #tpu.memory_space<vmem_shared>>) dst(%dma_wait3A_928 : memref<552x128xf32, #tpu.memory_space<hbm>>)
      tpu.yield
    }) : () -> ()
    %add3A_449 = arith.constant 6 : i32
    %add3A_450 = arith.addi %add3A_449, %arg0 : i32
    %mul3A_451 = arith.constant 8832 : i32
    %mul3A_452 = arith.muli %add3A_450, %mul3A_451 : i32
    %add3A_453 = arith.constant 8832 : i32
    %add3A_454 = arith.addi %mul3A_452, %add3A_453 : i32
    %mul3A_455 = arith.constant 552 : i32
    %mul3A_456 = arith.muli %arg1, %mul3A_455 : i32
    %dma_start3A_457 = arith.constant 0 : i32
    %dma_start3A_458 = tpu.memref_slice %arg13[%mul3A_456, %dma_start3A_457] : memref<8848x128xf32, #tpu.memory_space<vmem_shared>> -> memref<552x128xf32, #tpu.memory_space<vmem_shared>>
    tpu.enqueue_dma source(%arg4 : memref<552x128xf32, #tpu.memory_space<hbm>>) target(%dma_start3A_458 : memref<552x128xf32, #tpu.memory_space<vmem_shared>>) target_semaphore(%arg14 : memref<!tpu.dma_semaphore, #tpu.memory_space<semaphore_mem>>)
    %scan3A_459 = arith.constant 0 : i32
    %scan3A_460 = arith.constant 0 : i32
    %scan3A_461 = arith.constant 391 : i32
    %scan3A_462 = arith.addi %scan3A_460, %scan3A_461 : i32
    %scan3A_463 = arith.constant 1 : i32
    %scan3A_464 = scf.for %scan3A_923 = %scan3A_460 to %scan3A_462 step %scan3A_463 iter_args(%scan3A_924 = %scan3A_459) -> (i32)  : i32 {
      %mul3A_925 = arith.constant 16 : i32
      %mul3A_926 = arith.muli %scan3A_923, %mul3A_925 : i32
      %get3A = arith.index_cast %mul3A_926 : i32 to index
      %get3A_927 = tpu.vector_load %arg7[%get3A] {strides = array<i32>} : memref<6256xi32, #tpu.memory_space<vmem>>, vector<16xi32>,
      %mul3A_928 = arith.constant 16 : i32
      %mul3A_929 = arith.muli %scan3A_923, %mul3A_928 : i32
      %get3A_930 = arith.index_cast %mul3A_929 : i32 to index
      %get3A_931 = tpu.vector_load %arg8[%get3A_930] {strides = array<i32>} : memref<6256xi32, #tpu.memory_space<vmem>>, vector<16xi32>,
      %ge3A = vector.broadcast %mul3A_452 : i32 to vector<16xi32>
      %ge3A_932 = arith.cmpi sge, %get3A_927, %ge3A : vector<16xi32>
      %lt3A_933 = vector.broadcast %add3A_454 : i32 to vector<16xi32>
      %lt3A_934 = arith.cmpi slt, %get3A_927, %lt3A_933 : vector<16xi32>
      %and3A_935 = arith.andi %ge3A_932, %lt3A_934 : vector<16xi1>
      %convert_element_type3A_936 = arith.extui %and3A_935 : vector<16xi1> to vector<16xi32>
      %broadcast_in_dim3A = arith.constant true
      %broadcast_in_dim3A_937 = vector.broadcast %broadcast_in_dim3A : i1 to vector<16xi1>
      %masked_cumsum3A = tpu.scan <sum>, %convert_element_type3A_936 masked %broadcast_in_dim3A_937 : vector<16xi32>, vector<16xi1> -> vector<16xi32>
      %add3A_938 = vector.broadcast %scan3A_924 : i32 to vector<16xi32>
      %add3A_939 = arith.addi %add3A_938, %masked_cumsum3A : vector<16xi32>
      %sub3A = arith.constant 1 : i32
      %sub3A_940 = vector.broadcast %sub3A : i32 to vector<16xi32>
      %sub3A_941 = arith.subi %add3A_939, %sub3A_940 : vector<16xi32>
      %max3A = arith.constant 0 : i32
      %max3A_942 = vector.broadcast %max3A : i32 to vector<16xi32>
      %max3A_943 = arith.maxsi %sub3A_941, %max3A_942 : vector<16xi32>
      %shift_right_logical3A_944 = arith.constant 7 : i32
      %shift_right_logical3A_945 = vector.broadcast %shift_right_logical3A_944 : i32 to vector<16xi32>
      %shift_right_logical3A_946 = arith.shrui %max3A_943, %shift_right_logical3A_945 : vector<16xi32>
      %and3A_947 = arith.constant 127 : i32
      %and3A_948 = vector.broadcast %and3A_947 : i32 to vector<16xi32>
      %and3A_949 = arith.andi %max3A_943, %and3A_948 : vector<16xi32>
      %sub3A_950 = vector.broadcast %mul3A_452 : i32 to vector<16xi32>
      %sub3A_951 = arith.subi %get3A_927, %sub3A_950 : vector<16xi32>
      tpu.vector_store_idx %arg9[%shift_right_logical3A_946, %and3A_949], %sub3A_951 masked %and3A_935 : memref<49x128xi32, #tpu.memory_space<vmem>>[vector<16xi32>, vector<16xi32>], vector<16xi32>, vector<16xi1>
      tpu.vector_store_idx %arg10[%shift_right_logical3A_946, %and3A_949], %get3A_931 masked %and3A_935 : memref<49x128xi32, #tpu.memory_space<vmem>>[vector<16xi32>, vector<16xi32>], vector<16xi32>, vector<16xi1>
      %reduce_sum3A = arith.constant true
      %reduce_sum3A_952 = vector.broadcast %reduce_sum3A : i1 to vector<16xi1>
      %reduce_sum3A_953 = tpu.scan <sum>, %convert_element_type3A_936 masked %reduce_sum3A_952 : vector<16xi32>, vector<16xi1> -> vector<16xi32>
      %reduce_sum3A_954 = vector.extract %reduce_sum3A_953[15] : i32 from vector<16xi32>
      %add3A_955 = arith.addi %scan3A_924, %reduce_sum3A_954 : i32
      scf.yield %add3A_955 : i32
    }
    %scan3A_465 = arith.constant 391 : i32
    %add3A_466 = arith.constant 127 : i32
    %add3A_467 = arith.addi %scan3A_464, %add3A_466 : i32
    %and3A_468 = arith.constant -128 : i32
    %and3A_469 = arith.andi %add3A_467, %and3A_468 : i32
    %add3A_470 = arith.constant 0 : i32
    %add3A_471 = arith.addi %scan3A_464, %add3A_470 : i32
    %add3A_472 = vector.broadcast %add3A_471 : i32 to vector<16xi32>
    %add3A_473 = arith.addi %add3A_472, %iota3A : vector<16xi32>
    %lt3A_474 = vector.broadcast %and3A_469 : i32 to vector<16xi32>
    %lt3A_475 = arith.cmpi slt, %add3A_473, %lt3A_474 : vector<16xi32>
    %shift_right_logical3A_476 = arith.constant 7 : i32
    %shift_right_logical3A_477 = vector.broadcast %shift_right_logical3A_476 : i32 to vector<16xi32>
    %shift_right_logical3A_478 = arith.shrui %add3A_473, %shift_right_logical3A_477 : vector<16xi32>
    %and3A_479 = arith.constant 127 : i32
    %and3A_480 = vector.broadcast %and3A_479 : i32 to vector<16xi32>
    %and3A_481 = arith.andi %add3A_473, %and3A_480 : vector<16xi32>
    tpu.vector_store_idx %arg9[%shift_right_logical3A_478, %and3A_481], %add3A_1 masked %lt3A_475 : memref<49x128xi32, #tpu.memory_space<vmem>>[vector<16xi32>, vector<16xi32>], vector<16xi32>, vector<16xi1>
    tpu.vector_store_idx %arg10[%shift_right_logical3A_478, %and3A_481], %iota3A masked %lt3A_475 : memref<49x128xi32, #tpu.memory_space<vmem>>[vector<16xi32>, vector<16xi32>], vector<16xi32>, vector<16xi1>
    %add3A_482 = arith.constant 16 : i32
    %add3A_483 = arith.addi %scan3A_464, %add3A_482 : i32
    %add3A_484 = vector.broadcast %add3A_483 : i32 to vector<16xi32>
    %add3A_485 = arith.addi %add3A_484, %iota3A : vector<16xi32>
    %lt3A_486 = vector.broadcast %and3A_469 : i32 to vector<16xi32>
    %lt3A_487 = arith.cmpi slt, %add3A_485, %lt3A_486 : vector<16xi32>
    %shift_right_logical3A_488 = arith.constant 7 : i32
    %shift_right_logical3A_489 = vector.broadcast %shift_right_logical3A_488 : i32 to vector<16xi32>
    %shift_right_logical3A_490 = arith.shrui %add3A_485, %shift_right_logical3A_489 : vector<16xi32>
    %and3A_491 = arith.constant 127 : i32
    %and3A_492 = vector.broadcast %and3A_491 : i32 to vector<16xi32>
    %and3A_493 = arith.andi %add3A_485, %and3A_492 : vector<16xi32>
    tpu.vector_store_idx %arg9[%shift_right_logical3A_490, %and3A_493], %add3A_1 masked %lt3A_487 : memref<49x128xi32, #tpu.memory_space<vmem>>[vector<16xi32>, vector<16xi32>], vector<16xi32>, vector<16xi1>
    tpu.vector_store_idx %arg10[%shift_right_logical3A_490, %and3A_493], %iota3A masked %lt3A_487 : memref<49x128xi32, #tpu.memory_space<vmem>>[vector<16xi32>, vector<16xi32>], vector<16xi32>, vector<16xi1>
    %add3A_494 = arith.constant 32 : i32
    %add3A_495 = arith.addi %scan3A_464, %add3A_494 : i32
    %add3A_496 = vector.broadcast %add3A_495 : i32 to vector<16xi32>
    %add3A_497 = arith.addi %add3A_496, %iota3A : vector<16xi32>
    %lt3A_498 = vector.broadcast %and3A_469 : i32 to vector<16xi32>
    %lt3A_499 = arith.cmpi slt, %add3A_497, %lt3A_498 : vector<16xi32>
    %shift_right_logical3A_500 = arith.constant 7 : i32
    %shift_right_logical3A_501 = vector.broadcast %shift_right_logical3A_500 : i32 to vector<16xi32>
    %shift_right_logical3A_502 = arith.shrui %add3A_497, %shift_right_logical3A_501 : vector<16xi32>
    %and3A_503 = arith.constant 127 : i32
    %and3A_504 = vector.broadcast %and3A_503 : i32 to vector<16xi32>
    %and3A_505 = arith.andi %add3A_497, %and3A_504 : vector<16xi32>
    tpu.vector_store_idx %arg9[%shift_right_logical3A_502, %and3A_505], %add3A_1 masked %lt3A_499 : memref<49x128xi32, #tpu.memory_space<vmem>>[vector<16xi32>, vector<16xi32>], vector<16xi32>, vector<16xi1>
    tpu.vector_store_idx %arg10[%shift_right_logical3A_502, %and3A_505], %iota3A masked %lt3A_499 : memref<49x128xi32, #tpu.memory_space<vmem>>[vector<16xi32>, vector<16xi32>], vector<16xi32>, vector<16xi1>
    %add3A_506 = arith.constant 48 : i32
    %add3A_507 = arith.addi %scan3A_464, %add3A_506 : i32
    %add3A_508 = vector.broadcast %add3A_507 : i32 to vector<16xi32>
    %add3A_509 = arith.addi %add3A_508, %iota3A : vector<16xi32>
    %lt3A_510 = vector.broadcast %and3A_469 : i32 to vector<16xi32>
    %lt3A_511 = arith.cmpi slt, %add3A_509, %lt3A_510 : vector<16xi32>
    %shift_right_logical3A_512 = arith.constant 7 : i32
    %shift_right_logical3A_513 = vector.broadcast %shift_right_logical3A_512 : i32 to vector<16xi32>
    %shift_right_logical3A_514 = arith.shrui %add3A_509, %shift_right_logical3A_513 : vector<16xi32>
    %and3A_515 = arith.constant 127 : i32
    %and3A_516 = vector.broadcast %and3A_515 : i32 to vector<16xi32>
    %and3A_517 = arith.andi %add3A_509, %and3A_516 : vector<16xi32>
    tpu.vector_store_idx %arg9[%shift_right_logical3A_514, %and3A_517], %add3A_1 masked %lt3A_511 : memref<49x128xi32, #tpu.memory_space<vmem>>[vector<16xi32>, vector<16xi32>], vector<16xi32>, vector<16xi1>
    tpu.vector_store_idx %arg10[%shift_right_logical3A_514, %and3A_517], %iota3A masked %lt3A_511 : memref<49x128xi32, #tpu.memory_space<vmem>>[vector<16xi32>, vector<16xi32>], vector<16xi32>, vector<16xi1>
    %add3A_518 = arith.constant 64 : i32
    %add3A_519 = arith.addi %scan3A_464, %add3A_518 : i32
    %add3A_520 = vector.broadcast %add3A_519 : i32 to vector<16xi32>
    %add3A_521 = arith.addi %add3A_520, %iota3A : vector<16xi32>
    %lt3A_522 = vector.broadcast %and3A_469 : i32 to vector<16xi32>
    %lt3A_523 = arith.cmpi slt, %add3A_521, %lt3A_522 : vector<16xi32>
    %shift_right_logical3A_524 = arith.constant 7 : i32
    %shift_right_logical3A_525 = vector.broadcast %shift_right_logical3A_524 : i32 to vector<16xi32>
    %shift_right_logical3A_526 = arith.shrui %add3A_521, %shift_right_logical3A_525 : vector<16xi32>
    %and3A_527 = arith.constant 127 : i32
    %and3A_528 = vector.broadcast %and3A_527 : i32 to vector<16xi32>
    %and3A_529 = arith.andi %add3A_521, %and3A_528 : vector<16xi32>
    tpu.vector_store_idx %arg9[%shift_right_logical3A_526, %and3A_529], %add3A_1 masked %lt3A_523 : memref<49x128xi32, #tpu.memory_space<vmem>>[vector<16xi32>, vector<16xi32>], vector<16xi32>, vector<16xi1>
    tpu.vector_store_idx %arg10[%shift_right_logical3A_526, %and3A_529], %iota3A masked %lt3A_523 : memref<49x128xi32, #tpu.memory_space<vmem>>[vector<16xi32>, vector<16xi32>], vector<16xi32>, vector<16xi1>
    %add3A_530 = arith.constant 80 : i32
    %add3A_531 = arith.addi %scan3A_464, %add3A_530 : i32
    %add3A_532 = vector.broadcast %add3A_531 : i32 to vector<16xi32>
    %add3A_533 = arith.addi %add3A_532, %iota3A : vector<16xi32>
    %lt3A_534 = vector.broadcast %and3A_469 : i32 to vector<16xi32>
    %lt3A_535 = arith.cmpi slt, %add3A_533, %lt3A_534 : vector<16xi32>
    %shift_right_logical3A_536 = arith.constant 7 : i32
    %shift_right_logical3A_537 = vector.broadcast %shift_right_logical3A_536 : i32 to vector<16xi32>
    %shift_right_logical3A_538 = arith.shrui %add3A_533, %shift_right_logical3A_537 : vector<16xi32>
    %and3A_539 = arith.constant 127 : i32
    %and3A_540 = vector.broadcast %and3A_539 : i32 to vector<16xi32>
    %and3A_541 = arith.andi %add3A_533, %and3A_540 : vector<16xi32>
    tpu.vector_store_idx %arg9[%shift_right_logical3A_538, %and3A_541], %add3A_1 masked %lt3A_535 : memref<49x128xi32, #tpu.memory_space<vmem>>[vector<16xi32>, vector<16xi32>], vector<16xi32>, vector<16xi1>
    tpu.vector_store_idx %arg10[%shift_right_logical3A_538, %and3A_541], %iota3A masked %lt3A_535 : memref<49x128xi32, #tpu.memory_space<vmem>>[vector<16xi32>, vector<16xi32>], vector<16xi32>, vector<16xi1>
    %add3A_542 = arith.constant 96 : i32
    %add3A_543 = arith.addi %scan3A_464, %add3A_542 : i32
    %add3A_544 = vector.broadcast %add3A_543 : i32 to vector<16xi32>
    %add3A_545 = arith.addi %add3A_544, %iota3A : vector<16xi32>
    %lt3A_546 = vector.broadcast %and3A_469 : i32 to vector<16xi32>
    %lt3A_547 = arith.cmpi slt, %add3A_545, %lt3A_546 : vector<16xi32>
    %shift_right_logical3A_548 = arith.constant 7 : i32
    %shift_right_logical3A_549 = vector.broadcast %shift_right_logical3A_548 : i32 to vector<16xi32>
    %shift_right_logical3A_550 = arith.shrui %add3A_545, %shift_right_logical3A_549 : vector<16xi32>
    %and3A_551 = arith.constant 127 : i32
    %and3A_552 = vector.broadcast %and3A_551 : i32 to vector<16xi32>
    %and3A_553 = arith.andi %add3A_545, %and3A_552 : vector<16xi32>
    tpu.vector_store_idx %arg9[%shift_right_logical3A_550, %and3A_553], %add3A_1 masked %lt3A_547 : memref<49x128xi32, #tpu.memory_space<vmem>>[vector<16xi32>, vector<16xi32>], vector<16xi32>, vector<16xi1>
    tpu.vector_store_idx %arg10[%shift_right_logical3A_550, %and3A_553], %iota3A masked %lt3A_547 : memref<49x128xi32, #tpu.memory_space<vmem>>[vector<16xi32>, vector<16xi32>], vector<16xi32>, vector<16xi1>
    %add3A_554 = arith.constant 112 : i32
    %add3A_555 = arith.addi %scan3A_464, %add3A_554 : i32
    %add3A_556 = vector.broadcast %add3A_555 : i32 to vector<16xi32>
    %add3A_557 = arith.addi %add3A_556, %iota3A : vector<16xi32>
    %lt3A_558 = vector.broadcast %and3A_469 : i32 to vector<16xi32>
    %lt3A_559 = arith.cmpi slt, %add3A_557, %lt3A_558 : vector<16xi32>
    %shift_right_logical3A_560 = arith.constant 7 : i32
    %shift_right_logical3A_561 = vector.broadcast %shift_right_logical3A_560 : i32 to vector<16xi32>
    %shift_right_logical3A_562 = arith.shrui %add3A_557, %shift_right_logical3A_561 : vector<16xi32>
    %and3A_563 = arith.constant 127 : i32
    %and3A_564 = vector.broadcast %and3A_563 : i32 to vector<16xi32>
    %and3A_565 = arith.andi %add3A_557, %and3A_564 : vector<16xi32>
    tpu.vector_store_idx %arg9[%shift_right_logical3A_562, %and3A_565], %add3A_1 masked %lt3A_559 : memref<49x128xi32, #tpu.memory_space<vmem>>[vector<16xi32>, vector<16xi32>], vector<16xi32>, vector<16xi1>
    tpu.vector_store_idx %arg10[%shift_right_logical3A_562, %and3A_565], %iota3A masked %lt3A_559 : memref<49x128xi32, #tpu.memory_space<vmem>>[vector<16xi32>, vector<16xi32>], vector<16xi32>, vector<16xi1>
    %mul3A_566 = arith.constant 552 : i32
    %mul3A_567 = arith.muli %arg1, %mul3A_566 : i32
    %dma_wait3A_568 = arith.constant 0 : i32
    %dma_wait3A_569 = tpu.memref_slice %arg13[%mul3A_567, %dma_wait3A_568] : memref<8848x128xf32, #tpu.memory_space<vmem_shared>> -> memref<552x128xf32, #tpu.memory_space<vmem_shared>>
    tpu.wait_dma2 semaphore(%arg14 : memref<!tpu.dma_semaphore, #tpu.memory_space<semaphore_mem>>) src(%arg4 : memref<552x128xf32, #tpu.memory_space<hbm>>) dst(%dma_wait3A_569 : memref<552x128xf32, #tpu.memory_space<vmem_shared>>)
    %barrier3A_570 = arith.constant 0 : index
    tpu.barrier barrier_id(%barrier3A_570)
    %shift_right_logical3A_571 = arith.constant 7 : i32
    %shift_right_logical3A_572 = arith.shrui %and3A_469, %shift_right_logical3A_571 : i32
    %shift_right_logical3A_573 = arith.constant 8 : i32
    %shift_right_logical3A_574 = arith.shrui %and3A_469, %shift_right_logical3A_573 : i32
    %gt3A_575 = arith.constant 0 : i32
    %gt3A_576 = arith.cmpi sgt, %shift_right_logical3A_572, %gt3A_575 : i32
    %convert_element_type3A_577 = arith.extui %gt3A_576 : i1 to i32
    %cond3A_578 = arith.constant 0 : i32
    %cond3A_579 = arith.cmpi ne, %convert_element_type3A_577, %cond3A_578 : i32
    scf.if %cond3A_579 {
      %dma_start3A_923 = arith.constant 0 : i32
      %dma_start3A_924 = arith.constant 0 : i32
      %dma_start3A_925 = tpu.memref_slice %arg10[%dma_start3A_923, %dma_start3A_924] : memref<49x128xi32, #tpu.memory_space<vmem>> -> memref<1x128xi32, #tpu.memory_space<vmem>>
      %dma_start3A_926 = tpu.memref_squeeze %dma_start3A_925 : memref<1x128xi32, #tpu.memory_space<vmem>> -> memref<128xi32, #tpu.memory_space<vmem>>
      %dma_start3A_927 = arith.constant 0 : i32
      %dma_start3A_928 = arith.constant 0 : i32
      %dma_start3A_929 = tpu.memref_slice %arg5[%dma_start3A_927, %dma_start3A_928] : memref<100000x128xf32, #tpu.memory_space<hbm>> -> memref<100000x128xf32, #tpu.memory_space<hbm>>
      tpu.enqueue_indirect_dma source(%dma_start3A_929 : memref<100000x128xf32, #tpu.memory_space<hbm>>) target(%arg11 : memref<128x128xf32, #tpu.memory_space<vmem>>) offsets(%dma_start3A_926 : memref<128xi32, #tpu.memory_space<vmem>>) semaphore(%arg15 : memref<!tpu.dma_semaphore, #tpu.memory_space<semaphore_mem>>)
    } else {
    }
    %while3A_580 = arith.constant 0 : i32
    %while3A_581 = arith.constant 0 : i32
    %while3A_582 = arith.subi %shift_right_logical3A_574, %while3A_581 : i32
    %while3A_583 = arith.addi %while3A_581, %while3A_582 : i32
    %while3A_584 = arith.constant 1 : i32
    %while3A_585 = arith.divsi %while3A_582, %while3A_584 : i32
    %while3A_586 = arith.muli %while3A_585, %while3A_584 : i32
    %while3A_587 = arith.addi %while3A_581, %while3A_586 : i32
    %while3A_588 = arith.constant 1 : i32
    scf.for %while3A_923 = %while3A_581 to %while3A_587 step %while3A_588  : i32 {
      %mul3A_924 = arith.constant 2 : i32
      %mul3A_925 = arith.muli %mul3A_924, %while3A_923 : i32
      %add3A_926 = arith.constant 1 : i32
      %add3A_927 = arith.addi %mul3A_925, %add3A_926 : i32
      %dma_start3A_928 = arith.constant 0 : i32
      %dma_start3A_929 = tpu.memref_slice %arg10[%add3A_927, %dma_start3A_928] : memref<49x128xi32, #tpu.memory_space<vmem>> -> memref<1x128xi32, #tpu.memory_space<vmem>>
      %dma_start3A_930 = tpu.memref_squeeze %dma_start3A_929 : memref<1x128xi32, #tpu.memory_space<vmem>> -> memref<128xi32, #tpu.memory_space<vmem>>
      %dma_start3A_931 = arith.constant 0 : i32
      %dma_start3A_932 = arith.constant 0 : i32
      %dma_start3A_933 = tpu.memref_slice %arg5[%dma_start3A_931, %dma_start3A_932] : memref<100000x128xf32, #tpu.memory_space<hbm>> -> memref<100000x128xf32, #tpu.memory_space<hbm>>
      tpu.enqueue_indirect_dma source(%dma_start3A_933 : memref<100000x128xf32, #tpu.memory_space<hbm>>) target(%arg12 : memref<128x128xf32, #tpu.memory_space<vmem>>) offsets(%dma_start3A_930 : memref<128xi32, #tpu.memory_space<vmem>>) semaphore(%arg16 : memref<!tpu.dma_semaphore, #tpu.memory_space<semaphore_mem>>)
      %mul3A_934 = arith.constant 2 : i32
      %mul3A_935 = arith.muli %mul3A_934, %while3A_923 : i32
      %dma_wait3A_936 = arith.constant 0 : i32
      %dma_wait3A_937 = tpu.memref_slice %arg10[%mul3A_935, %dma_wait3A_936] : memref<49x128xi32, #tpu.memory_space<vmem>> -> memref<1x128xi32, #tpu.memory_space<vmem>>
      %dma_wait3A_938 = tpu.memref_squeeze %dma_wait3A_937 : memref<1x128xi32, #tpu.memory_space<vmem>> -> memref<128xi32, #tpu.memory_space<vmem>>
      %dma_wait3A_939 = arith.constant 0 : i32
      %dma_wait3A_940 = arith.constant 0 : i32
      %dma_wait3A_941 = tpu.memref_slice %arg5[%dma_wait3A_939, %dma_wait3A_940] : memref<100000x128xf32, #tpu.memory_space<hbm>> -> memref<100000x128xf32, #tpu.memory_space<hbm>>
      tpu.wait_indirect_dma semaphore(%arg15 : memref<!tpu.dma_semaphore, #tpu.memory_space<semaphore_mem>>) src(%dma_wait3A_941 : memref<100000x128xf32, #tpu.memory_space<hbm>>) dst(%arg11 : memref<128x128xf32, #tpu.memory_space<vmem>>)
      %mul3A_942 = arith.constant 2 : i32
      %mul3A_943 = arith.muli %mul3A_942, %while3A_923 : i32
      "tpu.region"() ({
        %run_scoped3A = tpu.sem_alloc : memref<!tpu.dma_semaphore, #tpu.memory_space<semaphore_mem>>
        %dma_start3A_966 = arith.constant 0 : i32
        %dma_start3A_967 = tpu.memref_slice %arg9[%mul3A_943, %dma_start3A_966] : memref<49x128xi32, #tpu.memory_space<vmem>> -> memref<1x128xi32, #tpu.memory_space<vmem>>
        %dma_start3A_968 = tpu.memref_squeeze %dma_start3A_967 : memref<1x128xi32, #tpu.memory_space<vmem>> -> memref<128xi32, #tpu.memory_space<vmem>>
        %dma_start3A_969 = arith.constant 0 : i32
        %dma_start3A_970 = arith.constant 0 : i32
        %dma_start3A_971 = tpu.memref_slice %arg13[%dma_start3A_969, %dma_start3A_970] : memref<8848x128xf32, #tpu.memory_space<vmem_shared>> -> memref<8848x128xf32, #tpu.memory_space<vmem_shared>>
        tpu.enqueue_indirect_dma source(%arg11 : memref<128x128xf32, #tpu.memory_space<vmem>>) target(%dma_start3A_971 : memref<8848x128xf32, #tpu.memory_space<vmem_shared>>) offsets(%dma_start3A_968 : memref<128xi32, #tpu.memory_space<vmem>>) semaphore(%run_scoped3A : memref<!tpu.dma_semaphore, #tpu.memory_space<semaphore_mem>>) {add = true}
        %dma_wait3A_972 = arith.constant 0 : i32
        %dma_wait3A_973 = tpu.memref_slice %arg9[%mul3A_943, %dma_wait3A_972] : memref<49x128xi32, #tpu.memory_space<vmem>> -> memref<1x128xi32, #tpu.memory_space<vmem>>
        %dma_wait3A_974 = tpu.memref_squeeze %dma_wait3A_973 : memref<1x128xi32, #tpu.memory_space<vmem>> -> memref<128xi32, #tpu.memory_space<vmem>>
        %dma_wait3A_975 = arith.constant 0 : i32
        %dma_wait3A_976 = arith.constant 0 : i32
        %dma_wait3A_977 = tpu.memref_slice %arg13[%dma_wait3A_975, %dma_wait3A_976] : memref<8848x128xf32, #tpu.memory_space<vmem_shared>> -> memref<8848x128xf32, #tpu.memory_space<vmem_shared>>
        tpu.wait_indirect_dma semaphore(%run_scoped3A : memref<!tpu.dma_semaphore, #tpu.memory_space<semaphore_mem>>) src(%arg11 : memref<128x128xf32, #tpu.memory_space<vmem>>) dst(%dma_wait3A_977 : memref<8848x128xf32, #tpu.memory_space<vmem_shared>>)
        tpu.yield
      }) : () -> ()
      %mul3A_944 = arith.constant 2 : i32
      %mul3A_945 = arith.muli %mul3A_944, %while3A_923 : i32
      %add3A_946 = arith.constant 2 : i32
      %add3A_947 = arith.addi %mul3A_945, %add3A_946 : i32
      %lt3A_948 = arith.cmpi slt, %add3A_947, %shift_right_logical3A_572 : i32
      %convert_element_type3A_949 = arith.extui %lt3A_948 : i1 to i32
      %cond3A_950 = arith.constant 0 : i32
      %cond3A_951 = arith.cmpi ne, %convert_element_type3A_949, %cond3A_950 : i32
      scf.if %cond3A_951 {
        %mul3A_966 = arith.constant 2 : i32
        %mul3A_967 = arith.muli %mul3A_966, %while3A_923 : i32
        %add3A_968 = arith.constant 2 : i32
        %add3A_969 = arith.addi %mul3A_967, %add3A_968 : i32
        %dma_start3A_970 = arith.constant 0 : i32
        %dma_start3A_971 = tpu.memref_slice %arg10[%add3A_969, %dma_start3A_970] : memref<49x128xi32, #tpu.memory_space<vmem>> -> memref<1x128xi32, #tpu.memory_space<vmem>>
        %dma_start3A_972 = tpu.memref_squeeze %dma_start3A_971 : memref<1x128xi32, #tpu.memory_space<vmem>> -> memref<128xi32, #tpu.memory_space<vmem>>
        %dma_start3A_973 = arith.constant 0 : i32
        %dma_start3A_974 = arith.constant 0 : i32
        %dma_start3A_975 = tpu.memref_slice %arg5[%dma_start3A_973, %dma_start3A_974] : memref<100000x128xf32, #tpu.memory_space<hbm>> -> memref<100000x128xf32, #tpu.memory_space<hbm>>
        tpu.enqueue_indirect_dma source(%dma_start3A_975 : memref<100000x128xf32, #tpu.memory_space<hbm>>) target(%arg11 : memref<128x128xf32, #tpu.memory_space<vmem>>) offsets(%dma_start3A_972 : memref<128xi32, #tpu.memory_space<vmem>>) semaphore(%arg15 : memref<!tpu.dma_semaphore, #tpu.memory_space<semaphore_mem>>)
      } else {
      }
      %mul3A_952 = arith.constant 2 : i32
      %mul3A_953 = arith.muli %mul3A_952, %while3A_923 : i32
      %add3A_954 = arith.constant 1 : i32
      %add3A_955 = arith.addi %mul3A_953, %add3A_954 : i32
      %dma_wait3A_956 = arith.constant 0 : i32
      %dma_wait3A_957 = tpu.memref_slice %arg10[%add3A_955, %dma_wait3A_956] : memref<49x128xi32, #tpu.memory_space<vmem>> -> memref<1x128xi32, #tpu.memory_space<vmem>>
      %dma_wait3A_958 = tpu.memref_squeeze %dma_wait3A_957 : memref<1x128xi32, #tpu.memory_space<vmem>> -> memref<128xi32, #tpu.memory_space<vmem>>
      %dma_wait3A_959 = arith.constant 0 : i32
      %dma_wait3A_960 = arith.constant 0 : i32
      %dma_wait3A_961 = tpu.memref_slice %arg5[%dma_wait3A_959, %dma_wait3A_960] : memref<100000x128xf32, #tpu.memory_space<hbm>> -> memref<100000x128xf32, #tpu.memory_space<hbm>>
      tpu.wait_indirect_dma semaphore(%arg16 : memref<!tpu.dma_semaphore, #tpu.memory_space<semaphore_mem>>) src(%dma_wait3A_961 : memref<100000x128xf32, #tpu.memory_space<hbm>>) dst(%arg12 : memref<128x128xf32, #tpu.memory_space<vmem>>)
      %mul3A_962 = arith.constant 2 : i32
      %mul3A_963 = arith.muli %mul3A_962, %while3A_923 : i32
      %add3A_964 = arith.constant 1 : i32
      %add3A_965 = arith.addi %mul3A_963, %add3A_964 : i32
      "tpu.region"() ({
        %run_scoped3A = tpu.sem_alloc : memref<!tpu.dma_semaphore, #tpu.memory_space<semaphore_mem>>
        %dma_start3A_966 = arith.constant 0 : i32
        %dma_start3A_967 = tpu.memref_slice %arg9[%add3A_965, %dma_start3A_966] : memref<49x128xi32, #tpu.memory_space<vmem>> -> memref<1x128xi32, #tpu.memory_space<vmem>>
        %dma_start3A_968 = tpu.memref_squeeze %dma_start3A_967 : memref<1x128xi32, #tpu.memory_space<vmem>> -> memref<128xi32, #tpu.memory_space<vmem>>
        %dma_start3A_969 = arith.constant 0 : i32
        %dma_start3A_970 = arith.constant 0 : i32
        %dma_start3A_971 = tpu.memref_slice %arg13[%dma_start3A_969, %dma_start3A_970] : memref<8848x128xf32, #tpu.memory_space<vmem_shared>> -> memref<8848x128xf32, #tpu.memory_space<vmem_shared>>
        tpu.enqueue_indirect_dma source(%arg12 : memref<128x128xf32, #tpu.memory_space<vmem>>) target(%dma_start3A_971 : memref<8848x128xf32, #tpu.memory_space<vmem_shared>>) offsets(%dma_start3A_968 : memref<128xi32, #tpu.memory_space<vmem>>) semaphore(%run_scoped3A : memref<!tpu.dma_semaphore, #tpu.memory_space<semaphore_mem>>) {add = true}
        %dma_wait3A_972 = arith.constant 0 : i32
        %dma_wait3A_973 = tpu.memref_slice %arg9[%add3A_965, %dma_wait3A_972] : memref<49x128xi32, #tpu.memory_space<vmem>> -> memref<1x128xi32, #tpu.memory_space<vmem>>
        %dma_wait3A_974 = tpu.memref_squeeze %dma_wait3A_973 : memref<1x128xi32, #tpu.memory_space<vmem>> -> memref<128xi32, #tpu.memory_space<vmem>>
        %dma_wait3A_975 = arith.constant 0 : i32
        %dma_wait3A_976 = arith.constant 0 : i32
        %dma_wait3A_977 = tpu.memref_slice %arg13[%dma_wait3A_975, %dma_wait3A_976] : memref<8848x128xf32, #tpu.memory_space<vmem_shared>> -> memref<8848x128xf32, #tpu.memory_space<vmem_shared>>
        tpu.wait_indirect_dma semaphore(%run_scoped3A : memref<!tpu.dma_semaphore, #tpu.memory_space<semaphore_mem>>) src(%arg12 : memref<128x128xf32, #tpu.memory_space<vmem>>) dst(%dma_wait3A_977 : memref<8848x128xf32, #tpu.memory_space<vmem_shared>>)
        tpu.yield
      }) : () -> ()
    }
    %while3A_589 = arith.constant 1 : i32
    scf.for %while3A_923 = %while3A_587 to %while3A_583 step %while3A_589  : i32 {
      %mul3A_924 = arith.constant 2 : i32
      %mul3A_925 = arith.muli %mul3A_924, %while3A_923 : i32
      %add3A_926 = arith.constant 1 : i32
      %add3A_927 = arith.addi %mul3A_925, %add3A_926 : i32
      %dma_start3A_928 = arith.constant 0 : i32
      %dma_start3A_929 = tpu.memref_slice %arg10[%add3A_927, %dma_start3A_928] : memref<49x128xi32, #tpu.memory_space<vmem>> -> memref<1x128xi32, #tpu.memory_space<vmem>>
      %dma_start3A_930 = tpu.memref_squeeze %dma_start3A_929 : memref<1x128xi32, #tpu.memory_space<vmem>> -> memref<128xi32, #tpu.memory_space<vmem>>
      %dma_start3A_931 = arith.constant 0 : i32
      %dma_start3A_932 = arith.constant 0 : i32
      %dma_start3A_933 = tpu.memref_slice %arg5[%dma_start3A_931, %dma_start3A_932] : memref<100000x128xf32, #tpu.memory_space<hbm>> -> memref<100000x128xf32, #tpu.memory_space<hbm>>
      tpu.enqueue_indirect_dma source(%dma_start3A_933 : memref<100000x128xf32, #tpu.memory_space<hbm>>) target(%arg12 : memref<128x128xf32, #tpu.memory_space<vmem>>) offsets(%dma_start3A_930 : memref<128xi32, #tpu.memory_space<vmem>>) semaphore(%arg16 : memref<!tpu.dma_semaphore, #tpu.memory_space<semaphore_mem>>)
      %mul3A_934 = arith.constant 2 : i32
      %mul3A_935 = arith.muli %mul3A_934, %while3A_923 : i32
      %dma_wait3A_936 = arith.constant 0 : i32
      %dma_wait3A_937 = tpu.memref_slice %arg10[%mul3A_935, %dma_wait3A_936] : memref<49x128xi32, #tpu.memory_space<vmem>> -> memref<1x128xi32, #tpu.memory_space<vmem>>
      %dma_wait3A_938 = tpu.memref_squeeze %dma_wait3A_937 : memref<1x128xi32, #tpu.memory_space<vmem>> -> memref<128xi32, #tpu.memory_space<vmem>>
      %dma_wait3A_939 = arith.constant 0 : i32
      %dma_wait3A_940 = arith.constant 0 : i32
      %dma_wait3A_941 = tpu.memref_slice %arg5[%dma_wait3A_939, %dma_wait3A_940] : memref<100000x128xf32, #tpu.memory_space<hbm>> -> memref<100000x128xf32, #tpu.memory_space<hbm>>
      tpu.wait_indirect_dma semaphore(%arg15 : memref<!tpu.dma_semaphore, #tpu.memory_space<semaphore_mem>>) src(%dma_wait3A_941 : memref<100000x128xf32, #tpu.memory_space<hbm>>) dst(%arg11 : memref<128x128xf32, #tpu.memory_space<vmem>>)
      %mul3A_942 = arith.constant 2 : i32
      %mul3A_943 = arith.muli %mul3A_942, %while3A_923 : i32
      "tpu.region"() ({
        %run_scoped3A = tpu.sem_alloc : memref<!tpu.dma_semaphore, #tpu.memory_space<semaphore_mem>>
        %dma_start3A_966 = arith.constant 0 : i32
        %dma_start3A_967 = tpu.memref_slice %arg9[%mul3A_943, %dma_start3A_966] : memref<49x128xi32, #tpu.memory_space<vmem>> -> memref<1x128xi32, #tpu.memory_space<vmem>>
        %dma_start3A_968 = tpu.memref_squeeze %dma_start3A_967 : memref<1x128xi32, #tpu.memory_space<vmem>> -> memref<128xi32, #tpu.memory_space<vmem>>
        %dma_start3A_969 = arith.constant 0 : i32
        %dma_start3A_970 = arith.constant 0 : i32
        %dma_start3A_971 = tpu.memref_slice %arg13[%dma_start3A_969, %dma_start3A_970] : memref<8848x128xf32, #tpu.memory_space<vmem_shared>> -> memref<8848x128xf32, #tpu.memory_space<vmem_shared>>
        tpu.enqueue_indirect_dma source(%arg11 : memref<128x128xf32, #tpu.memory_space<vmem>>) target(%dma_start3A_971 : memref<8848x128xf32, #tpu.memory_space<vmem_shared>>) offsets(%dma_start3A_968 : memref<128xi32, #tpu.memory_space<vmem>>) semaphore(%run_scoped3A : memref<!tpu.dma_semaphore, #tpu.memory_space<semaphore_mem>>) {add = true}
        %dma_wait3A_972 = arith.constant 0 : i32
        %dma_wait3A_973 = tpu.memref_slice %arg9[%mul3A_943, %dma_wait3A_972] : memref<49x128xi32, #tpu.memory_space<vmem>> -> memref<1x128xi32, #tpu.memory_space<vmem>>
        %dma_wait3A_974 = tpu.memref_squeeze %dma_wait3A_973 : memref<1x128xi32, #tpu.memory_space<vmem>> -> memref<128xi32, #tpu.memory_space<vmem>>
        %dma_wait3A_975 = arith.constant 0 : i32
        %dma_wait3A_976 = arith.constant 0 : i32
        %dma_wait3A_977 = tpu.memref_slice %arg13[%dma_wait3A_975, %dma_wait3A_976] : memref<8848x128xf32, #tpu.memory_space<vmem_shared>> -> memref<8848x128xf32, #tpu.memory_space<vmem_shared>>
        tpu.wait_indirect_dma semaphore(%run_scoped3A : memref<!tpu.dma_semaphore, #tpu.memory_space<semaphore_mem>>) src(%arg11 : memref<128x128xf32, #tpu.memory_space<vmem>>) dst(%dma_wait3A_977 : memref<8848x128xf32, #tpu.memory_space<vmem_shared>>)
        tpu.yield
      }) : () -> ()
      %mul3A_944 = arith.constant 2 : i32
      %mul3A_945 = arith.muli %mul3A_944, %while3A_923 : i32
      %add3A_946 = arith.constant 2 : i32
      %add3A_947 = arith.addi %mul3A_945, %add3A_946 : i32
      %lt3A_948 = arith.cmpi slt, %add3A_947, %shift_right_logical3A_572 : i32
      %convert_element_type3A_949 = arith.extui %lt3A_948 : i1 to i32
      %cond3A_950 = arith.constant 0 : i32
      %cond3A_951 = arith.cmpi ne, %convert_element_type3A_949, %cond3A_950 : i32
      scf.if %cond3A_951 {
        %mul3A_966 = arith.constant 2 : i32
        %mul3A_967 = arith.muli %mul3A_966, %while3A_923 : i32
        %add3A_968 = arith.constant 2 : i32
        %add3A_969 = arith.addi %mul3A_967, %add3A_968 : i32
        %dma_start3A_970 = arith.constant 0 : i32
        %dma_start3A_971 = tpu.memref_slice %arg10[%add3A_969, %dma_start3A_970] : memref<49x128xi32, #tpu.memory_space<vmem>> -> memref<1x128xi32, #tpu.memory_space<vmem>>
        %dma_start3A_972 = tpu.memref_squeeze %dma_start3A_971 : memref<1x128xi32, #tpu.memory_space<vmem>> -> memref<128xi32, #tpu.memory_space<vmem>>
        %dma_start3A_973 = arith.constant 0 : i32
        %dma_start3A_974 = arith.constant 0 : i32
        %dma_start3A_975 = tpu.memref_slice %arg5[%dma_start3A_973, %dma_start3A_974] : memref<100000x128xf32, #tpu.memory_space<hbm>> -> memref<100000x128xf32, #tpu.memory_space<hbm>>
        tpu.enqueue_indirect_dma source(%dma_start3A_975 : memref<100000x128xf32, #tpu.memory_space<hbm>>) target(%arg11 : memref<128x128xf32, #tpu.memory_space<vmem>>) offsets(%dma_start3A_972 : memref<128xi32, #tpu.memory_space<vmem>>) semaphore(%arg15 : memref<!tpu.dma_semaphore, #tpu.memory_space<semaphore_mem>>)
      } else {
      }
      %mul3A_952 = arith.constant 2 : i32
      %mul3A_953 = arith.muli %mul3A_952, %while3A_923 : i32
      %add3A_954 = arith.constant 1 : i32
      %add3A_955 = arith.addi %mul3A_953, %add3A_954 : i32
      %dma_wait3A_956 = arith.constant 0 : i32
      %dma_wait3A_957 = tpu.memref_slice %arg10[%add3A_955, %dma_wait3A_956] : memref<49x128xi32, #tpu.memory_space<vmem>> -> memref<1x128xi32, #tpu.memory_space<vmem>>
      %dma_wait3A_958 = tpu.memref_squeeze %dma_wait3A_957 : memref<1x128xi32, #tpu.memory_space<vmem>> -> memref<128xi32, #tpu.memory_space<vmem>>
      %dma_wait3A_959 = arith.constant 0 : i32
      %dma_wait3A_960 = arith.constant 0 : i32
      %dma_wait3A_961 = tpu.memref_slice %arg5[%dma_wait3A_959, %dma_wait3A_960] : memref<100000x128xf32, #tpu.memory_space<hbm>> -> memref<100000x128xf32, #tpu.memory_space<hbm>>
      tpu.wait_indirect_dma semaphore(%arg16 : memref<!tpu.dma_semaphore, #tpu.memory_space<semaphore_mem>>) src(%dma_wait3A_961 : memref<100000x128xf32, #tpu.memory_space<hbm>>) dst(%arg12 : memref<128x128xf32, #tpu.memory_space<vmem>>)
      %mul3A_962 = arith.constant 2 : i32
      %mul3A_963 = arith.muli %mul3A_962, %while3A_923 : i32
      %add3A_964 = arith.constant 1 : i32
      %add3A_965 = arith.addi %mul3A_963, %add3A_964 : i32
      "tpu.region"() ({
        %run_scoped3A = tpu.sem_alloc : memref<!tpu.dma_semaphore, #tpu.memory_space<semaphore_mem>>
        %dma_start3A_966 = arith.constant 0 : i32
        %dma_start3A_967 = tpu.memref_slice %arg9[%add3A_965, %dma_start3A_966] : memref<49x128xi32, #tpu.memory_space<vmem>> -> memref<1x128xi32, #tpu.memory_space<vmem>>
        %dma_start3A_968 = tpu.memref_squeeze %dma_start3A_967 : memref<1x128xi32, #tpu.memory_space<vmem>> -> memref<128xi32, #tpu.memory_space<vmem>>
        %dma_start3A_969 = arith.constant 0 : i32
        %dma_start3A_970 = arith.constant 0 : i32
        %dma_start3A_971 = tpu.memref_slice %arg13[%dma_start3A_969, %dma_start3A_970] : memref<8848x128xf32, #tpu.memory_space<vmem_shared>> -> memref<8848x128xf32, #tpu.memory_space<vmem_shared>>
        tpu.enqueue_indirect_dma source(%arg12 : memref<128x128xf32, #tpu.memory_space<vmem>>) target(%dma_start3A_971 : memref<8848x128xf32, #tpu.memory_space<vmem_shared>>) offsets(%dma_start3A_968 : memref<128xi32, #tpu.memory_space<vmem>>) semaphore(%run_scoped3A : memref<!tpu.dma_semaphore, #tpu.memory_space<semaphore_mem>>) {add = true}
        %dma_wait3A_972 = arith.constant 0 : i32
        %dma_wait3A_973 = tpu.memref_slice %arg9[%add3A_965, %dma_wait3A_972] : memref<49x128xi32, #tpu.memory_space<vmem>> -> memref<1x128xi32, #tpu.memory_space<vmem>>
        %dma_wait3A_974 = tpu.memref_squeeze %dma_wait3A_973 : memref<1x128xi32, #tpu.memory_space<vmem>> -> memref<128xi32, #tpu.memory_space<vmem>>
        %dma_wait3A_975 = arith.constant 0 : i32
        %dma_wait3A_976 = arith.constant 0 : i32
        %dma_wait3A_977 = tpu.memref_slice %arg13[%dma_wait3A_975, %dma_wait3A_976] : memref<8848x128xf32, #tpu.memory_space<vmem_shared>> -> memref<8848x128xf32, #tpu.memory_space<vmem_shared>>
        tpu.wait_indirect_dma semaphore(%run_scoped3A : memref<!tpu.dma_semaphore, #tpu.memory_space<semaphore_mem>>) src(%arg12 : memref<128x128xf32, #tpu.memory_space<vmem>>) dst(%dma_wait3A_977 : memref<8848x128xf32, #tpu.memory_space<vmem_shared>>)
        tpu.yield
      }) : () -> ()
    }
    %mul3A_590 = arith.constant 2 : i32
    %mul3A_591 = arith.muli %mul3A_590, %shift_right_logical3A_574 : i32
    %gt3A_592 = arith.cmpi sgt, %shift_right_logical3A_572, %mul3A_591 : i32
    %convert_element_type3A_593 = arith.extui %gt3A_592 : i1 to i32
    %cond3A_594 = arith.constant 0 : i32
    %cond3A_595 = arith.cmpi ne, %convert_element_type3A_593, %cond3A_594 : i32
    scf.if %cond3A_595 {
      %sub3A = arith.constant 1 : i32
      %sub3A_923 = arith.subi %shift_right_logical3A_572, %sub3A : i32
      %dma_wait3A_924 = arith.constant 0 : i32
      %dma_wait3A_925 = tpu.memref_slice %arg10[%sub3A_923, %dma_wait3A_924] : memref<49x128xi32, #tpu.memory_space<vmem>> -> memref<1x128xi32, #tpu.memory_space<vmem>>
      %dma_wait3A_926 = tpu.memref_squeeze %dma_wait3A_925 : memref<1x128xi32, #tpu.memory_space<vmem>> -> memref<128xi32, #tpu.memory_space<vmem>>
      %dma_wait3A_927 = arith.constant 0 : i32
      %dma_wait3A_928 = arith.constant 0 : i32
      %dma_wait3A_929 = tpu.memref_slice %arg5[%dma_wait3A_927, %dma_wait3A_928] : memref<100000x128xf32, #tpu.memory_space<hbm>> -> memref<100000x128xf32, #tpu.memory_space<hbm>>
      tpu.wait_indirect_dma semaphore(%arg15 : memref<!tpu.dma_semaphore, #tpu.memory_space<semaphore_mem>>) src(%dma_wait3A_929 : memref<100000x128xf32, #tpu.memory_space<hbm>>) dst(%arg11 : memref<128x128xf32, #tpu.memory_space<vmem>>)
      %sub3A_930 = arith.constant 1 : i32
      %sub3A_931 = arith.subi %shift_right_logical3A_572, %sub3A_930 : i32
      "tpu.region"() ({
        %run_scoped3A = tpu.sem_alloc : memref<!tpu.dma_semaphore, #tpu.memory_space<semaphore_mem>>
        %dma_start3A_932 = arith.constant 0 : i32
        %dma_start3A_933 = tpu.memref_slice %arg9[%sub3A_931, %dma_start3A_932] : memref<49x128xi32, #tpu.memory_space<vmem>> -> memref<1x128xi32, #tpu.memory_space<vmem>>
        %dma_start3A_934 = tpu.memref_squeeze %dma_start3A_933 : memref<1x128xi32, #tpu.memory_space<vmem>> -> memref<128xi32, #tpu.memory_space<vmem>>
        %dma_start3A_935 = arith.constant 0 : i32
        %dma_start3A_936 = arith.constant 0 : i32
        %dma_start3A_937 = tpu.memref_slice %arg13[%dma_start3A_935, %dma_start3A_936] : memref<8848x128xf32, #tpu.memory_space<vmem_shared>> -> memref<8848x128xf32, #tpu.memory_space<vmem_shared>>
        tpu.enqueue_indirect_dma source(%arg11 : memref<128x128xf32, #tpu.memory_space<vmem>>) target(%dma_start3A_937 : memref<8848x128xf32, #tpu.memory_space<vmem_shared>>) offsets(%dma_start3A_934 : memref<128xi32, #tpu.memory_space<vmem>>) semaphore(%run_scoped3A : memref<!tpu.dma_semaphore, #tpu.memory_space<semaphore_mem>>) {add = true}
        %dma_wait3A_938 = arith.constant 0 : i32
        %dma_wait3A_939 = tpu.memref_slice %arg9[%sub3A_931, %dma_wait3A_938] : memref<49x128xi32, #tpu.memory_space<vmem>> -> memref<1x128xi32, #tpu.memory_space<vmem>>
        %dma_wait3A_940 = tpu.memref_squeeze %dma_wait3A_939 : memref<1x128xi32, #tpu.memory_space<vmem>> -> memref<128xi32, #tpu.memory_space<vmem>>
        %dma_wait3A_941 = arith.constant 0 : i32
        %dma_wait3A_942 = arith.constant 0 : i32
        %dma_wait3A_943 = tpu.memref_slice %arg13[%dma_wait3A_941, %dma_wait3A_942] : memref<8848x128xf32, #tpu.memory_space<vmem_shared>> -> memref<8848x128xf32, #tpu.memory_space<vmem_shared>>
        tpu.wait_indirect_dma semaphore(%run_scoped3A : memref<!tpu.dma_semaphore, #tpu.memory_space<semaphore_mem>>) src(%arg11 : memref<128x128xf32, #tpu.memory_space<vmem>>) dst(%dma_wait3A_943 : memref<8848x128xf32, #tpu.memory_space<vmem_shared>>)
        tpu.yield
      }) : () -> ()
    } else {
    }
    %barrier3A_596 = arith.constant 0 : index
    tpu.barrier barrier_id(%barrier3A_596)
    %mul3A_597 = arith.constant 552 : i32
    %mul3A_598 = arith.muli %arg1, %mul3A_597 : i32
    %mul3A_599 = arith.constant 552 : i32
    %mul3A_600 = arith.muli %arg1, %mul3A_599 : i32
    %add3A_601 = arith.addi %mul3A_452, %mul3A_600 : i32
    "tpu.region"() ({
      %run_scoped3A = tpu.sem_alloc : memref<!tpu.dma_semaphore, #tpu.memory_space<semaphore_mem>>
      %dma_start3A_923 = arith.constant 0 : i32
      %dma_start3A_924 = tpu.memref_slice %arg6[%add3A_601, %dma_start3A_923] : memref<100000x128xf32, #tpu.memory_space<hbm>> -> memref<552x128xf32, #tpu.memory_space<hbm>>
      %dma_start3A_925 = arith.constant 0 : i32
      %dma_start3A_926 = tpu.memref_slice %arg13[%mul3A_598, %dma_start3A_925] : memref<8848x128xf32, #tpu.memory_space<vmem_shared>> -> memref<552x128xf32, #tpu.memory_space<vmem_shared>>
      tpu.enqueue_dma source(%dma_start3A_926 : memref<552x128xf32, #tpu.memory_space<vmem_shared>>) target(%dma_start3A_924 : memref<552x128xf32, #tpu.memory_space<hbm>>) target_semaphore(%run_scoped3A : memref<!tpu.dma_semaphore, #tpu.memory_space<semaphore_mem>>)
      %dma_wait3A_927 = arith.constant 0 : i32
      %dma_wait3A_928 = tpu.memref_slice %arg6[%add3A_601, %dma_wait3A_927] : memref<100000x128xf32, #tpu.memory_space<hbm>> -> memref<552x128xf32, #tpu.memory_space<hbm>>
      %dma_wait3A_929 = arith.constant 0 : i32
      %dma_wait3A_930 = tpu.memref_slice %arg13[%mul3A_598, %dma_wait3A_929] : memref<8848x128xf32, #tpu.memory_space<vmem_shared>> -> memref<552x128xf32, #tpu.memory_space<vmem_shared>>
      tpu.wait_dma2 semaphore(%run_scoped3A : memref<!tpu.dma_semaphore, #tpu.memory_space<semaphore_mem>>) src(%dma_wait3A_930 : memref<552x128xf32, #tpu.memory_space<vmem_shared>>) dst(%dma_wait3A_928 : memref<552x128xf32, #tpu.memory_space<hbm>>)
      tpu.yield
    }) : () -> ()
    %add3A_602 = arith.constant 8 : i32
    %add3A_603 = arith.addi %add3A_602, %arg0 : i32
    %mul3A_604 = arith.constant 8832 : i32
    %mul3A_605 = arith.muli %add3A_603, %mul3A_604 : i32
    %add3A_606 = arith.constant 8832 : i32
    %add3A_607 = arith.addi %mul3A_605, %add3A_606 : i32
    %mul3A_608 = arith.constant 552 : i32
    %mul3A_609 = arith.muli %arg1, %mul3A_608 : i32
    %dma_start3A_610 = arith.constant 0 : i32
    %dma_start3A_611 = tpu.memref_slice %arg13[%mul3A_609, %dma_start3A_610] : memref<8848x128xf32, #tpu.memory_space<vmem_shared>> -> memref<552x128xf32, #tpu.memory_space<vmem_shared>>
    tpu.enqueue_dma source(%arg4 : memref<552x128xf32, #tpu.memory_space<hbm>>) target(%dma_start3A_611 : memref<552x128xf32, #tpu.memory_space<vmem_shared>>) target_semaphore(%arg14 : memref<!tpu.dma_semaphore, #tpu.memory_space<semaphore_mem>>)
    %scan3A_612 = arith.constant 0 : i32
    %scan3A_613 = arith.constant 0 : i32
    %scan3A_614 = arith.constant 391 : i32
    %scan3A_615 = arith.addi %scan3A_613, %scan3A_614 : i32
    %scan3A_616 = arith.constant 1 : i32
    %scan3A_617 = scf.for %scan3A_923 = %scan3A_613 to %scan3A_615 step %scan3A_616 iter_args(%scan3A_924 = %scan3A_612) -> (i32)  : i32 {
      %mul3A_925 = arith.constant 16 : i32
      %mul3A_926 = arith.muli %scan3A_923, %mul3A_925 : i32
      %get3A = arith.index_cast %mul3A_926 : i32 to index
      %get3A_927 = tpu.vector_load %arg7[%get3A] {strides = array<i32>} : memref<6256xi32, #tpu.memory_space<vmem>>, vector<16xi32>,
      %mul3A_928 = arith.constant 16 : i32
      %mul3A_929 = arith.muli %scan3A_923, %mul3A_928 : i32
      %get3A_930 = arith.index_cast %mul3A_929 : i32 to index
      %get3A_931 = tpu.vector_load %arg8[%get3A_930] {strides = array<i32>} : memref<6256xi32, #tpu.memory_space<vmem>>, vector<16xi32>,
      %ge3A = vector.broadcast %mul3A_605 : i32 to vector<16xi32>
      %ge3A_932 = arith.cmpi sge, %get3A_927, %ge3A : vector<16xi32>
      %lt3A_933 = vector.broadcast %add3A_607 : i32 to vector<16xi32>
      %lt3A_934 = arith.cmpi slt, %get3A_927, %lt3A_933 : vector<16xi32>
      %and3A_935 = arith.andi %ge3A_932, %lt3A_934 : vector<16xi1>
      %convert_element_type3A_936 = arith.extui %and3A_935 : vector<16xi1> to vector<16xi32>
      %broadcast_in_dim3A = arith.constant true
      %broadcast_in_dim3A_937 = vector.broadcast %broadcast_in_dim3A : i1 to vector<16xi1>
      %masked_cumsum3A = tpu.scan <sum>, %convert_element_type3A_936 masked %broadcast_in_dim3A_937 : vector<16xi32>, vector<16xi1> -> vector<16xi32>
      %add3A_938 = vector.broadcast %scan3A_924 : i32 to vector<16xi32>
      %add3A_939 = arith.addi %add3A_938, %masked_cumsum3A : vector<16xi32>
      %sub3A = arith.constant 1 : i32
      %sub3A_940 = vector.broadcast %sub3A : i32 to vector<16xi32>
      %sub3A_941 = arith.subi %add3A_939, %sub3A_940 : vector<16xi32>
      %max3A = arith.constant 0 : i32
      %max3A_942 = vector.broadcast %max3A : i32 to vector<16xi32>
      %max3A_943 = arith.maxsi %sub3A_941, %max3A_942 : vector<16xi32>
      %shift_right_logical3A_944 = arith.constant 7 : i32
      %shift_right_logical3A_945 = vector.broadcast %shift_right_logical3A_944 : i32 to vector<16xi32>
      %shift_right_logical3A_946 = arith.shrui %max3A_943, %shift_right_logical3A_945 : vector<16xi32>
      %and3A_947 = arith.constant 127 : i32
      %and3A_948 = vector.broadcast %and3A_947 : i32 to vector<16xi32>
      %and3A_949 = arith.andi %max3A_943, %and3A_948 : vector<16xi32>
      %sub3A_950 = vector.broadcast %mul3A_605 : i32 to vector<16xi32>
      %sub3A_951 = arith.subi %get3A_927, %sub3A_950 : vector<16xi32>
      tpu.vector_store_idx %arg9[%shift_right_logical3A_946, %and3A_949], %sub3A_951 masked %and3A_935 : memref<49x128xi32, #tpu.memory_space<vmem>>[vector<16xi32>, vector<16xi32>], vector<16xi32>, vector<16xi1>
      tpu.vector_store_idx %arg10[%shift_right_logical3A_946, %and3A_949], %get3A_931 masked %and3A_935 : memref<49x128xi32, #tpu.memory_space<vmem>>[vector<16xi32>, vector<16xi32>], vector<16xi32>, vector<16xi1>
      %reduce_sum3A = arith.constant true
      %reduce_sum3A_952 = vector.broadcast %reduce_sum3A : i1 to vector<16xi1>
      %reduce_sum3A_953 = tpu.scan <sum>, %convert_element_type3A_936 masked %reduce_sum3A_952 : vector<16xi32>, vector<16xi1> -> vector<16xi32>
      %reduce_sum3A_954 = vector.extract %reduce_sum3A_953[15] : i32 from vector<16xi32>
      %add3A_955 = arith.addi %scan3A_924, %reduce_sum3A_954 : i32
      scf.yield %add3A_955 : i32
    }
    %scan3A_618 = arith.constant 391 : i32
    %add3A_619 = arith.constant 127 : i32
    %add3A_620 = arith.addi %scan3A_617, %add3A_619 : i32
    %and3A_621 = arith.constant -128 : i32
    %and3A_622 = arith.andi %add3A_620, %and3A_621 : i32
    %add3A_623 = arith.constant 0 : i32
    %add3A_624 = arith.addi %scan3A_617, %add3A_623 : i32
    %add3A_625 = vector.broadcast %add3A_624 : i32 to vector<16xi32>
    %add3A_626 = arith.addi %add3A_625, %iota3A : vector<16xi32>
    %lt3A_627 = vector.broadcast %and3A_622 : i32 to vector<16xi32>
    %lt3A_628 = arith.cmpi slt, %add3A_626, %lt3A_627 : vector<16xi32>
    %shift_right_logical3A_629 = arith.constant 7 : i32
    %shift_right_logical3A_630 = vector.broadcast %shift_right_logical3A_629 : i32 to vector<16xi32>
    %shift_right_logical3A_631 = arith.shrui %add3A_626, %shift_right_logical3A_630 : vector<16xi32>
    %and3A_632 = arith.constant 127 : i32
    %and3A_633 = vector.broadcast %and3A_632 : i32 to vector<16xi32>
    %and3A_634 = arith.andi %add3A_626, %and3A_633 : vector<16xi32>
    tpu.vector_store_idx %arg9[%shift_right_logical3A_631, %and3A_634], %add3A_1 masked %lt3A_628 : memref<49x128xi32, #tpu.memory_space<vmem>>[vector<16xi32>, vector<16xi32>], vector<16xi32>, vector<16xi1>
    tpu.vector_store_idx %arg10[%shift_right_logical3A_631, %and3A_634], %iota3A masked %lt3A_628 : memref<49x128xi32, #tpu.memory_space<vmem>>[vector<16xi32>, vector<16xi32>], vector<16xi32>, vector<16xi1>
    %add3A_635 = arith.constant 16 : i32
    %add3A_636 = arith.addi %scan3A_617, %add3A_635 : i32
    %add3A_637 = vector.broadcast %add3A_636 : i32 to vector<16xi32>
    %add3A_638 = arith.addi %add3A_637, %iota3A : vector<16xi32>
    %lt3A_639 = vector.broadcast %and3A_622 : i32 to vector<16xi32>
    %lt3A_640 = arith.cmpi slt, %add3A_638, %lt3A_639 : vector<16xi32>
    %shift_right_logical3A_641 = arith.constant 7 : i32
    %shift_right_logical3A_642 = vector.broadcast %shift_right_logical3A_641 : i32 to vector<16xi32>
    %shift_right_logical3A_643 = arith.shrui %add3A_638, %shift_right_logical3A_642 : vector<16xi32>
    %and3A_644 = arith.constant 127 : i32
    %and3A_645 = vector.broadcast %and3A_644 : i32 to vector<16xi32>
    %and3A_646 = arith.andi %add3A_638, %and3A_645 : vector<16xi32>
    tpu.vector_store_idx %arg9[%shift_right_logical3A_643, %and3A_646], %add3A_1 masked %lt3A_640 : memref<49x128xi32, #tpu.memory_space<vmem>>[vector<16xi32>, vector<16xi32>], vector<16xi32>, vector<16xi1>
    tpu.vector_store_idx %arg10[%shift_right_logical3A_643, %and3A_646], %iota3A masked %lt3A_640 : memref<49x128xi32, #tpu.memory_space<vmem>>[vector<16xi32>, vector<16xi32>], vector<16xi32>, vector<16xi1>
    %add3A_647 = arith.constant 32 : i32
    %add3A_648 = arith.addi %scan3A_617, %add3A_647 : i32
    %add3A_649 = vector.broadcast %add3A_648 : i32 to vector<16xi32>
    %add3A_650 = arith.addi %add3A_649, %iota3A : vector<16xi32>
    %lt3A_651 = vector.broadcast %and3A_622 : i32 to vector<16xi32>
    %lt3A_652 = arith.cmpi slt, %add3A_650, %lt3A_651 : vector<16xi32>
    %shift_right_logical3A_653 = arith.constant 7 : i32
    %shift_right_logical3A_654 = vector.broadcast %shift_right_logical3A_653 : i32 to vector<16xi32>
    %shift_right_logical3A_655 = arith.shrui %add3A_650, %shift_right_logical3A_654 : vector<16xi32>
    %and3A_656 = arith.constant 127 : i32
    %and3A_657 = vector.broadcast %and3A_656 : i32 to vector<16xi32>
    %and3A_658 = arith.andi %add3A_650, %and3A_657 : vector<16xi32>
    tpu.vector_store_idx %arg9[%shift_right_logical3A_655, %and3A_658], %add3A_1 masked %lt3A_652 : memref<49x128xi32, #tpu.memory_space<vmem>>[vector<16xi32>, vector<16xi32>], vector<16xi32>, vector<16xi1>
    tpu.vector_store_idx %arg10[%shift_right_logical3A_655, %and3A_658], %iota3A masked %lt3A_652 : memref<49x128xi32, #tpu.memory_space<vmem>>[vector<16xi32>, vector<16xi32>], vector<16xi32>, vector<16xi1>
    %add3A_659 = arith.constant 48 : i32
    %add3A_660 = arith.addi %scan3A_617, %add3A_659 : i32
    %add3A_661 = vector.broadcast %add3A_660 : i32 to vector<16xi32>
    %add3A_662 = arith.addi %add3A_661, %iota3A : vector<16xi32>
    %lt3A_663 = vector.broadcast %and3A_622 : i32 to vector<16xi32>
    %lt3A_664 = arith.cmpi slt, %add3A_662, %lt3A_663 : vector<16xi32>
    %shift_right_logical3A_665 = arith.constant 7 : i32
    %shift_right_logical3A_666 = vector.broadcast %shift_right_logical3A_665 : i32 to vector<16xi32>
    %shift_right_logical3A_667 = arith.shrui %add3A_662, %shift_right_logical3A_666 : vector<16xi32>
    %and3A_668 = arith.constant 127 : i32
    %and3A_669 = vector.broadcast %and3A_668 : i32 to vector<16xi32>
    %and3A_670 = arith.andi %add3A_662, %and3A_669 : vector<16xi32>
    tpu.vector_store_idx %arg9[%shift_right_logical3A_667, %and3A_670], %add3A_1 masked %lt3A_664 : memref<49x128xi32, #tpu.memory_space<vmem>>[vector<16xi32>, vector<16xi32>], vector<16xi32>, vector<16xi1>
    tpu.vector_store_idx %arg10[%shift_right_logical3A_667, %and3A_670], %iota3A masked %lt3A_664 : memref<49x128xi32, #tpu.memory_space<vmem>>[vector<16xi32>, vector<16xi32>], vector<16xi32>, vector<16xi1>
    %add3A_671 = arith.constant 64 : i32
    %add3A_672 = arith.addi %scan3A_617, %add3A_671 : i32
    %add3A_673 = vector.broadcast %add3A_672 : i32 to vector<16xi32>
    %add3A_674 = arith.addi %add3A_673, %iota3A : vector<16xi32>
    %lt3A_675 = vector.broadcast %and3A_622 : i32 to vector<16xi32>
    %lt3A_676 = arith.cmpi slt, %add3A_674, %lt3A_675 : vector<16xi32>
    %shift_right_logical3A_677 = arith.constant 7 : i32
    %shift_right_logical3A_678 = vector.broadcast %shift_right_logical3A_677 : i32 to vector<16xi32>
    %shift_right_logical3A_679 = arith.shrui %add3A_674, %shift_right_logical3A_678 : vector<16xi32>
    %and3A_680 = arith.constant 127 : i32
    %and3A_681 = vector.broadcast %and3A_680 : i32 to vector<16xi32>
    %and3A_682 = arith.andi %add3A_674, %and3A_681 : vector<16xi32>
    tpu.vector_store_idx %arg9[%shift_right_logical3A_679, %and3A_682], %add3A_1 masked %lt3A_676 : memref<49x128xi32, #tpu.memory_space<vmem>>[vector<16xi32>, vector<16xi32>], vector<16xi32>, vector<16xi1>
    tpu.vector_store_idx %arg10[%shift_right_logical3A_679, %and3A_682], %iota3A masked %lt3A_676 : memref<49x128xi32, #tpu.memory_space<vmem>>[vector<16xi32>, vector<16xi32>], vector<16xi32>, vector<16xi1>
    %add3A_683 = arith.constant 80 : i32
    %add3A_684 = arith.addi %scan3A_617, %add3A_683 : i32
    %add3A_685 = vector.broadcast %add3A_684 : i32 to vector<16xi32>
    %add3A_686 = arith.addi %add3A_685, %iota3A : vector<16xi32>
    %lt3A_687 = vector.broadcast %and3A_622 : i32 to vector<16xi32>
    %lt3A_688 = arith.cmpi slt, %add3A_686, %lt3A_687 : vector<16xi32>
    %shift_right_logical3A_689 = arith.constant 7 : i32
    %shift_right_logical3A_690 = vector.broadcast %shift_right_logical3A_689 : i32 to vector<16xi32>
    %shift_right_logical3A_691 = arith.shrui %add3A_686, %shift_right_logical3A_690 : vector<16xi32>
    %and3A_692 = arith.constant 127 : i32
    %and3A_693 = vector.broadcast %and3A_692 : i32 to vector<16xi32>
    %and3A_694 = arith.andi %add3A_686, %and3A_693 : vector<16xi32>
    tpu.vector_store_idx %arg9[%shift_right_logical3A_691, %and3A_694], %add3A_1 masked %lt3A_688 : memref<49x128xi32, #tpu.memory_space<vmem>>[vector<16xi32>, vector<16xi32>], vector<16xi32>, vector<16xi1>
    tpu.vector_store_idx %arg10[%shift_right_logical3A_691, %and3A_694], %iota3A masked %lt3A_688 : memref<49x128xi32, #tpu.memory_space<vmem>>[vector<16xi32>, vector<16xi32>], vector<16xi32>, vector<16xi1>
    %add3A_695 = arith.constant 96 : i32
    %add3A_696 = arith.addi %scan3A_617, %add3A_695 : i32
    %add3A_697 = vector.broadcast %add3A_696 : i32 to vector<16xi32>
    %add3A_698 = arith.addi %add3A_697, %iota3A : vector<16xi32>
    %lt3A_699 = vector.broadcast %and3A_622 : i32 to vector<16xi32>
    %lt3A_700 = arith.cmpi slt, %add3A_698, %lt3A_699 : vector<16xi32>
    %shift_right_logical3A_701 = arith.constant 7 : i32
    %shift_right_logical3A_702 = vector.broadcast %shift_right_logical3A_701 : i32 to vector<16xi32>
    %shift_right_logical3A_703 = arith.shrui %add3A_698, %shift_right_logical3A_702 : vector<16xi32>
    %and3A_704 = arith.constant 127 : i32
    %and3A_705 = vector.broadcast %and3A_704 : i32 to vector<16xi32>
    %and3A_706 = arith.andi %add3A_698, %and3A_705 : vector<16xi32>
    tpu.vector_store_idx %arg9[%shift_right_logical3A_703, %and3A_706], %add3A_1 masked %lt3A_700 : memref<49x128xi32, #tpu.memory_space<vmem>>[vector<16xi32>, vector<16xi32>], vector<16xi32>, vector<16xi1>
    tpu.vector_store_idx %arg10[%shift_right_logical3A_703, %and3A_706], %iota3A masked %lt3A_700 : memref<49x128xi32, #tpu.memory_space<vmem>>[vector<16xi32>, vector<16xi32>], vector<16xi32>, vector<16xi1>
    %add3A_707 = arith.constant 112 : i32
    %add3A_708 = arith.addi %scan3A_617, %add3A_707 : i32
    %add3A_709 = vector.broadcast %add3A_708 : i32 to vector<16xi32>
    %add3A_710 = arith.addi %add3A_709, %iota3A : vector<16xi32>
    %lt3A_711 = vector.broadcast %and3A_622 : i32 to vector<16xi32>
    %lt3A_712 = arith.cmpi slt, %add3A_710, %lt3A_711 : vector<16xi32>
    %shift_right_logical3A_713 = arith.constant 7 : i32
    %shift_right_logical3A_714 = vector.broadcast %shift_right_logical3A_713 : i32 to vector<16xi32>
    %shift_right_logical3A_715 = arith.shrui %add3A_710, %shift_right_logical3A_714 : vector<16xi32>
    %and3A_716 = arith.constant 127 : i32
    %and3A_717 = vector.broadcast %and3A_716 : i32 to vector<16xi32>
    %and3A_718 = arith.andi %add3A_710, %and3A_717 : vector<16xi32>
    tpu.vector_store_idx %arg9[%shift_right_logical3A_715, %and3A_718], %add3A_1 masked %lt3A_712 : memref<49x128xi32, #tpu.memory_space<vmem>>[vector<16xi32>, vector<16xi32>], vector<16xi32>, vector<16xi1>
    tpu.vector_store_idx %arg10[%shift_right_logical3A_715, %and3A_718], %iota3A masked %lt3A_712 : memref<49x128xi32, #tpu.memory_space<vmem>>[vector<16xi32>, vector<16xi32>], vector<16xi32>, vector<16xi1>
    %mul3A_719 = arith.constant 552 : i32
    %mul3A_720 = arith.muli %arg1, %mul3A_719 : i32
    %dma_wait3A_721 = arith.constant 0 : i32
    %dma_wait3A_722 = tpu.memref_slice %arg13[%mul3A_720, %dma_wait3A_721] : memref<8848x128xf32, #tpu.memory_space<vmem_shared>> -> memref<552x128xf32, #tpu.memory_space<vmem_shared>>
    tpu.wait_dma2 semaphore(%arg14 : memref<!tpu.dma_semaphore, #tpu.memory_space<semaphore_mem>>) src(%arg4 : memref<552x128xf32, #tpu.memory_space<hbm>>) dst(%dma_wait3A_722 : memref<552x128xf32, #tpu.memory_space<vmem_shared>>)
    %barrier3A_723 = arith.constant 0 : index
    tpu.barrier barrier_id(%barrier3A_723)
    %shift_right_logical3A_724 = arith.constant 7 : i32
    %shift_right_logical3A_725 = arith.shrui %and3A_622, %shift_right_logical3A_724 : i32
    %shift_right_logical3A_726 = arith.constant 8 : i32
    %shift_right_logical3A_727 = arith.shrui %and3A_622, %shift_right_logical3A_726 : i32
    %gt3A_728 = arith.constant 0 : i32
    %gt3A_729 = arith.cmpi sgt, %shift_right_logical3A_725, %gt3A_728 : i32
    %convert_element_type3A_730 = arith.extui %gt3A_729 : i1 to i32
    %cond3A_731 = arith.constant 0 : i32
    %cond3A_732 = arith.cmpi ne, %convert_element_type3A_730, %cond3A_731 : i32
    scf.if %cond3A_732 {
      %dma_start3A_923 = arith.constant 0 : i32
      %dma_start3A_924 = arith.constant 0 : i32
      %dma_start3A_925 = tpu.memref_slice %arg10[%dma_start3A_923, %dma_start3A_924] : memref<49x128xi32, #tpu.memory_space<vmem>> -> memref<1x128xi32, #tpu.memory_space<vmem>>
      %dma_start3A_926 = tpu.memref_squeeze %dma_start3A_925 : memref<1x128xi32, #tpu.memory_space<vmem>> -> memref<128xi32, #tpu.memory_space<vmem>>
      %dma_start3A_927 = arith.constant 0 : i32
      %dma_start3A_928 = arith.constant 0 : i32
      %dma_start3A_929 = tpu.memref_slice %arg5[%dma_start3A_927, %dma_start3A_928] : memref<100000x128xf32, #tpu.memory_space<hbm>> -> memref<100000x128xf32, #tpu.memory_space<hbm>>
      tpu.enqueue_indirect_dma source(%dma_start3A_929 : memref<100000x128xf32, #tpu.memory_space<hbm>>) target(%arg11 : memref<128x128xf32, #tpu.memory_space<vmem>>) offsets(%dma_start3A_926 : memref<128xi32, #tpu.memory_space<vmem>>) semaphore(%arg15 : memref<!tpu.dma_semaphore, #tpu.memory_space<semaphore_mem>>)
    } else {
    }
    %while3A_733 = arith.constant 0 : i32
    %while3A_734 = arith.constant 0 : i32
    %while3A_735 = arith.subi %shift_right_logical3A_727, %while3A_734 : i32
    %while3A_736 = arith.addi %while3A_734, %while3A_735 : i32
    %while3A_737 = arith.constant 1 : i32
    %while3A_738 = arith.divsi %while3A_735, %while3A_737 : i32
    %while3A_739 = arith.muli %while3A_738, %while3A_737 : i32
    %while3A_740 = arith.addi %while3A_734, %while3A_739 : i32
    %while3A_741 = arith.constant 1 : i32
    scf.for %while3A_923 = %while3A_734 to %while3A_740 step %while3A_741  : i32 {
      %mul3A_924 = arith.constant 2 : i32
      %mul3A_925 = arith.muli %mul3A_924, %while3A_923 : i32
      %add3A_926 = arith.constant 1 : i32
      %add3A_927 = arith.addi %mul3A_925, %add3A_926 : i32
      %dma_start3A_928 = arith.constant 0 : i32
      %dma_start3A_929 = tpu.memref_slice %arg10[%add3A_927, %dma_start3A_928] : memref<49x128xi32, #tpu.memory_space<vmem>> -> memref<1x128xi32, #tpu.memory_space<vmem>>
      %dma_start3A_930 = tpu.memref_squeeze %dma_start3A_929 : memref<1x128xi32, #tpu.memory_space<vmem>> -> memref<128xi32, #tpu.memory_space<vmem>>
      %dma_start3A_931 = arith.constant 0 : i32
      %dma_start3A_932 = arith.constant 0 : i32
      %dma_start3A_933 = tpu.memref_slice %arg5[%dma_start3A_931, %dma_start3A_932] : memref<100000x128xf32, #tpu.memory_space<hbm>> -> memref<100000x128xf32, #tpu.memory_space<hbm>>
      tpu.enqueue_indirect_dma source(%dma_start3A_933 : memref<100000x128xf32, #tpu.memory_space<hbm>>) target(%arg12 : memref<128x128xf32, #tpu.memory_space<vmem>>) offsets(%dma_start3A_930 : memref<128xi32, #tpu.memory_space<vmem>>) semaphore(%arg16 : memref<!tpu.dma_semaphore, #tpu.memory_space<semaphore_mem>>)
      %mul3A_934 = arith.constant 2 : i32
      %mul3A_935 = arith.muli %mul3A_934, %while3A_923 : i32
      %dma_wait3A_936 = arith.constant 0 : i32
      %dma_wait3A_937 = tpu.memref_slice %arg10[%mul3A_935, %dma_wait3A_936] : memref<49x128xi32, #tpu.memory_space<vmem>> -> memref<1x128xi32, #tpu.memory_space<vmem>>
      %dma_wait3A_938 = tpu.memref_squeeze %dma_wait3A_937 : memref<1x128xi32, #tpu.memory_space<vmem>> -> memref<128xi32, #tpu.memory_space<vmem>>
      %dma_wait3A_939 = arith.constant 0 : i32
      %dma_wait3A_940 = arith.constant 0 : i32
      %dma_wait3A_941 = tpu.memref_slice %arg5[%dma_wait3A_939, %dma_wait3A_940] : memref<100000x128xf32, #tpu.memory_space<hbm>> -> memref<100000x128xf32, #tpu.memory_space<hbm>>
      tpu.wait_indirect_dma semaphore(%arg15 : memref<!tpu.dma_semaphore, #tpu.memory_space<semaphore_mem>>) src(%dma_wait3A_941 : memref<100000x128xf32, #tpu.memory_space<hbm>>) dst(%arg11 : memref<128x128xf32, #tpu.memory_space<vmem>>)
      %mul3A_942 = arith.constant 2 : i32
      %mul3A_943 = arith.muli %mul3A_942, %while3A_923 : i32
      "tpu.region"() ({
        %run_scoped3A = tpu.sem_alloc : memref<!tpu.dma_semaphore, #tpu.memory_space<semaphore_mem>>
        %dma_start3A_966 = arith.constant 0 : i32
        %dma_start3A_967 = tpu.memref_slice %arg9[%mul3A_943, %dma_start3A_966] : memref<49x128xi32, #tpu.memory_space<vmem>> -> memref<1x128xi32, #tpu.memory_space<vmem>>
        %dma_start3A_968 = tpu.memref_squeeze %dma_start3A_967 : memref<1x128xi32, #tpu.memory_space<vmem>> -> memref<128xi32, #tpu.memory_space<vmem>>
        %dma_start3A_969 = arith.constant 0 : i32
        %dma_start3A_970 = arith.constant 0 : i32
        %dma_start3A_971 = tpu.memref_slice %arg13[%dma_start3A_969, %dma_start3A_970] : memref<8848x128xf32, #tpu.memory_space<vmem_shared>> -> memref<8848x128xf32, #tpu.memory_space<vmem_shared>>
        tpu.enqueue_indirect_dma source(%arg11 : memref<128x128xf32, #tpu.memory_space<vmem>>) target(%dma_start3A_971 : memref<8848x128xf32, #tpu.memory_space<vmem_shared>>) offsets(%dma_start3A_968 : memref<128xi32, #tpu.memory_space<vmem>>) semaphore(%run_scoped3A : memref<!tpu.dma_semaphore, #tpu.memory_space<semaphore_mem>>) {add = true}
        %dma_wait3A_972 = arith.constant 0 : i32
        %dma_wait3A_973 = tpu.memref_slice %arg9[%mul3A_943, %dma_wait3A_972] : memref<49x128xi32, #tpu.memory_space<vmem>> -> memref<1x128xi32, #tpu.memory_space<vmem>>
        %dma_wait3A_974 = tpu.memref_squeeze %dma_wait3A_973 : memref<1x128xi32, #tpu.memory_space<vmem>> -> memref<128xi32, #tpu.memory_space<vmem>>
        %dma_wait3A_975 = arith.constant 0 : i32
        %dma_wait3A_976 = arith.constant 0 : i32
        %dma_wait3A_977 = tpu.memref_slice %arg13[%dma_wait3A_975, %dma_wait3A_976] : memref<8848x128xf32, #tpu.memory_space<vmem_shared>> -> memref<8848x128xf32, #tpu.memory_space<vmem_shared>>
        tpu.wait_indirect_dma semaphore(%run_scoped3A : memref<!tpu.dma_semaphore, #tpu.memory_space<semaphore_mem>>) src(%arg11 : memref<128x128xf32, #tpu.memory_space<vmem>>) dst(%dma_wait3A_977 : memref<8848x128xf32, #tpu.memory_space<vmem_shared>>)
        tpu.yield
      }) : () -> ()
      %mul3A_944 = arith.constant 2 : i32
      %mul3A_945 = arith.muli %mul3A_944, %while3A_923 : i32
      %add3A_946 = arith.constant 2 : i32
      %add3A_947 = arith.addi %mul3A_945, %add3A_946 : i32
      %lt3A_948 = arith.cmpi slt, %add3A_947, %shift_right_logical3A_725 : i32
      %convert_element_type3A_949 = arith.extui %lt3A_948 : i1 to i32
      %cond3A_950 = arith.constant 0 : i32
      %cond3A_951 = arith.cmpi ne, %convert_element_type3A_949, %cond3A_950 : i32
      scf.if %cond3A_951 {
        %mul3A_966 = arith.constant 2 : i32
        %mul3A_967 = arith.muli %mul3A_966, %while3A_923 : i32
        %add3A_968 = arith.constant 2 : i32
        %add3A_969 = arith.addi %mul3A_967, %add3A_968 : i32
        %dma_start3A_970 = arith.constant 0 : i32
        %dma_start3A_971 = tpu.memref_slice %arg10[%add3A_969, %dma_start3A_970] : memref<49x128xi32, #tpu.memory_space<vmem>> -> memref<1x128xi32, #tpu.memory_space<vmem>>
        %dma_start3A_972 = tpu.memref_squeeze %dma_start3A_971 : memref<1x128xi32, #tpu.memory_space<vmem>> -> memref<128xi32, #tpu.memory_space<vmem>>
        %dma_start3A_973 = arith.constant 0 : i32
        %dma_start3A_974 = arith.constant 0 : i32
        %dma_start3A_975 = tpu.memref_slice %arg5[%dma_start3A_973, %dma_start3A_974] : memref<100000x128xf32, #tpu.memory_space<hbm>> -> memref<100000x128xf32, #tpu.memory_space<hbm>>
        tpu.enqueue_indirect_dma source(%dma_start3A_975 : memref<100000x128xf32, #tpu.memory_space<hbm>>) target(%arg11 : memref<128x128xf32, #tpu.memory_space<vmem>>) offsets(%dma_start3A_972 : memref<128xi32, #tpu.memory_space<vmem>>) semaphore(%arg15 : memref<!tpu.dma_semaphore, #tpu.memory_space<semaphore_mem>>)
      } else {
      }
      %mul3A_952 = arith.constant 2 : i32
      %mul3A_953 = arith.muli %mul3A_952, %while3A_923 : i32
      %add3A_954 = arith.constant 1 : i32
      %add3A_955 = arith.addi %mul3A_953, %add3A_954 : i32
      %dma_wait3A_956 = arith.constant 0 : i32
      %dma_wait3A_957 = tpu.memref_slice %arg10[%add3A_955, %dma_wait3A_956] : memref<49x128xi32, #tpu.memory_space<vmem>> -> memref<1x128xi32, #tpu.memory_space<vmem>>
      %dma_wait3A_958 = tpu.memref_squeeze %dma_wait3A_957 : memref<1x128xi32, #tpu.memory_space<vmem>> -> memref<128xi32, #tpu.memory_space<vmem>>
      %dma_wait3A_959 = arith.constant 0 : i32
      %dma_wait3A_960 = arith.constant 0 : i32
      %dma_wait3A_961 = tpu.memref_slice %arg5[%dma_wait3A_959, %dma_wait3A_960] : memref<100000x128xf32, #tpu.memory_space<hbm>> -> memref<100000x128xf32, #tpu.memory_space<hbm>>
      tpu.wait_indirect_dma semaphore(%arg16 : memref<!tpu.dma_semaphore, #tpu.memory_space<semaphore_mem>>) src(%dma_wait3A_961 : memref<100000x128xf32, #tpu.memory_space<hbm>>) dst(%arg12 : memref<128x128xf32, #tpu.memory_space<vmem>>)
      %mul3A_962 = arith.constant 2 : i32
      %mul3A_963 = arith.muli %mul3A_962, %while3A_923 : i32
      %add3A_964 = arith.constant 1 : i32
      %add3A_965 = arith.addi %mul3A_963, %add3A_964 : i32
      "tpu.region"() ({
        %run_scoped3A = tpu.sem_alloc : memref<!tpu.dma_semaphore, #tpu.memory_space<semaphore_mem>>
        %dma_start3A_966 = arith.constant 0 : i32
        %dma_start3A_967 = tpu.memref_slice %arg9[%add3A_965, %dma_start3A_966] : memref<49x128xi32, #tpu.memory_space<vmem>> -> memref<1x128xi32, #tpu.memory_space<vmem>>
        %dma_start3A_968 = tpu.memref_squeeze %dma_start3A_967 : memref<1x128xi32, #tpu.memory_space<vmem>> -> memref<128xi32, #tpu.memory_space<vmem>>
        %dma_start3A_969 = arith.constant 0 : i32
        %dma_start3A_970 = arith.constant 0 : i32
        %dma_start3A_971 = tpu.memref_slice %arg13[%dma_start3A_969, %dma_start3A_970] : memref<8848x128xf32, #tpu.memory_space<vmem_shared>> -> memref<8848x128xf32, #tpu.memory_space<vmem_shared>>
        tpu.enqueue_indirect_dma source(%arg12 : memref<128x128xf32, #tpu.memory_space<vmem>>) target(%dma_start3A_971 : memref<8848x128xf32, #tpu.memory_space<vmem_shared>>) offsets(%dma_start3A_968 : memref<128xi32, #tpu.memory_space<vmem>>) semaphore(%run_scoped3A : memref<!tpu.dma_semaphore, #tpu.memory_space<semaphore_mem>>) {add = true}
        %dma_wait3A_972 = arith.constant 0 : i32
        %dma_wait3A_973 = tpu.memref_slice %arg9[%add3A_965, %dma_wait3A_972] : memref<49x128xi32, #tpu.memory_space<vmem>> -> memref<1x128xi32, #tpu.memory_space<vmem>>
        %dma_wait3A_974 = tpu.memref_squeeze %dma_wait3A_973 : memref<1x128xi32, #tpu.memory_space<vmem>> -> memref<128xi32, #tpu.memory_space<vmem>>
        %dma_wait3A_975 = arith.constant 0 : i32
        %dma_wait3A_976 = arith.constant 0 : i32
        %dma_wait3A_977 = tpu.memref_slice %arg13[%dma_wait3A_975, %dma_wait3A_976] : memref<8848x128xf32, #tpu.memory_space<vmem_shared>> -> memref<8848x128xf32, #tpu.memory_space<vmem_shared>>
        tpu.wait_indirect_dma semaphore(%run_scoped3A : memref<!tpu.dma_semaphore, #tpu.memory_space<semaphore_mem>>) src(%arg12 : memref<128x128xf32, #tpu.memory_space<vmem>>) dst(%dma_wait3A_977 : memref<8848x128xf32, #tpu.memory_space<vmem_shared>>)
        tpu.yield
      }) : () -> ()
    }
    %while3A_742 = arith.constant 1 : i32
    scf.for %while3A_923 = %while3A_740 to %while3A_736 step %while3A_742  : i32 {
      %mul3A_924 = arith.constant 2 : i32
      %mul3A_925 = arith.muli %mul3A_924, %while3A_923 : i32
      %add3A_926 = arith.constant 1 : i32
      %add3A_927 = arith.addi %mul3A_925, %add3A_926 : i32
      %dma_start3A_928 = arith.constant 0 : i32
      %dma_start3A_929 = tpu.memref_slice %arg10[%add3A_927, %dma_start3A_928] : memref<49x128xi32, #tpu.memory_space<vmem>> -> memref<1x128xi32, #tpu.memory_space<vmem>>
      %dma_start3A_930 = tpu.memref_squeeze %dma_start3A_929 : memref<1x128xi32, #tpu.memory_space<vmem>> -> memref<128xi32, #tpu.memory_space<vmem>>
      %dma_start3A_931 = arith.constant 0 : i32
      %dma_start3A_932 = arith.constant 0 : i32
      %dma_start3A_933 = tpu.memref_slice %arg5[%dma_start3A_931, %dma_start3A_932] : memref<100000x128xf32, #tpu.memory_space<hbm>> -> memref<100000x128xf32, #tpu.memory_space<hbm>>
      tpu.enqueue_indirect_dma source(%dma_start3A_933 : memref<100000x128xf32, #tpu.memory_space<hbm>>) target(%arg12 : memref<128x128xf32, #tpu.memory_space<vmem>>) offsets(%dma_start3A_930 : memref<128xi32, #tpu.memory_space<vmem>>) semaphore(%arg16 : memref<!tpu.dma_semaphore, #tpu.memory_space<semaphore_mem>>)
      %mul3A_934 = arith.constant 2 : i32
      %mul3A_935 = arith.muli %mul3A_934, %while3A_923 : i32
      %dma_wait3A_936 = arith.constant 0 : i32
      %dma_wait3A_937 = tpu.memref_slice %arg10[%mul3A_935, %dma_wait3A_936] : memref<49x128xi32, #tpu.memory_space<vmem>> -> memref<1x128xi32, #tpu.memory_space<vmem>>
      %dma_wait3A_938 = tpu.memref_squeeze %dma_wait3A_937 : memref<1x128xi32, #tpu.memory_space<vmem>> -> memref<128xi32, #tpu.memory_space<vmem>>
      %dma_wait3A_939 = arith.constant 0 : i32
      %dma_wait3A_940 = arith.constant 0 : i32
      %dma_wait3A_941 = tpu.memref_slice %arg5[%dma_wait3A_939, %dma_wait3A_940] : memref<100000x128xf32, #tpu.memory_space<hbm>> -> memref<100000x128xf32, #tpu.memory_space<hbm>>
      tpu.wait_indirect_dma semaphore(%arg15 : memref<!tpu.dma_semaphore, #tpu.memory_space<semaphore_mem>>) src(%dma_wait3A_941 : memref<100000x128xf32, #tpu.memory_space<hbm>>) dst(%arg11 : memref<128x128xf32, #tpu.memory_space<vmem>>)
      %mul3A_942 = arith.constant 2 : i32
      %mul3A_943 = arith.muli %mul3A_942, %while3A_923 : i32
      "tpu.region"() ({
        %run_scoped3A = tpu.sem_alloc : memref<!tpu.dma_semaphore, #tpu.memory_space<semaphore_mem>>
        %dma_start3A_966 = arith.constant 0 : i32
        %dma_start3A_967 = tpu.memref_slice %arg9[%mul3A_943, %dma_start3A_966] : memref<49x128xi32, #tpu.memory_space<vmem>> -> memref<1x128xi32, #tpu.memory_space<vmem>>
        %dma_start3A_968 = tpu.memref_squeeze %dma_start3A_967 : memref<1x128xi32, #tpu.memory_space<vmem>> -> memref<128xi32, #tpu.memory_space<vmem>>
        %dma_start3A_969 = arith.constant 0 : i32
        %dma_start3A_970 = arith.constant 0 : i32
        %dma_start3A_971 = tpu.memref_slice %arg13[%dma_start3A_969, %dma_start3A_970] : memref<8848x128xf32, #tpu.memory_space<vmem_shared>> -> memref<8848x128xf32, #tpu.memory_space<vmem_shared>>
        tpu.enqueue_indirect_dma source(%arg11 : memref<128x128xf32, #tpu.memory_space<vmem>>) target(%dma_start3A_971 : memref<8848x128xf32, #tpu.memory_space<vmem_shared>>) offsets(%dma_start3A_968 : memref<128xi32, #tpu.memory_space<vmem>>) semaphore(%run_scoped3A : memref<!tpu.dma_semaphore, #tpu.memory_space<semaphore_mem>>) {add = true}
        %dma_wait3A_972 = arith.constant 0 : i32
        %dma_wait3A_973 = tpu.memref_slice %arg9[%mul3A_943, %dma_wait3A_972] : memref<49x128xi32, #tpu.memory_space<vmem>> -> memref<1x128xi32, #tpu.memory_space<vmem>>
        %dma_wait3A_974 = tpu.memref_squeeze %dma_wait3A_973 : memref<1x128xi32, #tpu.memory_space<vmem>> -> memref<128xi32, #tpu.memory_space<vmem>>
        %dma_wait3A_975 = arith.constant 0 : i32
        %dma_wait3A_976 = arith.constant 0 : i32
        %dma_wait3A_977 = tpu.memref_slice %arg13[%dma_wait3A_975, %dma_wait3A_976] : memref<8848x128xf32, #tpu.memory_space<vmem_shared>> -> memref<8848x128xf32, #tpu.memory_space<vmem_shared>>
        tpu.wait_indirect_dma semaphore(%run_scoped3A : memref<!tpu.dma_semaphore, #tpu.memory_space<semaphore_mem>>) src(%arg11 : memref<128x128xf32, #tpu.memory_space<vmem>>) dst(%dma_wait3A_977 : memref<8848x128xf32, #tpu.memory_space<vmem_shared>>)
        tpu.yield
      }) : () -> ()
      %mul3A_944 = arith.constant 2 : i32
      %mul3A_945 = arith.muli %mul3A_944, %while3A_923 : i32
      %add3A_946 = arith.constant 2 : i32
      %add3A_947 = arith.addi %mul3A_945, %add3A_946 : i32
      %lt3A_948 = arith.cmpi slt, %add3A_947, %shift_right_logical3A_725 : i32
      %convert_element_type3A_949 = arith.extui %lt3A_948 : i1 to i32
      %cond3A_950 = arith.constant 0 : i32
      %cond3A_951 = arith.cmpi ne, %convert_element_type3A_949, %cond3A_950 : i32
      scf.if %cond3A_951 {
        %mul3A_966 = arith.constant 2 : i32
        %mul3A_967 = arith.muli %mul3A_966, %while3A_923 : i32
        %add3A_968 = arith.constant 2 : i32
        %add3A_969 = arith.addi %mul3A_967, %add3A_968 : i32
        %dma_start3A_970 = arith.constant 0 : i32
        %dma_start3A_971 = tpu.memref_slice %arg10[%add3A_969, %dma_start3A_970] : memref<49x128xi32, #tpu.memory_space<vmem>> -> memref<1x128xi32, #tpu.memory_space<vmem>>
        %dma_start3A_972 = tpu.memref_squeeze %dma_start3A_971 : memref<1x128xi32, #tpu.memory_space<vmem>> -> memref<128xi32, #tpu.memory_space<vmem>>
        %dma_start3A_973 = arith.constant 0 : i32
        %dma_start3A_974 = arith.constant 0 : i32
        %dma_start3A_975 = tpu.memref_slice %arg5[%dma_start3A_973, %dma_start3A_974] : memref<100000x128xf32, #tpu.memory_space<hbm>> -> memref<100000x128xf32, #tpu.memory_space<hbm>>
        tpu.enqueue_indirect_dma source(%dma_start3A_975 : memref<100000x128xf32, #tpu.memory_space<hbm>>) target(%arg11 : memref<128x128xf32, #tpu.memory_space<vmem>>) offsets(%dma_start3A_972 : memref<128xi32, #tpu.memory_space<vmem>>) semaphore(%arg15 : memref<!tpu.dma_semaphore, #tpu.memory_space<semaphore_mem>>)
      } else {
      }
      %mul3A_952 = arith.constant 2 : i32
      %mul3A_953 = arith.muli %mul3A_952, %while3A_923 : i32
      %add3A_954 = arith.constant 1 : i32
      %add3A_955 = arith.addi %mul3A_953, %add3A_954 : i32
      %dma_wait3A_956 = arith.constant 0 : i32
      %dma_wait3A_957 = tpu.memref_slice %arg10[%add3A_955, %dma_wait3A_956] : memref<49x128xi32, #tpu.memory_space<vmem>> -> memref<1x128xi32, #tpu.memory_space<vmem>>
      %dma_wait3A_958 = tpu.memref_squeeze %dma_wait3A_957 : memref<1x128xi32, #tpu.memory_space<vmem>> -> memref<128xi32, #tpu.memory_space<vmem>>
      %dma_wait3A_959 = arith.constant 0 : i32
      %dma_wait3A_960 = arith.constant 0 : i32
      %dma_wait3A_961 = tpu.memref_slice %arg5[%dma_wait3A_959, %dma_wait3A_960] : memref<100000x128xf32, #tpu.memory_space<hbm>> -> memref<100000x128xf32, #tpu.memory_space<hbm>>
      tpu.wait_indirect_dma semaphore(%arg16 : memref<!tpu.dma_semaphore, #tpu.memory_space<semaphore_mem>>) src(%dma_wait3A_961 : memref<100000x128xf32, #tpu.memory_space<hbm>>) dst(%arg12 : memref<128x128xf32, #tpu.memory_space<vmem>>)
      %mul3A_962 = arith.constant 2 : i32
      %mul3A_963 = arith.muli %mul3A_962, %while3A_923 : i32
      %add3A_964 = arith.constant 1 : i32
      %add3A_965 = arith.addi %mul3A_963, %add3A_964 : i32
      "tpu.region"() ({
        %run_scoped3A = tpu.sem_alloc : memref<!tpu.dma_semaphore, #tpu.memory_space<semaphore_mem>>
        %dma_start3A_966 = arith.constant 0 : i32
        %dma_start3A_967 = tpu.memref_slice %arg9[%add3A_965, %dma_start3A_966] : memref<49x128xi32, #tpu.memory_space<vmem>> -> memref<1x128xi32, #tpu.memory_space<vmem>>
        %dma_start3A_968 = tpu.memref_squeeze %dma_start3A_967 : memref<1x128xi32, #tpu.memory_space<vmem>> -> memref<128xi32, #tpu.memory_space<vmem>>
        %dma_start3A_969 = arith.constant 0 : i32
        %dma_start3A_970 = arith.constant 0 : i32
        %dma_start3A_971 = tpu.memref_slice %arg13[%dma_start3A_969, %dma_start3A_970] : memref<8848x128xf32, #tpu.memory_space<vmem_shared>> -> memref<8848x128xf32, #tpu.memory_space<vmem_shared>>
        tpu.enqueue_indirect_dma source(%arg12 : memref<128x128xf32, #tpu.memory_space<vmem>>) target(%dma_start3A_971 : memref<8848x128xf32, #tpu.memory_space<vmem_shared>>) offsets(%dma_start3A_968 : memref<128xi32, #tpu.memory_space<vmem>>) semaphore(%run_scoped3A : memref<!tpu.dma_semaphore, #tpu.memory_space<semaphore_mem>>) {add = true}
        %dma_wait3A_972 = arith.constant 0 : i32
        %dma_wait3A_973 = tpu.memref_slice %arg9[%add3A_965, %dma_wait3A_972] : memref<49x128xi32, #tpu.memory_space<vmem>> -> memref<1x128xi32, #tpu.memory_space<vmem>>
        %dma_wait3A_974 = tpu.memref_squeeze %dma_wait3A_973 : memref<1x128xi32, #tpu.memory_space<vmem>> -> memref<128xi32, #tpu.memory_space<vmem>>
        %dma_wait3A_975 = arith.constant 0 : i32
        %dma_wait3A_976 = arith.constant 0 : i32
        %dma_wait3A_977 = tpu.memref_slice %arg13[%dma_wait3A_975, %dma_wait3A_976] : memref<8848x128xf32, #tpu.memory_space<vmem_shared>> -> memref<8848x128xf32, #tpu.memory_space<vmem_shared>>
        tpu.wait_indirect_dma semaphore(%run_scoped3A : memref<!tpu.dma_semaphore, #tpu.memory_space<semaphore_mem>>) src(%arg12 : memref<128x128xf32, #tpu.memory_space<vmem>>) dst(%dma_wait3A_977 : memref<8848x128xf32, #tpu.memory_space<vmem_shared>>)
        tpu.yield
      }) : () -> ()
    }
    %mul3A_743 = arith.constant 2 : i32
    %mul3A_744 = arith.muli %mul3A_743, %shift_right_logical3A_727 : i32
    %gt3A_745 = arith.cmpi sgt, %shift_right_logical3A_725, %mul3A_744 : i32
    %convert_element_type3A_746 = arith.extui %gt3A_745 : i1 to i32
    %cond3A_747 = arith.constant 0 : i32
    %cond3A_748 = arith.cmpi ne, %convert_element_type3A_746, %cond3A_747 : i32
    scf.if %cond3A_748 {
      %sub3A = arith.constant 1 : i32
      %sub3A_923 = arith.subi %shift_right_logical3A_725, %sub3A : i32
      %dma_wait3A_924 = arith.constant 0 : i32
      %dma_wait3A_925 = tpu.memref_slice %arg10[%sub3A_923, %dma_wait3A_924] : memref<49x128xi32, #tpu.memory_space<vmem>> -> memref<1x128xi32, #tpu.memory_space<vmem>>
      %dma_wait3A_926 = tpu.memref_squeeze %dma_wait3A_925 : memref<1x128xi32, #tpu.memory_space<vmem>> -> memref<128xi32, #tpu.memory_space<vmem>>
      %dma_wait3A_927 = arith.constant 0 : i32
      %dma_wait3A_928 = arith.constant 0 : i32
      %dma_wait3A_929 = tpu.memref_slice %arg5[%dma_wait3A_927, %dma_wait3A_928] : memref<100000x128xf32, #tpu.memory_space<hbm>> -> memref<100000x128xf32, #tpu.memory_space<hbm>>
      tpu.wait_indirect_dma semaphore(%arg15 : memref<!tpu.dma_semaphore, #tpu.memory_space<semaphore_mem>>) src(%dma_wait3A_929 : memref<100000x128xf32, #tpu.memory_space<hbm>>) dst(%arg11 : memref<128x128xf32, #tpu.memory_space<vmem>>)
      %sub3A_930 = arith.constant 1 : i32
      %sub3A_931 = arith.subi %shift_right_logical3A_725, %sub3A_930 : i32
      "tpu.region"() ({
        %run_scoped3A = tpu.sem_alloc : memref<!tpu.dma_semaphore, #tpu.memory_space<semaphore_mem>>
        %dma_start3A_932 = arith.constant 0 : i32
        %dma_start3A_933 = tpu.memref_slice %arg9[%sub3A_931, %dma_start3A_932] : memref<49x128xi32, #tpu.memory_space<vmem>> -> memref<1x128xi32, #tpu.memory_space<vmem>>
        %dma_start3A_934 = tpu.memref_squeeze %dma_start3A_933 : memref<1x128xi32, #tpu.memory_space<vmem>> -> memref<128xi32, #tpu.memory_space<vmem>>
        %dma_start3A_935 = arith.constant 0 : i32
        %dma_start3A_936 = arith.constant 0 : i32
        %dma_start3A_937 = tpu.memref_slice %arg13[%dma_start3A_935, %dma_start3A_936] : memref<8848x128xf32, #tpu.memory_space<vmem_shared>> -> memref<8848x128xf32, #tpu.memory_space<vmem_shared>>
        tpu.enqueue_indirect_dma source(%arg11 : memref<128x128xf32, #tpu.memory_space<vmem>>) target(%dma_start3A_937 : memref<8848x128xf32, #tpu.memory_space<vmem_shared>>) offsets(%dma_start3A_934 : memref<128xi32, #tpu.memory_space<vmem>>) semaphore(%run_scoped3A : memref<!tpu.dma_semaphore, #tpu.memory_space<semaphore_mem>>) {add = true}
        %dma_wait3A_938 = arith.constant 0 : i32
        %dma_wait3A_939 = tpu.memref_slice %arg9[%sub3A_931, %dma_wait3A_938] : memref<49x128xi32, #tpu.memory_space<vmem>> -> memref<1x128xi32, #tpu.memory_space<vmem>>
        %dma_wait3A_940 = tpu.memref_squeeze %dma_wait3A_939 : memref<1x128xi32, #tpu.memory_space<vmem>> -> memref<128xi32, #tpu.memory_space<vmem>>
        %dma_wait3A_941 = arith.constant 0 : i32
        %dma_wait3A_942 = arith.constant 0 : i32
        %dma_wait3A_943 = tpu.memref_slice %arg13[%dma_wait3A_941, %dma_wait3A_942] : memref<8848x128xf32, #tpu.memory_space<vmem_shared>> -> memref<8848x128xf32, #tpu.memory_space<vmem_shared>>
        tpu.wait_indirect_dma semaphore(%run_scoped3A : memref<!tpu.dma_semaphore, #tpu.memory_space<semaphore_mem>>) src(%arg11 : memref<128x128xf32, #tpu.memory_space<vmem>>) dst(%dma_wait3A_943 : memref<8848x128xf32, #tpu.memory_space<vmem_shared>>)
        tpu.yield
      }) : () -> ()
    } else {
    }
    %barrier3A_749 = arith.constant 0 : index
    tpu.barrier barrier_id(%barrier3A_749)
    %mul3A_750 = arith.constant 552 : i32
    %mul3A_751 = arith.muli %arg1, %mul3A_750 : i32
    %mul3A_752 = arith.constant 552 : i32
    %mul3A_753 = arith.muli %arg1, %mul3A_752 : i32
    %add3A_754 = arith.addi %mul3A_605, %mul3A_753 : i32
    "tpu.region"() ({
      %run_scoped3A = tpu.sem_alloc : memref<!tpu.dma_semaphore, #tpu.memory_space<semaphore_mem>>
      %dma_start3A_923 = arith.constant 0 : i32
      %dma_start3A_924 = tpu.memref_slice %arg6[%add3A_754, %dma_start3A_923] : memref<100000x128xf32, #tpu.memory_space<hbm>> -> memref<552x128xf32, #tpu.memory_space<hbm>>
      %dma_start3A_925 = arith.constant 0 : i32
      %dma_start3A_926 = tpu.memref_slice %arg13[%mul3A_751, %dma_start3A_925] : memref<8848x128xf32, #tpu.memory_space<vmem_shared>> -> memref<552x128xf32, #tpu.memory_space<vmem_shared>>
      tpu.enqueue_dma source(%dma_start3A_926 : memref<552x128xf32, #tpu.memory_space<vmem_shared>>) target(%dma_start3A_924 : memref<552x128xf32, #tpu.memory_space<hbm>>) target_semaphore(%run_scoped3A : memref<!tpu.dma_semaphore, #tpu.memory_space<semaphore_mem>>)
      %dma_wait3A_927 = arith.constant 0 : i32
      %dma_wait3A_928 = tpu.memref_slice %arg6[%add3A_754, %dma_wait3A_927] : memref<100000x128xf32, #tpu.memory_space<hbm>> -> memref<552x128xf32, #tpu.memory_space<hbm>>
      %dma_wait3A_929 = arith.constant 0 : i32
      %dma_wait3A_930 = tpu.memref_slice %arg13[%mul3A_751, %dma_wait3A_929] : memref<8848x128xf32, #tpu.memory_space<vmem_shared>> -> memref<552x128xf32, #tpu.memory_space<vmem_shared>>
      tpu.wait_dma2 semaphore(%run_scoped3A : memref<!tpu.dma_semaphore, #tpu.memory_space<semaphore_mem>>) src(%dma_wait3A_930 : memref<552x128xf32, #tpu.memory_space<vmem_shared>>) dst(%dma_wait3A_928 : memref<552x128xf32, #tpu.memory_space<hbm>>)
      tpu.yield
    }) : () -> ()
    %add3A_755 = arith.constant 10 : i32
    %add3A_756 = arith.addi %add3A_755, %arg0 : i32
    %mul3A_757 = arith.constant 8832 : i32
    %mul3A_758 = arith.muli %add3A_756, %mul3A_757 : i32
    %add3A_759 = arith.constant 8832 : i32
    %add3A_760 = arith.addi %mul3A_758, %add3A_759 : i32
    %mul3A_761 = arith.constant 552 : i32
    %mul3A_762 = arith.muli %arg1, %mul3A_761 : i32
    %dma_start3A_763 = arith.constant 0 : i32
    %dma_start3A_764 = tpu.memref_slice %arg13[%mul3A_762, %dma_start3A_763] : memref<8848x128xf32, #tpu.memory_space<vmem_shared>> -> memref<552x128xf32, #tpu.memory_space<vmem_shared>>
    tpu.enqueue_dma source(%arg4 : memref<552x128xf32, #tpu.memory_space<hbm>>) target(%dma_start3A_764 : memref<552x128xf32, #tpu.memory_space<vmem_shared>>) target_semaphore(%arg14 : memref<!tpu.dma_semaphore, #tpu.memory_space<semaphore_mem>>)
    %scan3A_765 = arith.constant 0 : i32
    %scan3A_766 = arith.constant 0 : i32
    %scan3A_767 = arith.constant 391 : i32
    %scan3A_768 = arith.addi %scan3A_766, %scan3A_767 : i32
    %scan3A_769 = arith.constant 1 : i32
    %scan3A_770 = scf.for %scan3A_923 = %scan3A_766 to %scan3A_768 step %scan3A_769 iter_args(%scan3A_924 = %scan3A_765) -> (i32)  : i32 {
      %mul3A_925 = arith.constant 16 : i32
      %mul3A_926 = arith.muli %scan3A_923, %mul3A_925 : i32
      %get3A = arith.index_cast %mul3A_926 : i32 to index
      %get3A_927 = tpu.vector_load %arg7[%get3A] {strides = array<i32>} : memref<6256xi32, #tpu.memory_space<vmem>>, vector<16xi32>,
      %mul3A_928 = arith.constant 16 : i32
      %mul3A_929 = arith.muli %scan3A_923, %mul3A_928 : i32
      %get3A_930 = arith.index_cast %mul3A_929 : i32 to index
      %get3A_931 = tpu.vector_load %arg8[%get3A_930] {strides = array<i32>} : memref<6256xi32, #tpu.memory_space<vmem>>, vector<16xi32>,
      %ge3A = vector.broadcast %mul3A_758 : i32 to vector<16xi32>
      %ge3A_932 = arith.cmpi sge, %get3A_927, %ge3A : vector<16xi32>
      %lt3A_933 = vector.broadcast %add3A_760 : i32 to vector<16xi32>
      %lt3A_934 = arith.cmpi slt, %get3A_927, %lt3A_933 : vector<16xi32>
      %and3A_935 = arith.andi %ge3A_932, %lt3A_934 : vector<16xi1>
      %convert_element_type3A_936 = arith.extui %and3A_935 : vector<16xi1> to vector<16xi32>
      %broadcast_in_dim3A = arith.constant true
      %broadcast_in_dim3A_937 = vector.broadcast %broadcast_in_dim3A : i1 to vector<16xi1>
      %masked_cumsum3A = tpu.scan <sum>, %convert_element_type3A_936 masked %broadcast_in_dim3A_937 : vector<16xi32>, vector<16xi1> -> vector<16xi32>
      %add3A_938 = vector.broadcast %scan3A_924 : i32 to vector<16xi32>
      %add3A_939 = arith.addi %add3A_938, %masked_cumsum3A : vector<16xi32>
      %sub3A = arith.constant 1 : i32
      %sub3A_940 = vector.broadcast %sub3A : i32 to vector<16xi32>
      %sub3A_941 = arith.subi %add3A_939, %sub3A_940 : vector<16xi32>
      %max3A = arith.constant 0 : i32
      %max3A_942 = vector.broadcast %max3A : i32 to vector<16xi32>
      %max3A_943 = arith.maxsi %sub3A_941, %max3A_942 : vector<16xi32>
      %shift_right_logical3A_944 = arith.constant 7 : i32
      %shift_right_logical3A_945 = vector.broadcast %shift_right_logical3A_944 : i32 to vector<16xi32>
      %shift_right_logical3A_946 = arith.shrui %max3A_943, %shift_right_logical3A_945 : vector<16xi32>
      %and3A_947 = arith.constant 127 : i32
      %and3A_948 = vector.broadcast %and3A_947 : i32 to vector<16xi32>
      %and3A_949 = arith.andi %max3A_943, %and3A_948 : vector<16xi32>
      %sub3A_950 = vector.broadcast %mul3A_758 : i32 to vector<16xi32>
      %sub3A_951 = arith.subi %get3A_927, %sub3A_950 : vector<16xi32>
      tpu.vector_store_idx %arg9[%shift_right_logical3A_946, %and3A_949], %sub3A_951 masked %and3A_935 : memref<49x128xi32, #tpu.memory_space<vmem>>[vector<16xi32>, vector<16xi32>], vector<16xi32>, vector<16xi1>
      tpu.vector_store_idx %arg10[%shift_right_logical3A_946, %and3A_949], %get3A_931 masked %and3A_935 : memref<49x128xi32, #tpu.memory_space<vmem>>[vector<16xi32>, vector<16xi32>], vector<16xi32>, vector<16xi1>
      %reduce_sum3A = arith.constant true
      %reduce_sum3A_952 = vector.broadcast %reduce_sum3A : i1 to vector<16xi1>
      %reduce_sum3A_953 = tpu.scan <sum>, %convert_element_type3A_936 masked %reduce_sum3A_952 : vector<16xi32>, vector<16xi1> -> vector<16xi32>
      %reduce_sum3A_954 = vector.extract %reduce_sum3A_953[15] : i32 from vector<16xi32>
      %add3A_955 = arith.addi %scan3A_924, %reduce_sum3A_954 : i32
      scf.yield %add3A_955 : i32
    }
    %scan3A_771 = arith.constant 391 : i32
    %add3A_772 = arith.constant 127 : i32
    %add3A_773 = arith.addi %scan3A_770, %add3A_772 : i32
    %and3A_774 = arith.constant -128 : i32
    %and3A_775 = arith.andi %add3A_773, %and3A_774 : i32
    %add3A_776 = arith.constant 0 : i32
    %add3A_777 = arith.addi %scan3A_770, %add3A_776 : i32
    %add3A_778 = vector.broadcast %add3A_777 : i32 to vector<16xi32>
    %add3A_779 = arith.addi %add3A_778, %iota3A : vector<16xi32>
    %lt3A_780 = vector.broadcast %and3A_775 : i32 to vector<16xi32>
    %lt3A_781 = arith.cmpi slt, %add3A_779, %lt3A_780 : vector<16xi32>
    %shift_right_logical3A_782 = arith.constant 7 : i32
    %shift_right_logical3A_783 = vector.broadcast %shift_right_logical3A_782 : i32 to vector<16xi32>
    %shift_right_logical3A_784 = arith.shrui %add3A_779, %shift_right_logical3A_783 : vector<16xi32>
    %and3A_785 = arith.constant 127 : i32
    %and3A_786 = vector.broadcast %and3A_785 : i32 to vector<16xi32>
    %and3A_787 = arith.andi %add3A_779, %and3A_786 : vector<16xi32>
    tpu.vector_store_idx %arg9[%shift_right_logical3A_784, %and3A_787], %add3A_1 masked %lt3A_781 : memref<49x128xi32, #tpu.memory_space<vmem>>[vector<16xi32>, vector<16xi32>], vector<16xi32>, vector<16xi1>
    tpu.vector_store_idx %arg10[%shift_right_logical3A_784, %and3A_787], %iota3A masked %lt3A_781 : memref<49x128xi32, #tpu.memory_space<vmem>>[vector<16xi32>, vector<16xi32>], vector<16xi32>, vector<16xi1>
    %add3A_788 = arith.constant 16 : i32
    %add3A_789 = arith.addi %scan3A_770, %add3A_788 : i32
    %add3A_790 = vector.broadcast %add3A_789 : i32 to vector<16xi32>
    %add3A_791 = arith.addi %add3A_790, %iota3A : vector<16xi32>
    %lt3A_792 = vector.broadcast %and3A_775 : i32 to vector<16xi32>
    %lt3A_793 = arith.cmpi slt, %add3A_791, %lt3A_792 : vector<16xi32>
    %shift_right_logical3A_794 = arith.constant 7 : i32
    %shift_right_logical3A_795 = vector.broadcast %shift_right_logical3A_794 : i32 to vector<16xi32>
    %shift_right_logical3A_796 = arith.shrui %add3A_791, %shift_right_logical3A_795 : vector<16xi32>
    %and3A_797 = arith.constant 127 : i32
    %and3A_798 = vector.broadcast %and3A_797 : i32 to vector<16xi32>
    %and3A_799 = arith.andi %add3A_791, %and3A_798 : vector<16xi32>
    tpu.vector_store_idx %arg9[%shift_right_logical3A_796, %and3A_799], %add3A_1 masked %lt3A_793 : memref<49x128xi32, #tpu.memory_space<vmem>>[vector<16xi32>, vector<16xi32>], vector<16xi32>, vector<16xi1>
    tpu.vector_store_idx %arg10[%shift_right_logical3A_796, %and3A_799], %iota3A masked %lt3A_793 : memref<49x128xi32, #tpu.memory_space<vmem>>[vector<16xi32>, vector<16xi32>], vector<16xi32>, vector<16xi1>
    %add3A_800 = arith.constant 32 : i32
    %add3A_801 = arith.addi %scan3A_770, %add3A_800 : i32
    %add3A_802 = vector.broadcast %add3A_801 : i32 to vector<16xi32>
    %add3A_803 = arith.addi %add3A_802, %iota3A : vector<16xi32>
    %lt3A_804 = vector.broadcast %and3A_775 : i32 to vector<16xi32>
    %lt3A_805 = arith.cmpi slt, %add3A_803, %lt3A_804 : vector<16xi32>
    %shift_right_logical3A_806 = arith.constant 7 : i32
    %shift_right_logical3A_807 = vector.broadcast %shift_right_logical3A_806 : i32 to vector<16xi32>
    %shift_right_logical3A_808 = arith.shrui %add3A_803, %shift_right_logical3A_807 : vector<16xi32>
    %and3A_809 = arith.constant 127 : i32
    %and3A_810 = vector.broadcast %and3A_809 : i32 to vector<16xi32>
    %and3A_811 = arith.andi %add3A_803, %and3A_810 : vector<16xi32>
    tpu.vector_store_idx %arg9[%shift_right_logical3A_808, %and3A_811], %add3A_1 masked %lt3A_805 : memref<49x128xi32, #tpu.memory_space<vmem>>[vector<16xi32>, vector<16xi32>], vector<16xi32>, vector<16xi1>
    tpu.vector_store_idx %arg10[%shift_right_logical3A_808, %and3A_811], %iota3A masked %lt3A_805 : memref<49x128xi32, #tpu.memory_space<vmem>>[vector<16xi32>, vector<16xi32>], vector<16xi32>, vector<16xi1>
    %add3A_812 = arith.constant 48 : i32
    %add3A_813 = arith.addi %scan3A_770, %add3A_812 : i32
    %add3A_814 = vector.broadcast %add3A_813 : i32 to vector<16xi32>
    %add3A_815 = arith.addi %add3A_814, %iota3A : vector<16xi32>
    %lt3A_816 = vector.broadcast %and3A_775 : i32 to vector<16xi32>
    %lt3A_817 = arith.cmpi slt, %add3A_815, %lt3A_816 : vector<16xi32>
    %shift_right_logical3A_818 = arith.constant 7 : i32
    %shift_right_logical3A_819 = vector.broadcast %shift_right_logical3A_818 : i32 to vector<16xi32>
    %shift_right_logical3A_820 = arith.shrui %add3A_815, %shift_right_logical3A_819 : vector<16xi32>
    %and3A_821 = arith.constant 127 : i32
    %and3A_822 = vector.broadcast %and3A_821 : i32 to vector<16xi32>
    %and3A_823 = arith.andi %add3A_815, %and3A_822 : vector<16xi32>
    tpu.vector_store_idx %arg9[%shift_right_logical3A_820, %and3A_823], %add3A_1 masked %lt3A_817 : memref<49x128xi32, #tpu.memory_space<vmem>>[vector<16xi32>, vector<16xi32>], vector<16xi32>, vector<16xi1>
    tpu.vector_store_idx %arg10[%shift_right_logical3A_820, %and3A_823], %iota3A masked %lt3A_817 : memref<49x128xi32, #tpu.memory_space<vmem>>[vector<16xi32>, vector<16xi32>], vector<16xi32>, vector<16xi1>
    %add3A_824 = arith.constant 64 : i32
    %add3A_825 = arith.addi %scan3A_770, %add3A_824 : i32
    %add3A_826 = vector.broadcast %add3A_825 : i32 to vector<16xi32>
    %add3A_827 = arith.addi %add3A_826, %iota3A : vector<16xi32>
    %lt3A_828 = vector.broadcast %and3A_775 : i32 to vector<16xi32>
    %lt3A_829 = arith.cmpi slt, %add3A_827, %lt3A_828 : vector<16xi32>
    %shift_right_logical3A_830 = arith.constant 7 : i32
    %shift_right_logical3A_831 = vector.broadcast %shift_right_logical3A_830 : i32 to vector<16xi32>
    %shift_right_logical3A_832 = arith.shrui %add3A_827, %shift_right_logical3A_831 : vector<16xi32>
    %and3A_833 = arith.constant 127 : i32
    %and3A_834 = vector.broadcast %and3A_833 : i32 to vector<16xi32>
    %and3A_835 = arith.andi %add3A_827, %and3A_834 : vector<16xi32>
    tpu.vector_store_idx %arg9[%shift_right_logical3A_832, %and3A_835], %add3A_1 masked %lt3A_829 : memref<49x128xi32, #tpu.memory_space<vmem>>[vector<16xi32>, vector<16xi32>], vector<16xi32>, vector<16xi1>
    tpu.vector_store_idx %arg10[%shift_right_logical3A_832, %and3A_835], %iota3A masked %lt3A_829 : memref<49x128xi32, #tpu.memory_space<vmem>>[vector<16xi32>, vector<16xi32>], vector<16xi32>, vector<16xi1>
    %add3A_836 = arith.constant 80 : i32
    %add3A_837 = arith.addi %scan3A_770, %add3A_836 : i32
    %add3A_838 = vector.broadcast %add3A_837 : i32 to vector<16xi32>
    %add3A_839 = arith.addi %add3A_838, %iota3A : vector<16xi32>
    %lt3A_840 = vector.broadcast %and3A_775 : i32 to vector<16xi32>
    %lt3A_841 = arith.cmpi slt, %add3A_839, %lt3A_840 : vector<16xi32>
    %shift_right_logical3A_842 = arith.constant 7 : i32
    %shift_right_logical3A_843 = vector.broadcast %shift_right_logical3A_842 : i32 to vector<16xi32>
    %shift_right_logical3A_844 = arith.shrui %add3A_839, %shift_right_logical3A_843 : vector<16xi32>
    %and3A_845 = arith.constant 127 : i32
    %and3A_846 = vector.broadcast %and3A_845 : i32 to vector<16xi32>
    %and3A_847 = arith.andi %add3A_839, %and3A_846 : vector<16xi32>
    tpu.vector_store_idx %arg9[%shift_right_logical3A_844, %and3A_847], %add3A_1 masked %lt3A_841 : memref<49x128xi32, #tpu.memory_space<vmem>>[vector<16xi32>, vector<16xi32>], vector<16xi32>, vector<16xi1>
    tpu.vector_store_idx %arg10[%shift_right_logical3A_844, %and3A_847], %iota3A masked %lt3A_841 : memref<49x128xi32, #tpu.memory_space<vmem>>[vector<16xi32>, vector<16xi32>], vector<16xi32>, vector<16xi1>
    %add3A_848 = arith.constant 96 : i32
    %add3A_849 = arith.addi %scan3A_770, %add3A_848 : i32
    %add3A_850 = vector.broadcast %add3A_849 : i32 to vector<16xi32>
    %add3A_851 = arith.addi %add3A_850, %iota3A : vector<16xi32>
    %lt3A_852 = vector.broadcast %and3A_775 : i32 to vector<16xi32>
    %lt3A_853 = arith.cmpi slt, %add3A_851, %lt3A_852 : vector<16xi32>
    %shift_right_logical3A_854 = arith.constant 7 : i32
    %shift_right_logical3A_855 = vector.broadcast %shift_right_logical3A_854 : i32 to vector<16xi32>
    %shift_right_logical3A_856 = arith.shrui %add3A_851, %shift_right_logical3A_855 : vector<16xi32>
    %and3A_857 = arith.constant 127 : i32
    %and3A_858 = vector.broadcast %and3A_857 : i32 to vector<16xi32>
    %and3A_859 = arith.andi %add3A_851, %and3A_858 : vector<16xi32>
    tpu.vector_store_idx %arg9[%shift_right_logical3A_856, %and3A_859], %add3A_1 masked %lt3A_853 : memref<49x128xi32, #tpu.memory_space<vmem>>[vector<16xi32>, vector<16xi32>], vector<16xi32>, vector<16xi1>
    tpu.vector_store_idx %arg10[%shift_right_logical3A_856, %and3A_859], %iota3A masked %lt3A_853 : memref<49x128xi32, #tpu.memory_space<vmem>>[vector<16xi32>, vector<16xi32>], vector<16xi32>, vector<16xi1>
    %add3A_860 = arith.constant 112 : i32
    %add3A_861 = arith.addi %scan3A_770, %add3A_860 : i32
    %add3A_862 = vector.broadcast %add3A_861 : i32 to vector<16xi32>
    %add3A_863 = arith.addi %add3A_862, %iota3A : vector<16xi32>
    %lt3A_864 = vector.broadcast %and3A_775 : i32 to vector<16xi32>
    %lt3A_865 = arith.cmpi slt, %add3A_863, %lt3A_864 : vector<16xi32>
    %shift_right_logical3A_866 = arith.constant 7 : i32
    %shift_right_logical3A_867 = vector.broadcast %shift_right_logical3A_866 : i32 to vector<16xi32>
    %shift_right_logical3A_868 = arith.shrui %add3A_863, %shift_right_logical3A_867 : vector<16xi32>
    %and3A_869 = arith.constant 127 : i32
    %and3A_870 = vector.broadcast %and3A_869 : i32 to vector<16xi32>
    %and3A_871 = arith.andi %add3A_863, %and3A_870 : vector<16xi32>
    tpu.vector_store_idx %arg9[%shift_right_logical3A_868, %and3A_871], %add3A_1 masked %lt3A_865 : memref<49x128xi32, #tpu.memory_space<vmem>>[vector<16xi32>, vector<16xi32>], vector<16xi32>, vector<16xi1>
    tpu.vector_store_idx %arg10[%shift_right_logical3A_868, %and3A_871], %iota3A masked %lt3A_865 : memref<49x128xi32, #tpu.memory_space<vmem>>[vector<16xi32>, vector<16xi32>], vector<16xi32>, vector<16xi1>
    %mul3A_872 = arith.constant 552 : i32
    %mul3A_873 = arith.muli %arg1, %mul3A_872 : i32
    %dma_wait3A_874 = arith.constant 0 : i32
    %dma_wait3A_875 = tpu.memref_slice %arg13[%mul3A_873, %dma_wait3A_874] : memref<8848x128xf32, #tpu.memory_space<vmem_shared>> -> memref<552x128xf32, #tpu.memory_space<vmem_shared>>
    tpu.wait_dma2 semaphore(%arg14 : memref<!tpu.dma_semaphore, #tpu.memory_space<semaphore_mem>>) src(%arg4 : memref<552x128xf32, #tpu.memory_space<hbm>>) dst(%dma_wait3A_875 : memref<552x128xf32, #tpu.memory_space<vmem_shared>>)
    %barrier3A_876 = arith.constant 0 : index
    tpu.barrier barrier_id(%barrier3A_876)
    %shift_right_logical3A_877 = arith.constant 7 : i32
    %shift_right_logical3A_878 = arith.shrui %and3A_775, %shift_right_logical3A_877 : i32
    %shift_right_logical3A_879 = arith.constant 8 : i32
    %shift_right_logical3A_880 = arith.shrui %and3A_775, %shift_right_logical3A_879 : i32
    %gt3A_881 = arith.constant 0 : i32
    %gt3A_882 = arith.cmpi sgt, %shift_right_logical3A_878, %gt3A_881 : i32
    %convert_element_type3A_883 = arith.extui %gt3A_882 : i1 to i32
    %cond3A_884 = arith.constant 0 : i32
    %cond3A_885 = arith.cmpi ne, %convert_element_type3A_883, %cond3A_884 : i32
    scf.if %cond3A_885 {
      %dma_start3A_923 = arith.constant 0 : i32
      %dma_start3A_924 = arith.constant 0 : i32
      %dma_start3A_925 = tpu.memref_slice %arg10[%dma_start3A_923, %dma_start3A_924] : memref<49x128xi32, #tpu.memory_space<vmem>> -> memref<1x128xi32, #tpu.memory_space<vmem>>
      %dma_start3A_926 = tpu.memref_squeeze %dma_start3A_925 : memref<1x128xi32, #tpu.memory_space<vmem>> -> memref<128xi32, #tpu.memory_space<vmem>>
      %dma_start3A_927 = arith.constant 0 : i32
      %dma_start3A_928 = arith.constant 0 : i32
      %dma_start3A_929 = tpu.memref_slice %arg5[%dma_start3A_927, %dma_start3A_928] : memref<100000x128xf32, #tpu.memory_space<hbm>> -> memref<100000x128xf32, #tpu.memory_space<hbm>>
      tpu.enqueue_indirect_dma source(%dma_start3A_929 : memref<100000x128xf32, #tpu.memory_space<hbm>>) target(%arg11 : memref<128x128xf32, #tpu.memory_space<vmem>>) offsets(%dma_start3A_926 : memref<128xi32, #tpu.memory_space<vmem>>) semaphore(%arg15 : memref<!tpu.dma_semaphore, #tpu.memory_space<semaphore_mem>>)
    } else {
    }
    %while3A_886 = arith.constant 0 : i32
    %while3A_887 = arith.constant 0 : i32
    %while3A_888 = arith.subi %shift_right_logical3A_880, %while3A_887 : i32
    %while3A_889 = arith.addi %while3A_887, %while3A_888 : i32
    %while3A_890 = arith.constant 1 : i32
    %while3A_891 = arith.divsi %while3A_888, %while3A_890 : i32
    %while3A_892 = arith.muli %while3A_891, %while3A_890 : i32
    %while3A_893 = arith.addi %while3A_887, %while3A_892 : i32
    %while3A_894 = arith.constant 1 : i32
    scf.for %while3A_923 = %while3A_887 to %while3A_893 step %while3A_894  : i32 {
      %mul3A_924 = arith.constant 2 : i32
      %mul3A_925 = arith.muli %mul3A_924, %while3A_923 : i32
      %add3A_926 = arith.constant 1 : i32
      %add3A_927 = arith.addi %mul3A_925, %add3A_926 : i32
      %dma_start3A_928 = arith.constant 0 : i32
      %dma_start3A_929 = tpu.memref_slice %arg10[%add3A_927, %dma_start3A_928] : memref<49x128xi32, #tpu.memory_space<vmem>> -> memref<1x128xi32, #tpu.memory_space<vmem>>
      %dma_start3A_930 = tpu.memref_squeeze %dma_start3A_929 : memref<1x128xi32, #tpu.memory_space<vmem>> -> memref<128xi32, #tpu.memory_space<vmem>>
      %dma_start3A_931 = arith.constant 0 : i32
      %dma_start3A_932 = arith.constant 0 : i32
      %dma_start3A_933 = tpu.memref_slice %arg5[%dma_start3A_931, %dma_start3A_932] : memref<100000x128xf32, #tpu.memory_space<hbm>> -> memref<100000x128xf32, #tpu.memory_space<hbm>>
      tpu.enqueue_indirect_dma source(%dma_start3A_933 : memref<100000x128xf32, #tpu.memory_space<hbm>>) target(%arg12 : memref<128x128xf32, #tpu.memory_space<vmem>>) offsets(%dma_start3A_930 : memref<128xi32, #tpu.memory_space<vmem>>) semaphore(%arg16 : memref<!tpu.dma_semaphore, #tpu.memory_space<semaphore_mem>>)
      %mul3A_934 = arith.constant 2 : i32
      %mul3A_935 = arith.muli %mul3A_934, %while3A_923 : i32
      %dma_wait3A_936 = arith.constant 0 : i32
      %dma_wait3A_937 = tpu.memref_slice %arg10[%mul3A_935, %dma_wait3A_936] : memref<49x128xi32, #tpu.memory_space<vmem>> -> memref<1x128xi32, #tpu.memory_space<vmem>>
      %dma_wait3A_938 = tpu.memref_squeeze %dma_wait3A_937 : memref<1x128xi32, #tpu.memory_space<vmem>> -> memref<128xi32, #tpu.memory_space<vmem>>
      %dma_wait3A_939 = arith.constant 0 : i32
      %dma_wait3A_940 = arith.constant 0 : i32
      %dma_wait3A_941 = tpu.memref_slice %arg5[%dma_wait3A_939, %dma_wait3A_940] : memref<100000x128xf32, #tpu.memory_space<hbm>> -> memref<100000x128xf32, #tpu.memory_space<hbm>>
      tpu.wait_indirect_dma semaphore(%arg15 : memref<!tpu.dma_semaphore, #tpu.memory_space<semaphore_mem>>) src(%dma_wait3A_941 : memref<100000x128xf32, #tpu.memory_space<hbm>>) dst(%arg11 : memref<128x128xf32, #tpu.memory_space<vmem>>)
      %mul3A_942 = arith.constant 2 : i32
      %mul3A_943 = arith.muli %mul3A_942, %while3A_923 : i32
      "tpu.region"() ({
        %run_scoped3A = tpu.sem_alloc : memref<!tpu.dma_semaphore, #tpu.memory_space<semaphore_mem>>
        %dma_start3A_966 = arith.constant 0 : i32
        %dma_start3A_967 = tpu.memref_slice %arg9[%mul3A_943, %dma_start3A_966] : memref<49x128xi32, #tpu.memory_space<vmem>> -> memref<1x128xi32, #tpu.memory_space<vmem>>
        %dma_start3A_968 = tpu.memref_squeeze %dma_start3A_967 : memref<1x128xi32, #tpu.memory_space<vmem>> -> memref<128xi32, #tpu.memory_space<vmem>>
        %dma_start3A_969 = arith.constant 0 : i32
        %dma_start3A_970 = arith.constant 0 : i32
        %dma_start3A_971 = tpu.memref_slice %arg13[%dma_start3A_969, %dma_start3A_970] : memref<8848x128xf32, #tpu.memory_space<vmem_shared>> -> memref<8848x128xf32, #tpu.memory_space<vmem_shared>>
        tpu.enqueue_indirect_dma source(%arg11 : memref<128x128xf32, #tpu.memory_space<vmem>>) target(%dma_start3A_971 : memref<8848x128xf32, #tpu.memory_space<vmem_shared>>) offsets(%dma_start3A_968 : memref<128xi32, #tpu.memory_space<vmem>>) semaphore(%run_scoped3A : memref<!tpu.dma_semaphore, #tpu.memory_space<semaphore_mem>>) {add = true}
        %dma_wait3A_972 = arith.constant 0 : i32
        %dma_wait3A_973 = tpu.memref_slice %arg9[%mul3A_943, %dma_wait3A_972] : memref<49x128xi32, #tpu.memory_space<vmem>> -> memref<1x128xi32, #tpu.memory_space<vmem>>
        %dma_wait3A_974 = tpu.memref_squeeze %dma_wait3A_973 : memref<1x128xi32, #tpu.memory_space<vmem>> -> memref<128xi32, #tpu.memory_space<vmem>>
        %dma_wait3A_975 = arith.constant 0 : i32
        %dma_wait3A_976 = arith.constant 0 : i32
        %dma_wait3A_977 = tpu.memref_slice %arg13[%dma_wait3A_975, %dma_wait3A_976] : memref<8848x128xf32, #tpu.memory_space<vmem_shared>> -> memref<8848x128xf32, #tpu.memory_space<vmem_shared>>
        tpu.wait_indirect_dma semaphore(%run_scoped3A : memref<!tpu.dma_semaphore, #tpu.memory_space<semaphore_mem>>) src(%arg11 : memref<128x128xf32, #tpu.memory_space<vmem>>) dst(%dma_wait3A_977 : memref<8848x128xf32, #tpu.memory_space<vmem_shared>>)
        tpu.yield
      }) : () -> ()
      %mul3A_944 = arith.constant 2 : i32
      %mul3A_945 = arith.muli %mul3A_944, %while3A_923 : i32
      %add3A_946 = arith.constant 2 : i32
      %add3A_947 = arith.addi %mul3A_945, %add3A_946 : i32
      %lt3A_948 = arith.cmpi slt, %add3A_947, %shift_right_logical3A_878 : i32
      %convert_element_type3A_949 = arith.extui %lt3A_948 : i1 to i32
      %cond3A_950 = arith.constant 0 : i32
      %cond3A_951 = arith.cmpi ne, %convert_element_type3A_949, %cond3A_950 : i32
      scf.if %cond3A_951 {
        %mul3A_966 = arith.constant 2 : i32
        %mul3A_967 = arith.muli %mul3A_966, %while3A_923 : i32
        %add3A_968 = arith.constant 2 : i32
        %add3A_969 = arith.addi %mul3A_967, %add3A_968 : i32
        %dma_start3A_970 = arith.constant 0 : i32
        %dma_start3A_971 = tpu.memref_slice %arg10[%add3A_969, %dma_start3A_970] : memref<49x128xi32, #tpu.memory_space<vmem>> -> memref<1x128xi32, #tpu.memory_space<vmem>>
        %dma_start3A_972 = tpu.memref_squeeze %dma_start3A_971 : memref<1x128xi32, #tpu.memory_space<vmem>> -> memref<128xi32, #tpu.memory_space<vmem>>
        %dma_start3A_973 = arith.constant 0 : i32
        %dma_start3A_974 = arith.constant 0 : i32
        %dma_start3A_975 = tpu.memref_slice %arg5[%dma_start3A_973, %dma_start3A_974] : memref<100000x128xf32, #tpu.memory_space<hbm>> -> memref<100000x128xf32, #tpu.memory_space<hbm>>
        tpu.enqueue_indirect_dma source(%dma_start3A_975 : memref<100000x128xf32, #tpu.memory_space<hbm>>) target(%arg11 : memref<128x128xf32, #tpu.memory_space<vmem>>) offsets(%dma_start3A_972 : memref<128xi32, #tpu.memory_space<vmem>>) semaphore(%arg15 : memref<!tpu.dma_semaphore, #tpu.memory_space<semaphore_mem>>)
      } else {
      }
      %mul3A_952 = arith.constant 2 : i32
      %mul3A_953 = arith.muli %mul3A_952, %while3A_923 : i32
      %add3A_954 = arith.constant 1 : i32
      %add3A_955 = arith.addi %mul3A_953, %add3A_954 : i32
      %dma_wait3A_956 = arith.constant 0 : i32
      %dma_wait3A_957 = tpu.memref_slice %arg10[%add3A_955, %dma_wait3A_956] : memref<49x128xi32, #tpu.memory_space<vmem>> -> memref<1x128xi32, #tpu.memory_space<vmem>>
      %dma_wait3A_958 = tpu.memref_squeeze %dma_wait3A_957 : memref<1x128xi32, #tpu.memory_space<vmem>> -> memref<128xi32, #tpu.memory_space<vmem>>
      %dma_wait3A_959 = arith.constant 0 : i32
      %dma_wait3A_960 = arith.constant 0 : i32
      %dma_wait3A_961 = tpu.memref_slice %arg5[%dma_wait3A_959, %dma_wait3A_960] : memref<100000x128xf32, #tpu.memory_space<hbm>> -> memref<100000x128xf32, #tpu.memory_space<hbm>>
      tpu.wait_indirect_dma semaphore(%arg16 : memref<!tpu.dma_semaphore, #tpu.memory_space<semaphore_mem>>) src(%dma_wait3A_961 : memref<100000x128xf32, #tpu.memory_space<hbm>>) dst(%arg12 : memref<128x128xf32, #tpu.memory_space<vmem>>)
      %mul3A_962 = arith.constant 2 : i32
      %mul3A_963 = arith.muli %mul3A_962, %while3A_923 : i32
      %add3A_964 = arith.constant 1 : i32
      %add3A_965 = arith.addi %mul3A_963, %add3A_964 : i32
      "tpu.region"() ({
        %run_scoped3A = tpu.sem_alloc : memref<!tpu.dma_semaphore, #tpu.memory_space<semaphore_mem>>
        %dma_start3A_966 = arith.constant 0 : i32
        %dma_start3A_967 = tpu.memref_slice %arg9[%add3A_965, %dma_start3A_966] : memref<49x128xi32, #tpu.memory_space<vmem>> -> memref<1x128xi32, #tpu.memory_space<vmem>>
        %dma_start3A_968 = tpu.memref_squeeze %dma_start3A_967 : memref<1x128xi32, #tpu.memory_space<vmem>> -> memref<128xi32, #tpu.memory_space<vmem>>
        %dma_start3A_969 = arith.constant 0 : i32
        %dma_start3A_970 = arith.constant 0 : i32
        %dma_start3A_971 = tpu.memref_slice %arg13[%dma_start3A_969, %dma_start3A_970] : memref<8848x128xf32, #tpu.memory_space<vmem_shared>> -> memref<8848x128xf32, #tpu.memory_space<vmem_shared>>
        tpu.enqueue_indirect_dma source(%arg12 : memref<128x128xf32, #tpu.memory_space<vmem>>) target(%dma_start3A_971 : memref<8848x128xf32, #tpu.memory_space<vmem_shared>>) offsets(%dma_start3A_968 : memref<128xi32, #tpu.memory_space<vmem>>) semaphore(%run_scoped3A : memref<!tpu.dma_semaphore, #tpu.memory_space<semaphore_mem>>) {add = true}
        %dma_wait3A_972 = arith.constant 0 : i32
        %dma_wait3A_973 = tpu.memref_slice %arg9[%add3A_965, %dma_wait3A_972] : memref<49x128xi32, #tpu.memory_space<vmem>> -> memref<1x128xi32, #tpu.memory_space<vmem>>
        %dma_wait3A_974 = tpu.memref_squeeze %dma_wait3A_973 : memref<1x128xi32, #tpu.memory_space<vmem>> -> memref<128xi32, #tpu.memory_space<vmem>>
        %dma_wait3A_975 = arith.constant 0 : i32
        %dma_wait3A_976 = arith.constant 0 : i32
        %dma_wait3A_977 = tpu.memref_slice %arg13[%dma_wait3A_975, %dma_wait3A_976] : memref<8848x128xf32, #tpu.memory_space<vmem_shared>> -> memref<8848x128xf32, #tpu.memory_space<vmem_shared>>
        tpu.wait_indirect_dma semaphore(%run_scoped3A : memref<!tpu.dma_semaphore, #tpu.memory_space<semaphore_mem>>) src(%arg12 : memref<128x128xf32, #tpu.memory_space<vmem>>) dst(%dma_wait3A_977 : memref<8848x128xf32, #tpu.memory_space<vmem_shared>>)
        tpu.yield
      }) : () -> ()
    }
    %while3A_895 = arith.constant 1 : i32
    scf.for %while3A_923 = %while3A_893 to %while3A_889 step %while3A_895  : i32 {
      %mul3A_924 = arith.constant 2 : i32
      %mul3A_925 = arith.muli %mul3A_924, %while3A_923 : i32
      %add3A_926 = arith.constant 1 : i32
      %add3A_927 = arith.addi %mul3A_925, %add3A_926 : i32
      %dma_start3A_928 = arith.constant 0 : i32
      %dma_start3A_929 = tpu.memref_slice %arg10[%add3A_927, %dma_start3A_928] : memref<49x128xi32, #tpu.memory_space<vmem>> -> memref<1x128xi32, #tpu.memory_space<vmem>>
      %dma_start3A_930 = tpu.memref_squeeze %dma_start3A_929 : memref<1x128xi32, #tpu.memory_space<vmem>> -> memref<128xi32, #tpu.memory_space<vmem>>
      %dma_start3A_931 = arith.constant 0 : i32
      %dma_start3A_932 = arith.constant 0 : i32
      %dma_start3A_933 = tpu.memref_slice %arg5[%dma_start3A_931, %dma_start3A_932] : memref<100000x128xf32, #tpu.memory_space<hbm>> -> memref<100000x128xf32, #tpu.memory_space<hbm>>
      tpu.enqueue_indirect_dma source(%dma_start3A_933 : memref<100000x128xf32, #tpu.memory_space<hbm>>) target(%arg12 : memref<128x128xf32, #tpu.memory_space<vmem>>) offsets(%dma_start3A_930 : memref<128xi32, #tpu.memory_space<vmem>>) semaphore(%arg16 : memref<!tpu.dma_semaphore, #tpu.memory_space<semaphore_mem>>)
      %mul3A_934 = arith.constant 2 : i32
      %mul3A_935 = arith.muli %mul3A_934, %while3A_923 : i32
      %dma_wait3A_936 = arith.constant 0 : i32
      %dma_wait3A_937 = tpu.memref_slice %arg10[%mul3A_935, %dma_wait3A_936] : memref<49x128xi32, #tpu.memory_space<vmem>> -> memref<1x128xi32, #tpu.memory_space<vmem>>
      %dma_wait3A_938 = tpu.memref_squeeze %dma_wait3A_937 : memref<1x128xi32, #tpu.memory_space<vmem>> -> memref<128xi32, #tpu.memory_space<vmem>>
      %dma_wait3A_939 = arith.constant 0 : i32
      %dma_wait3A_940 = arith.constant 0 : i32
      %dma_wait3A_941 = tpu.memref_slice %arg5[%dma_wait3A_939, %dma_wait3A_940] : memref<100000x128xf32, #tpu.memory_space<hbm>> -> memref<100000x128xf32, #tpu.memory_space<hbm>>
      tpu.wait_indirect_dma semaphore(%arg15 : memref<!tpu.dma_semaphore, #tpu.memory_space<semaphore_mem>>) src(%dma_wait3A_941 : memref<100000x128xf32, #tpu.memory_space<hbm>>) dst(%arg11 : memref<128x128xf32, #tpu.memory_space<vmem>>)
      %mul3A_942 = arith.constant 2 : i32
      %mul3A_943 = arith.muli %mul3A_942, %while3A_923 : i32
      "tpu.region"() ({
        %run_scoped3A = tpu.sem_alloc : memref<!tpu.dma_semaphore, #tpu.memory_space<semaphore_mem>>
        %dma_start3A_966 = arith.constant 0 : i32
        %dma_start3A_967 = tpu.memref_slice %arg9[%mul3A_943, %dma_start3A_966] : memref<49x128xi32, #tpu.memory_space<vmem>> -> memref<1x128xi32, #tpu.memory_space<vmem>>
        %dma_start3A_968 = tpu.memref_squeeze %dma_start3A_967 : memref<1x128xi32, #tpu.memory_space<vmem>> -> memref<128xi32, #tpu.memory_space<vmem>>
        %dma_start3A_969 = arith.constant 0 : i32
        %dma_start3A_970 = arith.constant 0 : i32
        %dma_start3A_971 = tpu.memref_slice %arg13[%dma_start3A_969, %dma_start3A_970] : memref<8848x128xf32, #tpu.memory_space<vmem_shared>> -> memref<8848x128xf32, #tpu.memory_space<vmem_shared>>
        tpu.enqueue_indirect_dma source(%arg11 : memref<128x128xf32, #tpu.memory_space<vmem>>) target(%dma_start3A_971 : memref<8848x128xf32, #tpu.memory_space<vmem_shared>>) offsets(%dma_start3A_968 : memref<128xi32, #tpu.memory_space<vmem>>) semaphore(%run_scoped3A : memref<!tpu.dma_semaphore, #tpu.memory_space<semaphore_mem>>) {add = true}
        %dma_wait3A_972 = arith.constant 0 : i32
        %dma_wait3A_973 = tpu.memref_slice %arg9[%mul3A_943, %dma_wait3A_972] : memref<49x128xi32, #tpu.memory_space<vmem>> -> memref<1x128xi32, #tpu.memory_space<vmem>>
        %dma_wait3A_974 = tpu.memref_squeeze %dma_wait3A_973 : memref<1x128xi32, #tpu.memory_space<vmem>> -> memref<128xi32, #tpu.memory_space<vmem>>
        %dma_wait3A_975 = arith.constant 0 : i32
        %dma_wait3A_976 = arith.constant 0 : i32
        %dma_wait3A_977 = tpu.memref_slice %arg13[%dma_wait3A_975, %dma_wait3A_976] : memref<8848x128xf32, #tpu.memory_space<vmem_shared>> -> memref<8848x128xf32, #tpu.memory_space<vmem_shared>>
        tpu.wait_indirect_dma semaphore(%run_scoped3A : memref<!tpu.dma_semaphore, #tpu.memory_space<semaphore_mem>>) src(%arg11 : memref<128x128xf32, #tpu.memory_space<vmem>>) dst(%dma_wait3A_977 : memref<8848x128xf32, #tpu.memory_space<vmem_shared>>)
        tpu.yield
      }) : () -> ()
      %mul3A_944 = arith.constant 2 : i32
      %mul3A_945 = arith.muli %mul3A_944, %while3A_923 : i32
      %add3A_946 = arith.constant 2 : i32
      %add3A_947 = arith.addi %mul3A_945, %add3A_946 : i32
      %lt3A_948 = arith.cmpi slt, %add3A_947, %shift_right_logical3A_878 : i32
      %convert_element_type3A_949 = arith.extui %lt3A_948 : i1 to i32
      %cond3A_950 = arith.constant 0 : i32
      %cond3A_951 = arith.cmpi ne, %convert_element_type3A_949, %cond3A_950 : i32
      scf.if %cond3A_951 {
        %mul3A_966 = arith.constant 2 : i32
        %mul3A_967 = arith.muli %mul3A_966, %while3A_923 : i32
        %add3A_968 = arith.constant 2 : i32
        %add3A_969 = arith.addi %mul3A_967, %add3A_968 : i32
        %dma_start3A_970 = arith.constant 0 : i32
        %dma_start3A_971 = tpu.memref_slice %arg10[%add3A_969, %dma_start3A_970] : memref<49x128xi32, #tpu.memory_space<vmem>> -> memref<1x128xi32, #tpu.memory_space<vmem>>
        %dma_start3A_972 = tpu.memref_squeeze %dma_start3A_971 : memref<1x128xi32, #tpu.memory_space<vmem>> -> memref<128xi32, #tpu.memory_space<vmem>>
        %dma_start3A_973 = arith.constant 0 : i32
        %dma_start3A_974 = arith.constant 0 : i32
        %dma_start3A_975 = tpu.memref_slice %arg5[%dma_start3A_973, %dma_start3A_974] : memref<100000x128xf32, #tpu.memory_space<hbm>> -> memref<100000x128xf32, #tpu.memory_space<hbm>>
        tpu.enqueue_indirect_dma source(%dma_start3A_975 : memref<100000x128xf32, #tpu.memory_space<hbm>>) target(%arg11 : memref<128x128xf32, #tpu.memory_space<vmem>>) offsets(%dma_start3A_972 : memref<128xi32, #tpu.memory_space<vmem>>) semaphore(%arg15 : memref<!tpu.dma_semaphore, #tpu.memory_space<semaphore_mem>>)
      } else {
      }
      %mul3A_952 = arith.constant 2 : i32
      %mul3A_953 = arith.muli %mul3A_952, %while3A_923 : i32
      %add3A_954 = arith.constant 1 : i32
      %add3A_955 = arith.addi %mul3A_953, %add3A_954 : i32
      %dma_wait3A_956 = arith.constant 0 : i32
      %dma_wait3A_957 = tpu.memref_slice %arg10[%add3A_955, %dma_wait3A_956] : memref<49x128xi32, #tpu.memory_space<vmem>> -> memref<1x128xi32, #tpu.memory_space<vmem>>
      %dma_wait3A_958 = tpu.memref_squeeze %dma_wait3A_957 : memref<1x128xi32, #tpu.memory_space<vmem>> -> memref<128xi32, #tpu.memory_space<vmem>>
      %dma_wait3A_959 = arith.constant 0 : i32
      %dma_wait3A_960 = arith.constant 0 : i32
      %dma_wait3A_961 = tpu.memref_slice %arg5[%dma_wait3A_959, %dma_wait3A_960] : memref<100000x128xf32, #tpu.memory_space<hbm>> -> memref<100000x128xf32, #tpu.memory_space<hbm>>
      tpu.wait_indirect_dma semaphore(%arg16 : memref<!tpu.dma_semaphore, #tpu.memory_space<semaphore_mem>>) src(%dma_wait3A_961 : memref<100000x128xf32, #tpu.memory_space<hbm>>) dst(%arg12 : memref<128x128xf32, #tpu.memory_space<vmem>>)
      %mul3A_962 = arith.constant 2 : i32
      %mul3A_963 = arith.muli %mul3A_962, %while3A_923 : i32
      %add3A_964 = arith.constant 1 : i32
      %add3A_965 = arith.addi %mul3A_963, %add3A_964 : i32
      "tpu.region"() ({
        %run_scoped3A = tpu.sem_alloc : memref<!tpu.dma_semaphore, #tpu.memory_space<semaphore_mem>>
        %dma_start3A_966 = arith.constant 0 : i32
        %dma_start3A_967 = tpu.memref_slice %arg9[%add3A_965, %dma_start3A_966] : memref<49x128xi32, #tpu.memory_space<vmem>> -> memref<1x128xi32, #tpu.memory_space<vmem>>
        %dma_start3A_968 = tpu.memref_squeeze %dma_start3A_967 : memref<1x128xi32, #tpu.memory_space<vmem>> -> memref<128xi32, #tpu.memory_space<vmem>>
        %dma_start3A_969 = arith.constant 0 : i32
        %dma_start3A_970 = arith.constant 0 : i32
        %dma_start3A_971 = tpu.memref_slice %arg13[%dma_start3A_969, %dma_start3A_970] : memref<8848x128xf32, #tpu.memory_space<vmem_shared>> -> memref<8848x128xf32, #tpu.memory_space<vmem_shared>>
        tpu.enqueue_indirect_dma source(%arg12 : memref<128x128xf32, #tpu.memory_space<vmem>>) target(%dma_start3A_971 : memref<8848x128xf32, #tpu.memory_space<vmem_shared>>) offsets(%dma_start3A_968 : memref<128xi32, #tpu.memory_space<vmem>>) semaphore(%run_scoped3A : memref<!tpu.dma_semaphore, #tpu.memory_space<semaphore_mem>>) {add = true}
        %dma_wait3A_972 = arith.constant 0 : i32
        %dma_wait3A_973 = tpu.memref_slice %arg9[%add3A_965, %dma_wait3A_972] : memref<49x128xi32, #tpu.memory_space<vmem>> -> memref<1x128xi32, #tpu.memory_space<vmem>>
        %dma_wait3A_974 = tpu.memref_squeeze %dma_wait3A_973 : memref<1x128xi32, #tpu.memory_space<vmem>> -> memref<128xi32, #tpu.memory_space<vmem>>
        %dma_wait3A_975 = arith.constant 0 : i32
        %dma_wait3A_976 = arith.constant 0 : i32
        %dma_wait3A_977 = tpu.memref_slice %arg13[%dma_wait3A_975, %dma_wait3A_976] : memref<8848x128xf32, #tpu.memory_space<vmem_shared>> -> memref<8848x128xf32, #tpu.memory_space<vmem_shared>>
        tpu.wait_indirect_dma semaphore(%run_scoped3A : memref<!tpu.dma_semaphore, #tpu.memory_space<semaphore_mem>>) src(%arg12 : memref<128x128xf32, #tpu.memory_space<vmem>>) dst(%dma_wait3A_977 : memref<8848x128xf32, #tpu.memory_space<vmem_shared>>)
        tpu.yield
      }) : () -> ()
    }
    %mul3A_896 = arith.constant 2 : i32
    %mul3A_897 = arith.muli %mul3A_896, %shift_right_logical3A_880 : i32
    %gt3A_898 = arith.cmpi sgt, %shift_right_logical3A_878, %mul3A_897 : i32
    %convert_element_type3A_899 = arith.extui %gt3A_898 : i1 to i32
    %cond3A_900 = arith.constant 0 : i32
    %cond3A_901 = arith.cmpi ne, %convert_element_type3A_899, %cond3A_900 : i32
    scf.if %cond3A_901 {
      %sub3A = arith.constant 1 : i32
      %sub3A_923 = arith.subi %shift_right_logical3A_878, %sub3A : i32
      %dma_wait3A_924 = arith.constant 0 : i32
      %dma_wait3A_925 = tpu.memref_slice %arg10[%sub3A_923, %dma_wait3A_924] : memref<49x128xi32, #tpu.memory_space<vmem>> -> memref<1x128xi32, #tpu.memory_space<vmem>>
      %dma_wait3A_926 = tpu.memref_squeeze %dma_wait3A_925 : memref<1x128xi32, #tpu.memory_space<vmem>> -> memref<128xi32, #tpu.memory_space<vmem>>
      %dma_wait3A_927 = arith.constant 0 : i32
      %dma_wait3A_928 = arith.constant 0 : i32
      %dma_wait3A_929 = tpu.memref_slice %arg5[%dma_wait3A_927, %dma_wait3A_928] : memref<100000x128xf32, #tpu.memory_space<hbm>> -> memref<100000x128xf32, #tpu.memory_space<hbm>>
      tpu.wait_indirect_dma semaphore(%arg15 : memref<!tpu.dma_semaphore, #tpu.memory_space<semaphore_mem>>) src(%dma_wait3A_929 : memref<100000x128xf32, #tpu.memory_space<hbm>>) dst(%arg11 : memref<128x128xf32, #tpu.memory_space<vmem>>)
      %sub3A_930 = arith.constant 1 : i32
      %sub3A_931 = arith.subi %shift_right_logical3A_878, %sub3A_930 : i32
      "tpu.region"() ({
        %run_scoped3A = tpu.sem_alloc : memref<!tpu.dma_semaphore, #tpu.memory_space<semaphore_mem>>
        %dma_start3A_932 = arith.constant 0 : i32
        %dma_start3A_933 = tpu.memref_slice %arg9[%sub3A_931, %dma_start3A_932] : memref<49x128xi32, #tpu.memory_space<vmem>> -> memref<1x128xi32, #tpu.memory_space<vmem>>
        %dma_start3A_934 = tpu.memref_squeeze %dma_start3A_933 : memref<1x128xi32, #tpu.memory_space<vmem>> -> memref<128xi32, #tpu.memory_space<vmem>>
        %dma_start3A_935 = arith.constant 0 : i32
        %dma_start3A_936 = arith.constant 0 : i32
        %dma_start3A_937 = tpu.memref_slice %arg13[%dma_start3A_935, %dma_start3A_936] : memref<8848x128xf32, #tpu.memory_space<vmem_shared>> -> memref<8848x128xf32, #tpu.memory_space<vmem_shared>>
        tpu.enqueue_indirect_dma source(%arg11 : memref<128x128xf32, #tpu.memory_space<vmem>>) target(%dma_start3A_937 : memref<8848x128xf32, #tpu.memory_space<vmem_shared>>) offsets(%dma_start3A_934 : memref<128xi32, #tpu.memory_space<vmem>>) semaphore(%run_scoped3A : memref<!tpu.dma_semaphore, #tpu.memory_space<semaphore_mem>>) {add = true}
        %dma_wait3A_938 = arith.constant 0 : i32
        %dma_wait3A_939 = tpu.memref_slice %arg9[%sub3A_931, %dma_wait3A_938] : memref<49x128xi32, #tpu.memory_space<vmem>> -> memref<1x128xi32, #tpu.memory_space<vmem>>
        %dma_wait3A_940 = tpu.memref_squeeze %dma_wait3A_939 : memref<1x128xi32, #tpu.memory_space<vmem>> -> memref<128xi32, #tpu.memory_space<vmem>>
        %dma_wait3A_941 = arith.constant 0 : i32
        %dma_wait3A_942 = arith.constant 0 : i32
        %dma_wait3A_943 = tpu.memref_slice %arg13[%dma_wait3A_941, %dma_wait3A_942] : memref<8848x128xf32, #tpu.memory_space<vmem_shared>> -> memref<8848x128xf32, #tpu.memory_space<vmem_shared>>
        tpu.wait_indirect_dma semaphore(%run_scoped3A : memref<!tpu.dma_semaphore, #tpu.memory_space<semaphore_mem>>) src(%arg11 : memref<128x128xf32, #tpu.memory_space<vmem>>) dst(%dma_wait3A_943 : memref<8848x128xf32, #tpu.memory_space<vmem_shared>>)
        tpu.yield
      }) : () -> ()
    } else {
    }
    %barrier3A_902 = arith.constant 0 : index
    tpu.barrier barrier_id(%barrier3A_902)
    %lt3A_903 = arith.constant 1 : i32
    %lt3A_904 = arith.cmpi slt, %arg0, %lt3A_903 : i32
    %convert_element_type3A_905 = arith.extui %lt3A_904 : i1 to i32
    %cond3A_906 = arith.constant 0 : i32
    %cond3A_907 = arith.cmpi ne, %convert_element_type3A_905, %cond3A_906 : i32
    scf.if %cond3A_907 {
      %mul3A_923 = arith.constant 552 : i32
      %mul3A_924 = arith.muli %arg1, %mul3A_923 : i32
      %mul3A_925 = arith.constant 552 : i32
      %mul3A_926 = arith.muli %arg1, %mul3A_925 : i32
      %add3A_927 = arith.addi %mul3A_758, %mul3A_926 : i32
      "tpu.region"() ({
        %run_scoped3A = tpu.sem_alloc : memref<!tpu.dma_semaphore, #tpu.memory_space<semaphore_mem>>
        %dma_start3A_928 = arith.constant 0 : i32
        %dma_start3A_929 = tpu.memref_slice %arg6[%add3A_927, %dma_start3A_928] : memref<100000x128xf32, #tpu.memory_space<hbm>> -> memref<552x128xf32, #tpu.memory_space<hbm>>
        %dma_start3A_930 = arith.constant 0 : i32
        %dma_start3A_931 = tpu.memref_slice %arg13[%mul3A_924, %dma_start3A_930] : memref<8848x128xf32, #tpu.memory_space<vmem_shared>> -> memref<552x128xf32, #tpu.memory_space<vmem_shared>>
        tpu.enqueue_dma source(%dma_start3A_931 : memref<552x128xf32, #tpu.memory_space<vmem_shared>>) target(%dma_start3A_929 : memref<552x128xf32, #tpu.memory_space<hbm>>) target_semaphore(%run_scoped3A : memref<!tpu.dma_semaphore, #tpu.memory_space<semaphore_mem>>)
        %dma_wait3A_932 = arith.constant 0 : i32
        %dma_wait3A_933 = tpu.memref_slice %arg6[%add3A_927, %dma_wait3A_932] : memref<100000x128xf32, #tpu.memory_space<hbm>> -> memref<552x128xf32, #tpu.memory_space<hbm>>
        %dma_wait3A_934 = arith.constant 0 : i32
        %dma_wait3A_935 = tpu.memref_slice %arg13[%mul3A_924, %dma_wait3A_934] : memref<8848x128xf32, #tpu.memory_space<vmem_shared>> -> memref<552x128xf32, #tpu.memory_space<vmem_shared>>
        tpu.wait_dma2 semaphore(%run_scoped3A : memref<!tpu.dma_semaphore, #tpu.memory_space<semaphore_mem>>) src(%dma_wait3A_935 : memref<552x128xf32, #tpu.memory_space<vmem_shared>>) dst(%dma_wait3A_933 : memref<552x128xf32, #tpu.memory_space<hbm>>)
        tpu.yield
      }) : () -> ()
    } else {
    }
    %eq3A = arith.constant 1 : i32
    %eq3A_908 = arith.cmpi eq, %arg0, %eq3A : i32
    %lt3A_909 = arith.constant 15 : i32
    %lt3A_910 = arith.cmpi slt, %arg1, %lt3A_909 : i32
    %and3A_911 = arith.andi %eq3A_908, %lt3A_910 : i1
    %convert_element_type3A_912 = arith.extui %and3A_911 : i1 to i32
    %cond3A_913 = arith.constant 0 : i32
    %cond3A_914 = arith.cmpi ne, %convert_element_type3A_912, %cond3A_913 : i32
    scf.if %cond3A_914 {
      %mul3A_923 = arith.constant 184 : i32
      %mul3A_924 = arith.muli %arg1, %mul3A_923 : i32
      %mul3A_925 = arith.constant 184 : i32
      %mul3A_926 = arith.muli %arg1, %mul3A_925 : i32
      %add3A_927 = arith.addi %mul3A_758, %mul3A_926 : i32
      "tpu.region"() ({
        %run_scoped3A = tpu.sem_alloc : memref<!tpu.dma_semaphore, #tpu.memory_space<semaphore_mem>>
        %dma_start3A_928 = arith.constant 0 : i32
        %dma_start3A_929 = tpu.memref_slice %arg6[%add3A_927, %dma_start3A_928] : memref<100000x128xf32, #tpu.memory_space<hbm>> -> memref<184x128xf32, #tpu.memory_space<hbm>>
        %dma_start3A_930 = arith.constant 0 : i32
        %dma_start3A_931 = tpu.memref_slice %arg13[%mul3A_924, %dma_start3A_930] : memref<8848x128xf32, #tpu.memory_space<vmem_shared>> -> memref<184x128xf32, #tpu.memory_space<vmem_shared>>
        tpu.enqueue_dma source(%dma_start3A_931 : memref<184x128xf32, #tpu.memory_space<vmem_shared>>) target(%dma_start3A_929 : memref<184x128xf32, #tpu.memory_space<hbm>>) target_semaphore(%run_scoped3A : memref<!tpu.dma_semaphore, #tpu.memory_space<semaphore_mem>>)
        %dma_wait3A_932 = arith.constant 0 : i32
        %dma_wait3A_933 = tpu.memref_slice %arg6[%add3A_927, %dma_wait3A_932] : memref<100000x128xf32, #tpu.memory_space<hbm>> -> memref<184x128xf32, #tpu.memory_space<hbm>>
        %dma_wait3A_934 = arith.constant 0 : i32
        %dma_wait3A_935 = tpu.memref_slice %arg13[%mul3A_924, %dma_wait3A_934] : memref<8848x128xf32, #tpu.memory_space<vmem_shared>> -> memref<184x128xf32, #tpu.memory_space<vmem_shared>>
        tpu.wait_dma2 semaphore(%run_scoped3A : memref<!tpu.dma_semaphore, #tpu.memory_space<semaphore_mem>>) src(%dma_wait3A_935 : memref<184x128xf32, #tpu.memory_space<vmem_shared>>) dst(%dma_wait3A_933 : memref<184x128xf32, #tpu.memory_space<hbm>>)
        tpu.yield
      }) : () -> ()
    } else {
    }
    %eq3A_915 = arith.constant 1 : i32
    %eq3A_916 = arith.cmpi eq, %arg0, %eq3A_915 : i32
    %eq3A_917 = arith.constant 15 : i32
    %eq3A_918 = arith.cmpi eq, %arg1, %eq3A_917 : i32
    %and3A_919 = arith.andi %eq3A_916, %eq3A_918 : i1
    %convert_element_type3A_920 = arith.extui %and3A_919 : i1 to i32
    %cond3A_921 = arith.constant 0 : i32
    %cond3A_922 = arith.cmpi ne, %convert_element_type3A_920, %cond3A_921 : i32
    scf.if %cond3A_922 {
      %mul3A_923 = arith.constant 184 : i32
      %mul3A_924 = arith.muli %arg1, %mul3A_923 : i32
      %mul3A_925 = arith.constant 184 : i32
      %mul3A_926 = arith.muli %arg1, %mul3A_925 : i32
      %add3A_927 = arith.addi %mul3A_758, %mul3A_926 : i32
      "tpu.region"() ({
        %run_scoped3A = tpu.sem_alloc : memref<!tpu.dma_semaphore, #tpu.memory_space<semaphore_mem>>
        %dma_start3A_928 = arith.constant 0 : i32
        %dma_start3A_929 = tpu.memref_slice %arg6[%add3A_927, %dma_start3A_928] : memref<100000x128xf32, #tpu.memory_space<hbm>> -> memref<88x128xf32, #tpu.memory_space<hbm>>
        %dma_start3A_930 = arith.constant 0 : i32
        %dma_start3A_931 = tpu.memref_slice %arg13[%mul3A_924, %dma_start3A_930] : memref<8848x128xf32, #tpu.memory_space<vmem_shared>> -> memref<88x128xf32, #tpu.memory_space<vmem_shared>>
        tpu.enqueue_dma source(%dma_start3A_931 : memref<88x128xf32, #tpu.memory_space<vmem_shared>>) target(%dma_start3A_929 : memref<88x128xf32, #tpu.memory_space<hbm>>) target_semaphore(%run_scoped3A : memref<!tpu.dma_semaphore, #tpu.memory_space<semaphore_mem>>)
        %dma_wait3A_932 = arith.constant 0 : i32
        %dma_wait3A_933 = tpu.memref_slice %arg6[%add3A_927, %dma_wait3A_932] : memref<100000x128xf32, #tpu.memory_space<hbm>> -> memref<88x128xf32, #tpu.memory_space<hbm>>
        %dma_wait3A_934 = arith.constant 0 : i32
        %dma_wait3A_935 = tpu.memref_slice %arg13[%mul3A_924, %dma_wait3A_934] : memref<8848x128xf32, #tpu.memory_space<vmem_shared>> -> memref<88x128xf32, #tpu.memory_space<vmem_shared>>
        tpu.wait_dma2 semaphore(%run_scoped3A : memref<!tpu.dma_semaphore, #tpu.memory_space<semaphore_mem>>) src(%dma_wait3A_935 : memref<88x128xf32, #tpu.memory_space<vmem_shared>>) dst(%dma_wait3A_933 : memref<88x128xf32, #tpu.memory_space<hbm>>)
        tpu.yield
      }) : () -> ()
    } else {
    }
    return
  }
}

</mosaic_0001>

<sc_bundles>
// kernel: kernel.3.cloned.1.call-start
scs
__scs_entry_jumppad:
0x0: {  	(pc) =	sbr.rel $0x88, $3  }
0x1: {  	(tag) =	ssettag $0x0;
	lr =	simm.s32 $0x1  }
0x2: {  	[smem:$0x3F9F] =	sst lr;
	_ =	strace $0xD0000000  }
0x3: {  	_ = 	snop  }
0x4: {  	_ = 	snop  }
0x5: {  	_ = 	snop  }
0x6: {  	_ = 	snop  }
0x7: {  	_ = 	snop  }
__scs_overlays_trampoline_lowered:
0x8: {  	[smem:$0x3FAE] =	sst s0  }
0x9: {  	[smem:$0x3FAF] =	sst s1  }
0xa: {  	[smem:$0x3FB0] =	sst s2  }
0xb: {  	[smem:$0x3FB1] =	sst s3  }
0xc: {  	[smem:$0x3FB2] =	sst s4  }
0xd: {  	[smem:$0x3FB3] =	sst s5  }
0xe: {  	[smem:$0x3FB4] =	sst s6  }
0xf: {  	[smem:$0x3FB5] =	sst s7  }
0x10: {  	[smem:$0x3FB6] =	sst s8  }
0x11: {  	[smem:$0x3FB7] =	sst s9;
	s0 =	simm.s32 @!p0 $0x0  }
0x12: {  	s1 =	sld [smem:$0x3F9D];
	s0 =	simm.s32 @p0 $0x1  }
0x13: {  	[smem:$0x3FB8] =	sst s0;
	s0 =	simm.s32 @!p1 $0x0  }
0x14: {  	s2 =	sld [smem:$0x3F9C];
	s0 =	simm.s32 @p1 $0x1  }
0x15: {  	[smem:$0x3FB9] =	sst s0;
	s0 =	simm.s32 @!p2 $0x0  }
0x16: {  	s3 =	sld [smem:$0x3FDB];
	s0 =	simm.s32 @p2 $0x1  }
0x17: {  	s4 =	simm.s32 $0x1BF5;
	[smem:$0x3FBB] =	sst s0  }
0x18: {  	s0 =	sld [smem:$0x3F9E];
	_ =	swait.ge [sflag:s4], $0x0  }
0x19: {  	s7 =	sld [smem:$0x3F9F]  }
0x1a: {  	s8 =	sadd.s32 $0xFFFFE003, lr  }
0x1b: {  	s9 =	sadd.s32 $0xFFFFFEF7, lr;
	s5 =	simm.s32 $0xFFFFFFFF;
	p2 =	slt.u32 s8, $0xFFFFF086  }
0x1c: {  	p1 =	slt.u32 s9, $0xF7A;
	s5 =	simm.s32 @!p2 $0x0  }
0x1d: {  	s5 =	simm.s32 @p1 $0x1;
	p0 =	seq.s32 s7, s2  }
0x1e: {  	s7 =	smul.u32 @!p0 $0xF7A, s2;
	p2 =	seq.s32 @!p0 s5, $0x0  }
0x1f: {  	s9 =	smul.u32 $0xF7A, s1;
	s8 =	simm.s32 @!p0 $0x1BF5;
	p2 =	por !p2, p0  }
0x20: {  	[sflag:s8] =	ssyncset.s32 @!p0 $0xFFFFF086;
	s6 =	sadd.s32 @!p0 s3, s7;
	s7 =	simm.s32 @!p0 $0x108  }
0x21: {  	s3 =	sadd.s32 s3, s9;
	s6 =	sadd.s32 @!p0 $0x88, s6;
	s7 =	simm.s32 @p2 $0x1082  }
0x22: {  	[simem:s7], [sflag:s8] =	dma.local @!p0 [hbm:s6], $0xF7A  }
0x23: {  	s9 =	sor.u32 $0xD0000000, s2;
	s6 =	simm.s32 $0x108;
	_ =	swait.ge @!p0 [sflag:s8], $0x0  }
0x24: {  	s3 =	sadd.s32 $0x88, s3;
	s6 =	simm.s32 @!p1 $0x1082;
	[sflag:s4] =	ssyncset.s32 $0xFFFFF086  }
0x25: {  	[simem:s6], [sflag:s4] =	dma.local [hbm:s3], $0xF7A  }
0x26: {  	[smem:$0x3F9F] =	sst s1;
	(tag) =	ssettag s2;
	_ =	strace s9  }
0x27: {  	s1 =	sld [smem:$0x3FAF]  }
0x28: {  	s2 =	sld [smem:$0x3FB0]  }
0x29: {  	s4 =	sld [smem:$0x3FB2]  }
0x2a: {  	p0 =	seq.s32 s5, $0x0;
	s5 =	sld [smem:$0x3FB3]  }
0x2b: {  	s6 =	sld [smem:$0x3FB4]  }
0x2c: {  	s7 =	sld [smem:$0x3FB5]  }
0x2d: {  	s3 =	simm.s32 $0x108;
	s8 =	sld [smem:$0x3FB6]  }
0x2e: {  	s3 =	simm.s32 @!p0 $0x1082;
	s9 =	sld [smem:$0x3FB7]  }
0x2f: {  	lr =	sadd.s32 s0, s3;
	s0 =	sld [smem:$0x3FAE]  }
0x30: {  	s3 =	sld [smem:$0x3FB1]  }
0x31: {  	[smem:$0x3FBA] =	sst s10  }
0x32: {  	s10 =	sld [smem:$0x3FB8];
	_ =	sdelay $0x3  }
0x33: {  	p0 =	seq.s32 s10, $0x1;
	s10 =	sld [smem:$0x3FBA];
	_ =	sdelay $0x3  }
0x34: {  	[smem:$0x3FBA] =	sst s10  }
0x35: {  	s10 =	sld [smem:$0x3FB9];
	_ =	sdelay $0x3  }
0x36: {  	p1 =	seq.s32 s10, $0x1;
	s10 =	sld [smem:$0x3FBA];
	_ =	sdelay $0x3  }
0x37: {  	[smem:$0x3FBA] =	sst s10  }
0x38: {  	s10 =	sld [smem:$0x3FBB]  }
0x39: {  	_ = 	snop;
	(pc) =	sbr.ind lr, $3  }
0x3a: {  	_ = 	snop  }
0x3b: {  	_ = 	snop  }
0x3c: {  	p2 =	seq.s32 s10, $0x1;
	s10 =	sld [smem:$0x3FBA]  }
0x3d: {  	_ =	shalt  }
0x3e: {  	_ =	shalt  }
0x3f: {  	_ =	shalt  }
0x40: {  	_ =	shalt  }
0x41: {  	_ =	shalt  }
0x42: {  	_ =	shalt  }
0x43: {  	_ =	shalt  }
0x44: {  	_ =	shalt  }
0x45: {  	_ =	shalt  }
0x46: {  	_ =	shalt  }
0x47: {  	_ =	shalt  }
0x48: {  	_ =	shalt  }
0x49: {  	_ =	shalt  }
0x4a: {  	_ =	shalt  }
0x4b: {  	_ =	shalt  }
0x4c: {  	_ =	shalt  }
0x4d: {  	_ =	shalt  }
0x4e: {  	_ =	shalt  }
0x4f: {  	_ =	shalt  }
0x50: {  	_ =	shalt  }
0x51: {  	_ =	shalt  }
0x52: {  	_ =	shalt  }
0x53: {  	_ =	shalt  }
0x54: {  	_ =	shalt  }
0x55: {  	_ =	shalt  }
0x56: {  	_ =	shalt  }
0x57: {  	_ =	shalt  }
0x58: {  	_ =	shalt  }
0x59: {  	_ =	shalt  }
0x5a: {  	_ =	shalt  }
0x5b: {  	_ =	shalt  }
0x5c: {  	_ =	shalt  }
0x5d: {  	_ =	shalt  }
0x5e: {  	_ =	shalt  }
0x5f: {  	_ =	shalt  }
0x60: {  	_ =	shalt  }
0x61: {  	_ =	shalt  }
0x62: {  	_ =	shalt  }
0x63: {  	_ =	shalt  }
0x64: {  	_ =	shalt  }
0x65: {  	_ =	shalt  }
0x66: {  	_ =	shalt  }
0x67: {  	_ =	shalt  }
0x68: {  	_ =	shalt  }
0x69: {  	_ =	shalt  }
0x6a: {  	_ =	shalt  }
0x6b: {  	_ =	shalt  }
0x6c: {  	_ =	shalt  }
0x6d: {  	_ =	shalt  }
0x6e: {  	_ =	shalt  }
0x6f: {  	_ =	shalt  }
0x70: {  	_ =	shalt  }
0x71: {  	_ =	shalt  }
0x72: {  	_ =	shalt  }
0x73: {  	_ =	shalt  }
0x74: {  	_ =	shalt  }
0x75: {  	_ =	shalt  }
0x76: {  	_ =	shalt  }
0x77: {  	_ =	shalt  }
0x78: {  	_ =	shalt  }
0x79: {  	_ =	shalt  }
0x7a: {  	_ =	shalt  }
0x7b: {  	_ =	shalt  }
0x7c: {  	_ =	shalt  }
0x7d: {  	_ =	shalt  }
0x7e: {  	_ =	shalt  }
0x7f: {  	_ =	shalt  }
0x80: {  	_ =	shalt  }
0x81: {  	_ =	shalt  }
0x82: {  	_ =	shalt  }
0x83: {  	_ =	shalt  }
0x84: {  	_ =	shalt  }
0x85: {  	_ =	shalt  }
0x86: {  	_ =	shalt  }
0x87: {  	_ =	shalt  }
.Lfunc_end0:
.L_simem_size_0:
called_computation_lowered:
.L_overlay_start_0:
0x88: {  	s2 =	sld [smem:$0x3FD9]  }
0x89: {  	s3 =	sld [smem:$0x3FFE];
	_ =	sdelay $0x1  }
0x8a: {  	s1 =	srdreg.scid  }
0x8b: {  	s0 =	sand.u32 $0x1, s1  }
0x8c: {  	s17 =	sshll.u32 s0, $0xA;
	s2 =	sadd.s32 s3, s2  }
0x8d: {  	s2 =	sadd.s32 s2, s17  }
0x8e: {  	[smem:$0x3FC6] =	sst s2  }
0x8f: {  	_ = 	snop  }
0x90: {  	s2 =	sld [smem:$0x3FC8]  }
0x91: {  	s18 =	sld [smem:$0x3FD0];
	(tm) =	ssettm $0x1  }
0x92: {  	s4 =	sld [smem:$0x3FFB];
	_ =	sdelay $0x3  }
0x93: {  	_ =	strace s4  }
0x94: {  	s4 =	sld [smem:$0x3FFC];
	_ =	sdelay $0x3  }
0x95: {  	_ =	strace s4  }
0x96: {  	s4 =	sld [smem:$0x3FFD];
	_ =	sdelay $0x3  }
0x97: {  	_ =	strace s4  }
0x98: {  	_ =	strace $0x8FFFFFFF  }
0x99: {  	s19 =	sld [smem:$0x3FDB];
	_ =	sdelay $0x1  }
0x9a: {  	s5 =	simm.s32 $_scs_section_size  }
0x9b: {  	s6 =	simm.s32 $_size__tile_overlayer_lowered;
	s7 =	simm.s32 $_tile_overlayer_lowered  }
0x9c: {  	s22 =	simm.s32 $0x1BFF;
	s21 =	sshll.u32 s7, $0x1;
	s4 =	sadd.s32 s5, s19  }
0x9d: {  	s8 =	simm.s32 $0x0;
	s20 =	sshll.u32 s6, $0x1;
	s6 =	sadd.s32 s21, s4  }
0x9e: {  	[timem:s8], [sflag:s22] =	dma.local [hbm:s6], s20  }
0x9f: {  	_ =	swait.ge [sflag:s22], s20  }
0xa0: {  	s5 =	ssub.s32 $0x0, s20;
	[sflag:s22] =	ssyncset.done $0x0  }
0xa1: {  	[sflag:s22] =	ssyncadd.s32 s5;
	_ =	sdelay $0x1  }
0xa2: {  	s23 =	simm.s32 $0x1B8B  }
0xa3: {  	_ =	swait.ge [sflag:s23], $0x1  }
0xa4: {  	[sflag:s23] =	ssyncset.done $0x0  }
0xa5: {  	s25 =	simm.s32 $0x1B8E;
	s24 =	sld [smem:$0x3FFE];
	[sflag:s23] =	ssyncadd.s32 $0xFFFFFFFF  }
0xa6: {  	s26 =	simm.s32 $execute0_lowered;
	[smem:$0x3FD2] =	sst s25  }
0xa7: {  	s6 =	sshll.u32 s26, $0x1;
	_ =	strace $0x80000046;
	[dreg:$0x1] =	wrdreg $0xFFFFFFFF  }
0xa8: {  	s28 =	simm.s32 $_size_execute0_lowered;
	s4 =	sadd.s32 s4, s6;
	[dreg:$0x0] =	wrdreg $0x0  }
0xa9: {  	s6 =	sshll.u32 s28, $0x1;
	[dreg:$0x2] =	wrdreg s4  }
0xaa: {  	[dreg:$0x3] =	wrdreg s6  }
0xab: {  	[dreg:$0x4] =	wrdreg $0xC0  }
0xac: {  	_ =	task [dreg:s8], $0x5FFFF  }
0xad: {  	[dreg:$0x1] =	wrdreg $0xFFFFFFFF  }
0xae: {  	[dreg:$0x0] =	wrdreg $0x60  }
0xaf: {  	[dreg:$0x2] =	wrdreg s24  }
0xb0: {  	[dreg:$0x3] =	wrdreg s2  }
0xb1: {  	[dreg:$0x4] =	wrdreg s18  }
0xb2: {  	[dreg:$0x5] =	wrdreg $0xE9000  }
0xb3: {  	[dreg:$0x6] =	wrdreg $0x9  }
0xb4: {  	_ =	task.clear_ibuf [dreg:s8], $0x7FFFF;
	_ =	strace $0x90000046  }
0xb5: {  	s29 =	simm.s32 $0x9;
	_ =	strace $0x80000048  }
0xb6: {  	_ =	swait.ge [sflag:s29], $0x1  }
0xb7: {  	[sflag:s29] =	ssyncadd.s32 $0xFFFFFFFF  }
0xb8: {  	_ =	strace $0x90000048  }
0xb9: {  	_ =	sfence  }
0xba: {  	s30 =	sld [smem:$0x0];
	_ =	sdelay $0x2  }
0xbb: {  	s31 =	sshll.u32 s1, $0xD;
	s1 =	sshrl.u32 s1, $0x2  }
0xbc: {  	s3 =	sand.u32 $0x4000, s31;
	s1 =	sadd.s32 s1, s30  }
0xbd: {  	s0 =	sor.u32 s3, s0;
	s1 =	sshll.u32 s1, $0x11  }
0xbe: {  	s0 =	sor.u32 s1, s0  }
0xbf: {  	s0 =	sadd.s32 $0x8F2B, s0  }
0xc0: {  	[sflag:s0] =	ssyncadd.remote.s32 $0x1  }
0xc1: {  	_ =	sfence.sel $0xFFFF  }
0xc2: {  	[dreg:$0x0] =	wrdreg $0xFFFFFFFF;
	(pc) =	sbr.abs _section_cstart, $3  }
0xc3: {  	[dreg:$0x1] =	wrdreg $0xFFFFFFFF  }
0xc4: {  	_ =	task.clear_ibuf [dreg:s8], $0x2FFFF;
	_ =	strace $0x9FFFFFFF  }
0xc5: {  	(tm) =	ssettm $0x7FFFFFFF  }
tec
execute0_lowered:
.L_overlay_start_1:
0x0: {  	(tag) =	ssettag $0x1  }
0x1: {  	s3 =	rddreg [dreg:$0x0]  }
0x2: {  	s1 =	rddreg [dreg:$0x1]  }
0x3: {  	s0 =	rddreg [dreg:$0x2]  }
0x4: {  	s2 =	rddreg [dreg:$0x3]  }
0x5: {  	s4 =	simm.s32 $0x0;
	s16 =	stileid.u32;
	s13 =	srdreg.scid  }
0x6: {  	s28 =	simm.s32 $0xA900;
	s29 =	simm.s32 $0x2;
	s11 =	smul.u32 $0x228, s16  }
0x7: {  	s31 =	simm.s32 $0x3;
	[smem:$0x7FF] =	sst s4;
	s14 =	smul.u32 $0x45000, s16  }
0x8: {  	s5 =	sadd.s32 $0x6400, s3;
	s6 =	sshrl.u32 s16, $0x3;
	s17 =	smul.u32 $0x2280, s16  }
0x9: {  	s4 =	sand.u32 $0x1, s13;
	s7 =	sshll.u32 s16, $0x7;
	s18 =	smul.u32 $0xB8, s16  }
0xa: {  	p1 =	sne.s32 s16, $0xF;
	p2 =	seq.s32 s16, $0xF;
	s19 =	smul.u32 $0x17000, s16  }
0xb: {  	_ =	strace $0x80000047;
	s6 =	smul.u32 $0xC400, s6;
	s8 =	ssub.s32 $0x2, s4  }
0xc: {  	s7 =	sand.u32 $0x380, s7;
	s9 =	smul.u32 $0x2280, s4;
	p0 =	seq.s32 s4, $0x1  }
0xd: {  	s10 =	sshrl.u32 s8, $0x1;
	p1 =	por !p1, !p0;
	p2 =	por !p2, !p0  }
0xe: {  	p0 =	sne.s32 s4, $0x0;
	s4 =	sshrl.u32 s19, $0x2;
	s6 =	sor.u32 s7, s6  }
0xf: {  	s8 =	ssub.s32 s8, s10;
	s10 =	sadd.s32 $0x4500, s9;
	s7 =	sshrl.u32 s14, $0x2  }
0x10: {  	s12 =	sadd.s32 s11, s9;
	s21 =	sadd.s32 $0xCF00, s9;
	s23 =	sadd.s32 $0x11400, s9  }
0x11: {  	p1 =	por !p1, !p1;
	p2 =	por !p2, !p2;
	s24 =	sadd.s32 $0xAC80, s9  }
0x12: {  	s25 =	sadd.s32 $0xF180, s9;
	s26 =	sadd.s32 $0x13680, s9;
	s30 =	sadd.s32 $0x17B80, s9  }
0x13: {  	s6 =	sshrl.u32 s6, $0x3;
	s13 =	sadd.s32 s11, s10;
	s7 =	sadd.s32 s7, s2  }
0x14: {  	s12 =	sshll.u32 s12, $0x4;
	s15 =	sadd.s32 s11, s21;
	s22 =	smax.u32 s8, $0x1  }
0x15: {  	p2 =	por !p2, p1;
	v5 =	vmov s24;
	v7 =	vmov s25;
	s24 =	simm.s32 $0x3100;
	s25 =	simm.s32 $0x4D00  }
0x16: {  	v9 =	vmov s26;
	s26 =	simm.s32 $0x1;
	v12 =	vmov s30;
	s30 =	simm.s32 $0x6900;
	s6 =	sadd.s32 s3, s6  }
0x17: {  	s3 =	sadd.s32 $0x2280, s9;
	s13 =	sshll.u32 s13, $0x4;
	s12 =	sadd.s32 s0, s12  }
0x18: {  	s15 =	sshll.u32 s15, $0x4;
	[dreg:$0xd] =	wrdreg s22;
	s13 =	sadd.s32 s0, s13  }
0x19: {  	s22 =	simm.s32 $0x4;
	[dreg:$0x6] =	wrdreg s13;
	s13 =	sadd.s32 $0x8A00, s9  }
0x1a: {  	[dreg:$0x5] =	wrdreg s12;
	s12 =	sadd.s32 $0x6780, s9;
	s14 =	sadd.s32 s11, s13  }
0x1b: {  	s15 =	sadd.s32 s0, s15;
	s11 =	sadd.s32 s11, s23;
	s14 =	sshll.u32 s14, $0x4  }
0x1c: {  	[dreg:$0x8] =	wrdreg s15;
	s11 =	sshll.u32 s11, $0x4;
	s14 =	sadd.s32 s0, s14  }
0x1d: {  	s19 =	sadd.s32 $0x3200, s6;
	s11 =	sadd.s32 s0, s11;
	[dreg:$0x7] =	wrdreg s14  }
0x1e: {  	[dreg:$0x9] =	wrdreg s11;
	s11 =	sadd.s32 $0x15900, s9;
	s14 =	sadd.s32 s17, s0  }
.Ltmp0:
0x1f: {  	s17 =	sadd.s32 $0x56400, s2;
	s15 =	sadd.s32 s18, s11;
	(pc) =	sbr.rel .LBB2_1-.Ltmp0, $4  }
0x20: {  	v11 =	vlaneseq.u32;
	v13 =	vimm.s32 $0x0;
	s14 =	sadd.s32 $0x159000, s14;
	s17 =	sshrl.u32 @!p2 s17, $0x3;
	s20 =	sshll.u32 s15, $0x4  }
0x21: {  	v14 =	vor.u32 $0x2280, v11;
	v0 =	vmov s9;
	v2 =	vmov s10;
	[dreg:$0xa] =	wrdreg s14;
	s14 =	sadd.s32 s0, s20;
	s0 =	sadd.s32 $0x186480, s0  }
0x22: {  	v6 =	vmov s21;
	v8 =	vmov s23;
	v1 =	vmov s3;
	s20 =	simm.s32 $0x80;
	[dreg:$0xc] =	wrdreg s0;
	s0 =	sadd.s32 s4, s2  }
0x23: {  	v3 =	vmov s12;
	v4 =	vmov s13;
	v10 =	vmov s11;
	[dreg:$0xb] =	wrdreg s14;
	s18 =	sshrl.u32 @p1 s0, $0x3;
	s0 =	simm.s32 $0x0  }
.LBB2_36:
0x24: {  	[sflag:s22] =	ssyncset.done $0x0  }
0x25: {  	[sflag:s22] =	ssyncadd.s32 $0xFFFFC000  }
.LBB2_37:
0x26: {  	s8 =	sshll.u32 s8, $0x1  }
0x27: {  	p3 =	sle.u32 s4, s8  }
0x28: {  	s4 =	simm.s32 @!p3 $0x2  }
0x29: {  	_ =	swait.ge @!p3 [sflag:s4], $0x4000  }
0x2a: {  	s3 =	sadd.s32 @!p3 $0x3080, s3;
	[sflag:s4] =	ssyncset.done @!p3 $0x0  }
0x2b: {  	s8 =	simm.s32 @!p3 $0x6900;
	[sflag:s4] =	ssyncadd.s32 @!p3 $0xFFFFC000;
	s4 =	simm.s32 @!p3 $0x80  }
0x2c: {  	[spmem:s2] =	stream.indirect.scatter.add.f32 @!p3 [tilespmem:s8], [sflag:$0x4], $0x80, s3, s4, $0xb8;
	[tilespmem:$0x1FD80] =	vst v63  }
0x2d: {  	s3 =	simm.s32 @!p3 $0x4  }
0x2e: {  	_ =	swait.ge @!p3 [sflag:s3], $0x4000  }
0x2f: {  	[sflag:s3] =	ssyncset.done @!p3 $0x0  }
0x30: {  	[sflag:s3] =	ssyncadd.s32 @!p3 $0xFFFFC000  }
0x31: {  	[bflag:$0x0] =	sbarrier.arrive $0xFFFF  }
0x32: {  	s3 =	sshrl.u32 @!p0 s7, $0x3;
	s4 =	rddreg [dreg:$0xa]  }
0x33: {  	[hbm:s4], [sflag:s23] =	dma.local @!p0 [spmem:s3], $0x2280  }
0x34: {  	s3 =	simm.s32 @!p0 $0x4  }
0x35: {  	_ =	swait.ge @!p0 [sflag:s3], $0x2280  }
0x36: {  	[sflag:s3] =	ssyncset.done @!p0 $0x0  }
0x37: {  	[sflag:s3] =	ssyncadd.s32 @!p0 $0xFFFFDD80;
	s3 =	rddreg [dreg:$0xc]  }
0x38: {  	[hbm:s3], [sflag:s23] =	dma.local @!p2 [spmem:s17], $0x580  }
0x39: {  	s3 =	simm.s32 @!p2 $0x4  }
0x3a: {  	_ =	swait.ge @!p2 [sflag:s3], $0x580  }
0x3b: {  	[sflag:s3] =	ssyncset.done @!p2 $0x0  }
0x3c: {  	[sflag:s3] =	ssyncadd.s32 @!p2 $0xFFFFFA80;
	s3 =	rddreg [dreg:$0xb]  }
0x3d: {  	[hbm:s3], [sflag:s23] =	dma.local @p1 [spmem:s18], $0xB80  }
0x3e: {  	s3 =	simm.s32 @p1 $0x4  }
0x3f: {  	_ =	swait.ge @p1 [sflag:s3], $0xB80  }
0x40: {  	s0 =	sadd.s32 $0x1, s0;
	s23 =	rddreg [dreg:$0xd]  }
0x41: {  	p3 =	sne.s32 s0, s23  }
.Ltmp1:
0x42: {  	_ = 	snop;
	(pc) =	sbr.rel @!p3 .LBB2_38-.Ltmp1, $3  }
0x43: {  	_ =	sdelay $0x1  }
0x44: {  	[sflag:s3] =	ssyncset.done @p1 $0x0  }
0x45: {  	[sflag:s3] =	ssyncadd.s32 @p1 $0xFFFFF480  }
.LBB2_1:
0x46: {  	s9 =	simm.s32 $0x0;
	s3 =	simm.s32 $0x400  }
0x47: {  	[tilespmem:s9], [sflag:$0x4] =	stream.strided.gather [hbm4b:s19+s20], $0x1880, s3, s20, $0x38;
	[tilespmem:$0x1FD80] =	vst v63  }
0x48: {  	_ =	swait.ge [sflag:s22], $0x1880  }
0x49: {  	[sflag:s22] =	ssyncset.done $0x0  }
0x4a: {  	s4 =	simm.s32 $0x1880;
	[sflag:s22] =	ssyncadd.s32 $0xFFFFE780  }
0x4b: {  	[tilespmem:s4], [sflag:$0x4] =	stream.strided.gather [hbm4b:s6+s20], $0x1880, s3, s20, $0x38;
	[tilespmem:$0x1FD80] =	vst v63  }
0x4c: {  	s23 =	stileid.u32;
	_ =	swait.ge [sflag:s22], $0x1880  }
0x4d: {  	s8 =	simm.s32 $0x0;
	s23 =	sshll.u32 s23, $0x6;
	[sflag:s22] =	ssyncset.done $0x0  }
0x4e: {  	s3 =	sor.u32 $0x1C01, s23;
	s4 =	sshrl.u32 s7, $0x3;
	[sflag:s22] =	ssyncadd.s32 $0xFFFFE780  }
0x4f: {  	[spmem:s4], [sflag:s3] =	dma.local [hbm:s5], $0x2280  }
0x50: {  	v15 =	vld [tilespmem:s8+$0x0];
	_ =	sdelay $0x4  }
0x51: {  	vm0 =	vge.s32 v15, v0;
	vm1 =	vlt.s32 v15, v1  }
0x52: {  	vm0 =	vmand vm0, vm1  }
0x53: {  	v16 =	vsel vm0, $0x1, v13  }
0x54: {  	(xrf0) =	vadd.scan.msk.s32 $0xffff, v16;
	_ =	sdelay $0x2  }
0x55: {  	v63 =	vmov s9  }
0x56: {  	v16 =	vadd.s32 $0xFFFFFFFF, v63  }
0x57: {  	v16 =	vbroadcast v16, $0x0  }
0x58: {  	v17, _, _ =	vpop (xrf0)  }
0x59: {  	v16 =	vadd.s32 v17, v16;
	(v2sf) =	vpush v17, $0xF  }
0x5a: {  	vm15 =	vgt.s32 v16, $0x0  }
0x5b: {  	v16 =	vnsel vm15, $0x0, v16  }
0x5c: {  	v18 =	vld [tilespmem:s8+$0x1880];
	_ =	sdelay $0x2  }
0x5d: {  	v15 =	vsub.s32 v15, v0  }
0x5e: {  	[tilespmem:v16+s24+$0x0] =	vst.idx.msk vm0, v15  }
0x5f: {  	s10 =	simm.s32 $0x80;
	s9 =	simm.s32 $0x10;
	s8 =	simm.s32 $0x0;
	[tilespmem:v16+s25+$0x0] =	vst.idx.msk vm0, v18  }
.LBB2_2:
0x60: {  	p3 =	sne.s32 s10, $0x6180;
	v15 =	vld [tilespmem:s9+$0x0];
	_ =	sdelay $0x4  }
0x61: {  	vm0 =	vge.s32 v15, v0;
	vm1 =	vlt.s32 v15, v1;
	v15 =	vsub.s32 v15, v0  }
0x62: {  	vm0 =	vmand vm0, vm1;
	s11 =	spop (v2sf)  }
0x63: {  	v16 =	vsel vm0, $0x1, v13;
	s8 =	sadd.s32 s8, s11  }
0x64: {  	v17 =	vmov s8;
	(xrf0) =	vadd.scan.msk.s32 $0xffff, v16  }
0x65: {  	v16 =	vadd.s32 $0xFFFFFFFF, v17  }
0x66: {  	v16 =	vbroadcast v16, $0x0;
	_ =	sdelay $0x3  }
0x67: {  	v17, _, _ =	vpop (xrf0)  }
0x68: {  	v16 =	vadd.s32 v17, v16;
	(v2sf) =	vpush v17, $0xF  }
0x69: {  	vm1 =	vgt.s32 v16, $0x0  }
0x6a: {  	v16 =	vnsel vm1, $0x0, v16  }
0x6b: {  	v17 =	vld [tilespmem:s9+$0x1880]  }
.Ltmp2:
0x6c: {  	(pc) =	sbr.rel @p3 .LBB2_2-.Ltmp2, $3  }
0x6d: {  	_ =	sdelay $0x1  }
0x6e: {  	[tilespmem:v16+s24+$0x0] =	vst.idx.msk vm0, v15  }
0x6f: {  	s9 =	sshra.s32 s10, $0x2;
	s10 =	sadd.s32 $0x40, s10;
	[tilespmem:v16+s25+$0x0] =	vst.idx.msk vm0, v17  }
0x70: {  	v15 =	vld [tilespmem:s9+$0x0];
	_ =	sdelay $0x4  }
0x71: {  	vm0 =	vge.s32 v15, v0;
	vm1 =	vlt.s32 v15, v1  }
0x72: {  	vm0 =	vmand vm0, vm1  }
0x73: {  	v16 =	vsel vm0, $0x1, v13  }
0x74: {  	(xrf0) =	vadd.scan.msk.s32 $0xffff, v16;
	_ =	sdelay $0x5  }
0x75: {  	v16, _, _ =	vpop (xrf0)  }
0x76: {  	(v2sf) =	vpush v16, $0xF;
	_ =	sdelay $0x9  }
0x77: {  	s10 =	spop (v2sf)  }
0x78: {  	s8 =	sadd.s32 s8, s10  }
0x79: {  	v17 =	vmov s8  }
0x7a: {  	v17 =	vadd.s32 $0xFFFFFFFF, v17  }
0x7b: {  	v17 =	vbroadcast v17, $0x0  }
0x7c: {  	s16 =	spop (v2sf)  }
0x7d: {  	v16 =	vadd.s32 v16, v17;
	s10 =	sadd.s32 s8, s16  }
0x7e: {  	vm9 =	vgt.s32 v16, $0x0;
	s11 =	sadd.s32 $0x7F, s10  }
0x7f: {  	v16 =	vnsel vm9, $0x0, v16;
	v60 =	vadd.s32 s10, v11;
	s8 =	sand.u32 $0xFFFFFF80, s11  }
0x80: {  	v18 =	vld [tilespmem:s9+$0x1880];
	s21 =	sadd.s32 $0x10, s10;
	vm10 =	vlt.s32 v60, s8  }
0x81: {  	v19 =	vadd.s32 s21, v11  }
0x82: {  	s12 =	sadd.s32 $0x20, s10;
	vm2 =	vlt.s32 v19, s8  }
0x83: {  	v15 =	vsub.s32 v15, v0;
	v20 =	vadd.s32 s12, v11  }
0x84: {  	[tilespmem:v16+s24+$0x0] =	vst.idx.msk vm0, v15;
	s13 =	sadd.s32 $0x30, s10;
	vm3 =	vlt.s32 v20, s8  }
0x85: {  	[tilespmem:v16+s25+$0x0] =	vst.idx.msk vm0, v18;
	v15 =	vadd.s32 s13, v11  }
0x86: {  	s14 =	sadd.s32 $0x40, s10;
	vm11 =	vlt.s32 v15, s8;
	[tilespmem:v60+s24+$0x0] =	vst.idx.msk vm10, v14  }
0x87: {  	v61 =	vadd.s32 s14, v11;
	[tilespmem:v60+s25+$0x0] =	vst.idx.msk vm10, v11  }
0x88: {  	s15 =	sadd.s32 $0x50, s10;
	vm12 =	vlt.s32 v61, s8;
	[tilespmem:v19+s24+$0x0] =	vst.idx.msk vm2, v14  }
0x89: {  	v62 =	vadd.s32 s15, v11;
	[tilespmem:v19+s25+$0x0] =	vst.idx.msk vm2, v11  }
0x8a: {  	s16 =	sadd.s32 $0x60, s10;
	vm13 =	vlt.s32 v62, s8;
	[tilespmem:v20+s24+$0x0] =	vst.idx.msk vm3, v14  }
0x8b: {  	v63 =	vadd.s32 s16, v11;
	[tilespmem:v20+s25+$0x0] =	vst.idx.msk vm3, v11  }
0x8c: {  	s21 =	sadd.s32 $0x70, s10;
	vm14 =	vlt.s32 v63, s8;
	[tilespmem:v15+s24+$0x0] =	vst.idx.msk vm11, v14  }
0x8d: {  	[tilespmem:v15+s25+$0x0] =	vst.idx.msk vm11, v11;
	v15 =	vadd.s32 s21, v11  }
0x8e: {  	[tilespmem:v61+s24+$0x0] =	vst.idx.msk vm12, v14;
	vm15 =	vlt.s32 v15, s8  }
0x8f: {  	[tilespmem:v61+s25+$0x0] =	vst.idx.msk vm12, v11  }
0x90: {  	[tilespmem:v62+s24+$0x0] =	vst.idx.msk vm13, v14  }
0x91: {  	[tilespmem:v62+s25+$0x0] =	vst.idx.msk vm13, v11  }
0x92: {  	[tilespmem:v63+s24+$0x0] =	vst.idx.msk vm14, v14  }
0x93: {  	[tilespmem:v63+s25+$0x0] =	vst.idx.msk vm14, v11  }
0x94: {  	[tilespmem:v15+s24+$0x0] =	vst.idx.msk vm15, v14  }
0x95: {  	[tilespmem:v15+s25+$0x0] =	vst.idx.msk vm15, v11  }
0x96: {  	s9 =	sshrl.u32 s11, $0x7;
	_ =	swait.ge [sflag:s26], $0x2280  }
0x97: {  	p3 =	seq.s32 s9, $0x0;
	[sflag:s26] =	ssyncset.done $0x0  }
0x98: {  	s10 =	sshrl.u32 s11, $0x8;
	s11 =	simm.s32 @!p3 $0x80;
	[sflag:s26] =	ssyncadd.s32 $0xFFFFDD80  }
0x99: {  	s12 =	simm.s32 @!p3 $0x4D00;
	s13 =	simm.s32 @!p3 $0x6900;
	[bflag:$0x0] =	sbarrier.arrive $0xFFFF  }
0x9a: {  	[tilespmem:s13], [sflag:$0x2] =	stream.indirect.gather @!p3 [hbm4b:s1+s11], $0x80, s12, s11, $0xb8;
	[tilespmem:$0x1FD80] =	vst v63  }
0x9b: {  	p3 =	seq.s32 s10, $0x0  }
.Ltmp3:
0x9c: {  	_ = 	snop;
	(pc) =	sbr.rel @p3 .LBB2_7-.Ltmp3, $1  }
0x9d: {  	_ =	sdelay $0x3  }
0x9e: {  	s11 =	simm.s32 $0x4D80  }
0x9f: {  	[tilespmem:s28], [sflag:$0x3] =	stream.indirect.gather [hbm4b:s1+s20], $0x80, s11, s20, $0xb8;
	[tilespmem:$0x1FD80] =	vst v63  }
0xa0: {  	_ =	swait.ge [sflag:s29], $0x4000  }
0xa1: {  	[sflag:s29] =	ssyncset.done $0x0  }
0xa2: {  	s11 =	simm.s32 $0x3100;
	[sflag:s29] =	ssyncadd.s32 $0xFFFFC000  }
0xa3: {  	[spmem:s2] =	stream.indirect.scatter.add.f32 [tilespmem:s30], [sflag:$0x4], $0x80, s11, s20, $0xb8;
	[tilespmem:$0x1FD80] =	vst v63  }
0xa4: {  	p3 =	sle.u32 s9, $0x2;
	_ =	swait.ge [sflag:s22], $0x4000  }
0xa5: {  	s12 =	simm.s32 @!p3 $0x4E00;
	[sflag:s22] =	ssyncset.done $0x0  }
0xa6: {  	s13 =	simm.s32 @!p3 $0x80;
	s21 =	simm.s32 @!p3 $0x6900;
	[sflag:s22] =	ssyncadd.s32 $0xFFFFC000  }
0xa7: {  	[tilespmem:s21], [sflag:$0x2] =	stream.indirect.gather @!p3 [hbm4b:s1+s13], $0x80, s12, s13, $0xb8;
	[tilespmem:$0x1FD80] =	vst v63  }
0xa8: {  	s12 =	sshll.u32 s10, $0x1  }
0xa9: {  	p3 =	sne.s32 s12, $0x2  }
.Ltmp4:
0xaa: {  	_ =	swait.ge [sflag:s31], $0x4000;
	(pc) =	sbr.rel @!p3 .LBB2_6-.Ltmp4, $4  }
0xab: {  	[sflag:s31] =	ssyncset.done $0x0  }
0xac: {  	s21 =	simm.s32 $0x3180;
	[sflag:s31] =	ssyncadd.s32 $0xFFFFC000  }
0xad: {  	[spmem:s2] =	stream.indirect.scatter.add.f32 [tilespmem:s28], [sflag:$0x4], $0x80, s21, s20, $0xb8;
	[tilespmem:$0x1FD80] =	vst v63  }
0xae: {  	s13 =	simm.s32 $0x2;
	s21 =	simm.s32 $0x4E80;
	_ =	swait.ge [sflag:s22], $0x4000  }
.LBB2_5:
0xaf: {  	s13 =	sadd.s32 $0x2, s13;
	[sflag:s22] =	ssyncset.done $0x0;
	s11 =	sadd.s32 $0x100, s11  }
0xb0: {  	p3 =	sne.s32 s12, s13;
	[sflag:s22] =	ssyncadd.s32 $0xFFFFC000  }
0xb1: {  	[tilespmem:s28], [sflag:$0x3] =	stream.indirect.gather [hbm4b:s1+s20], $0x80, s21, s20, $0xb8;
	[tilespmem:$0x1FD80] =	vst v63  }
0xb2: {  	_ =	swait.ge [sflag:s29], $0x4000  }
0xb3: {  	[sflag:s29] =	ssyncset.done $0x0  }
0xb4: {  	[sflag:s29] =	ssyncadd.s32 $0xFFFFC000  }
0xb5: {  	[spmem:s2] =	stream.indirect.scatter.add.f32 [tilespmem:s30], [sflag:$0x4], $0x80, s11, s20, $0xb8;
	[tilespmem:$0x1FD80] =	vst v63  }
0xb6: {  	p4 =	sge.u32 s13, s9;
	_ =	swait.ge [sflag:s22], $0x4000  }
0xb7: {  	s14 =	sadd.s32 @!p4 $0x80, s21;
	s15 =	simm.s32 @!p4 $0x80;
	[sflag:s22] =	ssyncset.done $0x0  }
0xb8: {  	s16 =	simm.s32 @!p4 $0x6900;
	[sflag:s22] =	ssyncadd.s32 $0xFFFFC000  }
0xb9: {  	[tilespmem:s16], [sflag:$0x2] =	stream.indirect.gather @!p4 [hbm4b:s1+s15], $0x80, s14, s15, $0xb8;
	[tilespmem:$0x1FD80] =	vst v63  }
.Ltmp5:
0xba: {  	_ =	swait.ge [sflag:s31], $0x4000;
	(pc) =	sbr.rel @p3 .LBB2_5-.Ltmp5, $4  }
0xbb: {  	s14 =	sadd.s32 $0x80, s11;
	[sflag:s31] =	ssyncset.done $0x0  }
0xbc: {  	[sflag:s31] =	ssyncadd.s32 $0xFFFFC000  }
0xbd: {  	[spmem:s2] =	stream.indirect.scatter.add.f32 [tilespmem:s28], [sflag:$0x4], $0x80, s14, s20, $0xb8;
	[tilespmem:$0x1FD80] =	vst v63  }
0xbe: {  	s21 =	sadd.s32 $0x100, s21;
	_ =	swait.ge [sflag:s22], $0x4000  }
.LBB2_6:
0xbf: {  	[sflag:s22] =	ssyncset.done $0x0  }
0xc0: {  	[sflag:s22] =	ssyncadd.s32 $0xFFFFC000  }
.LBB2_7:
0xc1: {  	s10 =	sshll.u32 s10, $0x1  }
0xc2: {  	p3 =	sle.u32 s9, s10  }
0xc3: {  	s9 =	simm.s32 @!p3 $0x2  }
0xc4: {  	_ =	swait.ge @!p3 [sflag:s9], $0x4000  }
0xc5: {  	s8 =	sadd.s32 @!p3 $0x3080, s8;
	[sflag:s9] =	ssyncset.done @!p3 $0x0  }
0xc6: {  	s10 =	simm.s32 @!p3 $0x6900;
	[sflag:s9] =	ssyncadd.s32 @!p3 $0xFFFFC000;
	s9 =	simm.s32 @!p3 $0x80  }
0xc7: {  	[spmem:s2] =	stream.indirect.scatter.add.f32 @!p3 [tilespmem:s10], [sflag:$0x4], $0x80, s8, s9, $0xb8;
	[tilespmem:$0x1FD80] =	vst v63  }
0xc8: {  	s8 =	simm.s32 @!p3 $0x4  }
0xc9: {  	_ =	swait.ge @!p3 [sflag:s8], $0x4000  }
0xca: {  	[sflag:s8] =	ssyncset.done @!p3 $0x0  }
0xcb: {  	[sflag:s8] =	ssyncadd.s32 @!p3 $0xFFFFC000  }
0xcc: {  	[bflag:$0x0] =	sbarrier.arrive $0xFFFF  }
0xcd: {  	s23 =	sor.u32 $0x1C04, s23;
	s16 =	rddreg [dreg:$0x5]  }
0xce: {  	[hbm:s16], [sflag:s23] =	dma.local [spmem:s4], $0x2280  }
0xcf: {  	_ =	swait.ge [sflag:s22], $0x2280  }
0xd0: {  	[sflag:s22] =	ssyncset.done $0x0  }
0xd1: {  	s21 =	simm.s32 $0x0;
	[sflag:s22] =	ssyncadd.s32 $0xFFFFDD80  }
0xd2: {  	[spmem:s4], [sflag:s3] =	dma.local [hbm:s5], $0x2280  }
0xd3: {  	v15 =	vld [tilespmem:s21+$0x0];
	_ =	sdelay $0x4  }
0xd4: {  	vm0 =	vge.s32 v15, v2;
	vm1 =	vlt.s32 v15, v3  }
0xd5: {  	vm0 =	vmand vm0, vm1  }
0xd6: {  	v16 =	vsel vm0, $0x1, v13  }
0xd7: {  	(xrf0) =	vadd.scan.msk.s32 $0xffff, v16;
	_ =	sdelay $0x1  }
0xd8: {  	s8 =	simm.s32 $0x0  }
0xd9: {  	v63 =	vmov s8  }
0xda: {  	v16 =	vadd.s32 $0xFFFFFFFF, v63  }
0xdb: {  	v16 =	vbroadcast v16, $0x0  }
0xdc: {  	v17, _, _ =	vpop (xrf0)  }
0xdd: {  	v16 =	vadd.s32 v17, v16;
	(v2sf) =	vpush v17, $0xF  }
0xde: {  	vm15 =	vgt.s32 v16, $0x0  }
0xdf: {  	v16 =	vnsel vm15, $0x0, v16  }
0xe0: {  	v18 =	vld [tilespmem:s21+$0x1880];
	_ =	sdelay $0x2  }
0xe1: {  	v15 =	vsub.s32 v15, v2  }
0xe2: {  	[tilespmem:v16+s24+$0x0] =	vst.idx.msk vm0, v15  }
0xe3: {  	s9 =	simm.s32 $0x10;
	s10 =	simm.s32 $0x80;
	[tilespmem:v16+s25+$0x0] =	vst.idx.msk vm0, v18  }
.LBB2_8:
0xe4: {  	p3 =	sne.s32 s10, $0x6180;
	v15 =	vld [tilespmem:s9+$0x0];
	_ =	sdelay $0x4  }
0xe5: {  	vm0 =	vge.s32 v15, v2;
	vm1 =	vlt.s32 v15, v3;
	v15 =	vsub.s32 v15, v2  }
0xe6: {  	vm0 =	vmand vm0, vm1;
	s11 =	spop (v2sf)  }
0xe7: {  	v16 =	vsel vm0, $0x1, v13;
	s8 =	sadd.s32 s8, s11  }
0xe8: {  	v17 =	vmov s8;
	(xrf0) =	vadd.scan.msk.s32 $0xffff, v16  }
0xe9: {  	v16 =	vadd.s32 $0xFFFFFFFF, v17  }
0xea: {  	v16 =	vbroadcast v16, $0x0;
	_ =	sdelay $0x3  }
0xeb: {  	v17, _, _ =	vpop (xrf0)  }
0xec: {  	v16 =	vadd.s32 v17, v16;
	(v2sf) =	vpush v17, $0xF  }
0xed: {  	vm1 =	vgt.s32 v16, $0x0  }
0xee: {  	v16 =	vnsel vm1, $0x0, v16  }
0xef: {  	v17 =	vld [tilespmem:s9+$0x1880]  }
.Ltmp6:
0xf0: {  	(pc) =	sbr.rel @p3 .LBB2_8-.Ltmp6, $3  }
0xf1: {  	_ =	sdelay $0x1  }
0xf2: {  	[tilespmem:v16+s24+$0x0] =	vst.idx.msk vm0, v15  }
0xf3: {  	s9 =	sshra.s32 s10, $0x2;
	s10 =	sadd.s32 $0x40, s10;
	[tilespmem:v16+s25+$0x0] =	vst.idx.msk vm0, v17  }
0xf4: {  	v15 =	vld [tilespmem:s9+$0x0];
	_ =	sdelay $0x4  }
0xf5: {  	vm0 =	vge.s32 v15, v2;
	vm1 =	vlt.s32 v15, v3  }
0xf6: {  	vm0 =	vmand vm0, vm1  }
0xf7: {  	v16 =	vsel vm0, $0x1, v13  }
0xf8: {  	(xrf0) =	vadd.scan.msk.s32 $0xffff, v16;
	_ =	sdelay $0x5  }
0xf9: {  	v16, _, _ =	vpop (xrf0)  }
0xfa: {  	(v2sf) =	vpush v16, $0xF;
	_ =	sdelay $0x9  }
0xfb: {  	s10 =	spop (v2sf)  }
0xfc: {  	s8 =	sadd.s32 s8, s10  }
0xfd: {  	v17 =	vmov s8  }
0xfe: {  	v17 =	vadd.s32 $0xFFFFFFFF, v17  }
0xff: {  	v17 =	vbroadcast v17, $0x0  }
0x100: {  	s16 =	spop (v2sf)  }
0x101: {  	v16 =	vadd.s32 v16, v17;
	s10 =	sadd.s32 s8, s16  }
0x102: {  	vm9 =	vgt.s32 v16, $0x0;
	s11 =	sadd.s32 $0x7F, s10  }
0x103: {  	v16 =	vnsel vm9, $0x0, v16;
	v60 =	vadd.s32 s10, v11;
	s8 =	sand.u32 $0xFFFFFF80, s11  }
0x104: {  	v18 =	vld [tilespmem:s9+$0x1880];
	s21 =	sadd.s32 $0x10, s10;
	vm10 =	vlt.s32 v60, s8  }
0x105: {  	v19 =	vadd.s32 s21, v11  }
0x106: {  	s12 =	sadd.s32 $0x20, s10;
	vm2 =	vlt.s32 v19, s8  }
0x107: {  	v15 =	vsub.s32 v15, v2;
	v20 =	vadd.s32 s12, v11  }
0x108: {  	[tilespmem:v16+s24+$0x0] =	vst.idx.msk vm0, v15;
	s13 =	sadd.s32 $0x30, s10;
	vm3 =	vlt.s32 v20, s8  }
0x109: {  	[tilespmem:v16+s25+$0x0] =	vst.idx.msk vm0, v18;
	v15 =	vadd.s32 s13, v11  }
0x10a: {  	s14 =	sadd.s32 $0x40, s10;
	vm11 =	vlt.s32 v15, s8;
	[tilespmem:v60+s24+$0x0] =	vst.idx.msk vm10, v14  }
0x10b: {  	v61 =	vadd.s32 s14, v11;
	[tilespmem:v60+s25+$0x0] =	vst.idx.msk vm10, v11  }
0x10c: {  	s15 =	sadd.s32 $0x50, s10;
	vm12 =	vlt.s32 v61, s8;
	[tilespmem:v19+s24+$0x0] =	vst.idx.msk vm2, v14  }
0x10d: {  	v62 =	vadd.s32 s15, v11;
	[tilespmem:v19+s25+$0x0] =	vst.idx.msk vm2, v11  }
0x10e: {  	s16 =	sadd.s32 $0x60, s10;
	vm13 =	vlt.s32 v62, s8;
	[tilespmem:v20+s24+$0x0] =	vst.idx.msk vm3, v14  }
0x10f: {  	v63 =	vadd.s32 s16, v11;
	[tilespmem:v20+s25+$0x0] =	vst.idx.msk vm3, v11  }
0x110: {  	s21 =	sadd.s32 $0x70, s10;
	vm14 =	vlt.s32 v63, s8;
	[tilespmem:v15+s24+$0x0] =	vst.idx.msk vm11, v14  }
0x111: {  	[tilespmem:v15+s25+$0x0] =	vst.idx.msk vm11, v11;
	v15 =	vadd.s32 s21, v11  }
0x112: {  	[tilespmem:v61+s24+$0x0] =	vst.idx.msk vm12, v14;
	vm15 =	vlt.s32 v15, s8  }
0x113: {  	[tilespmem:v61+s25+$0x0] =	vst.idx.msk vm12, v11  }
0x114: {  	[tilespmem:v62+s24+$0x0] =	vst.idx.msk vm13, v14  }
0x115: {  	[tilespmem:v62+s25+$0x0] =	vst.idx.msk vm13, v11  }
0x116: {  	[tilespmem:v63+s24+$0x0] =	vst.idx.msk vm14, v14  }
0x117: {  	[tilespmem:v63+s25+$0x0] =	vst.idx.msk vm14, v11  }
0x118: {  	[tilespmem:v15+s24+$0x0] =	vst.idx.msk vm15, v14  }
0x119: {  	[tilespmem:v15+s25+$0x0] =	vst.idx.msk vm15, v11  }
0x11a: {  	s9 =	sshrl.u32 s11, $0x7;
	_ =	swait.ge [sflag:s26], $0x2280  }
0x11b: {  	p3 =	seq.s32 s9, $0x0;
	[sflag:s26] =	ssyncset.done $0x0  }
0x11c: {  	s10 =	sshrl.u32 s11, $0x8;
	s11 =	simm.s32 @!p3 $0x80;
	[sflag:s26] =	ssyncadd.s32 $0xFFFFDD80  }
0x11d: {  	s12 =	simm.s32 @!p3 $0x4D00;
	s13 =	simm.s32 @!p3 $0x6900;
	[bflag:$0x0] =	sbarrier.arrive $0xFFFF  }
0x11e: {  	[tilespmem:s13], [sflag:$0x2] =	stream.indirect.gather @!p3 [hbm4b:s1+s11], $0x80, s12, s11, $0xb8;
	[tilespmem:$0x1FD80] =	vst v63  }
0x11f: {  	p3 =	seq.s32 s10, $0x0  }
.Ltmp7:
0x120: {  	_ = 	snop;
	(pc) =	sbr.rel @p3 .LBB2_13-.Ltmp7, $1  }
0x121: {  	_ =	sdelay $0x3  }
0x122: {  	s11 =	simm.s32 $0x4D80  }
0x123: {  	[tilespmem:s28], [sflag:$0x3] =	stream.indirect.gather [hbm4b:s1+s20], $0x80, s11, s20, $0xb8;
	[tilespmem:$0x1FD80] =	vst v63  }
0x124: {  	_ =	swait.ge [sflag:s29], $0x4000  }
0x125: {  	[sflag:s29] =	ssyncset.done $0x0  }
0x126: {  	s11 =	simm.s32 $0x3100;
	[sflag:s29] =	ssyncadd.s32 $0xFFFFC000  }
0x127: {  	[spmem:s2] =	stream.indirect.scatter.add.f32 [tilespmem:s30], [sflag:$0x4], $0x80, s11, s20, $0xb8;
	[tilespmem:$0x1FD80] =	vst v63  }
0x128: {  	p3 =	sle.u32 s9, $0x2;
	_ =	swait.ge [sflag:s22], $0x4000  }
0x129: {  	s12 =	simm.s32 @!p3 $0x4E00;
	[sflag:s22] =	ssyncset.done $0x0  }
0x12a: {  	s13 =	simm.s32 @!p3 $0x80;
	s14 =	simm.s32 @!p3 $0x6900;
	[sflag:s22] =	ssyncadd.s32 $0xFFFFC000  }
0x12b: {  	[tilespmem:s14], [sflag:$0x2] =	stream.indirect.gather @!p3 [hbm4b:s1+s13], $0x80, s12, s13, $0xb8;
	[tilespmem:$0x1FD80] =	vst v63  }
0x12c: {  	s12 =	sshll.u32 s10, $0x1  }
0x12d: {  	p3 =	sne.s32 s12, $0x2  }
.Ltmp8:
0x12e: {  	_ =	swait.ge [sflag:s31], $0x4000;
	(pc) =	sbr.rel @!p3 .LBB2_12-.Ltmp8, $4  }
0x12f: {  	[sflag:s31] =	ssyncset.done $0x0  }
0x130: {  	s21 =	simm.s32 $0x3180;
	[sflag:s31] =	ssyncadd.s32 $0xFFFFC000  }
0x131: {  	[spmem:s2] =	stream.indirect.scatter.add.f32 [tilespmem:s28], [sflag:$0x4], $0x80, s21, s20, $0xb8;
	[tilespmem:$0x1FD80] =	vst v63  }
0x132: {  	s13 =	simm.s32 $0x2;
	s21 =	simm.s32 $0x4E80;
	_ =	swait.ge [sflag:s22], $0x4000  }
.LBB2_11:
0x133: {  	s13 =	sadd.s32 $0x2, s13;
	[sflag:s22] =	ssyncset.done $0x0;
	s11 =	sadd.s32 $0x100, s11  }
0x134: {  	p3 =	sne.s32 s12, s13;
	[sflag:s22] =	ssyncadd.s32 $0xFFFFC000  }
0x135: {  	[tilespmem:s28], [sflag:$0x3] =	stream.indirect.gather [hbm4b:s1+s20], $0x80, s21, s20, $0xb8;
	[tilespmem:$0x1FD80] =	vst v63  }
0x136: {  	_ =	swait.ge [sflag:s29], $0x4000  }
0x137: {  	[sflag:s29] =	ssyncset.done $0x0  }
0x138: {  	[sflag:s29] =	ssyncadd.s32 $0xFFFFC000  }
0x139: {  	[spmem:s2] =	stream.indirect.scatter.add.f32 [tilespmem:s30], [sflag:$0x4], $0x80, s11, s20, $0xb8;
	[tilespmem:$0x1FD80] =	vst v63  }
0x13a: {  	p4 =	sge.u32 s13, s9;
	_ =	swait.ge [sflag:s22], $0x4000  }
0x13b: {  	s14 =	sadd.s32 @!p4 $0x80, s21;
	s15 =	simm.s32 @!p4 $0x80;
	[sflag:s22] =	ssyncset.done $0x0  }
0x13c: {  	s16 =	simm.s32 @!p4 $0x6900;
	[sflag:s22] =	ssyncadd.s32 $0xFFFFC000  }
0x13d: {  	[tilespmem:s16], [sflag:$0x2] =	stream.indirect.gather @!p4 [hbm4b:s1+s15], $0x80, s14, s15, $0xb8;
	[tilespmem:$0x1FD80] =	vst v63  }
.Ltmp9:
0x13e: {  	_ =	swait.ge [sflag:s31], $0x4000;
	(pc) =	sbr.rel @p3 .LBB2_11-.Ltmp9, $4  }
0x13f: {  	s14 =	sadd.s32 $0x80, s11;
	[sflag:s31] =	ssyncset.done $0x0  }
0x140: {  	[sflag:s31] =	ssyncadd.s32 $0xFFFFC000  }
0x141: {  	[spmem:s2] =	stream.indirect.scatter.add.f32 [tilespmem:s28], [sflag:$0x4], $0x80, s14, s20, $0xb8;
	[tilespmem:$0x1FD80] =	vst v63  }
0x142: {  	s21 =	sadd.s32 $0x100, s21;
	_ =	swait.ge [sflag:s22], $0x4000  }
.LBB2_12:
0x143: {  	[sflag:s22] =	ssyncset.done $0x0  }
0x144: {  	[sflag:s22] =	ssyncadd.s32 $0xFFFFC000  }
.LBB2_13:
0x145: {  	s10 =	sshll.u32 s10, $0x1  }
0x146: {  	p3 =	sle.u32 s9, s10  }
0x147: {  	s9 =	simm.s32 @!p3 $0x2  }
0x148: {  	_ =	swait.ge @!p3 [sflag:s9], $0x4000  }
0x149: {  	s8 =	sadd.s32 @!p3 $0x3080, s8;
	[sflag:s9] =	ssyncset.done @!p3 $0x0  }
0x14a: {  	s10 =	simm.s32 @!p3 $0x6900;
	[sflag:s9] =	ssyncadd.s32 @!p3 $0xFFFFC000;
	s9 =	simm.s32 @!p3 $0x80  }
0x14b: {  	[spmem:s2] =	stream.indirect.scatter.add.f32 @!p3 [tilespmem:s10], [sflag:$0x4], $0x80, s8, s9, $0xb8;
	[tilespmem:$0x1FD80] =	vst v63  }
0x14c: {  	s8 =	simm.s32 @!p3 $0x4  }
0x14d: {  	_ =	swait.ge @!p3 [sflag:s8], $0x4000  }
0x14e: {  	[sflag:s8] =	ssyncset.done @!p3 $0x0  }
0x14f: {  	[sflag:s8] =	ssyncadd.s32 @!p3 $0xFFFFC000  }
0x150: {  	[bflag:$0x0] =	sbarrier.arrive $0xFFFF  }
0x151: {  	s16 =	rddreg [dreg:$0x6]  }
0x152: {  	[hbm:s16], [sflag:s23] =	dma.local [spmem:s4], $0x2280  }
0x153: {  	_ =	swait.ge [sflag:s22], $0x2280  }
0x154: {  	[sflag:s22] =	ssyncset.done $0x0  }
0x155: {  	s21 =	simm.s32 $0x0;
	[sflag:s22] =	ssyncadd.s32 $0xFFFFDD80  }
0x156: {  	[spmem:s4], [sflag:s3] =	dma.local [hbm:s5], $0x2280  }
0x157: {  	v15 =	vld [tilespmem:s21+$0x0];
	_ =	sdelay $0x4  }
0x158: {  	vm0 =	vge.s32 v15, v4;
	vm1 =	vlt.s32 v15, v5  }
0x159: {  	vm0 =	vmand vm0, vm1  }
0x15a: {  	v16 =	vsel vm0, $0x1, v13  }
0x15b: {  	(xrf0) =	vadd.scan.msk.s32 $0xffff, v16;
	_ =	sdelay $0x1  }
0x15c: {  	s8 =	simm.s32 $0x0  }
0x15d: {  	v63 =	vmov s8  }
0x15e: {  	v16 =	vadd.s32 $0xFFFFFFFF, v63  }
0x15f: {  	v16 =	vbroadcast v16, $0x0  }
0x160: {  	v17, _, _ =	vpop (xrf0)  }
0x161: {  	v16 =	vadd.s32 v17, v16;
	(v2sf) =	vpush v17, $0xF  }
0x162: {  	vm15 =	vgt.s32 v16, $0x0  }
0x163: {  	v16 =	vnsel vm15, $0x0, v16  }
0x164: {  	v18 =	vld [tilespmem:s21+$0x1880];
	_ =	sdelay $0x2  }
0x165: {  	v15 =	vsub.s32 v15, v4  }
0x166: {  	[tilespmem:v16+s24+$0x0] =	vst.idx.msk vm0, v15  }
0x167: {  	s9 =	simm.s32 $0x10;
	s10 =	simm.s32 $0x80;
	[tilespmem:v16+s25+$0x0] =	vst.idx.msk vm0, v18  }
.LBB2_14:
0x168: {  	p3 =	sne.s32 s10, $0x6180;
	v15 =	vld [tilespmem:s9+$0x0];
	_ =	sdelay $0x4  }
0x169: {  	vm0 =	vge.s32 v15, v4;
	vm1 =	vlt.s32 v15, v5;
	v15 =	vsub.s32 v15, v4  }
0x16a: {  	vm0 =	vmand vm0, vm1;
	s11 =	spop (v2sf)  }
0x16b: {  	v16 =	vsel vm0, $0x1, v13;
	s8 =	sadd.s32 s8, s11  }
0x16c: {  	v17 =	vmov s8;
	(xrf0) =	vadd.scan.msk.s32 $0xffff, v16  }
0x16d: {  	v16 =	vadd.s32 $0xFFFFFFFF, v17  }
0x16e: {  	v16 =	vbroadcast v16, $0x0;
	_ =	sdelay $0x3  }
0x16f: {  	v17, _, _ =	vpop (xrf0)  }
0x170: {  	v16 =	vadd.s32 v17, v16;
	(v2sf) =	vpush v17, $0xF  }
0x171: {  	vm1 =	vgt.s32 v16, $0x0  }
0x172: {  	v16 =	vnsel vm1, $0x0, v16  }
0x173: {  	v17 =	vld [tilespmem:s9+$0x1880]  }
.Ltmp10:
0x174: {  	(pc) =	sbr.rel @p3 .LBB2_14-.Ltmp10, $3  }
0x175: {  	_ =	sdelay $0x1  }
0x176: {  	[tilespmem:v16+s24+$0x0] =	vst.idx.msk vm0, v15  }
0x177: {  	s9 =	sshra.s32 s10, $0x2;
	s10 =	sadd.s32 $0x40, s10;
	[tilespmem:v16+s25+$0x0] =	vst.idx.msk vm0, v17  }
0x178: {  	v15 =	vld [tilespmem:s9+$0x0];
	_ =	sdelay $0x4  }
0x179: {  	vm0 =	vge.s32 v15, v4;
	vm1 =	vlt.s32 v15, v5  }
0x17a: {  	vm0 =	vmand vm0, vm1  }
0x17b: {  	v16 =	vsel vm0, $0x1, v13  }
0x17c: {  	(xrf0) =	vadd.scan.msk.s32 $0xffff, v16;
	_ =	sdelay $0x5  }
0x17d: {  	v16, _, _ =	vpop (xrf0)  }
0x17e: {  	(v2sf) =	vpush v16, $0xF;
	_ =	sdelay $0x9  }
0x17f: {  	s10 =	spop (v2sf)  }
0x180: {  	s8 =	sadd.s32 s8, s10  }
0x181: {  	v17 =	vmov s8  }
0x182: {  	v17 =	vadd.s32 $0xFFFFFFFF, v17  }
0x183: {  	v17 =	vbroadcast v17, $0x0  }
0x184: {  	s16 =	spop (v2sf)  }
0x185: {  	v16 =	vadd.s32 v16, v17;
	s10 =	sadd.s32 s8, s16  }
0x186: {  	vm9 =	vgt.s32 v16, $0x0;
	s11 =	sadd.s32 $0x7F, s10  }
0x187: {  	v16 =	vnsel vm9, $0x0, v16;
	v60 =	vadd.s32 s10, v11;
	s8 =	sand.u32 $0xFFFFFF80, s11  }
0x188: {  	v18 =	vld [tilespmem:s9+$0x1880];
	s21 =	sadd.s32 $0x10, s10;
	vm10 =	vlt.s32 v60, s8  }
0x189: {  	v19 =	vadd.s32 s21, v11  }
0x18a: {  	s12 =	sadd.s32 $0x20, s10;
	vm2 =	vlt.s32 v19, s8  }
0x18b: {  	v15 =	vsub.s32 v15, v4;
	v20 =	vadd.s32 s12, v11  }
0x18c: {  	[tilespmem:v16+s24+$0x0] =	vst.idx.msk vm0, v15;
	s13 =	sadd.s32 $0x30, s10;
	vm3 =	vlt.s32 v20, s8  }
0x18d: {  	[tilespmem:v16+s25+$0x0] =	vst.idx.msk vm0, v18;
	v15 =	vadd.s32 s13, v11  }
0x18e: {  	s14 =	sadd.s32 $0x40, s10;
	vm11 =	vlt.s32 v15, s8;
	[tilespmem:v60+s24+$0x0] =	vst.idx.msk vm10, v14  }
0x18f: {  	v61 =	vadd.s32 s14, v11;
	[tilespmem:v60+s25+$0x0] =	vst.idx.msk vm10, v11  }
0x190: {  	s15 =	sadd.s32 $0x50, s10;
	vm12 =	vlt.s32 v61, s8;
	[tilespmem:v19+s24+$0x0] =	vst.idx.msk vm2, v14  }
0x191: {  	v62 =	vadd.s32 s15, v11;
	[tilespmem:v19+s25+$0x0] =	vst.idx.msk vm2, v11  }
0x192: {  	s16 =	sadd.s32 $0x60, s10;
	vm13 =	vlt.s32 v62, s8;
	[tilespmem:v20+s24+$0x0] =	vst.idx.msk vm3, v14  }
0x193: {  	v63 =	vadd.s32 s16, v11;
	[tilespmem:v20+s25+$0x0] =	vst.idx.msk vm3, v11  }
0x194: {  	s21 =	sadd.s32 $0x70, s10;
	vm14 =	vlt.s32 v63, s8;
	[tilespmem:v15+s24+$0x0] =	vst.idx.msk vm11, v14  }
0x195: {  	[tilespmem:v15+s25+$0x0] =	vst.idx.msk vm11, v11;
	v15 =	vadd.s32 s21, v11  }
0x196: {  	[tilespmem:v61+s24+$0x0] =	vst.idx.msk vm12, v14;
	vm15 =	vlt.s32 v15, s8  }
0x197: {  	[tilespmem:v61+s25+$0x0] =	vst.idx.msk vm12, v11  }
0x198: {  	[tilespmem:v62+s24+$0x0] =	vst.idx.msk vm13, v14  }
0x199: {  	[tilespmem:v62+s25+$0x0] =	vst.idx.msk vm13, v11  }
0x19a: {  	[tilespmem:v63+s24+$0x0] =	vst.idx.msk vm14, v14  }
0x19b: {  	[tilespmem:v63+s25+$0x0] =	vst.idx.msk vm14, v11  }
0x19c: {  	[tilespmem:v15+s24+$0x0] =	vst.idx.msk vm15, v14  }
0x19d: {  	[tilespmem:v15+s25+$0x0] =	vst.idx.msk vm15, v11  }
0x19e: {  	s9 =	sshrl.u32 s11, $0x7;
	_ =	swait.ge [sflag:s26], $0x2280  }
0x19f: {  	p3 =	seq.s32 s9, $0x0;
	[sflag:s26] =	ssyncset.done $0x0  }
0x1a0: {  	s10 =	sshrl.u32 s11, $0x8;
	s11 =	simm.s32 @!p3 $0x80;
	[sflag:s26] =	ssyncadd.s32 $0xFFFFDD80  }
0x1a1: {  	s12 =	simm.s32 @!p3 $0x4D00;
	s13 =	simm.s32 @!p3 $0x6900;
	[bflag:$0x0] =	sbarrier.arrive $0xFFFF  }
0x1a2: {  	[tilespmem:s13], [sflag:$0x2] =	stream.indirect.gather @!p3 [hbm4b:s1+s11], $0x80, s12, s11, $0xb8;
	[tilespmem:$0x1FD80] =	vst v63  }
0x1a3: {  	p3 =	seq.s32 s10, $0x0  }
.Ltmp11:
0x1a4: {  	_ = 	snop;
	(pc) =	sbr.rel @p3 .LBB2_19-.Ltmp11, $1  }
0x1a5: {  	_ =	sdelay $0x3  }
0x1a6: {  	s11 =	simm.s32 $0x4D80  }
0x1a7: {  	[tilespmem:s28], [sflag:$0x3] =	stream.indirect.gather [hbm4b:s1+s20], $0x80, s11, s20, $0xb8;
	[tilespmem:$0x1FD80] =	vst v63  }
0x1a8: {  	_ =	swait.ge [sflag:s29], $0x4000  }
0x1a9: {  	[sflag:s29] =	ssyncset.done $0x0  }
0x1aa: {  	s11 =	simm.s32 $0x3100;
	[sflag:s29] =	ssyncadd.s32 $0xFFFFC000  }
0x1ab: {  	[spmem:s2] =	stream.indirect.scatter.add.f32 [tilespmem:s30], [sflag:$0x4], $0x80, s11, s20, $0xb8;
	[tilespmem:$0x1FD80] =	vst v63  }
0x1ac: {  	p3 =	sle.u32 s9, $0x2;
	_ =	swait.ge [sflag:s22], $0x4000  }
0x1ad: {  	s12 =	simm.s32 @!p3 $0x4E00;
	[sflag:s22] =	ssyncset.done $0x0  }
0x1ae: {  	s13 =	simm.s32 @!p3 $0x80;
	s14 =	simm.s32 @!p3 $0x6900;
	[sflag:s22] =	ssyncadd.s32 $0xFFFFC000  }
0x1af: {  	[tilespmem:s14], [sflag:$0x2] =	stream.indirect.gather @!p3 [hbm4b:s1+s13], $0x80, s12, s13, $0xb8;
	[tilespmem:$0x1FD80] =	vst v63  }
0x1b0: {  	s12 =	sshll.u32 s10, $0x1  }
0x1b1: {  	p3 =	sne.s32 s12, $0x2  }
.Ltmp12:
0x1b2: {  	_ =	swait.ge [sflag:s31], $0x4000;
	(pc) =	sbr.rel @!p3 .LBB2_18-.Ltmp12, $4  }
0x1b3: {  	[sflag:s31] =	ssyncset.done $0x0  }
0x1b4: {  	s21 =	simm.s32 $0x3180;
	[sflag:s31] =	ssyncadd.s32 $0xFFFFC000  }
0x1b5: {  	[spmem:s2] =	stream.indirect.scatter.add.f32 [tilespmem:s28], [sflag:$0x4], $0x80, s21, s20, $0xb8;
	[tilespmem:$0x1FD80] =	vst v63  }
0x1b6: {  	s13 =	simm.s32 $0x2;
	s21 =	simm.s32 $0x4E80;
	_ =	swait.ge [sflag:s22], $0x4000  }
.LBB2_17:
0x1b7: {  	s13 =	sadd.s32 $0x2, s13;
	[sflag:s22] =	ssyncset.done $0x0;
	s11 =	sadd.s32 $0x100, s11  }
0x1b8: {  	p3 =	sne.s32 s12, s13;
	[sflag:s22] =	ssyncadd.s32 $0xFFFFC000  }
0x1b9: {  	[tilespmem:s28], [sflag:$0x3] =	stream.indirect.gather [hbm4b:s1+s20], $0x80, s21, s20, $0xb8;
	[tilespmem:$0x1FD80] =	vst v63  }
0x1ba: {  	_ =	swait.ge [sflag:s29], $0x4000  }
0x1bb: {  	[sflag:s29] =	ssyncset.done $0x0  }
0x1bc: {  	[sflag:s29] =	ssyncadd.s32 $0xFFFFC000  }
0x1bd: {  	[spmem:s2] =	stream.indirect.scatter.add.f32 [tilespmem:s30], [sflag:$0x4], $0x80, s11, s20, $0xb8;
	[tilespmem:$0x1FD80] =	vst v63  }
0x1be: {  	p4 =	sge.u32 s13, s9;
	_ =	swait.ge [sflag:s22], $0x4000  }
0x1bf: {  	s14 =	sadd.s32 @!p4 $0x80, s21;
	s15 =	simm.s32 @!p4 $0x80;
	[sflag:s22] =	ssyncset.done $0x0  }
0x1c0: {  	s16 =	simm.s32 @!p4 $0x6900;
	[sflag:s22] =	ssyncadd.s32 $0xFFFFC000  }
0x1c1: {  	[tilespmem:s16], [sflag:$0x2] =	stream.indirect.gather @!p4 [hbm4b:s1+s15], $0x80, s14, s15, $0xb8;
	[tilespmem:$0x1FD80] =	vst v63  }
.Ltmp13:
0x1c2: {  	_ =	swait.ge [sflag:s31], $0x4000;
	(pc) =	sbr.rel @p3 .LBB2_17-.Ltmp13, $4  }
0x1c3: {  	s14 =	sadd.s32 $0x80, s11;
	[sflag:s31] =	ssyncset.done $0x0  }
0x1c4: {  	[sflag:s31] =	ssyncadd.s32 $0xFFFFC000  }
0x1c5: {  	[spmem:s2] =	stream.indirect.scatter.add.f32 [tilespmem:s28], [sflag:$0x4], $0x80, s14, s20, $0xb8;
	[tilespmem:$0x1FD80] =	vst v63  }
0x1c6: {  	s21 =	sadd.s32 $0x100, s21;
	_ =	swait.ge [sflag:s22], $0x4000  }
.LBB2_18:
0x1c7: {  	[sflag:s22] =	ssyncset.done $0x0  }
0x1c8: {  	[sflag:s22] =	ssyncadd.s32 $0xFFFFC000  }
.LBB2_19:
0x1c9: {  	s10 =	sshll.u32 s10, $0x1  }
0x1ca: {  	p3 =	sle.u32 s9, s10  }
0x1cb: {  	s9 =	simm.s32 @!p3 $0x2  }
0x1cc: {  	_ =	swait.ge @!p3 [sflag:s9], $0x4000  }
0x1cd: {  	s8 =	sadd.s32 @!p3 $0x3080, s8;
	[sflag:s9] =	ssyncset.done @!p3 $0x0  }
0x1ce: {  	s10 =	simm.s32 @!p3 $0x6900;
	[sflag:s9] =	ssyncadd.s32 @!p3 $0xFFFFC000;
	s9 =	simm.s32 @!p3 $0x80  }
0x1cf: {  	[spmem:s2] =	stream.indirect.scatter.add.f32 @!p3 [tilespmem:s10], [sflag:$0x4], $0x80, s8, s9, $0xb8;
	[tilespmem:$0x1FD80] =	vst v63  }
0x1d0: {  	s8 =	simm.s32 @!p3 $0x4  }
0x1d1: {  	_ =	swait.ge @!p3 [sflag:s8], $0x4000  }
0x1d2: {  	[sflag:s8] =	ssyncset.done @!p3 $0x0  }
0x1d3: {  	[sflag:s8] =	ssyncadd.s32 @!p3 $0xFFFFC000  }
0x1d4: {  	[bflag:$0x0] =	sbarrier.arrive $0xFFFF  }
0x1d5: {  	s16 =	rddreg [dreg:$0x7]  }
0x1d6: {  	[hbm:s16], [sflag:s23] =	dma.local [spmem:s4], $0x2280  }
0x1d7: {  	_ =	swait.ge [sflag:s22], $0x2280  }
0x1d8: {  	[sflag:s22] =	ssyncset.done $0x0  }
0x1d9: {  	s21 =	simm.s32 $0x0;
	[sflag:s22] =	ssyncadd.s32 $0xFFFFDD80  }
0x1da: {  	[spmem:s4], [sflag:s3] =	dma.local [hbm:s5], $0x2280  }
0x1db: {  	v15 =	vld [tilespmem:s21+$0x0];
	_ =	sdelay $0x4  }
0x1dc: {  	vm0 =	vge.s32 v15, v6;
	vm1 =	vlt.s32 v15, v7  }
0x1dd: {  	vm0 =	vmand vm0, vm1  }
0x1de: {  	v16 =	vsel vm0, $0x1, v13  }
0x1df: {  	(xrf0) =	vadd.scan.msk.s32 $0xffff, v16;
	_ =	sdelay $0x1  }
0x1e0: {  	s8 =	simm.s32 $0x0  }
0x1e1: {  	v63 =	vmov s8  }
0x1e2: {  	v16 =	vadd.s32 $0xFFFFFFFF, v63  }
0x1e3: {  	v16 =	vbroadcast v16, $0x0  }
0x1e4: {  	v17, _, _ =	vpop (xrf0)  }
0x1e5: {  	v16 =	vadd.s32 v17, v16;
	(v2sf) =	vpush v17, $0xF  }
0x1e6: {  	vm15 =	vgt.s32 v16, $0x0  }
0x1e7: {  	v16 =	vnsel vm15, $0x0, v16  }
0x1e8: {  	v18 =	vld [tilespmem:s21+$0x1880];
	_ =	sdelay $0x2  }
0x1e9: {  	v15 =	vsub.s32 v15, v6  }
0x1ea: {  	[tilespmem:v16+s24+$0x0] =	vst.idx.msk vm0, v15  }
0x1eb: {  	s9 =	simm.s32 $0x10;
	s10 =	simm.s32 $0x80;
	[tilespmem:v16+s25+$0x0] =	vst.idx.msk vm0, v18  }
.LBB2_20:
0x1ec: {  	p3 =	sne.s32 s10, $0x6180;
	v15 =	vld [tilespmem:s9+$0x0];
	_ =	sdelay $0x4  }
0x1ed: {  	vm0 =	vge.s32 v15, v6;
	vm1 =	vlt.s32 v15, v7;
	v15 =	vsub.s32 v15, v6  }
0x1ee: {  	vm0 =	vmand vm0, vm1;
	s11 =	spop (v2sf)  }
0x1ef: {  	v16 =	vsel vm0, $0x1, v13;
	s8 =	sadd.s32 s8, s11  }
0x1f0: {  	v17 =	vmov s8;
	(xrf0) =	vadd.scan.msk.s32 $0xffff, v16  }
0x1f1: {  	v16 =	vadd.s32 $0xFFFFFFFF, v17  }
0x1f2: {  	v16 =	vbroadcast v16, $0x0;
	_ =	sdelay $0x3  }
0x1f3: {  	v17, _, _ =	vpop (xrf0)  }
0x1f4: {  	v16 =	vadd.s32 v17, v16;
	(v2sf) =	vpush v17, $0xF  }
0x1f5: {  	vm1 =	vgt.s32 v16, $0x0  }
0x1f6: {  	v16 =	vnsel vm1, $0x0, v16  }
0x1f7: {  	v17 =	vld [tilespmem:s9+$0x1880]  }
.Ltmp14:
0x1f8: {  	(pc) =	sbr.rel @p3 .LBB2_20-.Ltmp14, $3  }
0x1f9: {  	_ =	sdelay $0x1  }
0x1fa: {  	[tilespmem:v16+s24+$0x0] =	vst.idx.msk vm0, v15  }
0x1fb: {  	s9 =	sshra.s32 s10, $0x2;
	s10 =	sadd.s32 $0x40, s10;
	[tilespmem:v16+s25+$0x0] =	vst.idx.msk vm0, v17  }
0x1fc: {  	v15 =	vld [tilespmem:s9+$0x0];
	_ =	sdelay $0x4  }
0x1fd: {  	vm0 =	vge.s32 v15, v6;
	vm1 =	vlt.s32 v15, v7  }
0x1fe: {  	vm0 =	vmand vm0, vm1  }
0x1ff: {  	v16 =	vsel vm0, $0x1, v13  }
0x200: {  	(xrf0) =	vadd.scan.msk.s32 $0xffff, v16;
	_ =	sdelay $0x5  }
0x201: {  	v16, _, _ =	vpop (xrf0)  }
0x202: {  	(v2sf) =	vpush v16, $0xF;
	_ =	sdelay $0x9  }
0x203: {  	s10 =	spop (v2sf)  }
0x204: {  	s8 =	sadd.s32 s8, s10  }
0x205: {  	v17 =	vmov s8  }
0x206: {  	v17 =	vadd.s32 $0xFFFFFFFF, v17  }
0x207: {  	v17 =	vbroadcast v17, $0x0  }
0x208: {  	s16 =	spop (v2sf)  }
0x209: {  	v16 =	vadd.s32 v16, v17;
	s10 =	sadd.s32 s8, s16  }
0x20a: {  	vm9 =	vgt.s32 v16, $0x0;
	s11 =	sadd.s32 $0x7F, s10  }
0x20b: {  	v16 =	vnsel vm9, $0x0, v16;
	v60 =	vadd.s32 s10, v11;
	s8 =	sand.u32 $0xFFFFFF80, s11  }
0x20c: {  	v18 =	vld [tilespmem:s9+$0x1880];
	s21 =	sadd.s32 $0x10, s10;
	vm10 =	vlt.s32 v60, s8  }
0x20d: {  	v19 =	vadd.s32 s21, v11  }
0x20e: {  	s12 =	sadd.s32 $0x20, s10;
	vm2 =	vlt.s32 v19, s8  }
0x20f: {  	v15 =	vsub.s32 v15, v6;
	v20 =	vadd.s32 s12, v11  }
0x210: {  	[tilespmem:v16+s24+$0x0] =	vst.idx.msk vm0, v15;
	s13 =	sadd.s32 $0x30, s10;
	vm3 =	vlt.s32 v20, s8  }
0x211: {  	[tilespmem:v16+s25+$0x0] =	vst.idx.msk vm0, v18;
	v15 =	vadd.s32 s13, v11  }
0x212: {  	s14 =	sadd.s32 $0x40, s10;
	vm11 =	vlt.s32 v15, s8;
	[tilespmem:v60+s24+$0x0] =	vst.idx.msk vm10, v14  }
0x213: {  	v61 =	vadd.s32 s14, v11;
	[tilespmem:v60+s25+$0x0] =	vst.idx.msk vm10, v11  }
0x214: {  	s15 =	sadd.s32 $0x50, s10;
	vm12 =	vlt.s32 v61, s8;
	[tilespmem:v19+s24+$0x0] =	vst.idx.msk vm2, v14  }
0x215: {  	v62 =	vadd.s32 s15, v11;
	[tilespmem:v19+s25+$0x0] =	vst.idx.msk vm2, v11  }
0x216: {  	s16 =	sadd.s32 $0x60, s10;
	vm13 =	vlt.s32 v62, s8;
	[tilespmem:v20+s24+$0x0] =	vst.idx.msk vm3, v14  }
0x217: {  	v63 =	vadd.s32 s16, v11;
	[tilespmem:v20+s25+$0x0] =	vst.idx.msk vm3, v11  }
0x218: {  	s21 =	sadd.s32 $0x70, s10;
	vm14 =	vlt.s32 v63, s8;
	[tilespmem:v15+s24+$0x0] =	vst.idx.msk vm11, v14  }
0x219: {  	[tilespmem:v15+s25+$0x0] =	vst.idx.msk vm11, v11;
	v15 =	vadd.s32 s21, v11  }
0x21a: {  	[tilespmem:v61+s24+$0x0] =	vst.idx.msk vm12, v14;
	vm15 =	vlt.s32 v15, s8  }
0x21b: {  	[tilespmem:v61+s25+$0x0] =	vst.idx.msk vm12, v11  }
0x21c: {  	[tilespmem:v62+s24+$0x0] =	vst.idx.msk vm13, v14  }
0x21d: {  	[tilespmem:v62+s25+$0x0] =	vst.idx.msk vm13, v11  }
0x21e: {  	[tilespmem:v63+s24+$0x0] =	vst.idx.msk vm14, v14  }
0x21f: {  	[tilespmem:v63+s25+$0x0] =	vst.idx.msk vm14, v11  }
0x220: {  	[tilespmem:v15+s24+$0x0] =	vst.idx.msk vm15, v14  }
0x221: {  	[tilespmem:v15+s25+$0x0] =	vst.idx.msk vm15, v11  }
0x222: {  	s9 =	sshrl.u32 s11, $0x7;
	_ =	swait.ge [sflag:s26], $0x2280  }
0x223: {  	p3 =	seq.s32 s9, $0x0;
	[sflag:s26] =	ssyncset.done $0x0  }
0x224: {  	s10 =	sshrl.u32 s11, $0x8;
	s11 =	simm.s32 @!p3 $0x80;
	[sflag:s26] =	ssyncadd.s32 $0xFFFFDD80  }
0x225: {  	s12 =	simm.s32 @!p3 $0x4D00;
	s13 =	simm.s32 @!p3 $0x6900;
	[bflag:$0x0] =	sbarrier.arrive $0xFFFF  }
0x226: {  	[tilespmem:s13], [sflag:$0x2] =	stream.indirect.gather @!p3 [hbm4b:s1+s11], $0x80, s12, s11, $0xb8;
	[tilespmem:$0x1FD80] =	vst v63  }
0x227: {  	p3 =	seq.s32 s10, $0x0  }
.Ltmp15:
0x228: {  	_ = 	snop;
	(pc) =	sbr.rel @p3 .LBB2_25-.Ltmp15, $1  }
0x229: {  	_ =	sdelay $0x3  }
0x22a: {  	s11 =	simm.s32 $0x4D80  }
0x22b: {  	[tilespmem:s28], [sflag:$0x3] =	stream.indirect.gather [hbm4b:s1+s20], $0x80, s11, s20, $0xb8;
	[tilespmem:$0x1FD80] =	vst v63  }
0x22c: {  	_ =	swait.ge [sflag:s29], $0x4000  }
0x22d: {  	[sflag:s29] =	ssyncset.done $0x0  }
0x22e: {  	s11 =	simm.s32 $0x3100;
	[sflag:s29] =	ssyncadd.s32 $0xFFFFC000  }
0x22f: {  	[spmem:s2] =	stream.indirect.scatter.add.f32 [tilespmem:s30], [sflag:$0x4], $0x80, s11, s20, $0xb8;
	[tilespmem:$0x1FD80] =	vst v63  }
0x230: {  	p3 =	sle.u32 s9, $0x2;
	_ =	swait.ge [sflag:s22], $0x4000  }
0x231: {  	s12 =	simm.s32 @!p3 $0x4E00;
	[sflag:s22] =	ssyncset.done $0x0  }
0x232: {  	s13 =	simm.s32 @!p3 $0x80;
	s14 =	simm.s32 @!p3 $0x6900;
	[sflag:s22] =	ssyncadd.s32 $0xFFFFC000  }
0x233: {  	[tilespmem:s14], [sflag:$0x2] =	stream.indirect.gather @!p3 [hbm4b:s1+s13], $0x80, s12, s13, $0xb8;
	[tilespmem:$0x1FD80] =	vst v63  }
0x234: {  	s12 =	sshll.u32 s10, $0x1  }
0x235: {  	p3 =	sne.s32 s12, $0x2  }
.Ltmp16:
0x236: {  	_ =	swait.ge [sflag:s31], $0x4000;
	(pc) =	sbr.rel @!p3 .LBB2_24-.Ltmp16, $4  }
0x237: {  	[sflag:s31] =	ssyncset.done $0x0  }
0x238: {  	s21 =	simm.s32 $0x3180;
	[sflag:s31] =	ssyncadd.s32 $0xFFFFC000  }
0x239: {  	[spmem:s2] =	stream.indirect.scatter.add.f32 [tilespmem:s28], [sflag:$0x4], $0x80, s21, s20, $0xb8;
	[tilespmem:$0x1FD80] =	vst v63  }
0x23a: {  	s13 =	simm.s32 $0x2;
	s21 =	simm.s32 $0x4E80;
	_ =	swait.ge [sflag:s22], $0x4000  }
.LBB2_23:
0x23b: {  	s13 =	sadd.s32 $0x2, s13;
	[sflag:s22] =	ssyncset.done $0x0;
	s11 =	sadd.s32 $0x100, s11  }
0x23c: {  	p3 =	sne.s32 s12, s13;
	[sflag:s22] =	ssyncadd.s32 $0xFFFFC000  }
0x23d: {  	[tilespmem:s28], [sflag:$0x3] =	stream.indirect.gather [hbm4b:s1+s20], $0x80, s21, s20, $0xb8;
	[tilespmem:$0x1FD80] =	vst v63  }
0x23e: {  	_ =	swait.ge [sflag:s29], $0x4000  }
0x23f: {  	[sflag:s29] =	ssyncset.done $0x0  }
0x240: {  	[sflag:s29] =	ssyncadd.s32 $0xFFFFC000  }
0x241: {  	[spmem:s2] =	stream.indirect.scatter.add.f32 [tilespmem:s30], [sflag:$0x4], $0x80, s11, s20, $0xb8;
	[tilespmem:$0x1FD80] =	vst v63  }
0x242: {  	p4 =	sge.u32 s13, s9;
	_ =	swait.ge [sflag:s22], $0x4000  }
0x243: {  	s14 =	sadd.s32 @!p4 $0x80, s21;
	s15 =	simm.s32 @!p4 $0x80;
	[sflag:s22] =	ssyncset.done $0x0  }
0x244: {  	s16 =	simm.s32 @!p4 $0x6900;
	[sflag:s22] =	ssyncadd.s32 $0xFFFFC000  }
0x245: {  	[tilespmem:s16], [sflag:$0x2] =	stream.indirect.gather @!p4 [hbm4b:s1+s15], $0x80, s14, s15, $0xb8;
	[tilespmem:$0x1FD80] =	vst v63  }
.Ltmp17:
0x246: {  	_ =	swait.ge [sflag:s31], $0x4000;
	(pc) =	sbr.rel @p3 .LBB2_23-.Ltmp17, $4  }
0x247: {  	s14 =	sadd.s32 $0x80, s11;
	[sflag:s31] =	ssyncset.done $0x0  }
0x248: {  	[sflag:s31] =	ssyncadd.s32 $0xFFFFC000  }
0x249: {  	[spmem:s2] =	stream.indirect.scatter.add.f32 [tilespmem:s28], [sflag:$0x4], $0x80, s14, s20, $0xb8;
	[tilespmem:$0x1FD80] =	vst v63  }
0x24a: {  	s21 =	sadd.s32 $0x100, s21;
	_ =	swait.ge [sflag:s22], $0x4000  }
.LBB2_24:
0x24b: {  	[sflag:s22] =	ssyncset.done $0x0  }
0x24c: {  	[sflag:s22] =	ssyncadd.s32 $0xFFFFC000  }
.LBB2_25:
0x24d: {  	s10 =	sshll.u32 s10, $0x1  }
0x24e: {  	p3 =	sle.u32 s9, s10  }
0x24f: {  	s9 =	simm.s32 @!p3 $0x2  }
0x250: {  	_ =	swait.ge @!p3 [sflag:s9], $0x4000  }
0x251: {  	s8 =	sadd.s32 @!p3 $0x3080, s8;
	[sflag:s9] =	ssyncset.done @!p3 $0x0  }
0x252: {  	s10 =	simm.s32 @!p3 $0x6900;
	[sflag:s9] =	ssyncadd.s32 @!p3 $0xFFFFC000;
	s9 =	simm.s32 @!p3 $0x80  }
0x253: {  	[spmem:s2] =	stream.indirect.scatter.add.f32 @!p3 [tilespmem:s10], [sflag:$0x4], $0x80, s8, s9, $0xb8;
	[tilespmem:$0x1FD80] =	vst v63  }
0x254: {  	s8 =	simm.s32 @!p3 $0x4  }
0x255: {  	_ =	swait.ge @!p3 [sflag:s8], $0x4000  }
0x256: {  	[sflag:s8] =	ssyncset.done @!p3 $0x0  }
0x257: {  	[sflag:s8] =	ssyncadd.s32 @!p3 $0xFFFFC000  }
0x258: {  	[bflag:$0x0] =	sbarrier.arrive $0xFFFF  }
0x259: {  	s16 =	rddreg [dreg:$0x8]  }
0x25a: {  	[hbm:s16], [sflag:s23] =	dma.local [spmem:s4], $0x2280  }
0x25b: {  	_ =	swait.ge [sflag:s22], $0x2280  }
0x25c: {  	[sflag:s22] =	ssyncset.done $0x0  }
0x25d: {  	s21 =	simm.s32 $0x0;
	[sflag:s22] =	ssyncadd.s32 $0xFFFFDD80  }
0x25e: {  	[spmem:s4], [sflag:s3] =	dma.local [hbm:s5], $0x2280  }
0x25f: {  	v15 =	vld [tilespmem:s21+$0x0];
	_ =	sdelay $0x4  }
0x260: {  	vm0 =	vge.s32 v15, v8;
	vm1 =	vlt.s32 v15, v9  }
0x261: {  	vm0 =	vmand vm0, vm1  }
0x262: {  	v16 =	vsel vm0, $0x1, v13  }
0x263: {  	(xrf0) =	vadd.scan.msk.s32 $0xffff, v16;
	_ =	sdelay $0x1  }
0x264: {  	s8 =	simm.s32 $0x0  }
0x265: {  	v63 =	vmov s8  }
0x266: {  	v16 =	vadd.s32 $0xFFFFFFFF, v63  }
0x267: {  	v16 =	vbroadcast v16, $0x0  }
0x268: {  	v17, _, _ =	vpop (xrf0)  }
0x269: {  	v16 =	vadd.s32 v17, v16;
	(v2sf) =	vpush v17, $0xF  }
0x26a: {  	vm15 =	vgt.s32 v16, $0x0  }
0x26b: {  	v16 =	vnsel vm15, $0x0, v16  }
0x26c: {  	v18 =	vld [tilespmem:s21+$0x1880];
	_ =	sdelay $0x2  }
0x26d: {  	v15 =	vsub.s32 v15, v8  }
0x26e: {  	[tilespmem:v16+s24+$0x0] =	vst.idx.msk vm0, v15  }
0x26f: {  	s9 =	simm.s32 $0x10;
	s10 =	simm.s32 $0x80;
	[tilespmem:v16+s25+$0x0] =	vst.idx.msk vm0, v18  }
.LBB2_26:
0x270: {  	p3 =	sne.s32 s10, $0x6180;
	v15 =	vld [tilespmem:s9+$0x0];
	_ =	sdelay $0x4  }
0x271: {  	vm0 =	vge.s32 v15, v8;
	vm1 =	vlt.s32 v15, v9;
	v15 =	vsub.s32 v15, v8  }
0x272: {  	vm0 =	vmand vm0, vm1;
	s11 =	spop (v2sf)  }
0x273: {  	v16 =	vsel vm0, $0x1, v13;
	s8 =	sadd.s32 s8, s11  }
0x274: {  	v17 =	vmov s8;
	(xrf0) =	vadd.scan.msk.s32 $0xffff, v16  }
0x275: {  	v16 =	vadd.s32 $0xFFFFFFFF, v17  }
0x276: {  	v16 =	vbroadcast v16, $0x0;
	_ =	sdelay $0x3  }
0x277: {  	v17, _, _ =	vpop (xrf0)  }
0x278: {  	v16 =	vadd.s32 v17, v16;
	(v2sf) =	vpush v17, $0xF  }
0x279: {  	vm1 =	vgt.s32 v16, $0x0  }
0x27a: {  	v16 =	vnsel vm1, $0x0, v16  }
0x27b: {  	v17 =	vld [tilespmem:s9+$0x1880]  }
.Ltmp18:
0x27c: {  	(pc) =	sbr.rel @p3 .LBB2_26-.Ltmp18, $3  }
0x27d: {  	_ =	sdelay $0x1  }
0x27e: {  	[tilespmem:v16+s24+$0x0] =	vst.idx.msk vm0, v15  }
0x27f: {  	s9 =	sshra.s32 s10, $0x2;
	s10 =	sadd.s32 $0x40, s10;
	[tilespmem:v16+s25+$0x0] =	vst.idx.msk vm0, v17  }
0x280: {  	v15 =	vld [tilespmem:s9+$0x0];
	_ =	sdelay $0x4  }
0x281: {  	vm0 =	vge.s32 v15, v8;
	vm1 =	vlt.s32 v15, v9  }
0x282: {  	vm0 =	vmand vm0, vm1  }
0x283: {  	v16 =	vsel vm0, $0x1, v13  }
0x284: {  	(xrf0) =	vadd.scan.msk.s32 $0xffff, v16;
	_ =	sdelay $0x5  }
0x285: {  	v16, _, _ =	vpop (xrf0)  }
0x286: {  	(v2sf) =	vpush v16, $0xF;
	_ =	sdelay $0x9  }
0x287: {  	s10 =	spop (v2sf)  }
0x288: {  	s8 =	sadd.s32 s8, s10  }
0x289: {  	v17 =	vmov s8  }
0x28a: {  	v17 =	vadd.s32 $0xFFFFFFFF, v17  }
0x28b: {  	v17 =	vbroadcast v17, $0x0  }
0x28c: {  	s16 =	spop (v2sf)  }
0x28d: {  	v16 =	vadd.s32 v16, v17;
	s10 =	sadd.s32 s8, s16  }
0x28e: {  	vm9 =	vgt.s32 v16, $0x0;
	s11 =	sadd.s32 $0x7F, s10  }
0x28f: {  	v16 =	vnsel vm9, $0x0, v16;
	v60 =	vadd.s32 s10, v11;
	s8 =	sand.u32 $0xFFFFFF80, s11  }
0x290: {  	v18 =	vld [tilespmem:s9+$0x1880];
	s21 =	sadd.s32 $0x10, s10;
	vm10 =	vlt.s32 v60, s8  }
0x291: {  	v19 =	vadd.s32 s21, v11  }
0x292: {  	s12 =	sadd.s32 $0x20, s10;
	vm2 =	vlt.s32 v19, s8  }
0x293: {  	v15 =	vsub.s32 v15, v8;
	v20 =	vadd.s32 s12, v11  }
0x294: {  	[tilespmem:v16+s24+$0x0] =	vst.idx.msk vm0, v15;
	s13 =	sadd.s32 $0x30, s10;
	vm3 =	vlt.s32 v20, s8  }
0x295: {  	[tilespmem:v16+s25+$0x0] =	vst.idx.msk vm0, v18;
	v15 =	vadd.s32 s13, v11  }
0x296: {  	s14 =	sadd.s32 $0x40, s10;
	vm11 =	vlt.s32 v15, s8;
	[tilespmem:v60+s24+$0x0] =	vst.idx.msk vm10, v14  }
0x297: {  	v61 =	vadd.s32 s14, v11;
	[tilespmem:v60+s25+$0x0] =	vst.idx.msk vm10, v11  }
0x298: {  	s15 =	sadd.s32 $0x50, s10;
	vm12 =	vlt.s32 v61, s8;
	[tilespmem:v19+s24+$0x0] =	vst.idx.msk vm2, v14  }
0x299: {  	v62 =	vadd.s32 s15, v11;
	[tilespmem:v19+s25+$0x0] =	vst.idx.msk vm2, v11  }
0x29a: {  	s16 =	sadd.s32 $0x60, s10;
	vm13 =	vlt.s32 v62, s8;
	[tilespmem:v20+s24+$0x0] =	vst.idx.msk vm3, v14  }
0x29b: {  	v63 =	vadd.s32 s16, v11;
	[tilespmem:v20+s25+$0x0] =	vst.idx.msk vm3, v11  }
0x29c: {  	s21 =	sadd.s32 $0x70, s10;
	vm14 =	vlt.s32 v63, s8;
	[tilespmem:v15+s24+$0x0] =	vst.idx.msk vm11, v14  }
0x29d: {  	[tilespmem:v15+s25+$0x0] =	vst.idx.msk vm11, v11;
	v15 =	vadd.s32 s21, v11  }
0x29e: {  	[tilespmem:v61+s24+$0x0] =	vst.idx.msk vm12, v14;
	vm15 =	vlt.s32 v15, s8  }
0x29f: {  	[tilespmem:v61+s25+$0x0] =	vst.idx.msk vm12, v11  }
0x2a0: {  	[tilespmem:v62+s24+$0x0] =	vst.idx.msk vm13, v14  }
0x2a1: {  	[tilespmem:v62+s25+$0x0] =	vst.idx.msk vm13, v11  }
0x2a2: {  	[tilespmem:v63+s24+$0x0] =	vst.idx.msk vm14, v14  }
0x2a3: {  	[tilespmem:v63+s25+$0x0] =	vst.idx.msk vm14, v11  }
0x2a4: {  	[tilespmem:v15+s24+$0x0] =	vst.idx.msk vm15, v14  }
0x2a5: {  	[tilespmem:v15+s25+$0x0] =	vst.idx.msk vm15, v11  }
0x2a6: {  	s9 =	sshrl.u32 s11, $0x7;
	_ =	swait.ge [sflag:s26], $0x2280  }
0x2a7: {  	p3 =	seq.s32 s9, $0x0;
	[sflag:s26] =	ssyncset.done $0x0  }
0x2a8: {  	s10 =	sshrl.u32 s11, $0x8;
	s11 =	simm.s32 @!p3 $0x80;
	[sflag:s26] =	ssyncadd.s32 $0xFFFFDD80  }
0x2a9: {  	s12 =	simm.s32 @!p3 $0x4D00;
	s13 =	simm.s32 @!p3 $0x6900;
	[bflag:$0x0] =	sbarrier.arrive $0xFFFF  }
0x2aa: {  	[tilespmem:s13], [sflag:$0x2] =	stream.indirect.gather @!p3 [hbm4b:s1+s11], $0x80, s12, s11, $0xb8;
	[tilespmem:$0x1FD80] =	vst v63  }
0x2ab: {  	p3 =	seq.s32 s10, $0x0  }
.Ltmp19:
0x2ac: {  	_ = 	snop;
	(pc) =	sbr.rel @p3 .LBB2_31-.Ltmp19, $1  }
0x2ad: {  	_ =	sdelay $0x3  }
0x2ae: {  	s11 =	simm.s32 $0x4D80  }
0x2af: {  	[tilespmem:s28], [sflag:$0x3] =	stream.indirect.gather [hbm4b:s1+s20], $0x80, s11, s20, $0xb8;
	[tilespmem:$0x1FD80] =	vst v63  }
0x2b0: {  	_ =	swait.ge [sflag:s29], $0x4000  }
0x2b1: {  	[sflag:s29] =	ssyncset.done $0x0  }
0x2b2: {  	s11 =	simm.s32 $0x3100;
	[sflag:s29] =	ssyncadd.s32 $0xFFFFC000  }
0x2b3: {  	[spmem:s2] =	stream.indirect.scatter.add.f32 [tilespmem:s30], [sflag:$0x4], $0x80, s11, s20, $0xb8;
	[tilespmem:$0x1FD80] =	vst v63  }
0x2b4: {  	p3 =	sle.u32 s9, $0x2;
	_ =	swait.ge [sflag:s22], $0x4000  }
0x2b5: {  	s12 =	simm.s32 @!p3 $0x4E00;
	[sflag:s22] =	ssyncset.done $0x0  }
0x2b6: {  	s13 =	simm.s32 @!p3 $0x80;
	s14 =	simm.s32 @!p3 $0x6900;
	[sflag:s22] =	ssyncadd.s32 $0xFFFFC000  }
0x2b7: {  	[tilespmem:s14], [sflag:$0x2] =	stream.indirect.gather @!p3 [hbm4b:s1+s13], $0x80, s12, s13, $0xb8;
	[tilespmem:$0x1FD80] =	vst v63  }
0x2b8: {  	s12 =	sshll.u32 s10, $0x1  }
0x2b9: {  	p3 =	sne.s32 s12, $0x2  }
.Ltmp20:
0x2ba: {  	_ =	swait.ge [sflag:s31], $0x4000;
	(pc) =	sbr.rel @!p3 .LBB2_30-.Ltmp20, $4  }
0x2bb: {  	[sflag:s31] =	ssyncset.done $0x0  }
0x2bc: {  	s21 =	simm.s32 $0x3180;
	[sflag:s31] =	ssyncadd.s32 $0xFFFFC000  }
0x2bd: {  	[spmem:s2] =	stream.indirect.scatter.add.f32 [tilespmem:s28], [sflag:$0x4], $0x80, s21, s20, $0xb8;
	[tilespmem:$0x1FD80] =	vst v63  }
0x2be: {  	s13 =	simm.s32 $0x2;
	s21 =	simm.s32 $0x4E80;
	_ =	swait.ge [sflag:s22], $0x4000  }
.LBB2_29:
0x2bf: {  	s13 =	sadd.s32 $0x2, s13;
	[sflag:s22] =	ssyncset.done $0x0;
	s11 =	sadd.s32 $0x100, s11  }
0x2c0: {  	p3 =	sne.s32 s12, s13;
	[sflag:s22] =	ssyncadd.s32 $0xFFFFC000  }
0x2c1: {  	[tilespmem:s28], [sflag:$0x3] =	stream.indirect.gather [hbm4b:s1+s20], $0x80, s21, s20, $0xb8;
	[tilespmem:$0x1FD80] =	vst v63  }
0x2c2: {  	_ =	swait.ge [sflag:s29], $0x4000  }
0x2c3: {  	[sflag:s29] =	ssyncset.done $0x0  }
0x2c4: {  	[sflag:s29] =	ssyncadd.s32 $0xFFFFC000  }
0x2c5: {  	[spmem:s2] =	stream.indirect.scatter.add.f32 [tilespmem:s30], [sflag:$0x4], $0x80, s11, s20, $0xb8;
	[tilespmem:$0x1FD80] =	vst v63  }
0x2c6: {  	p4 =	sge.u32 s13, s9;
	_ =	swait.ge [sflag:s22], $0x4000  }
0x2c7: {  	s14 =	sadd.s32 @!p4 $0x80, s21;
	s15 =	simm.s32 @!p4 $0x80;
	[sflag:s22] =	ssyncset.done $0x0  }
0x2c8: {  	s16 =	simm.s32 @!p4 $0x6900;
	[sflag:s22] =	ssyncadd.s32 $0xFFFFC000  }
0x2c9: {  	[tilespmem:s16], [sflag:$0x2] =	stream.indirect.gather @!p4 [hbm4b:s1+s15], $0x80, s14, s15, $0xb8;
	[tilespmem:$0x1FD80] =	vst v63  }
.Ltmp21:
0x2ca: {  	_ =	swait.ge [sflag:s31], $0x4000;
	(pc) =	sbr.rel @p3 .LBB2_29-.Ltmp21, $4  }
0x2cb: {  	s14 =	sadd.s32 $0x80, s11;
	[sflag:s31] =	ssyncset.done $0x0  }
0x2cc: {  	[sflag:s31] =	ssyncadd.s32 $0xFFFFC000  }
0x2cd: {  	[spmem:s2] =	stream.indirect.scatter.add.f32 [tilespmem:s28], [sflag:$0x4], $0x80, s14, s20, $0xb8;
	[tilespmem:$0x1FD80] =	vst v63  }
0x2ce: {  	s21 =	sadd.s32 $0x100, s21;
	_ =	swait.ge [sflag:s22], $0x4000  }
.LBB2_30:
0x2cf: {  	[sflag:s22] =	ssyncset.done $0x0  }
0x2d0: {  	[sflag:s22] =	ssyncadd.s32 $0xFFFFC000  }
.LBB2_31:
0x2d1: {  	s10 =	sshll.u32 s10, $0x1  }
0x2d2: {  	p3 =	sle.u32 s9, s10  }
0x2d3: {  	s9 =	simm.s32 @!p3 $0x2  }
0x2d4: {  	_ =	swait.ge @!p3 [sflag:s9], $0x4000  }
0x2d5: {  	s8 =	sadd.s32 @!p3 $0x3080, s8;
	[sflag:s9] =	ssyncset.done @!p3 $0x0  }
0x2d6: {  	s10 =	simm.s32 @!p3 $0x6900;
	[sflag:s9] =	ssyncadd.s32 @!p3 $0xFFFFC000;
	s9 =	simm.s32 @!p3 $0x80  }
0x2d7: {  	[spmem:s2] =	stream.indirect.scatter.add.f32 @!p3 [tilespmem:s10], [sflag:$0x4], $0x80, s8, s9, $0xb8;
	[tilespmem:$0x1FD80] =	vst v63  }
0x2d8: {  	s8 =	simm.s32 @!p3 $0x4  }
0x2d9: {  	_ =	swait.ge @!p3 [sflag:s8], $0x4000  }
0x2da: {  	[sflag:s8] =	ssyncset.done @!p3 $0x0  }
0x2db: {  	[sflag:s8] =	ssyncadd.s32 @!p3 $0xFFFFC000  }
0x2dc: {  	[bflag:$0x0] =	sbarrier.arrive $0xFFFF  }
0x2dd: {  	s16 =	rddreg [dreg:$0x9]  }
0x2de: {  	[hbm:s16], [sflag:s23] =	dma.local [spmem:s4], $0x2280  }
0x2df: {  	_ =	swait.ge [sflag:s22], $0x2280  }
0x2e0: {  	[sflag:s22] =	ssyncset.done $0x0  }
0x2e1: {  	s21 =	simm.s32 $0x0;
	[sflag:s22] =	ssyncadd.s32 $0xFFFFDD80  }
0x2e2: {  	[spmem:s4], [sflag:s3] =	dma.local [hbm:s5], $0x2280  }
0x2e3: {  	v15 =	vld [tilespmem:s21+$0x0];
	_ =	sdelay $0x4  }
0x2e4: {  	vm0 =	vge.s32 v15, v10;
	vm1 =	vlt.s32 v15, v12  }
0x2e5: {  	vm0 =	vmand vm0, vm1  }
0x2e6: {  	v16 =	vsel vm0, $0x1, v13  }
0x2e7: {  	(xrf0) =	vadd.scan.msk.s32 $0xffff, v16;
	_ =	sdelay $0x1  }
0x2e8: {  	s3 =	simm.s32 $0x0  }
0x2e9: {  	v63 =	vmov s3  }
0x2ea: {  	v16 =	vadd.s32 $0xFFFFFFFF, v63  }
0x2eb: {  	v16 =	vbroadcast v16, $0x0  }
0x2ec: {  	v17, _, _ =	vpop (xrf0)  }
0x2ed: {  	v16 =	vadd.s32 v17, v16;
	(v2sf) =	vpush v17, $0xF  }
0x2ee: {  	vm15 =	vgt.s32 v16, $0x0  }
0x2ef: {  	v16 =	vnsel vm15, $0x0, v16  }
0x2f0: {  	v18 =	vld [tilespmem:s21+$0x1880];
	_ =	sdelay $0x2  }
0x2f1: {  	v15 =	vsub.s32 v15, v10  }
0x2f2: {  	[tilespmem:v16+s24+$0x0] =	vst.idx.msk vm0, v15  }
0x2f3: {  	s8 =	simm.s32 $0x80;
	s4 =	simm.s32 $0x10;
	[tilespmem:v16+s25+$0x0] =	vst.idx.msk vm0, v18  }
.LBB2_32:
0x2f4: {  	p3 =	sne.s32 s8, $0x6180;
	v15 =	vld [tilespmem:s4+$0x0];
	_ =	sdelay $0x4  }
0x2f5: {  	vm0 =	vge.s32 v15, v10;
	vm1 =	vlt.s32 v15, v12;
	v15 =	vsub.s32 v15, v10  }
0x2f6: {  	vm0 =	vmand vm0, vm1;
	s9 =	spop (v2sf)  }
0x2f7: {  	v16 =	vsel vm0, $0x1, v13;
	s3 =	sadd.s32 s3, s9  }
0x2f8: {  	v17 =	vmov s3;
	(xrf0) =	vadd.scan.msk.s32 $0xffff, v16  }
0x2f9: {  	v16 =	vadd.s32 $0xFFFFFFFF, v17  }
0x2fa: {  	v16 =	vbroadcast v16, $0x0;
	_ =	sdelay $0x3  }
0x2fb: {  	v17, _, _ =	vpop (xrf0)  }
0x2fc: {  	v16 =	vadd.s32 v17, v16;
	(v2sf) =	vpush v17, $0xF  }
0x2fd: {  	vm1 =	vgt.s32 v16, $0x0  }
0x2fe: {  	v16 =	vnsel vm1, $0x0, v16  }
0x2ff: {  	v17 =	vld [tilespmem:s4+$0x1880]  }
.Ltmp22:
0x300: {  	(pc) =	sbr.rel @p3 .LBB2_32-.Ltmp22, $3  }
0x301: {  	_ =	sdelay $0x1  }
0x302: {  	[tilespmem:v16+s24+$0x0] =	vst.idx.msk vm0, v15  }
0x303: {  	s4 =	sshra.s32 s8, $0x2;
	s8 =	sadd.s32 $0x40, s8;
	[tilespmem:v16+s25+$0x0] =	vst.idx.msk vm0, v17  }
0x304: {  	v15 =	vld [tilespmem:s4+$0x0];
	_ =	sdelay $0x4  }
0x305: {  	vm0 =	vge.s32 v15, v10;
	vm1 =	vlt.s32 v15, v12  }
0x306: {  	vm0 =	vmand vm0, vm1  }
0x307: {  	v16 =	vsel vm0, $0x1, v13  }
0x308: {  	(xrf0) =	vadd.scan.msk.s32 $0xffff, v16;
	_ =	sdelay $0x5  }
0x309: {  	v16, _, _ =	vpop (xrf0)  }
0x30a: {  	(v2sf) =	vpush v16, $0xF;
	_ =	sdelay $0x9  }
0x30b: {  	s8 =	spop (v2sf)  }
0x30c: {  	s3 =	sadd.s32 s3, s8  }
0x30d: {  	v17 =	vmov s3  }
0x30e: {  	v17 =	vadd.s32 $0xFFFFFFFF, v17  }
0x30f: {  	v17 =	vbroadcast v17, $0x0  }
0x310: {  	s10 =	spop (v2sf)  }
0x311: {  	v16 =	vadd.s32 v16, v17;
	s8 =	sadd.s32 s3, s10  }
0x312: {  	vm9 =	vgt.s32 v16, $0x0;
	s9 =	sadd.s32 $0x7F, s8  }
0x313: {  	v16 =	vnsel vm9, $0x0, v16;
	v60 =	vadd.s32 s8, v11;
	s3 =	sand.u32 $0xFFFFFF80, s9  }
0x314: {  	v18 =	vld [tilespmem:s4+$0x1880];
	s11 =	sadd.s32 $0x10, s8;
	vm10 =	vlt.s32 v60, s3  }
0x315: {  	v19 =	vadd.s32 s11, v11  }
0x316: {  	s12 =	sadd.s32 $0x20, s8;
	vm2 =	vlt.s32 v19, s3  }
0x317: {  	v15 =	vsub.s32 v15, v10;
	v20 =	vadd.s32 s12, v11  }
0x318: {  	[tilespmem:v16+s24+$0x0] =	vst.idx.msk vm0, v15;
	s13 =	sadd.s32 $0x30, s8;
	vm3 =	vlt.s32 v20, s3  }
0x319: {  	[tilespmem:v16+s25+$0x0] =	vst.idx.msk vm0, v18;
	v15 =	vadd.s32 s13, v11  }
0x31a: {  	s14 =	sadd.s32 $0x40, s8;
	vm11 =	vlt.s32 v15, s3;
	[tilespmem:v60+s24+$0x0] =	vst.idx.msk vm10, v14  }
0x31b: {  	v61 =	vadd.s32 s14, v11;
	[tilespmem:v60+s25+$0x0] =	vst.idx.msk vm10, v11  }
0x31c: {  	s15 =	sadd.s32 $0x50, s8;
	vm12 =	vlt.s32 v61, s3;
	[tilespmem:v19+s24+$0x0] =	vst.idx.msk vm2, v14  }
0x31d: {  	v62 =	vadd.s32 s15, v11;
	[tilespmem:v19+s25+$0x0] =	vst.idx.msk vm2, v11  }
0x31e: {  	s16 =	sadd.s32 $0x60, s8;
	vm13 =	vlt.s32 v62, s3;
	[tilespmem:v20+s24+$0x0] =	vst.idx.msk vm3, v14  }
0x31f: {  	v63 =	vadd.s32 s16, v11;
	[tilespmem:v20+s25+$0x0] =	vst.idx.msk vm3, v11  }
0x320: {  	s21 =	sadd.s32 $0x70, s8;
	vm14 =	vlt.s32 v63, s3;
	[tilespmem:v15+s24+$0x0] =	vst.idx.msk vm11, v14  }
0x321: {  	[tilespmem:v15+s25+$0x0] =	vst.idx.msk vm11, v11;
	v15 =	vadd.s32 s21, v11  }
0x322: {  	[tilespmem:v61+s24+$0x0] =	vst.idx.msk vm12, v14;
	vm15 =	vlt.s32 v15, s3  }
0x323: {  	[tilespmem:v61+s25+$0x0] =	vst.idx.msk vm12, v11  }
0x324: {  	[tilespmem:v62+s24+$0x0] =	vst.idx.msk vm13, v14  }
0x325: {  	[tilespmem:v62+s25+$0x0] =	vst.idx.msk vm13, v11  }
0x326: {  	[tilespmem:v63+s24+$0x0] =	vst.idx.msk vm14, v14  }
0x327: {  	[tilespmem:v63+s25+$0x0] =	vst.idx.msk vm14, v11  }
0x328: {  	[tilespmem:v15+s24+$0x0] =	vst.idx.msk vm15, v14  }
0x329: {  	[tilespmem:v15+s25+$0x0] =	vst.idx.msk vm15, v11  }
0x32a: {  	s4 =	sshrl.u32 s9, $0x7;
	_ =	swait.ge [sflag:s26], $0x2280  }
0x32b: {  	p3 =	seq.s32 s4, $0x0;
	[sflag:s26] =	ssyncset.done $0x0  }
0x32c: {  	s8 =	sshrl.u32 s9, $0x8;
	s9 =	simm.s32 @!p3 $0x80;
	[sflag:s26] =	ssyncadd.s32 $0xFFFFDD80  }
0x32d: {  	s10 =	simm.s32 @!p3 $0x4D00;
	s11 =	simm.s32 @!p3 $0x6900;
	[bflag:$0x0] =	sbarrier.arrive $0xFFFF  }
0x32e: {  	[tilespmem:s11], [sflag:$0x2] =	stream.indirect.gather @!p3 [hbm4b:s1+s9], $0x80, s10, s9, $0xb8;
	[tilespmem:$0x1FD80] =	vst v63  }
0x32f: {  	p3 =	seq.s32 s8, $0x0  }
.Ltmp23:
0x330: {  	_ = 	snop;
	(pc) =	sbr.rel @p3 .LBB2_37-.Ltmp23, $1  }
0x331: {  	_ =	sdelay $0x3  }
0x332: {  	s9 =	simm.s32 $0x4D80  }
0x333: {  	[tilespmem:s28], [sflag:$0x3] =	stream.indirect.gather [hbm4b:s1+s20], $0x80, s9, s20, $0xb8;
	[tilespmem:$0x1FD80] =	vst v63  }
0x334: {  	_ =	swait.ge [sflag:s29], $0x4000  }
0x335: {  	[sflag:s29] =	ssyncset.done $0x0  }
0x336: {  	s9 =	simm.s32 $0x3100;
	[sflag:s29] =	ssyncadd.s32 $0xFFFFC000  }
0x337: {  	[spmem:s2] =	stream.indirect.scatter.add.f32 [tilespmem:s30], [sflag:$0x4], $0x80, s9, s20, $0xb8;
	[tilespmem:$0x1FD80] =	vst v63  }
0x338: {  	p3 =	sle.u32 s4, $0x2;
	_ =	swait.ge [sflag:s22], $0x4000  }
0x339: {  	s10 =	simm.s32 @!p3 $0x4E00;
	[sflag:s22] =	ssyncset.done $0x0  }
0x33a: {  	s11 =	simm.s32 @!p3 $0x80;
	s12 =	simm.s32 @!p3 $0x6900;
	[sflag:s22] =	ssyncadd.s32 $0xFFFFC000  }
0x33b: {  	[tilespmem:s12], [sflag:$0x2] =	stream.indirect.gather @!p3 [hbm4b:s1+s11], $0x80, s10, s11, $0xb8;
	[tilespmem:$0x1FD80] =	vst v63  }
0x33c: {  	s10 =	sshll.u32 s8, $0x1  }
0x33d: {  	p3 =	sne.s32 s10, $0x2  }
.Ltmp24:
0x33e: {  	_ =	swait.ge [sflag:s31], $0x4000;
	(pc) =	sbr.rel @!p3 .LBB2_36-.Ltmp24, $4  }
0x33f: {  	[sflag:s31] =	ssyncset.done $0x0  }
0x340: {  	s21 =	simm.s32 $0x3180;
	[sflag:s31] =	ssyncadd.s32 $0xFFFFC000  }
0x341: {  	[spmem:s2] =	stream.indirect.scatter.add.f32 [tilespmem:s28], [sflag:$0x4], $0x80, s21, s20, $0xb8;
	[tilespmem:$0x1FD80] =	vst v63  }
0x342: {  	s11 =	simm.s32 $0x2;
	s12 =	simm.s32 $0x4E80;
	_ =	swait.ge [sflag:s22], $0x4000  }
.LBB2_35:
0x343: {  	s11 =	sadd.s32 $0x2, s11;
	[sflag:s22] =	ssyncset.done $0x0;
	s9 =	sadd.s32 $0x100, s9  }
0x344: {  	p3 =	sne.s32 s10, s11;
	[sflag:s22] =	ssyncadd.s32 $0xFFFFC000  }
0x345: {  	[tilespmem:s28], [sflag:$0x3] =	stream.indirect.gather [hbm4b:s1+s20], $0x80, s12, s20, $0xb8;
	[tilespmem:$0x1FD80] =	vst v63  }
0x346: {  	_ =	swait.ge [sflag:s29], $0x4000  }
0x347: {  	[sflag:s29] =	ssyncset.done $0x0  }
0x348: {  	[sflag:s29] =	ssyncadd.s32 $0xFFFFC000  }
0x349: {  	[spmem:s2] =	stream.indirect.scatter.add.f32 [tilespmem:s30], [sflag:$0x4], $0x80, s9, s20, $0xb8;
	[tilespmem:$0x1FD80] =	vst v63  }
0x34a: {  	p4 =	sge.u32 s11, s4;
	_ =	swait.ge [sflag:s22], $0x4000  }
0x34b: {  	s13 =	sadd.s32 @!p4 $0x80, s12;
	s14 =	simm.s32 @!p4 $0x80;
	[sflag:s22] =	ssyncset.done $0x0  }
0x34c: {  	s15 =	simm.s32 @!p4 $0x6900;
	[sflag:s22] =	ssyncadd.s32 $0xFFFFC000  }
0x34d: {  	[tilespmem:s15], [sflag:$0x2] =	stream.indirect.gather @!p4 [hbm4b:s1+s14], $0x80, s13, s14, $0xb8;
	[tilespmem:$0x1FD80] =	vst v63  }
.Ltmp25:
0x34e: {  	_ =	swait.ge [sflag:s31], $0x4000;
	(pc) =	sbr.rel @p3 .LBB2_35-.Ltmp25, $4  }
0x34f: {  	s13 =	sadd.s32 $0x80, s9;
	[sflag:s31] =	ssyncset.done $0x0  }
0x350: {  	[sflag:s31] =	ssyncadd.s32 $0xFFFFC000  }
0x351: {  	[spmem:s2] =	stream.indirect.scatter.add.f32 [tilespmem:s28], [sflag:$0x4], $0x80, s13, s20, $0xb8;
	[tilespmem:$0x1FD80] =	vst v63  }
0x352: {  	s12 =	sadd.s32 $0x100, s12;
	_ =	swait.ge [sflag:s22], $0x4000  }
.Ltmp26:
0x353: {  	_ = 	snop;
	(pc) =	sbr.rel .LBB2_36-.Ltmp26, $1  }
0x354: {  	_ =	sdelay $0x3  }
.LBB2_38:
0x355: {  	_ =	sfence.sel $0x180000  }
0x356: {  	[bflag:$0x0] =	sbarrier.arrive $0xFFFF  }
0x357: {  	_ =	strace $0x90000047  }
0x358: {  	s0 =	stileid.u32;
	[bflag:$0x2] =	sbarrier.arrive $0xFFFF  }
0x359: {  	p0 =	sne.s32 s0, $0x0;
	s0 =	rddreg [dreg:$0x4]  }
0x35a: {  	s0 =	sadd.s32 @!p0 $0x100000, s0  }
0x35b: {  	[sflag:s0] =	ssyncadd.tile.s32 @!p0 $0x1;
	_ =	shalt  }
.Lfunc_end2:
_tile_overlayer_lowered:
.L_overlay_start_2:
0x35c: {  	(tag) =	ssettag $0x2  }
0x35d: {  	s0 =	rddreg [dreg:$0x0];
	s2 =	stileid.u32  }
0x35e: {  	s1 =	rddreg [dreg:$0x1];
	p0 =	sne.s32 s2, $0x0  }
0x35f: {  	s3 =	rddreg [dreg:$0x2];
	[bflag:$0x3] =	sbarrier.arrive $0xFFFF;
	s2 =	simm.s32 @!p0 $0x1C04  }
0x360: {  	[timem:s3], [sflag:s2] =	dma.local @!p0 [hbm:s0], s1  }
0x361: {  	s0 =	simm.s32 @!p0 $0x4  }
0x362: {  	_ =	swait.ge @!p0 [sflag:s0], s1  }
0x363: {  	s1 =	ssub.s32 @!p0 $0x0, s1;
	[sflag:s0] =	ssyncset.done @!p0 $0x0  }
0x364: {  	[sflag:s0] =	ssyncadd.s32 @!p0 s1  }
0x365: {  	[bflag:$0x3] =	sbarrier.arrive $0xFFFF  }
0x366: {  	_ =	shalt  }

</sc_bundles>
